<compile_context>
chip_gen: v7x
topology: tpu7x:2x2x1
jax: 0.10.2.dev20260603
libtpu: 0.0.44.dev20260713+nightly
codegen_flags: <defaults>
</compile_context>

<pallas_src>
import functools

import jax
import jax.numpy as jnp
from jax import lax
from jax.experimental import pallas as pl
from jax.experimental.pallas import tpu as pltpu
from jax.experimental.pallas import tpu_sc as plsc

_N = 10000
_E = 320000
_F = 2048
_M = 256
_D = 128
_H = 256
_NE = 8
_NT = 3
_NC = 2
_NS = 16
_EC = 125
_ECH = 160
_DH = 64
_NBUF = 4
_NP = 10240
_NPT = _NP // _NS
_PC = 64
_PCH = 10
_FPT = _F // _NS
_FA = _F + 128
_FAT = _FA // _NS
_CW = 128
_BN_SCALE = 1.0 / (1.0 + 1e-5) ** 0.5
_PREC = lax.Precision.HIGHEST
_PREC_REF = lax.Precision.DEFAULT




def _edge_agg_body(hl_hbm, hr_hbm, idx_hbm, z_hbm, out_hbm, src_v, dst_v,
                   rows_a, rows_b, rows_c, rows_d, acc_sh,
                   sem_a, sem_b, sem_c, sem_d):
    c = lax.axis_index("c")
    s = lax.axis_index("s")
    pltpu.sync_copy(z_hbm, acc_sh.at[pl.ds(s * _NPT, _NPT)])
    pltpu.sync_copy(idx_hbm.at[0, s], src_v)
    pltpu.sync_copy(idx_hbm.at[1, s], dst_v)
    plsc.subcore_barrier()

    def _run(h_hbm):
        rows = (rows_a, rows_b, rows_c, rows_d)
        sems = (sem_a, sem_b, sem_c, sem_d)
        for b in range(_NBUF - 1):
            pltpu.async_copy(h_hbm.at[src_v.at[b]], rows[b], sems[b])

        def _step(jj, carry):
            base = _NBUF * jj
            for b in range(_NBUF):
                j = base + b
                nxt = j + (_NBUF - 1)
                nb = (b + _NBUF - 1) % _NBUF
                @pl.when(nxt < _ECH)
                def _():
                    pltpu.async_copy(h_hbm.at[src_v.at[nxt]], rows[nb], sems[nb])
                pltpu.make_async_copy(h_hbm.at[src_v.at[j]], rows[b], sems[b]).wait()
                pltpu.sync_copy(rows[b], acc_sh.at[dst_v.at[j]], add=True)
            return carry

        lax.fori_loop(0, _ECH // _NBUF, _step, 0)

    @pl.when(c == 0)
    def _():
        _run(hl_hbm)

    @pl.when(c == 1)
    def _():
        _run(hr_hbm)

    plsc.subcore_barrier()
    pltpu.sync_copy(acc_sh.at[pl.ds(s * _NPT, _NPT)],
                    out_hbm.at[c, pl.ds(s * _NPT, _NPT)])


@functools.lru_cache(maxsize=None)
def _make_edge_agg():
    return pl.kernel(
        _edge_agg_body,
        out_type=jax.ShapeDtypeStruct((_NC, _NP, _DH), jnp.float32),
        mesh=plsc.VectorSubcoreMesh(core_axis_name="c", subcore_axis_name="s"),
        compiler_params=pltpu.CompilerParams(use_tc_tiling_on_sc=False),
        scratch_types=[
            pltpu.VMEM((_ECH, _EC), jnp.int32),
            pltpu.VMEM((_ECH, _EC), jnp.int32),
            pltpu.VMEM((_EC, _DH), jnp.float32),
            pltpu.VMEM((_EC, _DH), jnp.float32),
            pltpu.VMEM((_EC, _DH), jnp.float32),
            pltpu.VMEM((_EC, _DH), jnp.float32),
            pltpu.VMEM_SHARED((_NP, _DH), jnp.float32),
            pltpu.SemaphoreType.DMA,
            pltpu.SemaphoreType.DMA,
            pltpu.SemaphoreType.DMA,
            pltpu.SemaphoreType.DMA,
        ],
    )


def _pool_body(h_hbm, bidx_hbm, ones_hbm, zs_hbm, sum_hbm, cnt_hbm,
               idx_v, rows_v, ones_v, acc_sh):
    c = lax.axis_index("c")
    s = lax.axis_index("s")
    pltpu.sync_copy(zs_hbm, acc_sh.at[pl.ds(s * _FAT, _FAT)])
    pltpu.sync_copy(bidx_hbm.at[s], idx_v)
    plsc.subcore_barrier()
    base = s * (_PC * _PCH)

    @pl.when(c == 0)
    def _():
        def _step(j, carry):
            pltpu.sync_copy(h_hbm.at[pl.ds(base + j * _PC, _PC)], rows_v)
            pltpu.sync_copy(rows_v, acc_sh.at[idx_v.at[j]], add=True)
            return carry
        lax.fori_loop(0, _PCH, _step, 0)

    @pl.when(c == 1)
    def _():
        pltpu.sync_copy(ones_hbm, ones_v)
        def _step(j, carry):
            pltpu.sync_copy(ones_v, acc_sh.at[idx_v.at[j]], add=True)
            return carry
        lax.fori_loop(0, _PCH, _step, 0)

    plsc.subcore_barrier()

    @pl.when(c == 0)
    def _():
        pltpu.sync_copy(acc_sh.at[pl.ds(s * _FPT, _FPT)],
                        sum_hbm.at[pl.ds(s * _FPT, _FPT)])

    @pl.when(c == 1)
    def _():
        pltpu.sync_copy(acc_sh.at[pl.ds(s * _FPT, _FPT)],
                        cnt_hbm.at[pl.ds(s * _FPT, _FPT)])


@functools.lru_cache(maxsize=None)
def _make_pool():
    return pl.kernel(
        _pool_body,
        out_type=(jax.ShapeDtypeStruct((_F, _D), jnp.float32),
                  jax.ShapeDtypeStruct((_F, _CW), jnp.float32)),
        mesh=plsc.VectorSubcoreMesh(core_axis_name="c", subcore_axis_name="s"),
        compiler_params=pltpu.CompilerParams(use_tc_tiling_on_sc=False),
        scratch_types=[
            pltpu.VMEM((_PCH, _PC), jnp.int32),
            pltpu.VMEM((_PC, _D), jnp.float32),
            pltpu.VMEM((_PC, _CW), jnp.float32),
            pltpu.VMEM_SHARED((_FA, _D), jnp.float32),
        ],
    )



def _gin_body(eps_ref, x_ref, al_ref, ar_ref, w1_ref, b1_ref, w2_ref, b2_ref,
              o_ref, ol_ref, or_ref):
    agg = jnp.concatenate([al_ref[...], ar_ref[...]], axis=1)
    m = (1.0 + eps_ref[0, 0]) * x_ref[...] + agg
    z = jnp.dot(m, w1_ref[...], precision=_PREC_REF, preferred_element_type=jnp.float32)
    z = jnp.maximum(z + b1_ref[...], 0.0)
    z = jnp.dot(z, w2_ref[...], precision=_PREC_REF, preferred_element_type=jnp.float32)
    z = (z + b2_ref[...]) * _BN_SCALE
    h = jnp.maximum(z, 0.0)
    o_ref[...] = h
    ol_ref[...] = h[:, :_DH]
    or_ref[...] = h[:, _DH:]


_GIN_BLK = 1000
_gin_call = pl.pallas_call(
    _gin_body,
    grid=(_N // _GIN_BLK,),
    in_specs=[
        pl.BlockSpec((1, 1), lambda i: (0, 0)),
        pl.BlockSpec((_GIN_BLK, _D), lambda i: (i, 0)),
        pl.BlockSpec((_GIN_BLK, _DH), lambda i: (i, 0)),
        pl.BlockSpec((_GIN_BLK, _DH), lambda i: (i, 0)),
        pl.BlockSpec((_D, _D), lambda i: (0, 0)),
        pl.BlockSpec((1, _D), lambda i: (0, 0)),
        pl.BlockSpec((_D, _D), lambda i: (0, 0)),
        pl.BlockSpec((1, _D), lambda i: (0, 0)),
    ],
    out_specs=(pl.BlockSpec((_GIN_BLK, _D), lambda i: (i, 0)),
               pl.BlockSpec((_GIN_BLK, _DH), lambda i: (i, 0)),
               pl.BlockSpec((_GIN_BLK, _DH), lambda i: (i, 0))),
    out_shape=(jax.ShapeDtypeStruct((_N, _D), jnp.float32),
               jax.ShapeDtypeStruct((_N, _DH), jnp.float32),
               jax.ShapeDtypeStruct((_N, _DH), jnp.float32)),
)


def _gelu(z):
    return 0.5 * z * (1.0 + lax.erf(z * 0.7071067811865476))


def _moe_body(sum_ref, cnt_ref, gate_ref, w1_ref, b1_ref, w2_ref, b2_ref,
              w3_ref, b3_ref, mol_ref, hw1_ref, hb1_ref, hw2_ref, hb2_ref,
              preds_ref, lb_ref):
    fs = sum_ref[...]
    cnt = cnt_ref[:, 0:1]
    femb = fs / jnp.maximum(cnt, 1.0)

    logits = jnp.dot(femb, gate_ref[...], precision=_PREC_REF,
                     preferred_element_type=jnp.float32)
    iota = lax.broadcasted_iota(jnp.int32, (_F, _NE), 1)
    v1 = jnp.max(logits, axis=1, keepdims=True)
    i1 = jnp.min(jnp.where(logits == v1, iota, _NE), axis=1, keepdims=True)
    l2 = jnp.where(iota == i1, -jnp.inf, logits)
    v2 = jnp.max(l2, axis=1, keepdims=True)
    i2 = jnp.min(jnp.where(l2 == v2, iota, _NE), axis=1, keepdims=True)
    e2 = jnp.exp(v2 - v1)
    denom = 1.0 + e2
    wts = (jnp.where(iota == i1, 1.0, 0.0)
           + jnp.where(iota == i2, e2, 0.0)) / denom
    load = jnp.sum(wts, axis=0, keepdims=True) / float(_F)
    lb_ref[...] = jnp.reshape(float(_NE) * jnp.sum(load * load), (1, 1))

    moe = jnp.zeros((_F, _D), jnp.float32)
    for e in range(_NE):
        z = jnp.dot(femb, w1_ref[e], precision=_PREC_REF,
                    preferred_element_type=jnp.float32) + b1_ref[e][None, :]
        z = _gelu(z)
        z = jnp.dot(z, w2_ref[e], precision=_PREC_REF,
                    preferred_element_type=jnp.float32) + b2_ref[e][None, :]
        z = _gelu(z)
        z = jnp.dot(z, w3_ref[e], precision=_PREC_REF,
                    preferred_element_type=jnp.float32) + b3_ref[e][None, :]
        moe = moe + wts[:, e:e + 1] * z

    iota_m = lax.broadcasted_iota(jnp.int32, (_F, _M), 1)
    sel = jnp.where(mol_ref[...] == iota_m, 1.0, 0.0)
    msum = lax.dot_general(sel, moe, (((0,), (0,)), ((), ())),
                           precision=_PREC, preferred_element_type=jnp.float32)
    ones_col = jnp.ones((_F, 1), jnp.float32)
    mcnt = lax.dot_general(sel, ones_col, (((0,), (0,)), ((), ())),
                           precision=_PREC, preferred_element_type=jnp.float32)
    memb = msum / jnp.maximum(mcnt, 1.0)

    for t in range(_NT):
        z = jnp.dot(memb, hw1_ref[t], precision=_PREC_REF,
                    preferred_element_type=jnp.float32) + hb1_ref[t][None, :]
        z = jnp.maximum(z, 0.0)
        p = jnp.dot(z, hw2_ref[t], precision=_PREC_REF,
                    preferred_element_type=jnp.float32) + hb2_ref[t][None, :]
        preds_ref[:, t:t + 1] = p


_moe_call = pl.pallas_call(
    _moe_body,
    out_shape=(jax.ShapeDtypeStruct((_M, _NT), jnp.float32),
               jax.ShapeDtypeStruct((1, 1), jnp.float32)),
)


def kernel(x, edge_index, batch, mol_idx, gin_W1, gin_b1, gin_W2, gin_b2,
           gin_eps, gate_W, exp_W1, exp_b1, exp_W2, exp_b2, exp_W3, exp_b3,
           head_W1, head_b1, head_W2, head_b2):
    idx4 = edge_index.astype(jnp.int32).reshape(2, _NS, _ECH, _EC)
    zh = jnp.zeros((_NPT, _DH), jnp.float32)
    h, hl, hr = x, x[:, :_DH], x[:, _DH:]
    for i in range(3):
        agg = _make_edge_agg()(hl, hr, idx4, zh)
        h, hl, hr = _gin_call(gin_eps[i].reshape(1, 1), h, agg[0], agg[1],
                              gin_W1[i], gin_b1[i].reshape(1, _D),
                              gin_W2[i], gin_b2[i].reshape(1, _D))
    hp = jnp.pad(h, ((0, _NP - _N), (0, 0)))
    bidx = jnp.pad(batch.astype(jnp.int32), (0, _NP - _N),
                   constant_values=_F).reshape(_NS, _PCH, _PC)
    onesv = jnp.ones((_PC, _CW), jnp.float32)
    zs = jnp.zeros((_FAT, _D), jnp.float32)
    fsum, fcnt = _make_pool()(hp, bidx, onesv, zs)
    preds, lb = _moe_call(fsum, fcnt, gate_W, exp_W1, exp_b1, exp_W2, exp_b2,
                          exp_W3, exp_b3, mol_idx.astype(jnp.int32).reshape(_F, 1),
                          head_W1, head_b1, head_W2, head_b2)
    return preds, lb[0, 0]

# --- scband reference (transcript-rebuilt; emitter-appended) ---
"""Pipeline reference for scband-mkensemble-88510686036868 (READ-ONLY COPY).

The authoritative reference and input builder live on the scoring server;
editing this copy changes nothing except your own understanding.
"""

import jax, jax.numpy as jnp
import numpy as np

N_NODES = 10000
N_EDGES = 320000
N_FRAGS = 2048
N_MOLS = 256
D = 128
H = 256
NE = 8
TOPK = 2
NT = 3


def setup_inputs(seed: int = 0) -> dict:
    key = jax.random.key(seed)
    ks = jax.random.split(key, 16)
    s = 0.05
    x = jax.random.normal(ks[0], (N_NODES, D), jnp.float32)
    edge_index = jax.random.randint(ks[1], (2, N_EDGES), 0, N_NODES)
    batch = jnp.sort(jax.random.randint(ks[2], (N_NODES,), 0, N_FRAGS))
    batch = batch.at[0].set(0).at[-1].set(N_FRAGS - 1)
    mol_idx = jnp.sort(jax.random.randint(ks[3], (N_FRAGS,), 0, N_MOLS))
    mol_idx = mol_idx.at[0].set(0).at[-1].set(N_MOLS - 1)
    gin_W1 = jax.random.normal(ks[4], (3, D, D), jnp.float32) * s
    gin_b1 = jnp.zeros((3, D), jnp.float32)
    gin_W2 = jax.random.normal(ks[5], (3, D, D), jnp.float32) * s
    gin_b2 = jnp.zeros((3, D), jnp.float32)
    gin_eps = jnp.zeros((3,), jnp.float32)
    gate_W = jax.random.normal(ks[6], (D, NE), jnp.float32) * s
    exp_W1 = jax.random.normal(ks[7], (NE, D, H), jnp.float32) * s
    exp_b1 = jnp.zeros((NE, H), jnp.float32)
    exp_W2 = jax.random.normal(ks[8], (NE, H, H), jnp.float32) * s
    exp_b2 = jnp.zeros((NE, H), jnp.float32)
    exp_W3 = jax.random.normal(ks[9], (NE, H, D), jnp.float32) * s
    exp_b3 = jnp.zeros((NE, D), jnp.float32)
    head_W1 = jax.random.normal(ks[10], (NT, D, 64), jnp.float32) * s
    head_b1 = jnp.zeros((NT, 64), jnp.float32)
    head_W2 = jax.random.normal(ks[11], (NT, 64, 1), jnp.float32) * s
    head_b2 = jnp.zeros((NT, 1), jnp.float32)
    return {"x": x, "edge_index": edge_index, "batch": batch, "mol_idx": mol_idx,
            "gin_W1": gin_W1, "gin_b1": gin_b1, "gin_W2": gin_W2, "gin_b2": gin_b2, "gin_eps": gin_eps,
            "gate_W": gate_W,
            "exp_W1": exp_W1, "exp_b1": exp_b1, "exp_W2": exp_W2, "exp_b2": exp_b2, "exp_W3": exp_W3, "exp_b3": exp_b3,
            "head_W1": head_W1, "head_b1": head_b1, "head_W2": head_W2, "head_b2": head_b2}


def reference(x, edge_index, batch, mol_idx, gin_W1, gin_b1, gin_W2, gin_b2, gin_eps, gate_W,
              exp_W1, exp_b1, exp_W2, exp_b2, exp_W3, exp_b3, head_W1, head_b1, head_W2, head_b2):
    src = edge_index[0]
    dst = edge_index[1]
    h = x
    for i in range(3):
        # GINConv: mlp((1+eps)*x + sum_{j in N(i)} x_j)
        agg = jnp.zeros_like(h).at[dst].add(h[src])
        m = (1.0 + gin_eps[i]) * h + agg
        m = jax.nn.relu(m @ gin_W1[i] + gin_b1[i])
        m = m @ gin_W2[i] + gin_b2[i]
        # BatchNorm1d in eval mode: running_mean=0, running_var=1, affine identity
        m = m / jnp.sqrt(1.0 + 1e-5)
        h = jax.nn.relu(m)  # dropout is identity in eval
    # global_mean_pool over fragment segments
    ones_n = jnp.ones((h.shape[0],), h.dtype)
    frag_sum = jax.ops.segment_sum(h, batch, num_segments=N_FRAGS)
    frag_cnt = jax.ops.segment_sum(ones_n, batch, num_segments=N_FRAGS)
    frag_emb = frag_sum / jnp.clip(frag_cnt, 1.0)[:, None]
    # Router (eval: no noise)
    logits = frag_emb @ gate_W
    vals, idx = jax.lax.top_k(logits, TOPK)
    rows = jnp.arange(logits.shape[0])[:, None]
    masked = jnp.full_like(logits, -jnp.inf).at[rows, idx].set(vals)
    weights = jax.nn.softmax(masked, axis=-1)
    load = weights.mean(axis=0)
    # Experts (dense: every expert on every fragment, as in torch code)
    def expert_fn(W1, b1, W2, b2, W3, b3):
        z = jax.nn.gelu(frag_emb @ W1 + b1, approximate=False)
        z = jax.nn.gelu(z @ W2 + b2, approximate=False)
        return z @ W3 + b3
    expert_outs = jax.vmap(expert_fn)(exp_W1, exp_b1, exp_W2, exp_b2, exp_W3, exp_b3)  # [E, F, D]
    expert_outs = jnp.transpose(expert_outs, (1, 0, 2))  # [F, E, D]
    frag_moe = jnp.sum(weights[:, :, None] * expert_outs, axis=1)
    # molecule-level mean pooling via scatter-add
    ones_f = jnp.ones((frag_moe.shape[0],), frag_moe.dtype)
    mol_sum = jax.ops.segment_sum(frag_moe, mol_idx, num_segments=N_MOLS)
    mol_cnt = jax.ops.segment_sum(ones_f, mol_idx, num_segments=N_MOLS)
    mol_emb = mol_sum / jnp.clip(mol_cnt, 1.0)[:, None]
    # task heads
    def head_fn(W1, b1, W2, b2):
        z = jax.nn.relu(mol_emb @ W1 + b1)
        return z @ W2 + b2
    heads = jax.vmap(head_fn)(head_W1, head_b1, head_W2, head_b2)  # [T, M, 1]
    preds = jnp.transpose(heads[:, :, 0], (1, 0))  # [M, T]
    lb_loss = NE * jnp.sum(load * load)
    return preds, lb_loss

if __name__ == "__main__":
    import jax
    _d = setup_inputs()
    print(jax.jit(kernel)(*tuple(_d.values())))

</pallas_src>

<mosaic_0001>
#map = affine_map<(d0, d1) -> (0, 0)>
#map1 = affine_map<(d0, d1) -> (0, 0, 0)>
module attributes {stable_mosaic.version = 14 : i64} {
  func.func @_pool_body(%arg0: i32, %arg1: i32, %arg2: memref<10240x128xf32, #tpu.memory_space<hbm>>, %arg3: memref<16x10x64xi32, #tpu.memory_space<hbm>>, %arg4: memref<64x128xf32, #tpu.memory_space<hbm>>, %arg5: memref<136x128xf32, #tpu.memory_space<hbm>>, %arg6: memref<2048x128xf32, #tpu.memory_space<hbm>>, %arg7: memref<2048x128xf32, #tpu.memory_space<hbm>>, %arg8: memref<10x64xi32, #tpu.memory_space<vmem>>, %arg9: memref<64x128xf32, #tpu.memory_space<vmem>>, %arg10: memref<64x128xf32, #tpu.memory_space<vmem>>, %arg11: memref<2176x128xf32, #tpu.memory_space<vmem_shared>>) attributes {dimension_semantics = [#tpu.dimension_semantics<core_parallel>, #tpu.dimension_semantics<subcore_parallel>], iteration_bounds = array<i64: 2, 16>, scalar_prefetch = 0 : i64, scratch_operands = 4 : i64, tpu.core_type = #tpu.core_type<sc_vector_subcore>, window_params = [{transform_indices = #map}, {transform_indices = #map1}, {transform_indices = #map}, {transform_indices = #map}, {transform_indices = #map}, {transform_indices = #map}]} {
    %mul3A = arith.constant 136 : i32
    %mul3A_0 = arith.muli %arg1, %mul3A : i32
    "tpu.region"() ({
      %run_scoped3A = tpu.sem_alloc : memref<!tpu.dma_semaphore, #tpu.memory_space<semaphore_mem>>
      %dma_start3A = arith.constant 0 : i32
      %dma_start3A_21 = tpu.memref_slice %arg11[%mul3A_0, %dma_start3A] : memref<2176x128xf32, #tpu.memory_space<vmem_shared>> -> memref<136x128xf32, #tpu.memory_space<vmem_shared>>
      tpu.enqueue_dma source(%arg5 : memref<136x128xf32, #tpu.memory_space<hbm>>) target(%dma_start3A_21 : memref<136x128xf32, #tpu.memory_space<vmem_shared>>) target_semaphore(%run_scoped3A : memref<!tpu.dma_semaphore, #tpu.memory_space<semaphore_mem>>)
      %dma_wait3A = arith.constant 0 : i32
      %dma_wait3A_22 = tpu.memref_slice %arg11[%mul3A_0, %dma_wait3A] : memref<2176x128xf32, #tpu.memory_space<vmem_shared>> -> memref<136x128xf32, #tpu.memory_space<vmem_shared>>
      tpu.wait_dma2 semaphore(%run_scoped3A : memref<!tpu.dma_semaphore, #tpu.memory_space<semaphore_mem>>) src(%arg5 : memref<136x128xf32, #tpu.memory_space<hbm>>) dst(%dma_wait3A_22 : memref<136x128xf32, #tpu.memory_space<vmem_shared>>)
      tpu.yield
    }) : () -> ()
    "tpu.region"() ({
      %run_scoped3A = tpu.sem_alloc : memref<!tpu.dma_semaphore, #tpu.memory_space<semaphore_mem>>
      %dma_start3A = arith.constant 0 : i32
      %dma_start3A_21 = arith.constant 0 : i32
      %dma_start3A_22 = tpu.memref_slice %arg3[%arg1, %dma_start3A, %dma_start3A_21] : memref<16x10x64xi32, #tpu.memory_space<hbm>> -> memref<1x10x64xi32, #tpu.memory_space<hbm>>
      %dma_start3A_23 = tpu.memref_squeeze %dma_start3A_22 : memref<1x10x64xi32, #tpu.memory_space<hbm>> -> memref<10x64xi32, #tpu.memory_space<hbm>>
      %dma_start3A_24 = arith.constant 0 : i32
      %dma_start3A_25 = arith.constant 0 : i32
      %dma_start3A_26 = tpu.memref_slice %arg3[%arg1, %dma_start3A_24, %dma_start3A_25] : memref<16x10x64xi32, #tpu.memory_space<hbm>> -> memref<1x10x64xi32, #tpu.memory_space<hbm>>
      %dma_start3A_27 = tpu.memref_squeeze %dma_start3A_26 : memref<1x10x64xi32, #tpu.memory_space<hbm>> -> memref<10x64xi32, #tpu.memory_space<hbm>>
      tpu.enqueue_dma source(%dma_start3A_27 : memref<10x64xi32, #tpu.memory_space<hbm>>) target(%arg8 : memref<10x64xi32, #tpu.memory_space<vmem>>) target_semaphore(%run_scoped3A : memref<!tpu.dma_semaphore, #tpu.memory_space<semaphore_mem>>)
      %dma_wait3A = arith.constant 0 : i32
      %dma_wait3A_28 = arith.constant 0 : i32
      %dma_wait3A_29 = tpu.memref_slice %arg3[%arg1, %dma_wait3A, %dma_wait3A_28] : memref<16x10x64xi32, #tpu.memory_space<hbm>> -> memref<1x10x64xi32, #tpu.memory_space<hbm>>
      %dma_wait3A_30 = tpu.memref_squeeze %dma_wait3A_29 : memref<1x10x64xi32, #tpu.memory_space<hbm>> -> memref<10x64xi32, #tpu.memory_space<hbm>>
      %dma_wait3A_31 = arith.constant 0 : i32
      %dma_wait3A_32 = arith.constant 0 : i32
      %dma_wait3A_33 = tpu.memref_slice %arg3[%arg1, %dma_wait3A_31, %dma_wait3A_32] : memref<16x10x64xi32, #tpu.memory_space<hbm>> -> memref<1x10x64xi32, #tpu.memory_space<hbm>>
      %dma_wait3A_34 = tpu.memref_squeeze %dma_wait3A_33 : memref<1x10x64xi32, #tpu.memory_space<hbm>> -> memref<10x64xi32, #tpu.memory_space<hbm>>
      tpu.wait_dma2 semaphore(%run_scoped3A : memref<!tpu.dma_semaphore, #tpu.memory_space<semaphore_mem>>) src(%dma_wait3A_34 : memref<10x64xi32, #tpu.memory_space<hbm>>) dst(%arg8 : memref<10x64xi32, #tpu.memory_space<vmem>>)
      tpu.yield
    }) : () -> ()
    %barrier3A = arith.constant 0 : index
    tpu.barrier barrier_id(%barrier3A)
    %mul3A_1 = arith.constant 640 : i32
    %mul3A_2 = arith.muli %arg1, %mul3A_1 : i32
    %eq3A = arith.constant 0 : i32
    %eq3A_3 = arith.cmpi eq, %arg0, %eq3A : i32
    %convert_element_type3A = arith.extui %eq3A_3 : i1 to i32
    %cond3A = arith.constant 0 : i32
    %cond3A_4 = arith.cmpi ne, %convert_element_type3A, %cond3A : i32
    scf.if %cond3A_4 {
      %scan3A = arith.constant 0 : i32
      %scan3A_21 = arith.constant 0 : i32
      %scan3A_22 = arith.constant 10 : i32
      %scan3A_23 = arith.addi %scan3A_21, %scan3A_22 : i32
      %scan3A_24 = arith.constant 1 : i32
      scf.for %scan3A_26 = %scan3A_21 to %scan3A_23 step %scan3A_24  : i32 {
        %mul3A_27 = arith.constant 64 : i32
        %mul3A_28 = arith.muli %scan3A_26, %mul3A_27 : i32
        %add3A = arith.addi %mul3A_2, %mul3A_28 : i32
        "tpu.region"() ({
          %run_scoped3A = tpu.sem_alloc : memref<!tpu.dma_semaphore, #tpu.memory_space<semaphore_mem>>
          %dma_start3A = arith.constant 0 : i32
          %dma_start3A_29 = tpu.memref_slice %arg2[%add3A, %dma_start3A] : memref<10240x128xf32, #tpu.memory_space<hbm>> -> memref<64x128xf32, #tpu.memory_space<hbm>>
          %dma_start3A_30 = arith.constant 0 : i32
          %dma_start3A_31 = tpu.memref_slice %arg2[%add3A, %dma_start3A_30] : memref<10240x128xf32, #tpu.memory_space<hbm>> -> memref<64x128xf32, #tpu.memory_space<hbm>>
          tpu.enqueue_dma source(%dma_start3A_31 : memref<64x128xf32, #tpu.memory_space<hbm>>) target(%arg9 : memref<64x128xf32, #tpu.memory_space<vmem>>) target_semaphore(%run_scoped3A : memref<!tpu.dma_semaphore, #tpu.memory_space<semaphore_mem>>)
          %dma_wait3A = arith.constant 0 : i32
          %dma_wait3A_32 = tpu.memref_slice %arg2[%add3A, %dma_wait3A] : memref<10240x128xf32, #tpu.memory_space<hbm>> -> memref<64x128xf32, #tpu.memory_space<hbm>>
          %dma_wait3A_33 = arith.constant 0 : i32
          %dma_wait3A_34 = tpu.memref_slice %arg2[%add3A, %dma_wait3A_33] : memref<10240x128xf32, #tpu.memory_space<hbm>> -> memref<64x128xf32, #tpu.memory_space<hbm>>
          tpu.wait_dma2 semaphore(%run_scoped3A : memref<!tpu.dma_semaphore, #tpu.memory_space<semaphore_mem>>) src(%dma_wait3A_34 : memref<64x128xf32, #tpu.memory_space<hbm>>) dst(%arg9 : memref<64x128xf32, #tpu.memory_space<vmem>>)
          tpu.yield
        }) : () -> ()
        "tpu.region"() ({
          %run_scoped3A = tpu.sem_alloc : memref<!tpu.dma_semaphore, #tpu.memory_space<semaphore_mem>>
          %dma_start3A = arith.constant 0 : i32
          %dma_start3A_29 = tpu.memref_slice %arg8[%scan3A_26, %dma_start3A] : memref<10x64xi32, #tpu.memory_space<vmem>> -> memref<1x64xi32, #tpu.memory_space<vmem>>
          %dma_start3A_30 = tpu.memref_squeeze %dma_start3A_29 : memref<1x64xi32, #tpu.memory_space<vmem>> -> memref<64xi32, #tpu.memory_space<vmem>>
          %dma_start3A_31 = arith.constant 0 : i32
          %dma_start3A_32 = arith.constant 0 : i32
          %dma_start3A_33 = tpu.memref_slice %arg11[%dma_start3A_31, %dma_start3A_32] : memref<2176x128xf32, #tpu.memory_space<vmem_shared>> -> memref<2176x128xf32, #tpu.memory_space<vmem_shared>>
          tpu.enqueue_indirect_dma source(%arg9 : memref<64x128xf32, #tpu.memory_space<vmem>>) target(%dma_start3A_33 : memref<2176x128xf32, #tpu.memory_space<vmem_shared>>) offsets(%dma_start3A_30 : memref<64xi32, #tpu.memory_space<vmem>>) semaphore(%run_scoped3A : memref<!tpu.dma_semaphore, #tpu.memory_space<semaphore_mem>>) {add = true}
          %dma_wait3A = arith.constant 0 : i32
          %dma_wait3A_34 = tpu.memref_slice %arg8[%scan3A_26, %dma_wait3A] : memref<10x64xi32, #tpu.memory_space<vmem>> -> memref<1x64xi32, #tpu.memory_space<vmem>>
          %dma_wait3A_35 = tpu.memref_squeeze %dma_wait3A_34 : memref<1x64xi32, #tpu.memory_space<vmem>> -> memref<64xi32, #tpu.memory_space<vmem>>
          %dma_wait3A_36 = arith.constant 0 : i32
          %dma_wait3A_37 = arith.constant 0 : i32
          %dma_wait3A_38 = tpu.memref_slice %arg11[%dma_wait3A_36, %dma_wait3A_37] : memref<2176x128xf32, #tpu.memory_space<vmem_shared>> -> memref<2176x128xf32, #tpu.memory_space<vmem_shared>>
          tpu.wait_indirect_dma semaphore(%run_scoped3A : memref<!tpu.dma_semaphore, #tpu.memory_space<semaphore_mem>>) src(%arg9 : memref<64x128xf32, #tpu.memory_space<vmem>>) dst(%dma_wait3A_38 : memref<2176x128xf32, #tpu.memory_space<vmem_shared>>)
          tpu.yield
        }) : () -> ()
      }
      %scan3A_25 = arith.constant 10 : i32
    } else {
    }
    %eq3A_5 = arith.constant 1 : i32
    %eq3A_6 = arith.cmpi eq, %arg0, %eq3A_5 : i32
    %convert_element_type3A_7 = arith.extui %eq3A_6 : i1 to i32
    %cond3A_8 = arith.constant 0 : i32
    %cond3A_9 = arith.cmpi ne, %convert_element_type3A_7, %cond3A_8 : i32
    scf.if %cond3A_9 {
      "tpu.region"() ({
        %run_scoped3A = tpu.sem_alloc : memref<!tpu.dma_semaphore, #tpu.memory_space<semaphore_mem>>
        tpu.enqueue_dma source(%arg4 : memref<64x128xf32, #tpu.memory_space<hbm>>) target(%arg10 : memref<64x128xf32, #tpu.memory_space<vmem>>) target_semaphore(%run_scoped3A : memref<!tpu.dma_semaphore, #tpu.memory_space<semaphore_mem>>)
        tpu.wait_dma2 semaphore(%run_scoped3A : memref<!tpu.dma_semaphore, #tpu.memory_space<semaphore_mem>>) src(%arg4 : memref<64x128xf32, #tpu.memory_space<hbm>>) dst(%arg10 : memref<64x128xf32, #tpu.memory_space<vmem>>)
        tpu.yield
      }) : () -> ()
      %scan3A = arith.constant 0 : i32
      %scan3A_21 = arith.constant 0 : i32
      %scan3A_22 = arith.constant 10 : i32
      %scan3A_23 = arith.addi %scan3A_21, %scan3A_22 : i32
      %scan3A_24 = arith.constant 1 : i32
      scf.for %scan3A_26 = %scan3A_21 to %scan3A_23 step %scan3A_24  : i32 {
        "tpu.region"() ({
          %run_scoped3A = tpu.sem_alloc : memref<!tpu.dma_semaphore, #tpu.memory_space<semaphore_mem>>
          %dma_start3A = arith.constant 0 : i32
          %dma_start3A_27 = tpu.memref_slice %arg8[%scan3A_26, %dma_start3A] : memref<10x64xi32, #tpu.memory_space<vmem>> -> memref<1x64xi32, #tpu.memory_space<vmem>>
          %dma_start3A_28 = tpu.memref_squeeze %dma_start3A_27 : memref<1x64xi32, #tpu.memory_space<vmem>> -> memref<64xi32, #tpu.memory_space<vmem>>
          %dma_start3A_29 = arith.constant 0 : i32
          %dma_start3A_30 = arith.constant 0 : i32
          %dma_start3A_31 = tpu.memref_slice %arg11[%dma_start3A_29, %dma_start3A_30] : memref<2176x128xf32, #tpu.memory_space<vmem_shared>> -> memref<2176x128xf32, #tpu.memory_space<vmem_shared>>
          tpu.enqueue_indirect_dma source(%arg10 : memref<64x128xf32, #tpu.memory_space<vmem>>) target(%dma_start3A_31 : memref<2176x128xf32, #tpu.memory_space<vmem_shared>>) offsets(%dma_start3A_28 : memref<64xi32, #tpu.memory_space<vmem>>) semaphore(%run_scoped3A : memref<!tpu.dma_semaphore, #tpu.memory_space<semaphore_mem>>) {add = true}
          %dma_wait3A = arith.constant 0 : i32
          %dma_wait3A_32 = tpu.memref_slice %arg8[%scan3A_26, %dma_wait3A] : memref<10x64xi32, #tpu.memory_space<vmem>> -> memref<1x64xi32, #tpu.memory_space<vmem>>
          %dma_wait3A_33 = tpu.memref_squeeze %dma_wait3A_32 : memref<1x64xi32, #tpu.memory_space<vmem>> -> memref<64xi32, #tpu.memory_space<vmem>>
          %dma_wait3A_34 = arith.constant 0 : i32
          %dma_wait3A_35 = arith.constant 0 : i32
          %dma_wait3A_36 = tpu.memref_slice %arg11[%dma_wait3A_34, %dma_wait3A_35] : memref<2176x128xf32, #tpu.memory_space<vmem_shared>> -> memref<2176x128xf32, #tpu.memory_space<vmem_shared>>
          tpu.wait_indirect_dma semaphore(%run_scoped3A : memref<!tpu.dma_semaphore, #tpu.memory_space<semaphore_mem>>) src(%arg10 : memref<64x128xf32, #tpu.memory_space<vmem>>) dst(%dma_wait3A_36 : memref<2176x128xf32, #tpu.memory_space<vmem_shared>>)
          tpu.yield
        }) : () -> ()
      }
      %scan3A_25 = arith.constant 10 : i32
    } else {
    }
    %barrier3A_10 = arith.constant 0 : index
    tpu.barrier barrier_id(%barrier3A_10)
    %eq3A_11 = arith.constant 0 : i32
    %eq3A_12 = arith.cmpi eq, %arg0, %eq3A_11 : i32
    %convert_element_type3A_13 = arith.extui %eq3A_12 : i1 to i32
    %cond3A_14 = arith.constant 0 : i32
    %cond3A_15 = arith.cmpi ne, %convert_element_type3A_13, %cond3A_14 : i32
    scf.if %cond3A_15 {
      %mul3A_21 = arith.constant 128 : i32
      %mul3A_22 = arith.muli %arg1, %mul3A_21 : i32
      %mul3A_23 = arith.constant 128 : i32
      %mul3A_24 = arith.muli %arg1, %mul3A_23 : i32
      "tpu.region"() ({
        %run_scoped3A = tpu.sem_alloc : memref<!tpu.dma_semaphore, #tpu.memory_space<semaphore_mem>>
        %dma_start3A = arith.constant 0 : i32
        %dma_start3A_25 = tpu.memref_slice %arg6[%mul3A_24, %dma_start3A] : memref<2048x128xf32, #tpu.memory_space<hbm>> -> memref<128x128xf32, #tpu.memory_space<hbm>>
        %dma_start3A_26 = arith.constant 0 : i32
        %dma_start3A_27 = tpu.memref_slice %arg11[%mul3A_22, %dma_start3A_26] : memref<2176x128xf32, #tpu.memory_space<vmem_shared>> -> memref<128x128xf32, #tpu.memory_space<vmem_shared>>
        tpu.enqueue_dma source(%dma_start3A_27 : memref<128x128xf32, #tpu.memory_space<vmem_shared>>) target(%dma_start3A_25 : memref<128x128xf32, #tpu.memory_space<hbm>>) target_semaphore(%run_scoped3A : memref<!tpu.dma_semaphore, #tpu.memory_space<semaphore_mem>>)
        %dma_wait3A = arith.constant 0 : i32
        %dma_wait3A_28 = tpu.memref_slice %arg6[%mul3A_24, %dma_wait3A] : memref<2048x128xf32, #tpu.memory_space<hbm>> -> memref<128x128xf32, #tpu.memory_space<hbm>>
        %dma_wait3A_29 = arith.constant 0 : i32
        %dma_wait3A_30 = tpu.memref_slice %arg11[%mul3A_22, %dma_wait3A_29] : memref<2176x128xf32, #tpu.memory_space<vmem_shared>> -> memref<128x128xf32, #tpu.memory_space<vmem_shared>>
        tpu.wait_dma2 semaphore(%run_scoped3A : memref<!tpu.dma_semaphore, #tpu.memory_space<semaphore_mem>>) src(%dma_wait3A_30 : memref<128x128xf32, #tpu.memory_space<vmem_shared>>) dst(%dma_wait3A_28 : memref<128x128xf32, #tpu.memory_space<hbm>>)
        tpu.yield
      }) : () -> ()
    } else {
    }
    %eq3A_16 = arith.constant 1 : i32
    %eq3A_17 = arith.cmpi eq, %arg0, %eq3A_16 : i32
    %convert_element_type3A_18 = arith.extui %eq3A_17 : i1 to i32
    %cond3A_19 = arith.constant 0 : i32
    %cond3A_20 = arith.cmpi ne, %convert_element_type3A_18, %cond3A_19 : i32
    scf.if %cond3A_20 {
      %mul3A_21 = arith.constant 128 : i32
      %mul3A_22 = arith.muli %arg1, %mul3A_21 : i32
      %mul3A_23 = arith.constant 128 : i32
      %mul3A_24 = arith.muli %arg1, %mul3A_23 : i32
      "tpu.region"() ({
        %run_scoped3A = tpu.sem_alloc : memref<!tpu.dma_semaphore, #tpu.memory_space<semaphore_mem>>
        %dma_start3A = arith.constant 0 : i32
        %dma_start3A_25 = tpu.memref_slice %arg7[%mul3A_24, %dma_start3A] : memref<2048x128xf32, #tpu.memory_space<hbm>> -> memref<128x128xf32, #tpu.memory_space<hbm>>
        %dma_start3A_26 = arith.constant 0 : i32
        %dma_start3A_27 = tpu.memref_slice %arg11[%mul3A_22, %dma_start3A_26] : memref<2176x128xf32, #tpu.memory_space<vmem_shared>> -> memref<128x128xf32, #tpu.memory_space<vmem_shared>>
        tpu.enqueue_dma source(%dma_start3A_27 : memref<128x128xf32, #tpu.memory_space<vmem_shared>>) target(%dma_start3A_25 : memref<128x128xf32, #tpu.memory_space<hbm>>) target_semaphore(%run_scoped3A : memref<!tpu.dma_semaphore, #tpu.memory_space<semaphore_mem>>)
        %dma_wait3A = arith.constant 0 : i32
        %dma_wait3A_28 = tpu.memref_slice %arg7[%mul3A_24, %dma_wait3A] : memref<2048x128xf32, #tpu.memory_space<hbm>> -> memref<128x128xf32, #tpu.memory_space<hbm>>
        %dma_wait3A_29 = arith.constant 0 : i32
        %dma_wait3A_30 = tpu.memref_slice %arg11[%mul3A_22, %dma_wait3A_29] : memref<2176x128xf32, #tpu.memory_space<vmem_shared>> -> memref<128x128xf32, #tpu.memory_space<vmem_shared>>
        tpu.wait_dma2 semaphore(%run_scoped3A : memref<!tpu.dma_semaphore, #tpu.memory_space<semaphore_mem>>) src(%dma_wait3A_30 : memref<128x128xf32, #tpu.memory_space<vmem_shared>>) dst(%dma_wait3A_28 : memref<128x128xf32, #tpu.memory_space<hbm>>)
        tpu.yield
      }) : () -> ()
    } else {
    }
    return
  }
}

#map = affine_map<(d0, d1) -> (0, 0)>
#map1 = affine_map<(d0, d1) -> (0, 0, 0, 0)>
#map2 = affine_map<(d0, d1) -> (0, 0, 0)>
module attributes {stable_mosaic.version = 14 : i64} {
  func.func @_edge_agg_body(%arg0: i32, %arg1: i32, %arg2: memref<10000x64xf32, #tpu.memory_space<hbm>>, %arg3: memref<10000x64xf32, #tpu.memory_space<hbm>>, %arg4: memref<2x16x160x125xi32, #tpu.memory_space<hbm>>, %arg5: memref<640x64xf32, #tpu.memory_space<hbm>>, %arg6: memref<2x10240x64xf32, #tpu.memory_space<hbm>>, %arg7: memref<160x125xi32, #tpu.memory_space<vmem>>, %arg8: memref<160x125xi32, #tpu.memory_space<vmem>>, %arg9: memref<125x64xf32, #tpu.memory_space<vmem>>, %arg10: memref<125x64xf32, #tpu.memory_space<vmem>>, %arg11: memref<125x64xf32, #tpu.memory_space<vmem>>, %arg12: memref<125x64xf32, #tpu.memory_space<vmem>>, %arg13: memref<10240x64xf32, #tpu.memory_space<vmem_shared>>, %arg14: memref<!tpu.dma_semaphore, #tpu.memory_space<semaphore_mem>>, %arg15: memref<!tpu.dma_semaphore, #tpu.memory_space<semaphore_mem>>, %arg16: memref<!tpu.dma_semaphore, #tpu.memory_space<semaphore_mem>>, %arg17: memref<!tpu.dma_semaphore, #tpu.memory_space<semaphore_mem>>) attributes {dimension_semantics = [#tpu.dimension_semantics<core_parallel>, #tpu.dimension_semantics<subcore_parallel>], iteration_bounds = array<i64: 2, 16>, scalar_prefetch = 0 : i64, scratch_operands = 11 : i64, tpu.core_type = #tpu.core_type<sc_vector_subcore>, window_params = [{transform_indices = #map}, {transform_indices = #map}, {transform_indices = #map1}, {transform_indices = #map}, {transform_indices = #map2}]} {
    %mul3A = arith.constant 640 : i32
    %mul3A_0 = arith.muli %arg1, %mul3A : i32
    "tpu.region"() ({
      %run_scoped3A_14 = tpu.sem_alloc : memref<!tpu.dma_semaphore, #tpu.memory_space<semaphore_mem>>
      %dma_start3A = arith.constant 0 : i32
      %dma_start3A_15 = tpu.memref_slice %arg13[%mul3A_0, %dma_start3A] : memref<10240x64xf32, #tpu.memory_space<vmem_shared>> -> memref<640x64xf32, #tpu.memory_space<vmem_shared>>
      tpu.enqueue_dma source(%arg5 : memref<640x64xf32, #tpu.memory_space<hbm>>) target(%dma_start3A_15 : memref<640x64xf32, #tpu.memory_space<vmem_shared>>) target_semaphore(%run_scoped3A_14 : memref<!tpu.dma_semaphore, #tpu.memory_space<semaphore_mem>>)
      %dma_wait3A = arith.constant 0 : i32
      %dma_wait3A_16 = tpu.memref_slice %arg13[%mul3A_0, %dma_wait3A] : memref<10240x64xf32, #tpu.memory_space<vmem_shared>> -> memref<640x64xf32, #tpu.memory_space<vmem_shared>>
      tpu.wait_dma2 semaphore(%run_scoped3A_14 : memref<!tpu.dma_semaphore, #tpu.memory_space<semaphore_mem>>) src(%arg5 : memref<640x64xf32, #tpu.memory_space<hbm>>) dst(%dma_wait3A_16 : memref<640x64xf32, #tpu.memory_space<vmem_shared>>)
      tpu.yield
    }) : () -> ()
    %run_scoped3A = arith.constant 0 : i32
    "tpu.region"() ({
      %run_scoped3A_14 = tpu.sem_alloc : memref<!tpu.dma_semaphore, #tpu.memory_space<semaphore_mem>>
      %dma_start3A = arith.constant 0 : i32
      %dma_start3A_15 = arith.constant 0 : i32
      %dma_start3A_16 = tpu.memref_slice %arg4[%run_scoped3A, %arg1, %dma_start3A, %dma_start3A_15] : memref<2x16x160x125xi32, #tpu.memory_space<hbm>> -> memref<1x1x160x125xi32, #tpu.memory_space<hbm>>
      %dma_start3A_17 = tpu.memref_squeeze %dma_start3A_16 : memref<1x1x160x125xi32, #tpu.memory_space<hbm>> -> memref<160x125xi32, #tpu.memory_space<hbm>>
      %dma_start3A_18 = arith.constant 0 : i32
      %dma_start3A_19 = arith.constant 0 : i32
      %dma_start3A_20 = tpu.memref_slice %arg4[%run_scoped3A, %arg1, %dma_start3A_18, %dma_start3A_19] : memref<2x16x160x125xi32, #tpu.memory_space<hbm>> -> memref<1x1x160x125xi32, #tpu.memory_space<hbm>>
      %dma_start3A_21 = tpu.memref_squeeze %dma_start3A_20 : memref<1x1x160x125xi32, #tpu.memory_space<hbm>> -> memref<160x125xi32, #tpu.memory_space<hbm>>
      tpu.enqueue_dma source(%dma_start3A_21 : memref<160x125xi32, #tpu.memory_space<hbm>>) target(%arg7 : memref<160x125xi32, #tpu.memory_space<vmem>>) target_semaphore(%run_scoped3A_14 : memref<!tpu.dma_semaphore, #tpu.memory_space<semaphore_mem>>)
      %dma_wait3A = arith.constant 0 : i32
      %dma_wait3A_22 = arith.constant 0 : i32
      %dma_wait3A_23 = tpu.memref_slice %arg4[%run_scoped3A, %arg1, %dma_wait3A, %dma_wait3A_22] : memref<2x16x160x125xi32, #tpu.memory_space<hbm>> -> memref<1x1x160x125xi32, #tpu.memory_space<hbm>>
      %dma_wait3A_24 = tpu.memref_squeeze %dma_wait3A_23 : memref<1x1x160x125xi32, #tpu.memory_space<hbm>> -> memref<160x125xi32, #tpu.memory_space<hbm>>
      %dma_wait3A_25 = arith.constant 0 : i32
      %dma_wait3A_26 = arith.constant 0 : i32
      %dma_wait3A_27 = tpu.memref_slice %arg4[%run_scoped3A, %arg1, %dma_wait3A_25, %dma_wait3A_26] : memref<2x16x160x125xi32, #tpu.memory_space<hbm>> -> memref<1x1x160x125xi32, #tpu.memory_space<hbm>>
      %dma_wait3A_28 = tpu.memref_squeeze %dma_wait3A_27 : memref<1x1x160x125xi32, #tpu.memory_space<hbm>> -> memref<160x125xi32, #tpu.memory_space<hbm>>
      tpu.wait_dma2 semaphore(%run_scoped3A_14 : memref<!tpu.dma_semaphore, #tpu.memory_space<semaphore_mem>>) src(%dma_wait3A_28 : memref<160x125xi32, #tpu.memory_space<hbm>>) dst(%arg7 : memref<160x125xi32, #tpu.memory_space<vmem>>)
      tpu.yield
    }) : () -> ()
    %run_scoped3A_1 = arith.constant 1 : i32
    "tpu.region"() ({
      %run_scoped3A_14 = tpu.sem_alloc : memref<!tpu.dma_semaphore, #tpu.memory_space<semaphore_mem>>
      %dma_start3A = arith.constant 0 : i32
      %dma_start3A_15 = arith.constant 0 : i32
      %dma_start3A_16 = tpu.memref_slice %arg4[%run_scoped3A_1, %arg1, %dma_start3A, %dma_start3A_15] : memref<2x16x160x125xi32, #tpu.memory_space<hbm>> -> memref<1x1x160x125xi32, #tpu.memory_space<hbm>>
      %dma_start3A_17 = tpu.memref_squeeze %dma_start3A_16 : memref<1x1x160x125xi32, #tpu.memory_space<hbm>> -> memref<160x125xi32, #tpu.memory_space<hbm>>
      %dma_start3A_18 = arith.constant 0 : i32
      %dma_start3A_19 = arith.constant 0 : i32
      %dma_start3A_20 = tpu.memref_slice %arg4[%run_scoped3A_1, %arg1, %dma_start3A_18, %dma_start3A_19] : memref<2x16x160x125xi32, #tpu.memory_space<hbm>> -> memref<1x1x160x125xi32, #tpu.memory_space<hbm>>
      %dma_start3A_21 = tpu.memref_squeeze %dma_start3A_20 : memref<1x1x160x125xi32, #tpu.memory_space<hbm>> -> memref<160x125xi32, #tpu.memory_space<hbm>>
      tpu.enqueue_dma source(%dma_start3A_21 : memref<160x125xi32, #tpu.memory_space<hbm>>) target(%arg8 : memref<160x125xi32, #tpu.memory_space<vmem>>) target_semaphore(%run_scoped3A_14 : memref<!tpu.dma_semaphore, #tpu.memory_space<semaphore_mem>>)
      %dma_wait3A = arith.constant 0 : i32
      %dma_wait3A_22 = arith.constant 0 : i32
      %dma_wait3A_23 = tpu.memref_slice %arg4[%run_scoped3A_1, %arg1, %dma_wait3A, %dma_wait3A_22] : memref<2x16x160x125xi32, #tpu.memory_space<hbm>> -> memref<1x1x160x125xi32, #tpu.memory_space<hbm>>
      %dma_wait3A_24 = tpu.memref_squeeze %dma_wait3A_23 : memref<1x1x160x125xi32, #tpu.memory_space<hbm>> -> memref<160x125xi32, #tpu.memory_space<hbm>>
      %dma_wait3A_25 = arith.constant 0 : i32
      %dma_wait3A_26 = arith.constant 0 : i32
      %dma_wait3A_27 = tpu.memref_slice %arg4[%run_scoped3A_1, %arg1, %dma_wait3A_25, %dma_wait3A_26] : memref<2x16x160x125xi32, #tpu.memory_space<hbm>> -> memref<1x1x160x125xi32, #tpu.memory_space<hbm>>
      %dma_wait3A_28 = tpu.memref_squeeze %dma_wait3A_27 : memref<1x1x160x125xi32, #tpu.memory_space<hbm>> -> memref<160x125xi32, #tpu.memory_space<hbm>>
      tpu.wait_dma2 semaphore(%run_scoped3A_14 : memref<!tpu.dma_semaphore, #tpu.memory_space<semaphore_mem>>) src(%dma_wait3A_28 : memref<160x125xi32, #tpu.memory_space<hbm>>) dst(%arg8 : memref<160x125xi32, #tpu.memory_space<vmem>>)
      tpu.yield
    }) : () -> ()
    %barrier3A = arith.constant 0 : index
    tpu.barrier barrier_id(%barrier3A)
    %eq3A = arith.constant 0 : i32
    %eq3A_2 = arith.cmpi eq, %arg0, %eq3A : i32
    %convert_element_type3A = arith.extui %eq3A_2 : i1 to i32
    %cond3A = arith.constant 0 : i32
    %cond3A_3 = arith.cmpi ne, %convert_element_type3A, %cond3A : i32
    scf.if %cond3A_3 {
      %dma_start3A = arith.constant 0 : i32
      %dma_start3A_14 = arith.constant 0 : i32
      %dma_start3A_15 = tpu.memref_slice %arg7[%dma_start3A, %dma_start3A_14] : memref<160x125xi32, #tpu.memory_space<vmem>> -> memref<1x125xi32, #tpu.memory_space<vmem>>
      %dma_start3A_16 = tpu.memref_squeeze %dma_start3A_15 : memref<1x125xi32, #tpu.memory_space<vmem>> -> memref<125xi32, #tpu.memory_space<vmem>>
      %dma_start3A_17 = arith.constant 0 : i32
      %dma_start3A_18 = arith.constant 0 : i32
      %dma_start3A_19 = tpu.memref_slice %arg2[%dma_start3A_17, %dma_start3A_18] : memref<10000x64xf32, #tpu.memory_space<hbm>> -> memref<10000x64xf32, #tpu.memory_space<hbm>>
      tpu.enqueue_indirect_dma source(%dma_start3A_19 : memref<10000x64xf32, #tpu.memory_space<hbm>>) target(%arg9 : memref<125x64xf32, #tpu.memory_space<vmem>>) offsets(%dma_start3A_16 : memref<125xi32, #tpu.memory_space<vmem>>) semaphore(%arg14 : memref<!tpu.dma_semaphore, #tpu.memory_space<semaphore_mem>>)
      %dma_start3A_20 = arith.constant 1 : i32
      %dma_start3A_21 = arith.constant 0 : i32
      %dma_start3A_22 = tpu.memref_slice %arg7[%dma_start3A_20, %dma_start3A_21] : memref<160x125xi32, #tpu.memory_space<vmem>> -> memref<1x125xi32, #tpu.memory_space<vmem>>
      %dma_start3A_23 = tpu.memref_squeeze %dma_start3A_22 : memref<1x125xi32, #tpu.memory_space<vmem>> -> memref<125xi32, #tpu.memory_space<vmem>>
      %dma_start3A_24 = arith.constant 0 : i32
      %dma_start3A_25 = arith.constant 0 : i32
      %dma_start3A_26 = tpu.memref_slice %arg2[%dma_start3A_24, %dma_start3A_25] : memref<10000x64xf32, #tpu.memory_space<hbm>> -> memref<10000x64xf32, #tpu.memory_space<hbm>>
      tpu.enqueue_indirect_dma source(%dma_start3A_26 : memref<10000x64xf32, #tpu.memory_space<hbm>>) target(%arg10 : memref<125x64xf32, #tpu.memory_space<vmem>>) offsets(%dma_start3A_23 : memref<125xi32, #tpu.memory_space<vmem>>) semaphore(%arg15 : memref<!tpu.dma_semaphore, #tpu.memory_space<semaphore_mem>>)
      %dma_start3A_27 = arith.constant 2 : i32
      %dma_start3A_28 = arith.constant 0 : i32
      %dma_start3A_29 = tpu.memref_slice %arg7[%dma_start3A_27, %dma_start3A_28] : memref<160x125xi32, #tpu.memory_space<vmem>> -> memref<1x125xi32, #tpu.memory_space<vmem>>
      %dma_start3A_30 = tpu.memref_squeeze %dma_start3A_29 : memref<1x125xi32, #tpu.memory_space<vmem>> -> memref<125xi32, #tpu.memory_space<vmem>>
      %dma_start3A_31 = arith.constant 0 : i32
      %dma_start3A_32 = arith.constant 0 : i32
      %dma_start3A_33 = tpu.memref_slice %arg2[%dma_start3A_31, %dma_start3A_32] : memref<10000x64xf32, #tpu.memory_space<hbm>> -> memref<10000x64xf32, #tpu.memory_space<hbm>>
      tpu.enqueue_indirect_dma source(%dma_start3A_33 : memref<10000x64xf32, #tpu.memory_space<hbm>>) target(%arg11 : memref<125x64xf32, #tpu.memory_space<vmem>>) offsets(%dma_start3A_30 : memref<125xi32, #tpu.memory_space<vmem>>) semaphore(%arg16 : memref<!tpu.dma_semaphore, #tpu.memory_space<semaphore_mem>>)
      %scan3A = arith.constant 0 : i32
      %scan3A_34 = arith.constant 0 : i32
      %scan3A_35 = arith.constant 40 : i32
      %scan3A_36 = arith.addi %scan3A_34, %scan3A_35 : i32
      %scan3A_37 = arith.constant 1 : i32
      scf.for %scan3A_39 = %scan3A_34 to %scan3A_36 step %scan3A_37  : i32 {
        %mul3A_40 = arith.constant 4 : i32
        %mul3A_41 = arith.muli %mul3A_40, %scan3A_39 : i32
        %add3A = arith.constant 0 : i32
        %add3A_42 = arith.addi %mul3A_41, %add3A : i32
        %add3A_43 = arith.constant 3 : i32
        %add3A_44 = arith.addi %add3A_42, %add3A_43 : i32
        %lt3A = arith.constant 160 : i32
        %lt3A_45 = arith.cmpi slt, %add3A_44, %lt3A : i32
        %convert_element_type3A_46 = arith.extui %lt3A_45 : i1 to i32
        %cond3A_47 = arith.constant 0 : i32
        %cond3A_48 = arith.cmpi ne, %convert_element_type3A_46, %cond3A_47 : i32
        scf.if %cond3A_48 {
          %dma_start3A_99 = arith.constant 0 : i32
          %dma_start3A_100 = tpu.memref_slice %arg7[%add3A_44, %dma_start3A_99] : memref<160x125xi32, #tpu.memory_space<vmem>> -> memref<1x125xi32, #tpu.memory_space<vmem>>
          %dma_start3A_101 = tpu.memref_squeeze %dma_start3A_100 : memref<1x125xi32, #tpu.memory_space<vmem>> -> memref<125xi32, #tpu.memory_space<vmem>>
          %dma_start3A_102 = arith.constant 0 : i32
          %dma_start3A_103 = arith.constant 0 : i32
          %dma_start3A_104 = tpu.memref_slice %arg2[%dma_start3A_102, %dma_start3A_103] : memref<10000x64xf32, #tpu.memory_space<hbm>> -> memref<10000x64xf32, #tpu.memory_space<hbm>>
          tpu.enqueue_indirect_dma source(%dma_start3A_104 : memref<10000x64xf32, #tpu.memory_space<hbm>>) target(%arg12 : memref<125x64xf32, #tpu.memory_space<vmem>>) offsets(%dma_start3A_101 : memref<125xi32, #tpu.memory_space<vmem>>) semaphore(%arg17 : memref<!tpu.dma_semaphore, #tpu.memory_space<semaphore_mem>>)
        } else {
        }
        %dma_wait3A = arith.constant 0 : i32
        %dma_wait3A_49 = tpu.memref_slice %arg7[%add3A_42, %dma_wait3A] : memref<160x125xi32, #tpu.memory_space<vmem>> -> memref<1x125xi32, #tpu.memory_space<vmem>>
        %dma_wait3A_50 = tpu.memref_squeeze %dma_wait3A_49 : memref<1x125xi32, #tpu.memory_space<vmem>> -> memref<125xi32, #tpu.memory_space<vmem>>
        %dma_wait3A_51 = arith.constant 0 : i32
        %dma_wait3A_52 = arith.constant 0 : i32
        %dma_wait3A_53 = tpu.memref_slice %arg2[%dma_wait3A_51, %dma_wait3A_52] : memref<10000x64xf32, #tpu.memory_space<hbm>> -> memref<10000x64xf32, #tpu.memory_space<hbm>>
        tpu.wait_indirect_dma semaphore(%arg14 : memref<!tpu.dma_semaphore, #tpu.memory_space<semaphore_mem>>) src(%dma_wait3A_53 : memref<10000x64xf32, #tpu.memory_space<hbm>>) dst(%arg9 : memref<125x64xf32, #tpu.memory_space<vmem>>)
        "tpu.region"() ({
          %run_scoped3A_99 = tpu.sem_alloc : memref<!tpu.dma_semaphore, #tpu.memory_space<semaphore_mem>>
          %dma_start3A_100 = arith.constant 0 : i32
          %dma_start3A_101 = tpu.memref_slice %arg8[%add3A_42, %dma_start3A_100] : memref<160x125xi32, #tpu.memory_space<vmem>> -> memref<1x125xi32, #tpu.memory_space<vmem>>
          %dma_start3A_102 = tpu.memref_squeeze %dma_start3A_101 : memref<1x125xi32, #tpu.memory_space<vmem>> -> memref<125xi32, #tpu.memory_space<vmem>>
          %dma_start3A_103 = arith.constant 0 : i32
          %dma_start3A_104 = arith.constant 0 : i32
          %dma_start3A_105 = tpu.memref_slice %arg13[%dma_start3A_103, %dma_start3A_104] : memref<10240x64xf32, #tpu.memory_space<vmem_shared>> -> memref<10240x64xf32, #tpu.memory_space<vmem_shared>>
          tpu.enqueue_indirect_dma source(%arg9 : memref<125x64xf32, #tpu.memory_space<vmem>>) target(%dma_start3A_105 : memref<10240x64xf32, #tpu.memory_space<vmem_shared>>) offsets(%dma_start3A_102 : memref<125xi32, #tpu.memory_space<vmem>>) semaphore(%run_scoped3A_99 : memref<!tpu.dma_semaphore, #tpu.memory_space<semaphore_mem>>) {add = true}
          %dma_wait3A_106 = arith.constant 0 : i32
          %dma_wait3A_107 = tpu.memref_slice %arg8[%add3A_42, %dma_wait3A_106] : memref<160x125xi32, #tpu.memory_space<vmem>> -> memref<1x125xi32, #tpu.memory_space<vmem>>
          %dma_wait3A_108 = tpu.memref_squeeze %dma_wait3A_107 : memref<1x125xi32, #tpu.memory_space<vmem>> -> memref<125xi32, #tpu.memory_space<vmem>>
          %dma_wait3A_109 = arith.constant 0 : i32
          %dma_wait3A_110 = arith.constant 0 : i32
          %dma_wait3A_111 = tpu.memref_slice %arg13[%dma_wait3A_109, %dma_wait3A_110] : memref<10240x64xf32, #tpu.memory_space<vmem_shared>> -> memref<10240x64xf32, #tpu.memory_space<vmem_shared>>
          tpu.wait_indirect_dma semaphore(%run_scoped3A_99 : memref<!tpu.dma_semaphore, #tpu.memory_space<semaphore_mem>>) src(%arg9 : memref<125x64xf32, #tpu.memory_space<vmem>>) dst(%dma_wait3A_111 : memref<10240x64xf32, #tpu.memory_space<vmem_shared>>)
          tpu.yield
        }) : () -> ()
        %add3A_54 = arith.constant 1 : i32
        %add3A_55 = arith.addi %mul3A_41, %add3A_54 : i32
        %add3A_56 = arith.constant 3 : i32
        %add3A_57 = arith.addi %add3A_55, %add3A_56 : i32
        %lt3A_58 = arith.constant 160 : i32
        %lt3A_59 = arith.cmpi slt, %add3A_57, %lt3A_58 : i32
        %convert_element_type3A_60 = arith.extui %lt3A_59 : i1 to i32
        %cond3A_61 = arith.constant 0 : i32
        %cond3A_62 = arith.cmpi ne, %convert_element_type3A_60, %cond3A_61 : i32
        scf.if %cond3A_62 {
          %dma_start3A_99 = arith.constant 0 : i32
          %dma_start3A_100 = tpu.memref_slice %arg7[%add3A_57, %dma_start3A_99] : memref<160x125xi32, #tpu.memory_space<vmem>> -> memref<1x125xi32, #tpu.memory_space<vmem>>
          %dma_start3A_101 = tpu.memref_squeeze %dma_start3A_100 : memref<1x125xi32, #tpu.memory_space<vmem>> -> memref<125xi32, #tpu.memory_space<vmem>>
          %dma_start3A_102 = arith.constant 0 : i32
          %dma_start3A_103 = arith.constant 0 : i32
          %dma_start3A_104 = tpu.memref_slice %arg2[%dma_start3A_102, %dma_start3A_103] : memref<10000x64xf32, #tpu.memory_space<hbm>> -> memref<10000x64xf32, #tpu.memory_space<hbm>>
          tpu.enqueue_indirect_dma source(%dma_start3A_104 : memref<10000x64xf32, #tpu.memory_space<hbm>>) target(%arg9 : memref<125x64xf32, #tpu.memory_space<vmem>>) offsets(%dma_start3A_101 : memref<125xi32, #tpu.memory_space<vmem>>) semaphore(%arg14 : memref<!tpu.dma_semaphore, #tpu.memory_space<semaphore_mem>>)
        } else {
        }
        %dma_wait3A_63 = arith.constant 0 : i32
        %dma_wait3A_64 = tpu.memref_slice %arg7[%add3A_55, %dma_wait3A_63] : memref<160x125xi32, #tpu.memory_space<vmem>> -> memref<1x125xi32, #tpu.memory_space<vmem>>
        %dma_wait3A_65 = tpu.memref_squeeze %dma_wait3A_64 : memref<1x125xi32, #tpu.memory_space<vmem>> -> memref<125xi32, #tpu.memory_space<vmem>>
        %dma_wait3A_66 = arith.constant 0 : i32
        %dma_wait3A_67 = arith.constant 0 : i32
        %dma_wait3A_68 = tpu.memref_slice %arg2[%dma_wait3A_66, %dma_wait3A_67] : memref<10000x64xf32, #tpu.memory_space<hbm>> -> memref<10000x64xf32, #tpu.memory_space<hbm>>
        tpu.wait_indirect_dma semaphore(%arg15 : memref<!tpu.dma_semaphore, #tpu.memory_space<semaphore_mem>>) src(%dma_wait3A_68 : memref<10000x64xf32, #tpu.memory_space<hbm>>) dst(%arg10 : memref<125x64xf32, #tpu.memory_space<vmem>>)
        "tpu.region"() ({
          %run_scoped3A_99 = tpu.sem_alloc : memref<!tpu.dma_semaphore, #tpu.memory_space<semaphore_mem>>
          %dma_start3A_100 = arith.constant 0 : i32
          %dma_start3A_101 = tpu.memref_slice %arg8[%add3A_55, %dma_start3A_100] : memref<160x125xi32, #tpu.memory_space<vmem>> -> memref<1x125xi32, #tpu.memory_space<vmem>>
          %dma_start3A_102 = tpu.memref_squeeze %dma_start3A_101 : memref<1x125xi32, #tpu.memory_space<vmem>> -> memref<125xi32, #tpu.memory_space<vmem>>
          %dma_start3A_103 = arith.constant 0 : i32
          %dma_start3A_104 = arith.constant 0 : i32
          %dma_start3A_105 = tpu.memref_slice %arg13[%dma_start3A_103, %dma_start3A_104] : memref<10240x64xf32, #tpu.memory_space<vmem_shared>> -> memref<10240x64xf32, #tpu.memory_space<vmem_shared>>
          tpu.enqueue_indirect_dma source(%arg10 : memref<125x64xf32, #tpu.memory_space<vmem>>) target(%dma_start3A_105 : memref<10240x64xf32, #tpu.memory_space<vmem_shared>>) offsets(%dma_start3A_102 : memref<125xi32, #tpu.memory_space<vmem>>) semaphore(%run_scoped3A_99 : memref<!tpu.dma_semaphore, #tpu.memory_space<semaphore_mem>>) {add = true}
          %dma_wait3A_106 = arith.constant 0 : i32
          %dma_wait3A_107 = tpu.memref_slice %arg8[%add3A_55, %dma_wait3A_106] : memref<160x125xi32, #tpu.memory_space<vmem>> -> memref<1x125xi32, #tpu.memory_space<vmem>>
          %dma_wait3A_108 = tpu.memref_squeeze %dma_wait3A_107 : memref<1x125xi32, #tpu.memory_space<vmem>> -> memref<125xi32, #tpu.memory_space<vmem>>
          %dma_wait3A_109 = arith.constant 0 : i32
          %dma_wait3A_110 = arith.constant 0 : i32
          %dma_wait3A_111 = tpu.memref_slice %arg13[%dma_wait3A_109, %dma_wait3A_110] : memref<10240x64xf32, #tpu.memory_space<vmem_shared>> -> memref<10240x64xf32, #tpu.memory_space<vmem_shared>>
          tpu.wait_indirect_dma semaphore(%run_scoped3A_99 : memref<!tpu.dma_semaphore, #tpu.memory_space<semaphore_mem>>) src(%arg10 : memref<125x64xf32, #tpu.memory_space<vmem>>) dst(%dma_wait3A_111 : memref<10240x64xf32, #tpu.memory_space<vmem_shared>>)
          tpu.yield
        }) : () -> ()
        %add3A_69 = arith.constant 2 : i32
        %add3A_70 = arith.addi %mul3A_41, %add3A_69 : i32
        %add3A_71 = arith.constant 3 : i32
        %add3A_72 = arith.addi %add3A_70, %add3A_71 : i32
        %lt3A_73 = arith.constant 160 : i32
        %lt3A_74 = arith.cmpi slt, %add3A_72, %lt3A_73 : i32
        %convert_element_type3A_75 = arith.extui %lt3A_74 : i1 to i32
        %cond3A_76 = arith.constant 0 : i32
        %cond3A_77 = arith.cmpi ne, %convert_element_type3A_75, %cond3A_76 : i32
        scf.if %cond3A_77 {
          %dma_start3A_99 = arith.constant 0 : i32
          %dma_start3A_100 = tpu.memref_slice %arg7[%add3A_72, %dma_start3A_99] : memref<160x125xi32, #tpu.memory_space<vmem>> -> memref<1x125xi32, #tpu.memory_space<vmem>>
          %dma_start3A_101 = tpu.memref_squeeze %dma_start3A_100 : memref<1x125xi32, #tpu.memory_space<vmem>> -> memref<125xi32, #tpu.memory_space<vmem>>
          %dma_start3A_102 = arith.constant 0 : i32
          %dma_start3A_103 = arith.constant 0 : i32
          %dma_start3A_104 = tpu.memref_slice %arg2[%dma_start3A_102, %dma_start3A_103] : memref<10000x64xf32, #tpu.memory_space<hbm>> -> memref<10000x64xf32, #tpu.memory_space<hbm>>
          tpu.enqueue_indirect_dma source(%dma_start3A_104 : memref<10000x64xf32, #tpu.memory_space<hbm>>) target(%arg10 : memref<125x64xf32, #tpu.memory_space<vmem>>) offsets(%dma_start3A_101 : memref<125xi32, #tpu.memory_space<vmem>>) semaphore(%arg15 : memref<!tpu.dma_semaphore, #tpu.memory_space<semaphore_mem>>)
        } else {
        }
        %dma_wait3A_78 = arith.constant 0 : i32
        %dma_wait3A_79 = tpu.memref_slice %arg7[%add3A_70, %dma_wait3A_78] : memref<160x125xi32, #tpu.memory_space<vmem>> -> memref<1x125xi32, #tpu.memory_space<vmem>>
        %dma_wait3A_80 = tpu.memref_squeeze %dma_wait3A_79 : memref<1x125xi32, #tpu.memory_space<vmem>> -> memref<125xi32, #tpu.memory_space<vmem>>
        %dma_wait3A_81 = arith.constant 0 : i32
        %dma_wait3A_82 = arith.constant 0 : i32
        %dma_wait3A_83 = tpu.memref_slice %arg2[%dma_wait3A_81, %dma_wait3A_82] : memref<10000x64xf32, #tpu.memory_space<hbm>> -> memref<10000x64xf32, #tpu.memory_space<hbm>>
        tpu.wait_indirect_dma semaphore(%arg16 : memref<!tpu.dma_semaphore, #tpu.memory_space<semaphore_mem>>) src(%dma_wait3A_83 : memref<10000x64xf32, #tpu.memory_space<hbm>>) dst(%arg11 : memref<125x64xf32, #tpu.memory_space<vmem>>)
        "tpu.region"() ({
          %run_scoped3A_99 = tpu.sem_alloc : memref<!tpu.dma_semaphore, #tpu.memory_space<semaphore_mem>>
          %dma_start3A_100 = arith.constant 0 : i32
          %dma_start3A_101 = tpu.memref_slice %arg8[%add3A_70, %dma_start3A_100] : memref<160x125xi32, #tpu.memory_space<vmem>> -> memref<1x125xi32, #tpu.memory_space<vmem>>
          %dma_start3A_102 = tpu.memref_squeeze %dma_start3A_101 : memref<1x125xi32, #tpu.memory_space<vmem>> -> memref<125xi32, #tpu.memory_space<vmem>>
          %dma_start3A_103 = arith.constant 0 : i32
          %dma_start3A_104 = arith.constant 0 : i32
          %dma_start3A_105 = tpu.memref_slice %arg13[%dma_start3A_103, %dma_start3A_104] : memref<10240x64xf32, #tpu.memory_space<vmem_shared>> -> memref<10240x64xf32, #tpu.memory_space<vmem_shared>>
          tpu.enqueue_indirect_dma source(%arg11 : memref<125x64xf32, #tpu.memory_space<vmem>>) target(%dma_start3A_105 : memref<10240x64xf32, #tpu.memory_space<vmem_shared>>) offsets(%dma_start3A_102 : memref<125xi32, #tpu.memory_space<vmem>>) semaphore(%run_scoped3A_99 : memref<!tpu.dma_semaphore, #tpu.memory_space<semaphore_mem>>) {add = true}
          %dma_wait3A_106 = arith.constant 0 : i32
          %dma_wait3A_107 = tpu.memref_slice %arg8[%add3A_70, %dma_wait3A_106] : memref<160x125xi32, #tpu.memory_space<vmem>> -> memref<1x125xi32, #tpu.memory_space<vmem>>
          %dma_wait3A_108 = tpu.memref_squeeze %dma_wait3A_107 : memref<1x125xi32, #tpu.memory_space<vmem>> -> memref<125xi32, #tpu.memory_space<vmem>>
          %dma_wait3A_109 = arith.constant 0 : i32
          %dma_wait3A_110 = arith.constant 0 : i32
          %dma_wait3A_111 = tpu.memref_slice %arg13[%dma_wait3A_109, %dma_wait3A_110] : memref<10240x64xf32, #tpu.memory_space<vmem_shared>> -> memref<10240x64xf32, #tpu.memory_space<vmem_shared>>
          tpu.wait_indirect_dma semaphore(%run_scoped3A_99 : memref<!tpu.dma_semaphore, #tpu.memory_space<semaphore_mem>>) src(%arg11 : memref<125x64xf32, #tpu.memory_space<vmem>>) dst(%dma_wait3A_111 : memref<10240x64xf32, #tpu.memory_space<vmem_shared>>)
          tpu.yield
        }) : () -> ()
        %add3A_84 = arith.constant 3 : i32
        %add3A_85 = arith.addi %mul3A_41, %add3A_84 : i32
        %add3A_86 = arith.constant 3 : i32
        %add3A_87 = arith.addi %add3A_85, %add3A_86 : i32
        %lt3A_88 = arith.constant 160 : i32
        %lt3A_89 = arith.cmpi slt, %add3A_87, %lt3A_88 : i32
        %convert_element_type3A_90 = arith.extui %lt3A_89 : i1 to i32
        %cond3A_91 = arith.constant 0 : i32
        %cond3A_92 = arith.cmpi ne, %convert_element_type3A_90, %cond3A_91 : i32
        scf.if %cond3A_92 {
          %dma_start3A_99 = arith.constant 0 : i32
          %dma_start3A_100 = tpu.memref_slice %arg7[%add3A_87, %dma_start3A_99] : memref<160x125xi32, #tpu.memory_space<vmem>> -> memref<1x125xi32, #tpu.memory_space<vmem>>
          %dma_start3A_101 = tpu.memref_squeeze %dma_start3A_100 : memref<1x125xi32, #tpu.memory_space<vmem>> -> memref<125xi32, #tpu.memory_space<vmem>>
          %dma_start3A_102 = arith.constant 0 : i32
          %dma_start3A_103 = arith.constant 0 : i32
          %dma_start3A_104 = tpu.memref_slice %arg2[%dma_start3A_102, %dma_start3A_103] : memref<10000x64xf32, #tpu.memory_space<hbm>> -> memref<10000x64xf32, #tpu.memory_space<hbm>>
          tpu.enqueue_indirect_dma source(%dma_start3A_104 : memref<10000x64xf32, #tpu.memory_space<hbm>>) target(%arg11 : memref<125x64xf32, #tpu.memory_space<vmem>>) offsets(%dma_start3A_101 : memref<125xi32, #tpu.memory_space<vmem>>) semaphore(%arg16 : memref<!tpu.dma_semaphore, #tpu.memory_space<semaphore_mem>>)
        } else {
        }
        %dma_wait3A_93 = arith.constant 0 : i32
        %dma_wait3A_94 = tpu.memref_slice %arg7[%add3A_85, %dma_wait3A_93] : memref<160x125xi32, #tpu.memory_space<vmem>> -> memref<1x125xi32, #tpu.memory_space<vmem>>
        %dma_wait3A_95 = tpu.memref_squeeze %dma_wait3A_94 : memref<1x125xi32, #tpu.memory_space<vmem>> -> memref<125xi32, #tpu.memory_space<vmem>>
        %dma_wait3A_96 = arith.constant 0 : i32
        %dma_wait3A_97 = arith.constant 0 : i32
        %dma_wait3A_98 = tpu.memref_slice %arg2[%dma_wait3A_96, %dma_wait3A_97] : memref<10000x64xf32, #tpu.memory_space<hbm>> -> memref<10000x64xf32, #tpu.memory_space<hbm>>
        tpu.wait_indirect_dma semaphore(%arg17 : memref<!tpu.dma_semaphore, #tpu.memory_space<semaphore_mem>>) src(%dma_wait3A_98 : memref<10000x64xf32, #tpu.memory_space<hbm>>) dst(%arg12 : memref<125x64xf32, #tpu.memory_space<vmem>>)
        "tpu.region"() ({
          %run_scoped3A_99 = tpu.sem_alloc : memref<!tpu.dma_semaphore, #tpu.memory_space<semaphore_mem>>
          %dma_start3A_100 = arith.constant 0 : i32
          %dma_start3A_101 = tpu.memref_slice %arg8[%add3A_85, %dma_start3A_100] : memref<160x125xi32, #tpu.memory_space<vmem>> -> memref<1x125xi32, #tpu.memory_space<vmem>>
          %dma_start3A_102 = tpu.memref_squeeze %dma_start3A_101 : memref<1x125xi32, #tpu.memory_space<vmem>> -> memref<125xi32, #tpu.memory_space<vmem>>
          %dma_start3A_103 = arith.constant 0 : i32
          %dma_start3A_104 = arith.constant 0 : i32
          %dma_start3A_105 = tpu.memref_slice %arg13[%dma_start3A_103, %dma_start3A_104] : memref<10240x64xf32, #tpu.memory_space<vmem_shared>> -> memref<10240x64xf32, #tpu.memory_space<vmem_shared>>
          tpu.enqueue_indirect_dma source(%arg12 : memref<125x64xf32, #tpu.memory_space<vmem>>) target(%dma_start3A_105 : memref<10240x64xf32, #tpu.memory_space<vmem_shared>>) offsets(%dma_start3A_102 : memref<125xi32, #tpu.memory_space<vmem>>) semaphore(%run_scoped3A_99 : memref<!tpu.dma_semaphore, #tpu.memory_space<semaphore_mem>>) {add = true}
          %dma_wait3A_106 = arith.constant 0 : i32
          %dma_wait3A_107 = tpu.memref_slice %arg8[%add3A_85, %dma_wait3A_106] : memref<160x125xi32, #tpu.memory_space<vmem>> -> memref<1x125xi32, #tpu.memory_space<vmem>>
          %dma_wait3A_108 = tpu.memref_squeeze %dma_wait3A_107 : memref<1x125xi32, #tpu.memory_space<vmem>> -> memref<125xi32, #tpu.memory_space<vmem>>
          %dma_wait3A_109 = arith.constant 0 : i32
          %dma_wait3A_110 = arith.constant 0 : i32
          %dma_wait3A_111 = tpu.memref_slice %arg13[%dma_wait3A_109, %dma_wait3A_110] : memref<10240x64xf32, #tpu.memory_space<vmem_shared>> -> memref<10240x64xf32, #tpu.memory_space<vmem_shared>>
          tpu.wait_indirect_dma semaphore(%run_scoped3A_99 : memref<!tpu.dma_semaphore, #tpu.memory_space<semaphore_mem>>) src(%arg12 : memref<125x64xf32, #tpu.memory_space<vmem>>) dst(%dma_wait3A_111 : memref<10240x64xf32, #tpu.memory_space<vmem_shared>>)
          tpu.yield
        }) : () -> ()
      }
      %scan3A_38 = arith.constant 40 : i32
    } else {
    }
    %eq3A_4 = arith.constant 1 : i32
    %eq3A_5 = arith.cmpi eq, %arg0, %eq3A_4 : i32
    %convert_element_type3A_6 = arith.extui %eq3A_5 : i1 to i32
    %cond3A_7 = arith.constant 0 : i32
    %cond3A_8 = arith.cmpi ne, %convert_element_type3A_6, %cond3A_7 : i32
    scf.if %cond3A_8 {
      %dma_start3A = arith.constant 0 : i32
      %dma_start3A_14 = arith.constant 0 : i32
      %dma_start3A_15 = tpu.memref_slice %arg7[%dma_start3A, %dma_start3A_14] : memref<160x125xi32, #tpu.memory_space<vmem>> -> memref<1x125xi32, #tpu.memory_space<vmem>>
      %dma_start3A_16 = tpu.memref_squeeze %dma_start3A_15 : memref<1x125xi32, #tpu.memory_space<vmem>> -> memref<125xi32, #tpu.memory_space<vmem>>
      %dma_start3A_17 = arith.constant 0 : i32
      %dma_start3A_18 = arith.constant 0 : i32
      %dma_start3A_19 = tpu.memref_slice %arg3[%dma_start3A_17, %dma_start3A_18] : memref<10000x64xf32, #tpu.memory_space<hbm>> -> memref<10000x64xf32, #tpu.memory_space<hbm>>
      tpu.enqueue_indirect_dma source(%dma_start3A_19 : memref<10000x64xf32, #tpu.memory_space<hbm>>) target(%arg9 : memref<125x64xf32, #tpu.memory_space<vmem>>) offsets(%dma_start3A_16 : memref<125xi32, #tpu.memory_space<vmem>>) semaphore(%arg14 : memref<!tpu.dma_semaphore, #tpu.memory_space<semaphore_mem>>)
      %dma_start3A_20 = arith.constant 1 : i32
      %dma_start3A_21 = arith.constant 0 : i32
      %dma_start3A_22 = tpu.memref_slice %arg7[%dma_start3A_20, %dma_start3A_21] : memref<160x125xi32, #tpu.memory_space<vmem>> -> memref<1x125xi32, #tpu.memory_space<vmem>>
      %dma_start3A_23 = tpu.memref_squeeze %dma_start3A_22 : memref<1x125xi32, #tpu.memory_space<vmem>> -> memref<125xi32, #tpu.memory_space<vmem>>
      %dma_start3A_24 = arith.constant 0 : i32
      %dma_start3A_25 = arith.constant 0 : i32
      %dma_start3A_26 = tpu.memref_slice %arg3[%dma_start3A_24, %dma_start3A_25] : memref<10000x64xf32, #tpu.memory_space<hbm>> -> memref<10000x64xf32, #tpu.memory_space<hbm>>
      tpu.enqueue_indirect_dma source(%dma_start3A_26 : memref<10000x64xf32, #tpu.memory_space<hbm>>) target(%arg10 : memref<125x64xf32, #tpu.memory_space<vmem>>) offsets(%dma_start3A_23 : memref<125xi32, #tpu.memory_space<vmem>>) semaphore(%arg15 : memref<!tpu.dma_semaphore, #tpu.memory_space<semaphore_mem>>)
      %dma_start3A_27 = arith.constant 2 : i32
      %dma_start3A_28 = arith.constant 0 : i32
      %dma_start3A_29 = tpu.memref_slice %arg7[%dma_start3A_27, %dma_start3A_28] : memref<160x125xi32, #tpu.memory_space<vmem>> -> memref<1x125xi32, #tpu.memory_space<vmem>>
      %dma_start3A_30 = tpu.memref_squeeze %dma_start3A_29 : memref<1x125xi32, #tpu.memory_space<vmem>> -> memref<125xi32, #tpu.memory_space<vmem>>
      %dma_start3A_31 = arith.constant 0 : i32
      %dma_start3A_32 = arith.constant 0 : i32
      %dma_start3A_33 = tpu.memref_slice %arg3[%dma_start3A_31, %dma_start3A_32] : memref<10000x64xf32, #tpu.memory_space<hbm>> -> memref<10000x64xf32, #tpu.memory_space<hbm>>
      tpu.enqueue_indirect_dma source(%dma_start3A_33 : memref<10000x64xf32, #tpu.memory_space<hbm>>) target(%arg11 : memref<125x64xf32, #tpu.memory_space<vmem>>) offsets(%dma_start3A_30 : memref<125xi32, #tpu.memory_space<vmem>>) semaphore(%arg16 : memref<!tpu.dma_semaphore, #tpu.memory_space<semaphore_mem>>)
      %scan3A = arith.constant 0 : i32
      %scan3A_34 = arith.constant 0 : i32
      %scan3A_35 = arith.constant 40 : i32
      %scan3A_36 = arith.addi %scan3A_34, %scan3A_35 : i32
      %scan3A_37 = arith.constant 1 : i32
      scf.for %scan3A_39 = %scan3A_34 to %scan3A_36 step %scan3A_37  : i32 {
        %mul3A_40 = arith.constant 4 : i32
        %mul3A_41 = arith.muli %mul3A_40, %scan3A_39 : i32
        %add3A = arith.constant 0 : i32
        %add3A_42 = arith.addi %mul3A_41, %add3A : i32
        %add3A_43 = arith.constant 3 : i32
        %add3A_44 = arith.addi %add3A_42, %add3A_43 : i32
        %lt3A = arith.constant 160 : i32
        %lt3A_45 = arith.cmpi slt, %add3A_44, %lt3A : i32
        %convert_element_type3A_46 = arith.extui %lt3A_45 : i1 to i32
        %cond3A_47 = arith.constant 0 : i32
        %cond3A_48 = arith.cmpi ne, %convert_element_type3A_46, %cond3A_47 : i32
        scf.if %cond3A_48 {
          %dma_start3A_99 = arith.constant 0 : i32
          %dma_start3A_100 = tpu.memref_slice %arg7[%add3A_44, %dma_start3A_99] : memref<160x125xi32, #tpu.memory_space<vmem>> -> memref<1x125xi32, #tpu.memory_space<vmem>>
          %dma_start3A_101 = tpu.memref_squeeze %dma_start3A_100 : memref<1x125xi32, #tpu.memory_space<vmem>> -> memref<125xi32, #tpu.memory_space<vmem>>
          %dma_start3A_102 = arith.constant 0 : i32
          %dma_start3A_103 = arith.constant 0 : i32
          %dma_start3A_104 = tpu.memref_slice %arg3[%dma_start3A_102, %dma_start3A_103] : memref<10000x64xf32, #tpu.memory_space<hbm>> -> memref<10000x64xf32, #tpu.memory_space<hbm>>
          tpu.enqueue_indirect_dma source(%dma_start3A_104 : memref<10000x64xf32, #tpu.memory_space<hbm>>) target(%arg12 : memref<125x64xf32, #tpu.memory_space<vmem>>) offsets(%dma_start3A_101 : memref<125xi32, #tpu.memory_space<vmem>>) semaphore(%arg17 : memref<!tpu.dma_semaphore, #tpu.memory_space<semaphore_mem>>)
        } else {
        }
        %dma_wait3A = arith.constant 0 : i32
        %dma_wait3A_49 = tpu.memref_slice %arg7[%add3A_42, %dma_wait3A] : memref<160x125xi32, #tpu.memory_space<vmem>> -> memref<1x125xi32, #tpu.memory_space<vmem>>
        %dma_wait3A_50 = tpu.memref_squeeze %dma_wait3A_49 : memref<1x125xi32, #tpu.memory_space<vmem>> -> memref<125xi32, #tpu.memory_space<vmem>>
        %dma_wait3A_51 = arith.constant 0 : i32
        %dma_wait3A_52 = arith.constant 0 : i32
        %dma_wait3A_53 = tpu.memref_slice %arg3[%dma_wait3A_51, %dma_wait3A_52] : memref<10000x64xf32, #tpu.memory_space<hbm>> -> memref<10000x64xf32, #tpu.memory_space<hbm>>
        tpu.wait_indirect_dma semaphore(%arg14 : memref<!tpu.dma_semaphore, #tpu.memory_space<semaphore_mem>>) src(%dma_wait3A_53 : memref<10000x64xf32, #tpu.memory_space<hbm>>) dst(%arg9 : memref<125x64xf32, #tpu.memory_space<vmem>>)
        "tpu.region"() ({
          %run_scoped3A_99 = tpu.sem_alloc : memref<!tpu.dma_semaphore, #tpu.memory_space<semaphore_mem>>
          %dma_start3A_100 = arith.constant 0 : i32
          %dma_start3A_101 = tpu.memref_slice %arg8[%add3A_42, %dma_start3A_100] : memref<160x125xi32, #tpu.memory_space<vmem>> -> memref<1x125xi32, #tpu.memory_space<vmem>>
          %dma_start3A_102 = tpu.memref_squeeze %dma_start3A_101 : memref<1x125xi32, #tpu.memory_space<vmem>> -> memref<125xi32, #tpu.memory_space<vmem>>
          %dma_start3A_103 = arith.constant 0 : i32
          %dma_start3A_104 = arith.constant 0 : i32
          %dma_start3A_105 = tpu.memref_slice %arg13[%dma_start3A_103, %dma_start3A_104] : memref<10240x64xf32, #tpu.memory_space<vmem_shared>> -> memref<10240x64xf32, #tpu.memory_space<vmem_shared>>
          tpu.enqueue_indirect_dma source(%arg9 : memref<125x64xf32, #tpu.memory_space<vmem>>) target(%dma_start3A_105 : memref<10240x64xf32, #tpu.memory_space<vmem_shared>>) offsets(%dma_start3A_102 : memref<125xi32, #tpu.memory_space<vmem>>) semaphore(%run_scoped3A_99 : memref<!tpu.dma_semaphore, #tpu.memory_space<semaphore_mem>>) {add = true}
          %dma_wait3A_106 = arith.constant 0 : i32
          %dma_wait3A_107 = tpu.memref_slice %arg8[%add3A_42, %dma_wait3A_106] : memref<160x125xi32, #tpu.memory_space<vmem>> -> memref<1x125xi32, #tpu.memory_space<vmem>>
          %dma_wait3A_108 = tpu.memref_squeeze %dma_wait3A_107 : memref<1x125xi32, #tpu.memory_space<vmem>> -> memref<125xi32, #tpu.memory_space<vmem>>
          %dma_wait3A_109 = arith.constant 0 : i32
          %dma_wait3A_110 = arith.constant 0 : i32
          %dma_wait3A_111 = tpu.memref_slice %arg13[%dma_wait3A_109, %dma_wait3A_110] : memref<10240x64xf32, #tpu.memory_space<vmem_shared>> -> memref<10240x64xf32, #tpu.memory_space<vmem_shared>>
          tpu.wait_indirect_dma semaphore(%run_scoped3A_99 : memref<!tpu.dma_semaphore, #tpu.memory_space<semaphore_mem>>) src(%arg9 : memref<125x64xf32, #tpu.memory_space<vmem>>) dst(%dma_wait3A_111 : memref<10240x64xf32, #tpu.memory_space<vmem_shared>>)
          tpu.yield
        }) : () -> ()
        %add3A_54 = arith.constant 1 : i32
        %add3A_55 = arith.addi %mul3A_41, %add3A_54 : i32
        %add3A_56 = arith.constant 3 : i32
        %add3A_57 = arith.addi %add3A_55, %add3A_56 : i32
        %lt3A_58 = arith.constant 160 : i32
        %lt3A_59 = arith.cmpi slt, %add3A_57, %lt3A_58 : i32
        %convert_element_type3A_60 = arith.extui %lt3A_59 : i1 to i32
        %cond3A_61 = arith.constant 0 : i32
        %cond3A_62 = arith.cmpi ne, %convert_element_type3A_60, %cond3A_61 : i32
        scf.if %cond3A_62 {
          %dma_start3A_99 = arith.constant 0 : i32
          %dma_start3A_100 = tpu.memref_slice %arg7[%add3A_57, %dma_start3A_99] : memref<160x125xi32, #tpu.memory_space<vmem>> -> memref<1x125xi32, #tpu.memory_space<vmem>>
          %dma_start3A_101 = tpu.memref_squeeze %dma_start3A_100 : memref<1x125xi32, #tpu.memory_space<vmem>> -> memref<125xi32, #tpu.memory_space<vmem>>
          %dma_start3A_102 = arith.constant 0 : i32
          %dma_start3A_103 = arith.constant 0 : i32
          %dma_start3A_104 = tpu.memref_slice %arg3[%dma_start3A_102, %dma_start3A_103] : memref<10000x64xf32, #tpu.memory_space<hbm>> -> memref<10000x64xf32, #tpu.memory_space<hbm>>
          tpu.enqueue_indirect_dma source(%dma_start3A_104 : memref<10000x64xf32, #tpu.memory_space<hbm>>) target(%arg9 : memref<125x64xf32, #tpu.memory_space<vmem>>) offsets(%dma_start3A_101 : memref<125xi32, #tpu.memory_space<vmem>>) semaphore(%arg14 : memref<!tpu.dma_semaphore, #tpu.memory_space<semaphore_mem>>)
        } else {
        }
        %dma_wait3A_63 = arith.constant 0 : i32
        %dma_wait3A_64 = tpu.memref_slice %arg7[%add3A_55, %dma_wait3A_63] : memref<160x125xi32, #tpu.memory_space<vmem>> -> memref<1x125xi32, #tpu.memory_space<vmem>>
        %dma_wait3A_65 = tpu.memref_squeeze %dma_wait3A_64 : memref<1x125xi32, #tpu.memory_space<vmem>> -> memref<125xi32, #tpu.memory_space<vmem>>
        %dma_wait3A_66 = arith.constant 0 : i32
        %dma_wait3A_67 = arith.constant 0 : i32
        %dma_wait3A_68 = tpu.memref_slice %arg3[%dma_wait3A_66, %dma_wait3A_67] : memref<10000x64xf32, #tpu.memory_space<hbm>> -> memref<10000x64xf32, #tpu.memory_space<hbm>>
        tpu.wait_indirect_dma semaphore(%arg15 : memref<!tpu.dma_semaphore, #tpu.memory_space<semaphore_mem>>) src(%dma_wait3A_68 : memref<10000x64xf32, #tpu.memory_space<hbm>>) dst(%arg10 : memref<125x64xf32, #tpu.memory_space<vmem>>)
        "tpu.region"() ({
          %run_scoped3A_99 = tpu.sem_alloc : memref<!tpu.dma_semaphore, #tpu.memory_space<semaphore_mem>>
          %dma_start3A_100 = arith.constant 0 : i32
          %dma_start3A_101 = tpu.memref_slice %arg8[%add3A_55, %dma_start3A_100] : memref<160x125xi32, #tpu.memory_space<vmem>> -> memref<1x125xi32, #tpu.memory_space<vmem>>
          %dma_start3A_102 = tpu.memref_squeeze %dma_start3A_101 : memref<1x125xi32, #tpu.memory_space<vmem>> -> memref<125xi32, #tpu.memory_space<vmem>>
          %dma_start3A_103 = arith.constant 0 : i32
          %dma_start3A_104 = arith.constant 0 : i32
          %dma_start3A_105 = tpu.memref_slice %arg13[%dma_start3A_103, %dma_start3A_104] : memref<10240x64xf32, #tpu.memory_space<vmem_shared>> -> memref<10240x64xf32, #tpu.memory_space<vmem_shared>>
          tpu.enqueue_indirect_dma source(%arg10 : memref<125x64xf32, #tpu.memory_space<vmem>>) target(%dma_start3A_105 : memref<10240x64xf32, #tpu.memory_space<vmem_shared>>) offsets(%dma_start3A_102 : memref<125xi32, #tpu.memory_space<vmem>>) semaphore(%run_scoped3A_99 : memref<!tpu.dma_semaphore, #tpu.memory_space<semaphore_mem>>) {add = true}
          %dma_wait3A_106 = arith.constant 0 : i32
          %dma_wait3A_107 = tpu.memref_slice %arg8[%add3A_55, %dma_wait3A_106] : memref<160x125xi32, #tpu.memory_space<vmem>> -> memref<1x125xi32, #tpu.memory_space<vmem>>
          %dma_wait3A_108 = tpu.memref_squeeze %dma_wait3A_107 : memref<1x125xi32, #tpu.memory_space<vmem>> -> memref<125xi32, #tpu.memory_space<vmem>>
          %dma_wait3A_109 = arith.constant 0 : i32
          %dma_wait3A_110 = arith.constant 0 : i32
          %dma_wait3A_111 = tpu.memref_slice %arg13[%dma_wait3A_109, %dma_wait3A_110] : memref<10240x64xf32, #tpu.memory_space<vmem_shared>> -> memref<10240x64xf32, #tpu.memory_space<vmem_shared>>
          tpu.wait_indirect_dma semaphore(%run_scoped3A_99 : memref<!tpu.dma_semaphore, #tpu.memory_space<semaphore_mem>>) src(%arg10 : memref<125x64xf32, #tpu.memory_space<vmem>>) dst(%dma_wait3A_111 : memref<10240x64xf32, #tpu.memory_space<vmem_shared>>)
          tpu.yield
        }) : () -> ()
        %add3A_69 = arith.constant 2 : i32
        %add3A_70 = arith.addi %mul3A_41, %add3A_69 : i32
        %add3A_71 = arith.constant 3 : i32
        %add3A_72 = arith.addi %add3A_70, %add3A_71 : i32
        %lt3A_73 = arith.constant 160 : i32
        %lt3A_74 = arith.cmpi slt, %add3A_72, %lt3A_73 : i32
        %convert_element_type3A_75 = arith.extui %lt3A_74 : i1 to i32
        %cond3A_76 = arith.constant 0 : i32
        %cond3A_77 = arith.cmpi ne, %convert_element_type3A_75, %cond3A_76 : i32
        scf.if %cond3A_77 {
          %dma_start3A_99 = arith.constant 0 : i32
          %dma_start3A_100 = tpu.memref_slice %arg7[%add3A_72, %dma_start3A_99] : memref<160x125xi32, #tpu.memory_space<vmem>> -> memref<1x125xi32, #tpu.memory_space<vmem>>
          %dma_start3A_101 = tpu.memref_squeeze %dma_start3A_100 : memref<1x125xi32, #tpu.memory_space<vmem>> -> memref<125xi32, #tpu.memory_space<vmem>>
          %dma_start3A_102 = arith.constant 0 : i32
          %dma_start3A_103 = arith.constant 0 : i32
          %dma_start3A_104 = tpu.memref_slice %arg3[%dma_start3A_102, %dma_start3A_103] : memref<10000x64xf32, #tpu.memory_space<hbm>> -> memref<10000x64xf32, #tpu.memory_space<hbm>>
          tpu.enqueue_indirect_dma source(%dma_start3A_104 : memref<10000x64xf32, #tpu.memory_space<hbm>>) target(%arg10 : memref<125x64xf32, #tpu.memory_space<vmem>>) offsets(%dma_start3A_101 : memref<125xi32, #tpu.memory_space<vmem>>) semaphore(%arg15 : memref<!tpu.dma_semaphore, #tpu.memory_space<semaphore_mem>>)
        } else {
        }
        %dma_wait3A_78 = arith.constant 0 : i32
        %dma_wait3A_79 = tpu.memref_slice %arg7[%add3A_70, %dma_wait3A_78] : memref<160x125xi32, #tpu.memory_space<vmem>> -> memref<1x125xi32, #tpu.memory_space<vmem>>
        %dma_wait3A_80 = tpu.memref_squeeze %dma_wait3A_79 : memref<1x125xi32, #tpu.memory_space<vmem>> -> memref<125xi32, #tpu.memory_space<vmem>>
        %dma_wait3A_81 = arith.constant 0 : i32
        %dma_wait3A_82 = arith.constant 0 : i32
        %dma_wait3A_83 = tpu.memref_slice %arg3[%dma_wait3A_81, %dma_wait3A_82] : memref<10000x64xf32, #tpu.memory_space<hbm>> -> memref<10000x64xf32, #tpu.memory_space<hbm>>
        tpu.wait_indirect_dma semaphore(%arg16 : memref<!tpu.dma_semaphore, #tpu.memory_space<semaphore_mem>>) src(%dma_wait3A_83 : memref<10000x64xf32, #tpu.memory_space<hbm>>) dst(%arg11 : memref<125x64xf32, #tpu.memory_space<vmem>>)
        "tpu.region"() ({
          %run_scoped3A_99 = tpu.sem_alloc : memref<!tpu.dma_semaphore, #tpu.memory_space<semaphore_mem>>
          %dma_start3A_100 = arith.constant 0 : i32
          %dma_start3A_101 = tpu.memref_slice %arg8[%add3A_70, %dma_start3A_100] : memref<160x125xi32, #tpu.memory_space<vmem>> -> memref<1x125xi32, #tpu.memory_space<vmem>>
          %dma_start3A_102 = tpu.memref_squeeze %dma_start3A_101 : memref<1x125xi32, #tpu.memory_space<vmem>> -> memref<125xi32, #tpu.memory_space<vmem>>
          %dma_start3A_103 = arith.constant 0 : i32
          %dma_start3A_104 = arith.constant 0 : i32
          %dma_start3A_105 = tpu.memref_slice %arg13[%dma_start3A_103, %dma_start3A_104] : memref<10240x64xf32, #tpu.memory_space<vmem_shared>> -> memref<10240x64xf32, #tpu.memory_space<vmem_shared>>
          tpu.enqueue_indirect_dma source(%arg11 : memref<125x64xf32, #tpu.memory_space<vmem>>) target(%dma_start3A_105 : memref<10240x64xf32, #tpu.memory_space<vmem_shared>>) offsets(%dma_start3A_102 : memref<125xi32, #tpu.memory_space<vmem>>) semaphore(%run_scoped3A_99 : memref<!tpu.dma_semaphore, #tpu.memory_space<semaphore_mem>>) {add = true}
          %dma_wait3A_106 = arith.constant 0 : i32
          %dma_wait3A_107 = tpu.memref_slice %arg8[%add3A_70, %dma_wait3A_106] : memref<160x125xi32, #tpu.memory_space<vmem>> -> memref<1x125xi32, #tpu.memory_space<vmem>>
          %dma_wait3A_108 = tpu.memref_squeeze %dma_wait3A_107 : memref<1x125xi32, #tpu.memory_space<vmem>> -> memref<125xi32, #tpu.memory_space<vmem>>
          %dma_wait3A_109 = arith.constant 0 : i32
          %dma_wait3A_110 = arith.constant 0 : i32
          %dma_wait3A_111 = tpu.memref_slice %arg13[%dma_wait3A_109, %dma_wait3A_110] : memref<10240x64xf32, #tpu.memory_space<vmem_shared>> -> memref<10240x64xf32, #tpu.memory_space<vmem_shared>>
          tpu.wait_indirect_dma semaphore(%run_scoped3A_99 : memref<!tpu.dma_semaphore, #tpu.memory_space<semaphore_mem>>) src(%arg11 : memref<125x64xf32, #tpu.memory_space<vmem>>) dst(%dma_wait3A_111 : memref<10240x64xf32, #tpu.memory_space<vmem_shared>>)
          tpu.yield
        }) : () -> ()
        %add3A_84 = arith.constant 3 : i32
        %add3A_85 = arith.addi %mul3A_41, %add3A_84 : i32
        %add3A_86 = arith.constant 3 : i32
        %add3A_87 = arith.addi %add3A_85, %add3A_86 : i32
        %lt3A_88 = arith.constant 160 : i32
        %lt3A_89 = arith.cmpi slt, %add3A_87, %lt3A_88 : i32
        %convert_element_type3A_90 = arith.extui %lt3A_89 : i1 to i32
        %cond3A_91 = arith.constant 0 : i32
        %cond3A_92 = arith.cmpi ne, %convert_element_type3A_90, %cond3A_91 : i32
        scf.if %cond3A_92 {
          %dma_start3A_99 = arith.constant 0 : i32
          %dma_start3A_100 = tpu.memref_slice %arg7[%add3A_87, %dma_start3A_99] : memref<160x125xi32, #tpu.memory_space<vmem>> -> memref<1x125xi32, #tpu.memory_space<vmem>>
          %dma_start3A_101 = tpu.memref_squeeze %dma_start3A_100 : memref<1x125xi32, #tpu.memory_space<vmem>> -> memref<125xi32, #tpu.memory_space<vmem>>
          %dma_start3A_102 = arith.constant 0 : i32
          %dma_start3A_103 = arith.constant 0 : i32
          %dma_start3A_104 = tpu.memref_slice %arg3[%dma_start3A_102, %dma_start3A_103] : memref<10000x64xf32, #tpu.memory_space<hbm>> -> memref<10000x64xf32, #tpu.memory_space<hbm>>
          tpu.enqueue_indirect_dma source(%dma_start3A_104 : memref<10000x64xf32, #tpu.memory_space<hbm>>) target(%arg11 : memref<125x64xf32, #tpu.memory_space<vmem>>) offsets(%dma_start3A_101 : memref<125xi32, #tpu.memory_space<vmem>>) semaphore(%arg16 : memref<!tpu.dma_semaphore, #tpu.memory_space<semaphore_mem>>)
        } else {
        }
        %dma_wait3A_93 = arith.constant 0 : i32
        %dma_wait3A_94 = tpu.memref_slice %arg7[%add3A_85, %dma_wait3A_93] : memref<160x125xi32, #tpu.memory_space<vmem>> -> memref<1x125xi32, #tpu.memory_space<vmem>>
        %dma_wait3A_95 = tpu.memref_squeeze %dma_wait3A_94 : memref<1x125xi32, #tpu.memory_space<vmem>> -> memref<125xi32, #tpu.memory_space<vmem>>
        %dma_wait3A_96 = arith.constant 0 : i32
        %dma_wait3A_97 = arith.constant 0 : i32
        %dma_wait3A_98 = tpu.memref_slice %arg3[%dma_wait3A_96, %dma_wait3A_97] : memref<10000x64xf32, #tpu.memory_space<hbm>> -> memref<10000x64xf32, #tpu.memory_space<hbm>>
        tpu.wait_indirect_dma semaphore(%arg17 : memref<!tpu.dma_semaphore, #tpu.memory_space<semaphore_mem>>) src(%dma_wait3A_98 : memref<10000x64xf32, #tpu.memory_space<hbm>>) dst(%arg12 : memref<125x64xf32, #tpu.memory_space<vmem>>)
        "tpu.region"() ({
          %run_scoped3A_99 = tpu.sem_alloc : memref<!tpu.dma_semaphore, #tpu.memory_space<semaphore_mem>>
          %dma_start3A_100 = arith.constant 0 : i32
          %dma_start3A_101 = tpu.memref_slice %arg8[%add3A_85, %dma_start3A_100] : memref<160x125xi32, #tpu.memory_space<vmem>> -> memref<1x125xi32, #tpu.memory_space<vmem>>
          %dma_start3A_102 = tpu.memref_squeeze %dma_start3A_101 : memref<1x125xi32, #tpu.memory_space<vmem>> -> memref<125xi32, #tpu.memory_space<vmem>>
          %dma_start3A_103 = arith.constant 0 : i32
          %dma_start3A_104 = arith.constant 0 : i32
          %dma_start3A_105 = tpu.memref_slice %arg13[%dma_start3A_103, %dma_start3A_104] : memref<10240x64xf32, #tpu.memory_space<vmem_shared>> -> memref<10240x64xf32, #tpu.memory_space<vmem_shared>>
          tpu.enqueue_indirect_dma source(%arg12 : memref<125x64xf32, #tpu.memory_space<vmem>>) target(%dma_start3A_105 : memref<10240x64xf32, #tpu.memory_space<vmem_shared>>) offsets(%dma_start3A_102 : memref<125xi32, #tpu.memory_space<vmem>>) semaphore(%run_scoped3A_99 : memref<!tpu.dma_semaphore, #tpu.memory_space<semaphore_mem>>) {add = true}
          %dma_wait3A_106 = arith.constant 0 : i32
          %dma_wait3A_107 = tpu.memref_slice %arg8[%add3A_85, %dma_wait3A_106] : memref<160x125xi32, #tpu.memory_space<vmem>> -> memref<1x125xi32, #tpu.memory_space<vmem>>
          %dma_wait3A_108 = tpu.memref_squeeze %dma_wait3A_107 : memref<1x125xi32, #tpu.memory_space<vmem>> -> memref<125xi32, #tpu.memory_space<vmem>>
          %dma_wait3A_109 = arith.constant 0 : i32
          %dma_wait3A_110 = arith.constant 0 : i32
          %dma_wait3A_111 = tpu.memref_slice %arg13[%dma_wait3A_109, %dma_wait3A_110] : memref<10240x64xf32, #tpu.memory_space<vmem_shared>> -> memref<10240x64xf32, #tpu.memory_space<vmem_shared>>
          tpu.wait_indirect_dma semaphore(%run_scoped3A_99 : memref<!tpu.dma_semaphore, #tpu.memory_space<semaphore_mem>>) src(%arg12 : memref<125x64xf32, #tpu.memory_space<vmem>>) dst(%dma_wait3A_111 : memref<10240x64xf32, #tpu.memory_space<vmem_shared>>)
          tpu.yield
        }) : () -> ()
      }
      %scan3A_38 = arith.constant 40 : i32
    } else {
    }
    %barrier3A_9 = arith.constant 0 : index
    tpu.barrier barrier_id(%barrier3A_9)
    %mul3A_10 = arith.constant 640 : i32
    %mul3A_11 = arith.muli %arg1, %mul3A_10 : i32
    %mul3A_12 = arith.constant 640 : i32
    %mul3A_13 = arith.muli %arg1, %mul3A_12 : i32
    "tpu.region"() ({
      %run_scoped3A_14 = tpu.sem_alloc : memref<!tpu.dma_semaphore, #tpu.memory_space<semaphore_mem>>
      %dma_start3A = arith.constant 0 : i32
      %dma_start3A_15 = tpu.memref_slice %arg6[%arg0, %mul3A_13, %dma_start3A] : memref<2x10240x64xf32, #tpu.memory_space<hbm>> -> memref<1x640x64xf32, #tpu.memory_space<hbm>>
      %dma_start3A_16 = tpu.memref_squeeze %dma_start3A_15 : memref<1x640x64xf32, #tpu.memory_space<hbm>> -> memref<640x64xf32, #tpu.memory_space<hbm>>
      %dma_start3A_17 = arith.constant 0 : i32
      %dma_start3A_18 = tpu.memref_slice %arg13[%mul3A_11, %dma_start3A_17] : memref<10240x64xf32, #tpu.memory_space<vmem_shared>> -> memref<640x64xf32, #tpu.memory_space<vmem_shared>>
      tpu.enqueue_dma source(%dma_start3A_18 : memref<640x64xf32, #tpu.memory_space<vmem_shared>>) target(%dma_start3A_16 : memref<640x64xf32, #tpu.memory_space<hbm>>) target_semaphore(%run_scoped3A_14 : memref<!tpu.dma_semaphore, #tpu.memory_space<semaphore_mem>>)
      %dma_wait3A = arith.constant 0 : i32
      %dma_wait3A_19 = tpu.memref_slice %arg6[%arg0, %mul3A_13, %dma_wait3A] : memref<2x10240x64xf32, #tpu.memory_space<hbm>> -> memref<1x640x64xf32, #tpu.memory_space<hbm>>
      %dma_wait3A_20 = tpu.memref_squeeze %dma_wait3A_19 : memref<1x640x64xf32, #tpu.memory_space<hbm>> -> memref<640x64xf32, #tpu.memory_space<hbm>>
      %dma_wait3A_21 = arith.constant 0 : i32
      %dma_wait3A_22 = tpu.memref_slice %arg13[%mul3A_11, %dma_wait3A_21] : memref<10240x64xf32, #tpu.memory_space<vmem_shared>> -> memref<640x64xf32, #tpu.memory_space<vmem_shared>>
      tpu.wait_dma2 semaphore(%run_scoped3A_14 : memref<!tpu.dma_semaphore, #tpu.memory_space<semaphore_mem>>) src(%dma_wait3A_22 : memref<640x64xf32, #tpu.memory_space<vmem_shared>>) dst(%dma_wait3A_20 : memref<640x64xf32, #tpu.memory_space<hbm>>)
      tpu.yield
    }) : () -> ()
    return
  }
}

#map = affine_map<(d0, d1) -> (0, 0)>
#map1 = affine_map<(d0, d1) -> (0, 0, 0, 0)>
#map2 = affine_map<(d0, d1) -> (0, 0, 0)>
module attributes {stable_mosaic.version = 14 : i64} {
  func.func @_edge_agg_body(%arg0: i32, %arg1: i32, %arg2: memref<10000x64xf32, #tpu.memory_space<hbm>>, %arg3: memref<10000x64xf32, #tpu.memory_space<hbm>>, %arg4: memref<2x16x160x125xi32, #tpu.memory_space<hbm>>, %arg5: memref<640x64xf32, #tpu.memory_space<hbm>>, %arg6: memref<2x10240x64xf32, #tpu.memory_space<hbm>>, %arg7: memref<160x125xi32, #tpu.memory_space<vmem>>, %arg8: memref<160x125xi32, #tpu.memory_space<vmem>>, %arg9: memref<125x64xf32, #tpu.memory_space<vmem>>, %arg10: memref<125x64xf32, #tpu.memory_space<vmem>>, %arg11: memref<125x64xf32, #tpu.memory_space<vmem>>, %arg12: memref<125x64xf32, #tpu.memory_space<vmem>>, %arg13: memref<10240x64xf32, #tpu.memory_space<vmem_shared>>, %arg14: memref<!tpu.dma_semaphore, #tpu.memory_space<semaphore_mem>>, %arg15: memref<!tpu.dma_semaphore, #tpu.memory_space<semaphore_mem>>, %arg16: memref<!tpu.dma_semaphore, #tpu.memory_space<semaphore_mem>>, %arg17: memref<!tpu.dma_semaphore, #tpu.memory_space<semaphore_mem>>) attributes {dimension_semantics = [#tpu.dimension_semantics<core_parallel>, #tpu.dimension_semantics<subcore_parallel>], iteration_bounds = array<i64: 2, 16>, scalar_prefetch = 0 : i64, scratch_operands = 11 : i64, tpu.core_type = #tpu.core_type<sc_vector_subcore>, window_params = [{transform_indices = #map}, {transform_indices = #map}, {transform_indices = #map1}, {transform_indices = #map}, {transform_indices = #map2}]} {
    %mul3A = arith.constant 640 : i32
    %mul3A_0 = arith.muli %arg1, %mul3A : i32
    "tpu.region"() ({
      %run_scoped3A_14 = tpu.sem_alloc : memref<!tpu.dma_semaphore, #tpu.memory_space<semaphore_mem>>
      %dma_start3A = arith.constant 0 : i32
      %dma_start3A_15 = tpu.memref_slice %arg13[%mul3A_0, %dma_start3A] : memref<10240x64xf32, #tpu.memory_space<vmem_shared>> -> memref<640x64xf32, #tpu.memory_space<vmem_shared>>
      tpu.enqueue_dma source(%arg5 : memref<640x64xf32, #tpu.memory_space<hbm>>) target(%dma_start3A_15 : memref<640x64xf32, #tpu.memory_space<vmem_shared>>) target_semaphore(%run_scoped3A_14 : memref<!tpu.dma_semaphore, #tpu.memory_space<semaphore_mem>>)
      %dma_wait3A = arith.constant 0 : i32
      %dma_wait3A_16 = tpu.memref_slice %arg13[%mul3A_0, %dma_wait3A] : memref<10240x64xf32, #tpu.memory_space<vmem_shared>> -> memref<640x64xf32, #tpu.memory_space<vmem_shared>>
      tpu.wait_dma2 semaphore(%run_scoped3A_14 : memref<!tpu.dma_semaphore, #tpu.memory_space<semaphore_mem>>) src(%arg5 : memref<640x64xf32, #tpu.memory_space<hbm>>) dst(%dma_wait3A_16 : memref<640x64xf32, #tpu.memory_space<vmem_shared>>)
      tpu.yield
    }) : () -> ()
    %run_scoped3A = arith.constant 0 : i32
    "tpu.region"() ({
      %run_scoped3A_14 = tpu.sem_alloc : memref<!tpu.dma_semaphore, #tpu.memory_space<semaphore_mem>>
      %dma_start3A = arith.constant 0 : i32
      %dma_start3A_15 = arith.constant 0 : i32
      %dma_start3A_16 = tpu.memref_slice %arg4[%run_scoped3A, %arg1, %dma_start3A, %dma_start3A_15] : memref<2x16x160x125xi32, #tpu.memory_space<hbm>> -> memref<1x1x160x125xi32, #tpu.memory_space<hbm>>
      %dma_start3A_17 = tpu.memref_squeeze %dma_start3A_16 : memref<1x1x160x125xi32, #tpu.memory_space<hbm>> -> memref<160x125xi32, #tpu.memory_space<hbm>>
      %dma_start3A_18 = arith.constant 0 : i32
      %dma_start3A_19 = arith.constant 0 : i32
      %dma_start3A_20 = tpu.memref_slice %arg4[%run_scoped3A, %arg1, %dma_start3A_18, %dma_start3A_19] : memref<2x16x160x125xi32, #tpu.memory_space<hbm>> -> memref<1x1x160x125xi32, #tpu.memory_space<hbm>>
      %dma_start3A_21 = tpu.memref_squeeze %dma_start3A_20 : memref<1x1x160x125xi32, #tpu.memory_space<hbm>> -> memref<160x125xi32, #tpu.memory_space<hbm>>
      tpu.enqueue_dma source(%dma_start3A_21 : memref<160x125xi32, #tpu.memory_space<hbm>>) target(%arg7 : memref<160x125xi32, #tpu.memory_space<vmem>>) target_semaphore(%run_scoped3A_14 : memref<!tpu.dma_semaphore, #tpu.memory_space<semaphore_mem>>)
      %dma_wait3A = arith.constant 0 : i32
      %dma_wait3A_22 = arith.constant 0 : i32
      %dma_wait3A_23 = tpu.memref_slice %arg4[%run_scoped3A, %arg1, %dma_wait3A, %dma_wait3A_22] : memref<2x16x160x125xi32, #tpu.memory_space<hbm>> -> memref<1x1x160x125xi32, #tpu.memory_space<hbm>>
      %dma_wait3A_24 = tpu.memref_squeeze %dma_wait3A_23 : memref<1x1x160x125xi32, #tpu.memory_space<hbm>> -> memref<160x125xi32, #tpu.memory_space<hbm>>
      %dma_wait3A_25 = arith.constant 0 : i32
      %dma_wait3A_26 = arith.constant 0 : i32
      %dma_wait3A_27 = tpu.memref_slice %arg4[%run_scoped3A, %arg1, %dma_wait3A_25, %dma_wait3A_26] : memref<2x16x160x125xi32, #tpu.memory_space<hbm>> -> memref<1x1x160x125xi32, #tpu.memory_space<hbm>>
      %dma_wait3A_28 = tpu.memref_squeeze %dma_wait3A_27 : memref<1x1x160x125xi32, #tpu.memory_space<hbm>> -> memref<160x125xi32, #tpu.memory_space<hbm>>
      tpu.wait_dma2 semaphore(%run_scoped3A_14 : memref<!tpu.dma_semaphore, #tpu.memory_space<semaphore_mem>>) src(%dma_wait3A_28 : memref<160x125xi32, #tpu.memory_space<hbm>>) dst(%arg7 : memref<160x125xi32, #tpu.memory_space<vmem>>)
      tpu.yield
    }) : () -> ()
    %run_scoped3A_1 = arith.constant 1 : i32
    "tpu.region"() ({
      %run_scoped3A_14 = tpu.sem_alloc : memref<!tpu.dma_semaphore, #tpu.memory_space<semaphore_mem>>
      %dma_start3A = arith.constant 0 : i32
      %dma_start3A_15 = arith.constant 0 : i32
      %dma_start3A_16 = tpu.memref_slice %arg4[%run_scoped3A_1, %arg1, %dma_start3A, %dma_start3A_15] : memref<2x16x160x125xi32, #tpu.memory_space<hbm>> -> memref<1x1x160x125xi32, #tpu.memory_space<hbm>>
      %dma_start3A_17 = tpu.memref_squeeze %dma_start3A_16 : memref<1x1x160x125xi32, #tpu.memory_space<hbm>> -> memref<160x125xi32, #tpu.memory_space<hbm>>
      %dma_start3A_18 = arith.constant 0 : i32
      %dma_start3A_19 = arith.constant 0 : i32
      %dma_start3A_20 = tpu.memref_slice %arg4[%run_scoped3A_1, %arg1, %dma_start3A_18, %dma_start3A_19] : memref<2x16x160x125xi32, #tpu.memory_space<hbm>> -> memref<1x1x160x125xi32, #tpu.memory_space<hbm>>
      %dma_start3A_21 = tpu.memref_squeeze %dma_start3A_20 : memref<1x1x160x125xi32, #tpu.memory_space<hbm>> -> memref<160x125xi32, #tpu.memory_space<hbm>>
      tpu.enqueue_dma source(%dma_start3A_21 : memref<160x125xi32, #tpu.memory_space<hbm>>) target(%arg8 : memref<160x125xi32, #tpu.memory_space<vmem>>) target_semaphore(%run_scoped3A_14 : memref<!tpu.dma_semaphore, #tpu.memory_space<semaphore_mem>>)
      %dma_wait3A = arith.constant 0 : i32
      %dma_wait3A_22 = arith.constant 0 : i32
      %dma_wait3A_23 = tpu.memref_slice %arg4[%run_scoped3A_1, %arg1, %dma_wait3A, %dma_wait3A_22] : memref<2x16x160x125xi32, #tpu.memory_space<hbm>> -> memref<1x1x160x125xi32, #tpu.memory_space<hbm>>
      %dma_wait3A_24 = tpu.memref_squeeze %dma_wait3A_23 : memref<1x1x160x125xi32, #tpu.memory_space<hbm>> -> memref<160x125xi32, #tpu.memory_space<hbm>>
      %dma_wait3A_25 = arith.constant 0 : i32
      %dma_wait3A_26 = arith.constant 0 : i32
      %dma_wait3A_27 = tpu.memref_slice %arg4[%run_scoped3A_1, %arg1, %dma_wait3A_25, %dma_wait3A_26] : memref<2x16x160x125xi32, #tpu.memory_space<hbm>> -> memref<1x1x160x125xi32, #tpu.memory_space<hbm>>
      %dma_wait3A_28 = tpu.memref_squeeze %dma_wait3A_27 : memref<1x1x160x125xi32, #tpu.memory_space<hbm>> -> memref<160x125xi32, #tpu.memory_space<hbm>>
      tpu.wait_dma2 semaphore(%run_scoped3A_14 : memref<!tpu.dma_semaphore, #tpu.memory_space<semaphore_mem>>) src(%dma_wait3A_28 : memref<160x125xi32, #tpu.memory_space<hbm>>) dst(%arg8 : memref<160x125xi32, #tpu.memory_space<vmem>>)
      tpu.yield
    }) : () -> ()
    %barrier3A = arith.constant 0 : index
    tpu.barrier barrier_id(%barrier3A)
    %eq3A = arith.constant 0 : i32
    %eq3A_2 = arith.cmpi eq, %arg0, %eq3A : i32
    %convert_element_type3A = arith.extui %eq3A_2 : i1 to i32
    %cond3A = arith.constant 0 : i32
    %cond3A_3 = arith.cmpi ne, %convert_element_type3A, %cond3A : i32
    scf.if %cond3A_3 {
      %dma_start3A = arith.constant 0 : i32
      %dma_start3A_14 = arith.constant 0 : i32
      %dma_start3A_15 = tpu.memref_slice %arg7[%dma_start3A, %dma_start3A_14] : memref<160x125xi32, #tpu.memory_space<vmem>> -> memref<1x125xi32, #tpu.memory_space<vmem>>
      %dma_start3A_16 = tpu.memref_squeeze %dma_start3A_15 : memref<1x125xi32, #tpu.memory_space<vmem>> -> memref<125xi32, #tpu.memory_space<vmem>>
      %dma_start3A_17 = arith.constant 0 : i32
      %dma_start3A_18 = arith.constant 0 : i32
      %dma_start3A_19 = tpu.memref_slice %arg2[%dma_start3A_17, %dma_start3A_18] : memref<10000x64xf32, #tpu.memory_space<hbm>> -> memref<10000x64xf32, #tpu.memory_space<hbm>>
      tpu.enqueue_indirect_dma source(%dma_start3A_19 : memref<10000x64xf32, #tpu.memory_space<hbm>>) target(%arg9 : memref<125x64xf32, #tpu.memory_space<vmem>>) offsets(%dma_start3A_16 : memref<125xi32, #tpu.memory_space<vmem>>) semaphore(%arg14 : memref<!tpu.dma_semaphore, #tpu.memory_space<semaphore_mem>>)
      %dma_start3A_20 = arith.constant 1 : i32
      %dma_start3A_21 = arith.constant 0 : i32
      %dma_start3A_22 = tpu.memref_slice %arg7[%dma_start3A_20, %dma_start3A_21] : memref<160x125xi32, #tpu.memory_space<vmem>> -> memref<1x125xi32, #tpu.memory_space<vmem>>
      %dma_start3A_23 = tpu.memref_squeeze %dma_start3A_22 : memref<1x125xi32, #tpu.memory_space<vmem>> -> memref<125xi32, #tpu.memory_space<vmem>>
      %dma_start3A_24 = arith.constant 0 : i32
      %dma_start3A_25 = arith.constant 0 : i32
      %dma_start3A_26 = tpu.memref_slice %arg2[%dma_start3A_24, %dma_start3A_25] : memref<10000x64xf32, #tpu.memory_space<hbm>> -> memref<10000x64xf32, #tpu.memory_space<hbm>>
      tpu.enqueue_indirect_dma source(%dma_start3A_26 : memref<10000x64xf32, #tpu.memory_space<hbm>>) target(%arg10 : memref<125x64xf32, #tpu.memory_space<vmem>>) offsets(%dma_start3A_23 : memref<125xi32, #tpu.memory_space<vmem>>) semaphore(%arg15 : memref<!tpu.dma_semaphore, #tpu.memory_space<semaphore_mem>>)
      %dma_start3A_27 = arith.constant 2 : i32
      %dma_start3A_28 = arith.constant 0 : i32
      %dma_start3A_29 = tpu.memref_slice %arg7[%dma_start3A_27, %dma_start3A_28] : memref<160x125xi32, #tpu.memory_space<vmem>> -> memref<1x125xi32, #tpu.memory_space<vmem>>
      %dma_start3A_30 = tpu.memref_squeeze %dma_start3A_29 : memref<1x125xi32, #tpu.memory_space<vmem>> -> memref<125xi32, #tpu.memory_space<vmem>>
      %dma_start3A_31 = arith.constant 0 : i32
      %dma_start3A_32 = arith.constant 0 : i32
      %dma_start3A_33 = tpu.memref_slice %arg2[%dma_start3A_31, %dma_start3A_32] : memref<10000x64xf32, #tpu.memory_space<hbm>> -> memref<10000x64xf32, #tpu.memory_space<hbm>>
      tpu.enqueue_indirect_dma source(%dma_start3A_33 : memref<10000x64xf32, #tpu.memory_space<hbm>>) target(%arg11 : memref<125x64xf32, #tpu.memory_space<vmem>>) offsets(%dma_start3A_30 : memref<125xi32, #tpu.memory_space<vmem>>) semaphore(%arg16 : memref<!tpu.dma_semaphore, #tpu.memory_space<semaphore_mem>>)
      %scan3A = arith.constant 0 : i32
      %scan3A_34 = arith.constant 0 : i32
      %scan3A_35 = arith.constant 40 : i32
      %scan3A_36 = arith.addi %scan3A_34, %scan3A_35 : i32
      %scan3A_37 = arith.constant 1 : i32
      scf.for %scan3A_39 = %scan3A_34 to %scan3A_36 step %scan3A_37  : i32 {
        %mul3A_40 = arith.constant 4 : i32
        %mul3A_41 = arith.muli %mul3A_40, %scan3A_39 : i32
        %add3A = arith.constant 0 : i32
        %add3A_42 = arith.addi %mul3A_41, %add3A : i32
        %add3A_43 = arith.constant 3 : i32
        %add3A_44 = arith.addi %add3A_42, %add3A_43 : i32
        %lt3A = arith.constant 160 : i32
        %lt3A_45 = arith.cmpi slt, %add3A_44, %lt3A : i32
        %convert_element_type3A_46 = arith.extui %lt3A_45 : i1 to i32
        %cond3A_47 = arith.constant 0 : i32
        %cond3A_48 = arith.cmpi ne, %convert_element_type3A_46, %cond3A_47 : i32
        scf.if %cond3A_48 {
          %dma_start3A_99 = arith.constant 0 : i32
          %dma_start3A_100 = tpu.memref_slice %arg7[%add3A_44, %dma_start3A_99] : memref<160x125xi32, #tpu.memory_space<vmem>> -> memref<1x125xi32, #tpu.memory_space<vmem>>
          %dma_start3A_101 = tpu.memref_squeeze %dma_start3A_100 : memref<1x125xi32, #tpu.memory_space<vmem>> -> memref<125xi32, #tpu.memory_space<vmem>>
          %dma_start3A_102 = arith.constant 0 : i32
          %dma_start3A_103 = arith.constant 0 : i32
          %dma_start3A_104 = tpu.memref_slice %arg2[%dma_start3A_102, %dma_start3A_103] : memref<10000x64xf32, #tpu.memory_space<hbm>> -> memref<10000x64xf32, #tpu.memory_space<hbm>>
          tpu.enqueue_indirect_dma source(%dma_start3A_104 : memref<10000x64xf32, #tpu.memory_space<hbm>>) target(%arg12 : memref<125x64xf32, #tpu.memory_space<vmem>>) offsets(%dma_start3A_101 : memref<125xi32, #tpu.memory_space<vmem>>) semaphore(%arg17 : memref<!tpu.dma_semaphore, #tpu.memory_space<semaphore_mem>>)
        } else {
        }
        %dma_wait3A = arith.constant 0 : i32
        %dma_wait3A_49 = tpu.memref_slice %arg7[%add3A_42, %dma_wait3A] : memref<160x125xi32, #tpu.memory_space<vmem>> -> memref<1x125xi32, #tpu.memory_space<vmem>>
        %dma_wait3A_50 = tpu.memref_squeeze %dma_wait3A_49 : memref<1x125xi32, #tpu.memory_space<vmem>> -> memref<125xi32, #tpu.memory_space<vmem>>
        %dma_wait3A_51 = arith.constant 0 : i32
        %dma_wait3A_52 = arith.constant 0 : i32
        %dma_wait3A_53 = tpu.memref_slice %arg2[%dma_wait3A_51, %dma_wait3A_52] : memref<10000x64xf32, #tpu.memory_space<hbm>> -> memref<10000x64xf32, #tpu.memory_space<hbm>>
        tpu.wait_indirect_dma semaphore(%arg14 : memref<!tpu.dma_semaphore, #tpu.memory_space<semaphore_mem>>) src(%dma_wait3A_53 : memref<10000x64xf32, #tpu.memory_space<hbm>>) dst(%arg9 : memref<125x64xf32, #tpu.memory_space<vmem>>)
        "tpu.region"() ({
          %run_scoped3A_99 = tpu.sem_alloc : memref<!tpu.dma_semaphore, #tpu.memory_space<semaphore_mem>>
          %dma_start3A_100 = arith.constant 0 : i32
          %dma_start3A_101 = tpu.memref_slice %arg8[%add3A_42, %dma_start3A_100] : memref<160x125xi32, #tpu.memory_space<vmem>> -> memref<1x125xi32, #tpu.memory_space<vmem>>
          %dma_start3A_102 = tpu.memref_squeeze %dma_start3A_101 : memref<1x125xi32, #tpu.memory_space<vmem>> -> memref<125xi32, #tpu.memory_space<vmem>>
          %dma_start3A_103 = arith.constant 0 : i32
          %dma_start3A_104 = arith.constant 0 : i32
          %dma_start3A_105 = tpu.memref_slice %arg13[%dma_start3A_103, %dma_start3A_104] : memref<10240x64xf32, #tpu.memory_space<vmem_shared>> -> memref<10240x64xf32, #tpu.memory_space<vmem_shared>>
          tpu.enqueue_indirect_dma source(%arg9 : memref<125x64xf32, #tpu.memory_space<vmem>>) target(%dma_start3A_105 : memref<10240x64xf32, #tpu.memory_space<vmem_shared>>) offsets(%dma_start3A_102 : memref<125xi32, #tpu.memory_space<vmem>>) semaphore(%run_scoped3A_99 : memref<!tpu.dma_semaphore, #tpu.memory_space<semaphore_mem>>) {add = true}
          %dma_wait3A_106 = arith.constant 0 : i32
          %dma_wait3A_107 = tpu.memref_slice %arg8[%add3A_42, %dma_wait3A_106] : memref<160x125xi32, #tpu.memory_space<vmem>> -> memref<1x125xi32, #tpu.memory_space<vmem>>
          %dma_wait3A_108 = tpu.memref_squeeze %dma_wait3A_107 : memref<1x125xi32, #tpu.memory_space<vmem>> -> memref<125xi32, #tpu.memory_space<vmem>>
          %dma_wait3A_109 = arith.constant 0 : i32
          %dma_wait3A_110 = arith.constant 0 : i32
          %dma_wait3A_111 = tpu.memref_slice %arg13[%dma_wait3A_109, %dma_wait3A_110] : memref<10240x64xf32, #tpu.memory_space<vmem_shared>> -> memref<10240x64xf32, #tpu.memory_space<vmem_shared>>
          tpu.wait_indirect_dma semaphore(%run_scoped3A_99 : memref<!tpu.dma_semaphore, #tpu.memory_space<semaphore_mem>>) src(%arg9 : memref<125x64xf32, #tpu.memory_space<vmem>>) dst(%dma_wait3A_111 : memref<10240x64xf32, #tpu.memory_space<vmem_shared>>)
          tpu.yield
        }) : () -> ()
        %add3A_54 = arith.constant 1 : i32
        %add3A_55 = arith.addi %mul3A_41, %add3A_54 : i32
        %add3A_56 = arith.constant 3 : i32
        %add3A_57 = arith.addi %add3A_55, %add3A_56 : i32
        %lt3A_58 = arith.constant 160 : i32
        %lt3A_59 = arith.cmpi slt, %add3A_57, %lt3A_58 : i32
        %convert_element_type3A_60 = arith.extui %lt3A_59 : i1 to i32
        %cond3A_61 = arith.constant 0 : i32
        %cond3A_62 = arith.cmpi ne, %convert_element_type3A_60, %cond3A_61 : i32
        scf.if %cond3A_62 {
          %dma_start3A_99 = arith.constant 0 : i32
          %dma_start3A_100 = tpu.memref_slice %arg7[%add3A_57, %dma_start3A_99] : memref<160x125xi32, #tpu.memory_space<vmem>> -> memref<1x125xi32, #tpu.memory_space<vmem>>
          %dma_start3A_101 = tpu.memref_squeeze %dma_start3A_100 : memref<1x125xi32, #tpu.memory_space<vmem>> -> memref<125xi32, #tpu.memory_space<vmem>>
          %dma_start3A_102 = arith.constant 0 : i32
          %dma_start3A_103 = arith.constant 0 : i32
          %dma_start3A_104 = tpu.memref_slice %arg2[%dma_start3A_102, %dma_start3A_103] : memref<10000x64xf32, #tpu.memory_space<hbm>> -> memref<10000x64xf32, #tpu.memory_space<hbm>>
          tpu.enqueue_indirect_dma source(%dma_start3A_104 : memref<10000x64xf32, #tpu.memory_space<hbm>>) target(%arg9 : memref<125x64xf32, #tpu.memory_space<vmem>>) offsets(%dma_start3A_101 : memref<125xi32, #tpu.memory_space<vmem>>) semaphore(%arg14 : memref<!tpu.dma_semaphore, #tpu.memory_space<semaphore_mem>>)
        } else {
        }
        %dma_wait3A_63 = arith.constant 0 : i32
        %dma_wait3A_64 = tpu.memref_slice %arg7[%add3A_55, %dma_wait3A_63] : memref<160x125xi32, #tpu.memory_space<vmem>> -> memref<1x125xi32, #tpu.memory_space<vmem>>
        %dma_wait3A_65 = tpu.memref_squeeze %dma_wait3A_64 : memref<1x125xi32, #tpu.memory_space<vmem>> -> memref<125xi32, #tpu.memory_space<vmem>>
        %dma_wait3A_66 = arith.constant 0 : i32
        %dma_wait3A_67 = arith.constant 0 : i32
        %dma_wait3A_68 = tpu.memref_slice %arg2[%dma_wait3A_66, %dma_wait3A_67] : memref<10000x64xf32, #tpu.memory_space<hbm>> -> memref<10000x64xf32, #tpu.memory_space<hbm>>
        tpu.wait_indirect_dma semaphore(%arg15 : memref<!tpu.dma_semaphore, #tpu.memory_space<semaphore_mem>>) src(%dma_wait3A_68 : memref<10000x64xf32, #tpu.memory_space<hbm>>) dst(%arg10 : memref<125x64xf32, #tpu.memory_space<vmem>>)
        "tpu.region"() ({
          %run_scoped3A_99 = tpu.sem_alloc : memref<!tpu.dma_semaphore, #tpu.memory_space<semaphore_mem>>
          %dma_start3A_100 = arith.constant 0 : i32
          %dma_start3A_101 = tpu.memref_slice %arg8[%add3A_55, %dma_start3A_100] : memref<160x125xi32, #tpu.memory_space<vmem>> -> memref<1x125xi32, #tpu.memory_space<vmem>>
          %dma_start3A_102 = tpu.memref_squeeze %dma_start3A_101 : memref<1x125xi32, #tpu.memory_space<vmem>> -> memref<125xi32, #tpu.memory_space<vmem>>
          %dma_start3A_103 = arith.constant 0 : i32
          %dma_start3A_104 = arith.constant 0 : i32
          %dma_start3A_105 = tpu.memref_slice %arg13[%dma_start3A_103, %dma_start3A_104] : memref<10240x64xf32, #tpu.memory_space<vmem_shared>> -> memref<10240x64xf32, #tpu.memory_space<vmem_shared>>
          tpu.enqueue_indirect_dma source(%arg10 : memref<125x64xf32, #tpu.memory_space<vmem>>) target(%dma_start3A_105 : memref<10240x64xf32, #tpu.memory_space<vmem_shared>>) offsets(%dma_start3A_102 : memref<125xi32, #tpu.memory_space<vmem>>) semaphore(%run_scoped3A_99 : memref<!tpu.dma_semaphore, #tpu.memory_space<semaphore_mem>>) {add = true}
          %dma_wait3A_106 = arith.constant 0 : i32
          %dma_wait3A_107 = tpu.memref_slice %arg8[%add3A_55, %dma_wait3A_106] : memref<160x125xi32, #tpu.memory_space<vmem>> -> memref<1x125xi32, #tpu.memory_space<vmem>>
          %dma_wait3A_108 = tpu.memref_squeeze %dma_wait3A_107 : memref<1x125xi32, #tpu.memory_space<vmem>> -> memref<125xi32, #tpu.memory_space<vmem>>
          %dma_wait3A_109 = arith.constant 0 : i32
          %dma_wait3A_110 = arith.constant 0 : i32
          %dma_wait3A_111 = tpu.memref_slice %arg13[%dma_wait3A_109, %dma_wait3A_110] : memref<10240x64xf32, #tpu.memory_space<vmem_shared>> -> memref<10240x64xf32, #tpu.memory_space<vmem_shared>>
          tpu.wait_indirect_dma semaphore(%run_scoped3A_99 : memref<!tpu.dma_semaphore, #tpu.memory_space<semaphore_mem>>) src(%arg10 : memref<125x64xf32, #tpu.memory_space<vmem>>) dst(%dma_wait3A_111 : memref<10240x64xf32, #tpu.memory_space<vmem_shared>>)
          tpu.yield
        }) : () -> ()
        %add3A_69 = arith.constant 2 : i32
        %add3A_70 = arith.addi %mul3A_41, %add3A_69 : i32
        %add3A_71 = arith.constant 3 : i32
        %add3A_72 = arith.addi %add3A_70, %add3A_71 : i32
        %lt3A_73 = arith.constant 160 : i32
        %lt3A_74 = arith.cmpi slt, %add3A_72, %lt3A_73 : i32
        %convert_element_type3A_75 = arith.extui %lt3A_74 : i1 to i32
        %cond3A_76 = arith.constant 0 : i32
        %cond3A_77 = arith.cmpi ne, %convert_element_type3A_75, %cond3A_76 : i32
        scf.if %cond3A_77 {
          %dma_start3A_99 = arith.constant 0 : i32
          %dma_start3A_100 = tpu.memref_slice %arg7[%add3A_72, %dma_start3A_99] : memref<160x125xi32, #tpu.memory_space<vmem>> -> memref<1x125xi32, #tpu.memory_space<vmem>>
          %dma_start3A_101 = tpu.memref_squeeze %dma_start3A_100 : memref<1x125xi32, #tpu.memory_space<vmem>> -> memref<125xi32, #tpu.memory_space<vmem>>
          %dma_start3A_102 = arith.constant 0 : i32
          %dma_start3A_103 = arith.constant 0 : i32
          %dma_start3A_104 = tpu.memref_slice %arg2[%dma_start3A_102, %dma_start3A_103] : memref<10000x64xf32, #tpu.memory_space<hbm>> -> memref<10000x64xf32, #tpu.memory_space<hbm>>
          tpu.enqueue_indirect_dma source(%dma_start3A_104 : memref<10000x64xf32, #tpu.memory_space<hbm>>) target(%arg10 : memref<125x64xf32, #tpu.memory_space<vmem>>) offsets(%dma_start3A_101 : memref<125xi32, #tpu.memory_space<vmem>>) semaphore(%arg15 : memref<!tpu.dma_semaphore, #tpu.memory_space<semaphore_mem>>)
        } else {
        }
        %dma_wait3A_78 = arith.constant 0 : i32
        %dma_wait3A_79 = tpu.memref_slice %arg7[%add3A_70, %dma_wait3A_78] : memref<160x125xi32, #tpu.memory_space<vmem>> -> memref<1x125xi32, #tpu.memory_space<vmem>>
        %dma_wait3A_80 = tpu.memref_squeeze %dma_wait3A_79 : memref<1x125xi32, #tpu.memory_space<vmem>> -> memref<125xi32, #tpu.memory_space<vmem>>
        %dma_wait3A_81 = arith.constant 0 : i32
        %dma_wait3A_82 = arith.constant 0 : i32
        %dma_wait3A_83 = tpu.memref_slice %arg2[%dma_wait3A_81, %dma_wait3A_82] : memref<10000x64xf32, #tpu.memory_space<hbm>> -> memref<10000x64xf32, #tpu.memory_space<hbm>>
        tpu.wait_indirect_dma semaphore(%arg16 : memref<!tpu.dma_semaphore, #tpu.memory_space<semaphore_mem>>) src(%dma_wait3A_83 : memref<10000x64xf32, #tpu.memory_space<hbm>>) dst(%arg11 : memref<125x64xf32, #tpu.memory_space<vmem>>)
        "tpu.region"() ({
          %run_scoped3A_99 = tpu.sem_alloc : memref<!tpu.dma_semaphore, #tpu.memory_space<semaphore_mem>>
          %dma_start3A_100 = arith.constant 0 : i32
          %dma_start3A_101 = tpu.memref_slice %arg8[%add3A_70, %dma_start3A_100] : memref<160x125xi32, #tpu.memory_space<vmem>> -> memref<1x125xi32, #tpu.memory_space<vmem>>
          %dma_start3A_102 = tpu.memref_squeeze %dma_start3A_101 : memref<1x125xi32, #tpu.memory_space<vmem>> -> memref<125xi32, #tpu.memory_space<vmem>>
          %dma_start3A_103 = arith.constant 0 : i32
          %dma_start3A_104 = arith.constant 0 : i32
          %dma_start3A_105 = tpu.memref_slice %arg13[%dma_start3A_103, %dma_start3A_104] : memref<10240x64xf32, #tpu.memory_space<vmem_shared>> -> memref<10240x64xf32, #tpu.memory_space<vmem_shared>>
          tpu.enqueue_indirect_dma source(%arg11 : memref<125x64xf32, #tpu.memory_space<vmem>>) target(%dma_start3A_105 : memref<10240x64xf32, #tpu.memory_space<vmem_shared>>) offsets(%dma_start3A_102 : memref<125xi32, #tpu.memory_space<vmem>>) semaphore(%run_scoped3A_99 : memref<!tpu.dma_semaphore, #tpu.memory_space<semaphore_mem>>) {add = true}
          %dma_wait3A_106 = arith.constant 0 : i32
          %dma_wait3A_107 = tpu.memref_slice %arg8[%add3A_70, %dma_wait3A_106] : memref<160x125xi32, #tpu.memory_space<vmem>> -> memref<1x125xi32, #tpu.memory_space<vmem>>
          %dma_wait3A_108 = tpu.memref_squeeze %dma_wait3A_107 : memref<1x125xi32, #tpu.memory_space<vmem>> -> memref<125xi32, #tpu.memory_space<vmem>>
          %dma_wait3A_109 = arith.constant 0 : i32
          %dma_wait3A_110 = arith.constant 0 : i32
          %dma_wait3A_111 = tpu.memref_slice %arg13[%dma_wait3A_109, %dma_wait3A_110] : memref<10240x64xf32, #tpu.memory_space<vmem_shared>> -> memref<10240x64xf32, #tpu.memory_space<vmem_shared>>
          tpu.wait_indirect_dma semaphore(%run_scoped3A_99 : memref<!tpu.dma_semaphore, #tpu.memory_space<semaphore_mem>>) src(%arg11 : memref<125x64xf32, #tpu.memory_space<vmem>>) dst(%dma_wait3A_111 : memref<10240x64xf32, #tpu.memory_space<vmem_shared>>)
          tpu.yield
        }) : () -> ()
        %add3A_84 = arith.constant 3 : i32
        %add3A_85 = arith.addi %mul3A_41, %add3A_84 : i32
        %add3A_86 = arith.constant 3 : i32
        %add3A_87 = arith.addi %add3A_85, %add3A_86 : i32
        %lt3A_88 = arith.constant 160 : i32
        %lt3A_89 = arith.cmpi slt, %add3A_87, %lt3A_88 : i32
        %convert_element_type3A_90 = arith.extui %lt3A_89 : i1 to i32
        %cond3A_91 = arith.constant 0 : i32
        %cond3A_92 = arith.cmpi ne, %convert_element_type3A_90, %cond3A_91 : i32
        scf.if %cond3A_92 {
          %dma_start3A_99 = arith.constant 0 : i32
          %dma_start3A_100 = tpu.memref_slice %arg7[%add3A_87, %dma_start3A_99] : memref<160x125xi32, #tpu.memory_space<vmem>> -> memref<1x125xi32, #tpu.memory_space<vmem>>
          %dma_start3A_101 = tpu.memref_squeeze %dma_start3A_100 : memref<1x125xi32, #tpu.memory_space<vmem>> -> memref<125xi32, #tpu.memory_space<vmem>>
          %dma_start3A_102 = arith.constant 0 : i32
          %dma_start3A_103 = arith.constant 0 : i32
          %dma_start3A_104 = tpu.memref_slice %arg2[%dma_start3A_102, %dma_start3A_103] : memref<10000x64xf32, #tpu.memory_space<hbm>> -> memref<10000x64xf32, #tpu.memory_space<hbm>>
          tpu.enqueue_indirect_dma source(%dma_start3A_104 : memref<10000x64xf32, #tpu.memory_space<hbm>>) target(%arg11 : memref<125x64xf32, #tpu.memory_space<vmem>>) offsets(%dma_start3A_101 : memref<125xi32, #tpu.memory_space<vmem>>) semaphore(%arg16 : memref<!tpu.dma_semaphore, #tpu.memory_space<semaphore_mem>>)
        } else {
        }
        %dma_wait3A_93 = arith.constant 0 : i32
        %dma_wait3A_94 = tpu.memref_slice %arg7[%add3A_85, %dma_wait3A_93] : memref<160x125xi32, #tpu.memory_space<vmem>> -> memref<1x125xi32, #tpu.memory_space<vmem>>
        %dma_wait3A_95 = tpu.memref_squeeze %dma_wait3A_94 : memref<1x125xi32, #tpu.memory_space<vmem>> -> memref<125xi32, #tpu.memory_space<vmem>>
        %dma_wait3A_96 = arith.constant 0 : i32
        %dma_wait3A_97 = arith.constant 0 : i32
        %dma_wait3A_98 = tpu.memref_slice %arg2[%dma_wait3A_96, %dma_wait3A_97] : memref<10000x64xf32, #tpu.memory_space<hbm>> -> memref<10000x64xf32, #tpu.memory_space<hbm>>
        tpu.wait_indirect_dma semaphore(%arg17 : memref<!tpu.dma_semaphore, #tpu.memory_space<semaphore_mem>>) src(%dma_wait3A_98 : memref<10000x64xf32, #tpu.memory_space<hbm>>) dst(%arg12 : memref<125x64xf32, #tpu.memory_space<vmem>>)
        "tpu.region"() ({
          %run_scoped3A_99 = tpu.sem_alloc : memref<!tpu.dma_semaphore, #tpu.memory_space<semaphore_mem>>
          %dma_start3A_100 = arith.constant 0 : i32
          %dma_start3A_101 = tpu.memref_slice %arg8[%add3A_85, %dma_start3A_100] : memref<160x125xi32, #tpu.memory_space<vmem>> -> memref<1x125xi32, #tpu.memory_space<vmem>>
          %dma_start3A_102 = tpu.memref_squeeze %dma_start3A_101 : memref<1x125xi32, #tpu.memory_space<vmem>> -> memref<125xi32, #tpu.memory_space<vmem>>
          %dma_start3A_103 = arith.constant 0 : i32
          %dma_start3A_104 = arith.constant 0 : i32
          %dma_start3A_105 = tpu.memref_slice %arg13[%dma_start3A_103, %dma_start3A_104] : memref<10240x64xf32, #tpu.memory_space<vmem_shared>> -> memref<10240x64xf32, #tpu.memory_space<vmem_shared>>
          tpu.enqueue_indirect_dma source(%arg12 : memref<125x64xf32, #tpu.memory_space<vmem>>) target(%dma_start3A_105 : memref<10240x64xf32, #tpu.memory_space<vmem_shared>>) offsets(%dma_start3A_102 : memref<125xi32, #tpu.memory_space<vmem>>) semaphore(%run_scoped3A_99 : memref<!tpu.dma_semaphore, #tpu.memory_space<semaphore_mem>>) {add = true}
          %dma_wait3A_106 = arith.constant 0 : i32
          %dma_wait3A_107 = tpu.memref_slice %arg8[%add3A_85, %dma_wait3A_106] : memref<160x125xi32, #tpu.memory_space<vmem>> -> memref<1x125xi32, #tpu.memory_space<vmem>>
          %dma_wait3A_108 = tpu.memref_squeeze %dma_wait3A_107 : memref<1x125xi32, #tpu.memory_space<vmem>> -> memref<125xi32, #tpu.memory_space<vmem>>
          %dma_wait3A_109 = arith.constant 0 : i32
          %dma_wait3A_110 = arith.constant 0 : i32
          %dma_wait3A_111 = tpu.memref_slice %arg13[%dma_wait3A_109, %dma_wait3A_110] : memref<10240x64xf32, #tpu.memory_space<vmem_shared>> -> memref<10240x64xf32, #tpu.memory_space<vmem_shared>>
          tpu.wait_indirect_dma semaphore(%run_scoped3A_99 : memref<!tpu.dma_semaphore, #tpu.memory_space<semaphore_mem>>) src(%arg12 : memref<125x64xf32, #tpu.memory_space<vmem>>) dst(%dma_wait3A_111 : memref<10240x64xf32, #tpu.memory_space<vmem_shared>>)
          tpu.yield
        }) : () -> ()
      }
      %scan3A_38 = arith.constant 40 : i32
    } else {
    }
    %eq3A_4 = arith.constant 1 : i32
    %eq3A_5 = arith.cmpi eq, %arg0, %eq3A_4 : i32
    %convert_element_type3A_6 = arith.extui %eq3A_5 : i1 to i32
    %cond3A_7 = arith.constant 0 : i32
    %cond3A_8 = arith.cmpi ne, %convert_element_type3A_6, %cond3A_7 : i32
    scf.if %cond3A_8 {
      %dma_start3A = arith.constant 0 : i32
      %dma_start3A_14 = arith.constant 0 : i32
      %dma_start3A_15 = tpu.memref_slice %arg7[%dma_start3A, %dma_start3A_14] : memref<160x125xi32, #tpu.memory_space<vmem>> -> memref<1x125xi32, #tpu.memory_space<vmem>>
      %dma_start3A_16 = tpu.memref_squeeze %dma_start3A_15 : memref<1x125xi32, #tpu.memory_space<vmem>> -> memref<125xi32, #tpu.memory_space<vmem>>
      %dma_start3A_17 = arith.constant 0 : i32
      %dma_start3A_18 = arith.constant 0 : i32
      %dma_start3A_19 = tpu.memref_slice %arg3[%dma_start3A_17, %dma_start3A_18] : memref<10000x64xf32, #tpu.memory_space<hbm>> -> memref<10000x64xf32, #tpu.memory_space<hbm>>
      tpu.enqueue_indirect_dma source(%dma_start3A_19 : memref<10000x64xf32, #tpu.memory_space<hbm>>) target(%arg9 : memref<125x64xf32, #tpu.memory_space<vmem>>) offsets(%dma_start3A_16 : memref<125xi32, #tpu.memory_space<vmem>>) semaphore(%arg14 : memref<!tpu.dma_semaphore, #tpu.memory_space<semaphore_mem>>)
      %dma_start3A_20 = arith.constant 1 : i32
      %dma_start3A_21 = arith.constant 0 : i32
      %dma_start3A_22 = tpu.memref_slice %arg7[%dma_start3A_20, %dma_start3A_21] : memref<160x125xi32, #tpu.memory_space<vmem>> -> memref<1x125xi32, #tpu.memory_space<vmem>>
      %dma_start3A_23 = tpu.memref_squeeze %dma_start3A_22 : memref<1x125xi32, #tpu.memory_space<vmem>> -> memref<125xi32, #tpu.memory_space<vmem>>
      %dma_start3A_24 = arith.constant 0 : i32
      %dma_start3A_25 = arith.constant 0 : i32
      %dma_start3A_26 = tpu.memref_slice %arg3[%dma_start3A_24, %dma_start3A_25] : memref<10000x64xf32, #tpu.memory_space<hbm>> -> memref<10000x64xf32, #tpu.memory_space<hbm>>
      tpu.enqueue_indirect_dma source(%dma_start3A_26 : memref<10000x64xf32, #tpu.memory_space<hbm>>) target(%arg10 : memref<125x64xf32, #tpu.memory_space<vmem>>) offsets(%dma_start3A_23 : memref<125xi32, #tpu.memory_space<vmem>>) semaphore(%arg15 : memref<!tpu.dma_semaphore, #tpu.memory_space<semaphore_mem>>)
      %dma_start3A_27 = arith.constant 2 : i32
      %dma_start3A_28 = arith.constant 0 : i32
      %dma_start3A_29 = tpu.memref_slice %arg7[%dma_start3A_27, %dma_start3A_28] : memref<160x125xi32, #tpu.memory_space<vmem>> -> memref<1x125xi32, #tpu.memory_space<vmem>>
      %dma_start3A_30 = tpu.memref_squeeze %dma_start3A_29 : memref<1x125xi32, #tpu.memory_space<vmem>> -> memref<125xi32, #tpu.memory_space<vmem>>
      %dma_start3A_31 = arith.constant 0 : i32
      %dma_start3A_32 = arith.constant 0 : i32
      %dma_start3A_33 = tpu.memref_slice %arg3[%dma_start3A_31, %dma_start3A_32] : memref<10000x64xf32, #tpu.memory_space<hbm>> -> memref<10000x64xf32, #tpu.memory_space<hbm>>
      tpu.enqueue_indirect_dma source(%dma_start3A_33 : memref<10000x64xf32, #tpu.memory_space<hbm>>) target(%arg11 : memref<125x64xf32, #tpu.memory_space<vmem>>) offsets(%dma_start3A_30 : memref<125xi32, #tpu.memory_space<vmem>>) semaphore(%arg16 : memref<!tpu.dma_semaphore, #tpu.memory_space<semaphore_mem>>)
      %scan3A = arith.constant 0 : i32
      %scan3A_34 = arith.constant 0 : i32
      %scan3A_35 = arith.constant 40 : i32
      %scan3A_36 = arith.addi %scan3A_34, %scan3A_35 : i32
      %scan3A_37 = arith.constant 1 : i32
      scf.for %scan3A_39 = %scan3A_34 to %scan3A_36 step %scan3A_37  : i32 {
        %mul3A_40 = arith.constant 4 : i32
        %mul3A_41 = arith.muli %mul3A_40, %scan3A_39 : i32
        %add3A = arith.constant 0 : i32
        %add3A_42 = arith.addi %mul3A_41, %add3A : i32
        %add3A_43 = arith.constant 3 : i32
        %add3A_44 = arith.addi %add3A_42, %add3A_43 : i32
        %lt3A = arith.constant 160 : i32
        %lt3A_45 = arith.cmpi slt, %add3A_44, %lt3A : i32
        %convert_element_type3A_46 = arith.extui %lt3A_45 : i1 to i32
        %cond3A_47 = arith.constant 0 : i32
        %cond3A_48 = arith.cmpi ne, %convert_element_type3A_46, %cond3A_47 : i32
        scf.if %cond3A_48 {
          %dma_start3A_99 = arith.constant 0 : i32
          %dma_start3A_100 = tpu.memref_slice %arg7[%add3A_44, %dma_start3A_99] : memref<160x125xi32, #tpu.memory_space<vmem>> -> memref<1x125xi32, #tpu.memory_space<vmem>>
          %dma_start3A_101 = tpu.memref_squeeze %dma_start3A_100 : memref<1x125xi32, #tpu.memory_space<vmem>> -> memref<125xi32, #tpu.memory_space<vmem>>
          %dma_start3A_102 = arith.constant 0 : i32
          %dma_start3A_103 = arith.constant 0 : i32
          %dma_start3A_104 = tpu.memref_slice %arg3[%dma_start3A_102, %dma_start3A_103] : memref<10000x64xf32, #tpu.memory_space<hbm>> -> memref<10000x64xf32, #tpu.memory_space<hbm>>
          tpu.enqueue_indirect_dma source(%dma_start3A_104 : memref<10000x64xf32, #tpu.memory_space<hbm>>) target(%arg12 : memref<125x64xf32, #tpu.memory_space<vmem>>) offsets(%dma_start3A_101 : memref<125xi32, #tpu.memory_space<vmem>>) semaphore(%arg17 : memref<!tpu.dma_semaphore, #tpu.memory_space<semaphore_mem>>)
        } else {
        }
        %dma_wait3A = arith.constant 0 : i32
        %dma_wait3A_49 = tpu.memref_slice %arg7[%add3A_42, %dma_wait3A] : memref<160x125xi32, #tpu.memory_space<vmem>> -> memref<1x125xi32, #tpu.memory_space<vmem>>
        %dma_wait3A_50 = tpu.memref_squeeze %dma_wait3A_49 : memref<1x125xi32, #tpu.memory_space<vmem>> -> memref<125xi32, #tpu.memory_space<vmem>>
        %dma_wait3A_51 = arith.constant 0 : i32
        %dma_wait3A_52 = arith.constant 0 : i32
        %dma_wait3A_53 = tpu.memref_slice %arg3[%dma_wait3A_51, %dma_wait3A_52] : memref<10000x64xf32, #tpu.memory_space<hbm>> -> memref<10000x64xf32, #tpu.memory_space<hbm>>
        tpu.wait_indirect_dma semaphore(%arg14 : memref<!tpu.dma_semaphore, #tpu.memory_space<semaphore_mem>>) src(%dma_wait3A_53 : memref<10000x64xf32, #tpu.memory_space<hbm>>) dst(%arg9 : memref<125x64xf32, #tpu.memory_space<vmem>>)
        "tpu.region"() ({
          %run_scoped3A_99 = tpu.sem_alloc : memref<!tpu.dma_semaphore, #tpu.memory_space<semaphore_mem>>
          %dma_start3A_100 = arith.constant 0 : i32
          %dma_start3A_101 = tpu.memref_slice %arg8[%add3A_42, %dma_start3A_100] : memref<160x125xi32, #tpu.memory_space<vmem>> -> memref<1x125xi32, #tpu.memory_space<vmem>>
          %dma_start3A_102 = tpu.memref_squeeze %dma_start3A_101 : memref<1x125xi32, #tpu.memory_space<vmem>> -> memref<125xi32, #tpu.memory_space<vmem>>
          %dma_start3A_103 = arith.constant 0 : i32
          %dma_start3A_104 = arith.constant 0 : i32
          %dma_start3A_105 = tpu.memref_slice %arg13[%dma_start3A_103, %dma_start3A_104] : memref<10240x64xf32, #tpu.memory_space<vmem_shared>> -> memref<10240x64xf32, #tpu.memory_space<vmem_shared>>
          tpu.enqueue_indirect_dma source(%arg9 : memref<125x64xf32, #tpu.memory_space<vmem>>) target(%dma_start3A_105 : memref<10240x64xf32, #tpu.memory_space<vmem_shared>>) offsets(%dma_start3A_102 : memref<125xi32, #tpu.memory_space<vmem>>) semaphore(%run_scoped3A_99 : memref<!tpu.dma_semaphore, #tpu.memory_space<semaphore_mem>>) {add = true}
          %dma_wait3A_106 = arith.constant 0 : i32
          %dma_wait3A_107 = tpu.memref_slice %arg8[%add3A_42, %dma_wait3A_106] : memref<160x125xi32, #tpu.memory_space<vmem>> -> memref<1x125xi32, #tpu.memory_space<vmem>>
          %dma_wait3A_108 = tpu.memref_squeeze %dma_wait3A_107 : memref<1x125xi32, #tpu.memory_space<vmem>> -> memref<125xi32, #tpu.memory_space<vmem>>
          %dma_wait3A_109 = arith.constant 0 : i32
          %dma_wait3A_110 = arith.constant 0 : i32
          %dma_wait3A_111 = tpu.memref_slice %arg13[%dma_wait3A_109, %dma_wait3A_110] : memref<10240x64xf32, #tpu.memory_space<vmem_shared>> -> memref<10240x64xf32, #tpu.memory_space<vmem_shared>>
          tpu.wait_indirect_dma semaphore(%run_scoped3A_99 : memref<!tpu.dma_semaphore, #tpu.memory_space<semaphore_mem>>) src(%arg9 : memref<125x64xf32, #tpu.memory_space<vmem>>) dst(%dma_wait3A_111 : memref<10240x64xf32, #tpu.memory_space<vmem_shared>>)
          tpu.yield
        }) : () -> ()
        %add3A_54 = arith.constant 1 : i32
        %add3A_55 = arith.addi %mul3A_41, %add3A_54 : i32
        %add3A_56 = arith.constant 3 : i32
        %add3A_57 = arith.addi %add3A_55, %add3A_56 : i32
        %lt3A_58 = arith.constant 160 : i32
        %lt3A_59 = arith.cmpi slt, %add3A_57, %lt3A_58 : i32
        %convert_element_type3A_60 = arith.extui %lt3A_59 : i1 to i32
        %cond3A_61 = arith.constant 0 : i32
        %cond3A_62 = arith.cmpi ne, %convert_element_type3A_60, %cond3A_61 : i32
        scf.if %cond3A_62 {
          %dma_start3A_99 = arith.constant 0 : i32
          %dma_start3A_100 = tpu.memref_slice %arg7[%add3A_57, %dma_start3A_99] : memref<160x125xi32, #tpu.memory_space<vmem>> -> memref<1x125xi32, #tpu.memory_space<vmem>>
          %dma_start3A_101 = tpu.memref_squeeze %dma_start3A_100 : memref<1x125xi32, #tpu.memory_space<vmem>> -> memref<125xi32, #tpu.memory_space<vmem>>
          %dma_start3A_102 = arith.constant 0 : i32
          %dma_start3A_103 = arith.constant 0 : i32
          %dma_start3A_104 = tpu.memref_slice %arg3[%dma_start3A_102, %dma_start3A_103] : memref<10000x64xf32, #tpu.memory_space<hbm>> -> memref<10000x64xf32, #tpu.memory_space<hbm>>
          tpu.enqueue_indirect_dma source(%dma_start3A_104 : memref<10000x64xf32, #tpu.memory_space<hbm>>) target(%arg9 : memref<125x64xf32, #tpu.memory_space<vmem>>) offsets(%dma_start3A_101 : memref<125xi32, #tpu.memory_space<vmem>>) semaphore(%arg14 : memref<!tpu.dma_semaphore, #tpu.memory_space<semaphore_mem>>)
        } else {
        }
        %dma_wait3A_63 = arith.constant 0 : i32
        %dma_wait3A_64 = tpu.memref_slice %arg7[%add3A_55, %dma_wait3A_63] : memref<160x125xi32, #tpu.memory_space<vmem>> -> memref<1x125xi32, #tpu.memory_space<vmem>>
        %dma_wait3A_65 = tpu.memref_squeeze %dma_wait3A_64 : memref<1x125xi32, #tpu.memory_space<vmem>> -> memref<125xi32, #tpu.memory_space<vmem>>
        %dma_wait3A_66 = arith.constant 0 : i32
        %dma_wait3A_67 = arith.constant 0 : i32
        %dma_wait3A_68 = tpu.memref_slice %arg3[%dma_wait3A_66, %dma_wait3A_67] : memref<10000x64xf32, #tpu.memory_space<hbm>> -> memref<10000x64xf32, #tpu.memory_space<hbm>>
        tpu.wait_indirect_dma semaphore(%arg15 : memref<!tpu.dma_semaphore, #tpu.memory_space<semaphore_mem>>) src(%dma_wait3A_68 : memref<10000x64xf32, #tpu.memory_space<hbm>>) dst(%arg10 : memref<125x64xf32, #tpu.memory_space<vmem>>)
        "tpu.region"() ({
          %run_scoped3A_99 = tpu.sem_alloc : memref<!tpu.dma_semaphore, #tpu.memory_space<semaphore_mem>>
          %dma_start3A_100 = arith.constant 0 : i32
          %dma_start3A_101 = tpu.memref_slice %arg8[%add3A_55, %dma_start3A_100] : memref<160x125xi32, #tpu.memory_space<vmem>> -> memref<1x125xi32, #tpu.memory_space<vmem>>
          %dma_start3A_102 = tpu.memref_squeeze %dma_start3A_101 : memref<1x125xi32, #tpu.memory_space<vmem>> -> memref<125xi32, #tpu.memory_space<vmem>>
          %dma_start3A_103 = arith.constant 0 : i32
          %dma_start3A_104 = arith.constant 0 : i32
          %dma_start3A_105 = tpu.memref_slice %arg13[%dma_start3A_103, %dma_start3A_104] : memref<10240x64xf32, #tpu.memory_space<vmem_shared>> -> memref<10240x64xf32, #tpu.memory_space<vmem_shared>>
          tpu.enqueue_indirect_dma source(%arg10 : memref<125x64xf32, #tpu.memory_space<vmem>>) target(%dma_start3A_105 : memref<10240x64xf32, #tpu.memory_space<vmem_shared>>) offsets(%dma_start3A_102 : memref<125xi32, #tpu.memory_space<vmem>>) semaphore(%run_scoped3A_99 : memref<!tpu.dma_semaphore, #tpu.memory_space<semaphore_mem>>) {add = true}
          %dma_wait3A_106 = arith.constant 0 : i32
          %dma_wait3A_107 = tpu.memref_slice %arg8[%add3A_55, %dma_wait3A_106] : memref<160x125xi32, #tpu.memory_space<vmem>> -> memref<1x125xi32, #tpu.memory_space<vmem>>
          %dma_wait3A_108 = tpu.memref_squeeze %dma_wait3A_107 : memref<1x125xi32, #tpu.memory_space<vmem>> -> memref<125xi32, #tpu.memory_space<vmem>>
          %dma_wait3A_109 = arith.constant 0 : i32
          %dma_wait3A_110 = arith.constant 0 : i32
          %dma_wait3A_111 = tpu.memref_slice %arg13[%dma_wait3A_109, %dma_wait3A_110] : memref<10240x64xf32, #tpu.memory_space<vmem_shared>> -> memref<10240x64xf32, #tpu.memory_space<vmem_shared>>
          tpu.wait_indirect_dma semaphore(%run_scoped3A_99 : memref<!tpu.dma_semaphore, #tpu.memory_space<semaphore_mem>>) src(%arg10 : memref<125x64xf32, #tpu.memory_space<vmem>>) dst(%dma_wait3A_111 : memref<10240x64xf32, #tpu.memory_space<vmem_shared>>)
          tpu.yield
        }) : () -> ()
        %add3A_69 = arith.constant 2 : i32
        %add3A_70 = arith.addi %mul3A_41, %add3A_69 : i32
        %add3A_71 = arith.constant 3 : i32
        %add3A_72 = arith.addi %add3A_70, %add3A_71 : i32
        %lt3A_73 = arith.constant 160 : i32
        %lt3A_74 = arith.cmpi slt, %add3A_72, %lt3A_73 : i32
        %convert_element_type3A_75 = arith.extui %lt3A_74 : i1 to i32
        %cond3A_76 = arith.constant 0 : i32
        %cond3A_77 = arith.cmpi ne, %convert_element_type3A_75, %cond3A_76 : i32
        scf.if %cond3A_77 {
          %dma_start3A_99 = arith.constant 0 : i32
          %dma_start3A_100 = tpu.memref_slice %arg7[%add3A_72, %dma_start3A_99] : memref<160x125xi32, #tpu.memory_space<vmem>> -> memref<1x125xi32, #tpu.memory_space<vmem>>
          %dma_start3A_101 = tpu.memref_squeeze %dma_start3A_100 : memref<1x125xi32, #tpu.memory_space<vmem>> -> memref<125xi32, #tpu.memory_space<vmem>>
          %dma_start3A_102 = arith.constant 0 : i32
          %dma_start3A_103 = arith.constant 0 : i32
          %dma_start3A_104 = tpu.memref_slice %arg3[%dma_start3A_102, %dma_start3A_103] : memref<10000x64xf32, #tpu.memory_space<hbm>> -> memref<10000x64xf32, #tpu.memory_space<hbm>>
          tpu.enqueue_indirect_dma source(%dma_start3A_104 : memref<10000x64xf32, #tpu.memory_space<hbm>>) target(%arg10 : memref<125x64xf32, #tpu.memory_space<vmem>>) offsets(%dma_start3A_101 : memref<125xi32, #tpu.memory_space<vmem>>) semaphore(%arg15 : memref<!tpu.dma_semaphore, #tpu.memory_space<semaphore_mem>>)
        } else {
        }
        %dma_wait3A_78 = arith.constant 0 : i32
        %dma_wait3A_79 = tpu.memref_slice %arg7[%add3A_70, %dma_wait3A_78] : memref<160x125xi32, #tpu.memory_space<vmem>> -> memref<1x125xi32, #tpu.memory_space<vmem>>
        %dma_wait3A_80 = tpu.memref_squeeze %dma_wait3A_79 : memref<1x125xi32, #tpu.memory_space<vmem>> -> memref<125xi32, #tpu.memory_space<vmem>>
        %dma_wait3A_81 = arith.constant 0 : i32
        %dma_wait3A_82 = arith.constant 0 : i32
        %dma_wait3A_83 = tpu.memref_slice %arg3[%dma_wait3A_81, %dma_wait3A_82] : memref<10000x64xf32, #tpu.memory_space<hbm>> -> memref<10000x64xf32, #tpu.memory_space<hbm>>
        tpu.wait_indirect_dma semaphore(%arg16 : memref<!tpu.dma_semaphore, #tpu.memory_space<semaphore_mem>>) src(%dma_wait3A_83 : memref<10000x64xf32, #tpu.memory_space<hbm>>) dst(%arg11 : memref<125x64xf32, #tpu.memory_space<vmem>>)
        "tpu.region"() ({
          %run_scoped3A_99 = tpu.sem_alloc : memref<!tpu.dma_semaphore, #tpu.memory_space<semaphore_mem>>
          %dma_start3A_100 = arith.constant 0 : i32
          %dma_start3A_101 = tpu.memref_slice %arg8[%add3A_70, %dma_start3A_100] : memref<160x125xi32, #tpu.memory_space<vmem>> -> memref<1x125xi32, #tpu.memory_space<vmem>>
          %dma_start3A_102 = tpu.memref_squeeze %dma_start3A_101 : memref<1x125xi32, #tpu.memory_space<vmem>> -> memref<125xi32, #tpu.memory_space<vmem>>
          %dma_start3A_103 = arith.constant 0 : i32
          %dma_start3A_104 = arith.constant 0 : i32
          %dma_start3A_105 = tpu.memref_slice %arg13[%dma_start3A_103, %dma_start3A_104] : memref<10240x64xf32, #tpu.memory_space<vmem_shared>> -> memref<10240x64xf32, #tpu.memory_space<vmem_shared>>
          tpu.enqueue_indirect_dma source(%arg11 : memref<125x64xf32, #tpu.memory_space<vmem>>) target(%dma_start3A_105 : memref<10240x64xf32, #tpu.memory_space<vmem_shared>>) offsets(%dma_start3A_102 : memref<125xi32, #tpu.memory_space<vmem>>) semaphore(%run_scoped3A_99 : memref<!tpu.dma_semaphore, #tpu.memory_space<semaphore_mem>>) {add = true}
          %dma_wait3A_106 = arith.constant 0 : i32
          %dma_wait3A_107 = tpu.memref_slice %arg8[%add3A_70, %dma_wait3A_106] : memref<160x125xi32, #tpu.memory_space<vmem>> -> memref<1x125xi32, #tpu.memory_space<vmem>>
          %dma_wait3A_108 = tpu.memref_squeeze %dma_wait3A_107 : memref<1x125xi32, #tpu.memory_space<vmem>> -> memref<125xi32, #tpu.memory_space<vmem>>
          %dma_wait3A_109 = arith.constant 0 : i32
          %dma_wait3A_110 = arith.constant 0 : i32
          %dma_wait3A_111 = tpu.memref_slice %arg13[%dma_wait3A_109, %dma_wait3A_110] : memref<10240x64xf32, #tpu.memory_space<vmem_shared>> -> memref<10240x64xf32, #tpu.memory_space<vmem_shared>>
          tpu.wait_indirect_dma semaphore(%run_scoped3A_99 : memref<!tpu.dma_semaphore, #tpu.memory_space<semaphore_mem>>) src(%arg11 : memref<125x64xf32, #tpu.memory_space<vmem>>) dst(%dma_wait3A_111 : memref<10240x64xf32, #tpu.memory_space<vmem_shared>>)
          tpu.yield
        }) : () -> ()
        %add3A_84 = arith.constant 3 : i32
        %add3A_85 = arith.addi %mul3A_41, %add3A_84 : i32
        %add3A_86 = arith.constant 3 : i32
        %add3A_87 = arith.addi %add3A_85, %add3A_86 : i32
        %lt3A_88 = arith.constant 160 : i32
        %lt3A_89 = arith.cmpi slt, %add3A_87, %lt3A_88 : i32
        %convert_element_type3A_90 = arith.extui %lt3A_89 : i1 to i32
        %cond3A_91 = arith.constant 0 : i32
        %cond3A_92 = arith.cmpi ne, %convert_element_type3A_90, %cond3A_91 : i32
        scf.if %cond3A_92 {
          %dma_start3A_99 = arith.constant 0 : i32
          %dma_start3A_100 = tpu.memref_slice %arg7[%add3A_87, %dma_start3A_99] : memref<160x125xi32, #tpu.memory_space<vmem>> -> memref<1x125xi32, #tpu.memory_space<vmem>>
          %dma_start3A_101 = tpu.memref_squeeze %dma_start3A_100 : memref<1x125xi32, #tpu.memory_space<vmem>> -> memref<125xi32, #tpu.memory_space<vmem>>
          %dma_start3A_102 = arith.constant 0 : i32
          %dma_start3A_103 = arith.constant 0 : i32
          %dma_start3A_104 = tpu.memref_slice %arg3[%dma_start3A_102, %dma_start3A_103] : memref<10000x64xf32, #tpu.memory_space<hbm>> -> memref<10000x64xf32, #tpu.memory_space<hbm>>
          tpu.enqueue_indirect_dma source(%dma_start3A_104 : memref<10000x64xf32, #tpu.memory_space<hbm>>) target(%arg11 : memref<125x64xf32, #tpu.memory_space<vmem>>) offsets(%dma_start3A_101 : memref<125xi32, #tpu.memory_space<vmem>>) semaphore(%arg16 : memref<!tpu.dma_semaphore, #tpu.memory_space<semaphore_mem>>)
        } else {
        }
        %dma_wait3A_93 = arith.constant 0 : i32
        %dma_wait3A_94 = tpu.memref_slice %arg7[%add3A_85, %dma_wait3A_93] : memref<160x125xi32, #tpu.memory_space<vmem>> -> memref<1x125xi32, #tpu.memory_space<vmem>>
        %dma_wait3A_95 = tpu.memref_squeeze %dma_wait3A_94 : memref<1x125xi32, #tpu.memory_space<vmem>> -> memref<125xi32, #tpu.memory_space<vmem>>
        %dma_wait3A_96 = arith.constant 0 : i32
        %dma_wait3A_97 = arith.constant 0 : i32
        %dma_wait3A_98 = tpu.memref_slice %arg3[%dma_wait3A_96, %dma_wait3A_97] : memref<10000x64xf32, #tpu.memory_space<hbm>> -> memref<10000x64xf32, #tpu.memory_space<hbm>>
        tpu.wait_indirect_dma semaphore(%arg17 : memref<!tpu.dma_semaphore, #tpu.memory_space<semaphore_mem>>) src(%dma_wait3A_98 : memref<10000x64xf32, #tpu.memory_space<hbm>>) dst(%arg12 : memref<125x64xf32, #tpu.memory_space<vmem>>)
        "tpu.region"() ({
          %run_scoped3A_99 = tpu.sem_alloc : memref<!tpu.dma_semaphore, #tpu.memory_space<semaphore_mem>>
          %dma_start3A_100 = arith.constant 0 : i32
          %dma_start3A_101 = tpu.memref_slice %arg8[%add3A_85, %dma_start3A_100] : memref<160x125xi32, #tpu.memory_space<vmem>> -> memref<1x125xi32, #tpu.memory_space<vmem>>
          %dma_start3A_102 = tpu.memref_squeeze %dma_start3A_101 : memref<1x125xi32, #tpu.memory_space<vmem>> -> memref<125xi32, #tpu.memory_space<vmem>>
          %dma_start3A_103 = arith.constant 0 : i32
          %dma_start3A_104 = arith.constant 0 : i32
          %dma_start3A_105 = tpu.memref_slice %arg13[%dma_start3A_103, %dma_start3A_104] : memref<10240x64xf32, #tpu.memory_space<vmem_shared>> -> memref<10240x64xf32, #tpu.memory_space<vmem_shared>>
          tpu.enqueue_indirect_dma source(%arg12 : memref<125x64xf32, #tpu.memory_space<vmem>>) target(%dma_start3A_105 : memref<10240x64xf32, #tpu.memory_space<vmem_shared>>) offsets(%dma_start3A_102 : memref<125xi32, #tpu.memory_space<vmem>>) semaphore(%run_scoped3A_99 : memref<!tpu.dma_semaphore, #tpu.memory_space<semaphore_mem>>) {add = true}
          %dma_wait3A_106 = arith.constant 0 : i32
          %dma_wait3A_107 = tpu.memref_slice %arg8[%add3A_85, %dma_wait3A_106] : memref<160x125xi32, #tpu.memory_space<vmem>> -> memref<1x125xi32, #tpu.memory_space<vmem>>
          %dma_wait3A_108 = tpu.memref_squeeze %dma_wait3A_107 : memref<1x125xi32, #tpu.memory_space<vmem>> -> memref<125xi32, #tpu.memory_space<vmem>>
          %dma_wait3A_109 = arith.constant 0 : i32
          %dma_wait3A_110 = arith.constant 0 : i32
          %dma_wait3A_111 = tpu.memref_slice %arg13[%dma_wait3A_109, %dma_wait3A_110] : memref<10240x64xf32, #tpu.memory_space<vmem_shared>> -> memref<10240x64xf32, #tpu.memory_space<vmem_shared>>
          tpu.wait_indirect_dma semaphore(%run_scoped3A_99 : memref<!tpu.dma_semaphore, #tpu.memory_space<semaphore_mem>>) src(%arg12 : memref<125x64xf32, #tpu.memory_space<vmem>>) dst(%dma_wait3A_111 : memref<10240x64xf32, #tpu.memory_space<vmem_shared>>)
          tpu.yield
        }) : () -> ()
      }
      %scan3A_38 = arith.constant 40 : i32
    } else {
    }
    %barrier3A_9 = arith.constant 0 : index
    tpu.barrier barrier_id(%barrier3A_9)
    %mul3A_10 = arith.constant 640 : i32
    %mul3A_11 = arith.muli %arg1, %mul3A_10 : i32
    %mul3A_12 = arith.constant 640 : i32
    %mul3A_13 = arith.muli %arg1, %mul3A_12 : i32
    "tpu.region"() ({
      %run_scoped3A_14 = tpu.sem_alloc : memref<!tpu.dma_semaphore, #tpu.memory_space<semaphore_mem>>
      %dma_start3A = arith.constant 0 : i32
      %dma_start3A_15 = tpu.memref_slice %arg6[%arg0, %mul3A_13, %dma_start3A] : memref<2x10240x64xf32, #tpu.memory_space<hbm>> -> memref<1x640x64xf32, #tpu.memory_space<hbm>>
      %dma_start3A_16 = tpu.memref_squeeze %dma_start3A_15 : memref<1x640x64xf32, #tpu.memory_space<hbm>> -> memref<640x64xf32, #tpu.memory_space<hbm>>
      %dma_start3A_17 = arith.constant 0 : i32
      %dma_start3A_18 = tpu.memref_slice %arg13[%mul3A_11, %dma_start3A_17] : memref<10240x64xf32, #tpu.memory_space<vmem_shared>> -> memref<640x64xf32, #tpu.memory_space<vmem_shared>>
      tpu.enqueue_dma source(%dma_start3A_18 : memref<640x64xf32, #tpu.memory_space<vmem_shared>>) target(%dma_start3A_16 : memref<640x64xf32, #tpu.memory_space<hbm>>) target_semaphore(%run_scoped3A_14 : memref<!tpu.dma_semaphore, #tpu.memory_space<semaphore_mem>>)
      %dma_wait3A = arith.constant 0 : i32
      %dma_wait3A_19 = tpu.memref_slice %arg6[%arg0, %mul3A_13, %dma_wait3A] : memref<2x10240x64xf32, #tpu.memory_space<hbm>> -> memref<1x640x64xf32, #tpu.memory_space<hbm>>
      %dma_wait3A_20 = tpu.memref_squeeze %dma_wait3A_19 : memref<1x640x64xf32, #tpu.memory_space<hbm>> -> memref<640x64xf32, #tpu.memory_space<hbm>>
      %dma_wait3A_21 = arith.constant 0 : i32
      %dma_wait3A_22 = tpu.memref_slice %arg13[%mul3A_11, %dma_wait3A_21] : memref<10240x64xf32, #tpu.memory_space<vmem_shared>> -> memref<640x64xf32, #tpu.memory_space<vmem_shared>>
      tpu.wait_dma2 semaphore(%run_scoped3A_14 : memref<!tpu.dma_semaphore, #tpu.memory_space<semaphore_mem>>) src(%dma_wait3A_22 : memref<640x64xf32, #tpu.memory_space<vmem_shared>>) dst(%dma_wait3A_20 : memref<640x64xf32, #tpu.memory_space<hbm>>)
      tpu.yield
    }) : () -> ()
    return
  }
}

#map = affine_map<(d0, d1) -> (0, 0)>
#map1 = affine_map<(d0, d1) -> (0, 0, 0, 0)>
#map2 = affine_map<(d0, d1) -> (0, 0, 0)>
module attributes {stable_mosaic.version = 14 : i64} {
  func.func @_edge_agg_body(%arg0: i32, %arg1: i32, %arg2: memref<10000x64xf32, #tpu.memory_space<hbm>>, %arg3: memref<10000x64xf32, #tpu.memory_space<hbm>>, %arg4: memref<2x16x160x125xi32, #tpu.memory_space<hbm>>, %arg5: memref<640x64xf32, #tpu.memory_space<hbm>>, %arg6: memref<2x10240x64xf32, #tpu.memory_space<hbm>>, %arg7: memref<160x125xi32, #tpu.memory_space<vmem>>, %arg8: memref<160x125xi32, #tpu.memory_space<vmem>>, %arg9: memref<125x64xf32, #tpu.memory_space<vmem>>, %arg10: memref<125x64xf32, #tpu.memory_space<vmem>>, %arg11: memref<125x64xf32, #tpu.memory_space<vmem>>, %arg12: memref<125x64xf32, #tpu.memory_space<vmem>>, %arg13: memref<10240x64xf32, #tpu.memory_space<vmem_shared>>, %arg14: memref<!tpu.dma_semaphore, #tpu.memory_space<semaphore_mem>>, %arg15: memref<!tpu.dma_semaphore, #tpu.memory_space<semaphore_mem>>, %arg16: memref<!tpu.dma_semaphore, #tpu.memory_space<semaphore_mem>>, %arg17: memref<!tpu.dma_semaphore, #tpu.memory_space<semaphore_mem>>) attributes {dimension_semantics = [#tpu.dimension_semantics<core_parallel>, #tpu.dimension_semantics<subcore_parallel>], iteration_bounds = array<i64: 2, 16>, scalar_prefetch = 0 : i64, scratch_operands = 11 : i64, tpu.core_type = #tpu.core_type<sc_vector_subcore>, window_params = [{transform_indices = #map}, {transform_indices = #map}, {transform_indices = #map1}, {transform_indices = #map}, {transform_indices = #map2}]} {
    %mul3A = arith.constant 640 : i32
    %mul3A_0 = arith.muli %arg1, %mul3A : i32
    "tpu.region"() ({
      %run_scoped3A_14 = tpu.sem_alloc : memref<!tpu.dma_semaphore, #tpu.memory_space<semaphore_mem>>
      %dma_start3A = arith.constant 0 : i32
      %dma_start3A_15 = tpu.memref_slice %arg13[%mul3A_0, %dma_start3A] : memref<10240x64xf32, #tpu.memory_space<vmem_shared>> -> memref<640x64xf32, #tpu.memory_space<vmem_shared>>
      tpu.enqueue_dma source(%arg5 : memref<640x64xf32, #tpu.memory_space<hbm>>) target(%dma_start3A_15 : memref<640x64xf32, #tpu.memory_space<vmem_shared>>) target_semaphore(%run_scoped3A_14 : memref<!tpu.dma_semaphore, #tpu.memory_space<semaphore_mem>>)
      %dma_wait3A = arith.constant 0 : i32
      %dma_wait3A_16 = tpu.memref_slice %arg13[%mul3A_0, %dma_wait3A] : memref<10240x64xf32, #tpu.memory_space<vmem_shared>> -> memref<640x64xf32, #tpu.memory_space<vmem_shared>>
      tpu.wait_dma2 semaphore(%run_scoped3A_14 : memref<!tpu.dma_semaphore, #tpu.memory_space<semaphore_mem>>) src(%arg5 : memref<640x64xf32, #tpu.memory_space<hbm>>) dst(%dma_wait3A_16 : memref<640x64xf32, #tpu.memory_space<vmem_shared>>)
      tpu.yield
    }) : () -> ()
    %run_scoped3A = arith.constant 0 : i32
    "tpu.region"() ({
      %run_scoped3A_14 = tpu.sem_alloc : memref<!tpu.dma_semaphore, #tpu.memory_space<semaphore_mem>>
      %dma_start3A = arith.constant 0 : i32
      %dma_start3A_15 = arith.constant 0 : i32
      %dma_start3A_16 = tpu.memref_slice %arg4[%run_scoped3A, %arg1, %dma_start3A, %dma_start3A_15] : memref<2x16x160x125xi32, #tpu.memory_space<hbm>> -> memref<1x1x160x125xi32, #tpu.memory_space<hbm>>
      %dma_start3A_17 = tpu.memref_squeeze %dma_start3A_16 : memref<1x1x160x125xi32, #tpu.memory_space<hbm>> -> memref<160x125xi32, #tpu.memory_space<hbm>>
      %dma_start3A_18 = arith.constant 0 : i32
      %dma_start3A_19 = arith.constant 0 : i32
      %dma_start3A_20 = tpu.memref_slice %arg4[%run_scoped3A, %arg1, %dma_start3A_18, %dma_start3A_19] : memref<2x16x160x125xi32, #tpu.memory_space<hbm>> -> memref<1x1x160x125xi32, #tpu.memory_space<hbm>>
      %dma_start3A_21 = tpu.memref_squeeze %dma_start3A_20 : memref<1x1x160x125xi32, #tpu.memory_space<hbm>> -> memref<160x125xi32, #tpu.memory_space<hbm>>
      tpu.enqueue_dma source(%dma_start3A_21 : memref<160x125xi32, #tpu.memory_space<hbm>>) target(%arg7 : memref<160x125xi32, #tpu.memory_space<vmem>>) target_semaphore(%run_scoped3A_14 : memref<!tpu.dma_semaphore, #tpu.memory_space<semaphore_mem>>)
      %dma_wait3A = arith.constant 0 : i32
      %dma_wait3A_22 = arith.constant 0 : i32
      %dma_wait3A_23 = tpu.memref_slice %arg4[%run_scoped3A, %arg1, %dma_wait3A, %dma_wait3A_22] : memref<2x16x160x125xi32, #tpu.memory_space<hbm>> -> memref<1x1x160x125xi32, #tpu.memory_space<hbm>>
      %dma_wait3A_24 = tpu.memref_squeeze %dma_wait3A_23 : memref<1x1x160x125xi32, #tpu.memory_space<hbm>> -> memref<160x125xi32, #tpu.memory_space<hbm>>
      %dma_wait3A_25 = arith.constant 0 : i32
      %dma_wait3A_26 = arith.constant 0 : i32
      %dma_wait3A_27 = tpu.memref_slice %arg4[%run_scoped3A, %arg1, %dma_wait3A_25, %dma_wait3A_26] : memref<2x16x160x125xi32, #tpu.memory_space<hbm>> -> memref<1x1x160x125xi32, #tpu.memory_space<hbm>>
      %dma_wait3A_28 = tpu.memref_squeeze %dma_wait3A_27 : memref<1x1x160x125xi32, #tpu.memory_space<hbm>> -> memref<160x125xi32, #tpu.memory_space<hbm>>
      tpu.wait_dma2 semaphore(%run_scoped3A_14 : memref<!tpu.dma_semaphore, #tpu.memory_space<semaphore_mem>>) src(%dma_wait3A_28 : memref<160x125xi32, #tpu.memory_space<hbm>>) dst(%arg7 : memref<160x125xi32, #tpu.memory_space<vmem>>)
      tpu.yield
    }) : () -> ()
    %run_scoped3A_1 = arith.constant 1 : i32
    "tpu.region"() ({
      %run_scoped3A_14 = tpu.sem_alloc : memref<!tpu.dma_semaphore, #tpu.memory_space<semaphore_mem>>
      %dma_start3A = arith.constant 0 : i32
      %dma_start3A_15 = arith.constant 0 : i32
      %dma_start3A_16 = tpu.memref_slice %arg4[%run_scoped3A_1, %arg1, %dma_start3A, %dma_start3A_15] : memref<2x16x160x125xi32, #tpu.memory_space<hbm>> -> memref<1x1x160x125xi32, #tpu.memory_space<hbm>>
      %dma_start3A_17 = tpu.memref_squeeze %dma_start3A_16 : memref<1x1x160x125xi32, #tpu.memory_space<hbm>> -> memref<160x125xi32, #tpu.memory_space<hbm>>
      %dma_start3A_18 = arith.constant 0 : i32
      %dma_start3A_19 = arith.constant 0 : i32
      %dma_start3A_20 = tpu.memref_slice %arg4[%run_scoped3A_1, %arg1, %dma_start3A_18, %dma_start3A_19] : memref<2x16x160x125xi32, #tpu.memory_space<hbm>> -> memref<1x1x160x125xi32, #tpu.memory_space<hbm>>
      %dma_start3A_21 = tpu.memref_squeeze %dma_start3A_20 : memref<1x1x160x125xi32, #tpu.memory_space<hbm>> -> memref<160x125xi32, #tpu.memory_space<hbm>>
      tpu.enqueue_dma source(%dma_start3A_21 : memref<160x125xi32, #tpu.memory_space<hbm>>) target(%arg8 : memref<160x125xi32, #tpu.memory_space<vmem>>) target_semaphore(%run_scoped3A_14 : memref<!tpu.dma_semaphore, #tpu.memory_space<semaphore_mem>>)
      %dma_wait3A = arith.constant 0 : i32
      %dma_wait3A_22 = arith.constant 0 : i32
      %dma_wait3A_23 = tpu.memref_slice %arg4[%run_scoped3A_1, %arg1, %dma_wait3A, %dma_wait3A_22] : memref<2x16x160x125xi32, #tpu.memory_space<hbm>> -> memref<1x1x160x125xi32, #tpu.memory_space<hbm>>
      %dma_wait3A_24 = tpu.memref_squeeze %dma_wait3A_23 : memref<1x1x160x125xi32, #tpu.memory_space<hbm>> -> memref<160x125xi32, #tpu.memory_space<hbm>>
      %dma_wait3A_25 = arith.constant 0 : i32
      %dma_wait3A_26 = arith.constant 0 : i32
      %dma_wait3A_27 = tpu.memref_slice %arg4[%run_scoped3A_1, %arg1, %dma_wait3A_25, %dma_wait3A_26] : memref<2x16x160x125xi32, #tpu.memory_space<hbm>> -> memref<1x1x160x125xi32, #tpu.memory_space<hbm>>
      %dma_wait3A_28 = tpu.memref_squeeze %dma_wait3A_27 : memref<1x1x160x125xi32, #tpu.memory_space<hbm>> -> memref<160x125xi32, #tpu.memory_space<hbm>>
      tpu.wait_dma2 semaphore(%run_scoped3A_14 : memref<!tpu.dma_semaphore, #tpu.memory_space<semaphore_mem>>) src(%dma_wait3A_28 : memref<160x125xi32, #tpu.memory_space<hbm>>) dst(%arg8 : memref<160x125xi32, #tpu.memory_space<vmem>>)
      tpu.yield
    }) : () -> ()
    %barrier3A = arith.constant 0 : index
    tpu.barrier barrier_id(%barrier3A)
    %eq3A = arith.constant 0 : i32
    %eq3A_2 = arith.cmpi eq, %arg0, %eq3A : i32
    %convert_element_type3A = arith.extui %eq3A_2 : i1 to i32
    %cond3A = arith.constant 0 : i32
    %cond3A_3 = arith.cmpi ne, %convert_element_type3A, %cond3A : i32
    scf.if %cond3A_3 {
      %dma_start3A = arith.constant 0 : i32
      %dma_start3A_14 = arith.constant 0 : i32
      %dma_start3A_15 = tpu.memref_slice %arg7[%dma_start3A, %dma_start3A_14] : memref<160x125xi32, #tpu.memory_space<vmem>> -> memref<1x125xi32, #tpu.memory_space<vmem>>
      %dma_start3A_16 = tpu.memref_squeeze %dma_start3A_15 : memref<1x125xi32, #tpu.memory_space<vmem>> -> memref<125xi32, #tpu.memory_space<vmem>>
      %dma_start3A_17 = arith.constant 0 : i32
      %dma_start3A_18 = arith.constant 0 : i32
      %dma_start3A_19 = tpu.memref_slice %arg2[%dma_start3A_17, %dma_start3A_18] : memref<10000x64xf32, #tpu.memory_space<hbm>> -> memref<10000x64xf32, #tpu.memory_space<hbm>>
      tpu.enqueue_indirect_dma source(%dma_start3A_19 : memref<10000x64xf32, #tpu.memory_space<hbm>>) target(%arg9 : memref<125x64xf32, #tpu.memory_space<vmem>>) offsets(%dma_start3A_16 : memref<125xi32, #tpu.memory_space<vmem>>) semaphore(%arg14 : memref<!tpu.dma_semaphore, #tpu.memory_space<semaphore_mem>>)
      %dma_start3A_20 = arith.constant 1 : i32
      %dma_start3A_21 = arith.constant 0 : i32
      %dma_start3A_22 = tpu.memref_slice %arg7[%dma_start3A_20, %dma_start3A_21] : memref<160x125xi32, #tpu.memory_space<vmem>> -> memref<1x125xi32, #tpu.memory_space<vmem>>
      %dma_start3A_23 = tpu.memref_squeeze %dma_start3A_22 : memref<1x125xi32, #tpu.memory_space<vmem>> -> memref<125xi32, #tpu.memory_space<vmem>>
      %dma_start3A_24 = arith.constant 0 : i32
      %dma_start3A_25 = arith.constant 0 : i32
      %dma_start3A_26 = tpu.memref_slice %arg2[%dma_start3A_24, %dma_start3A_25] : memref<10000x64xf32, #tpu.memory_space<hbm>> -> memref<10000x64xf32, #tpu.memory_space<hbm>>
      tpu.enqueue_indirect_dma source(%dma_start3A_26 : memref<10000x64xf32, #tpu.memory_space<hbm>>) target(%arg10 : memref<125x64xf32, #tpu.memory_space<vmem>>) offsets(%dma_start3A_23 : memref<125xi32, #tpu.memory_space<vmem>>) semaphore(%arg15 : memref<!tpu.dma_semaphore, #tpu.memory_space<semaphore_mem>>)
      %dma_start3A_27 = arith.constant 2 : i32
      %dma_start3A_28 = arith.constant 0 : i32
      %dma_start3A_29 = tpu.memref_slice %arg7[%dma_start3A_27, %dma_start3A_28] : memref<160x125xi32, #tpu.memory_space<vmem>> -> memref<1x125xi32, #tpu.memory_space<vmem>>
      %dma_start3A_30 = tpu.memref_squeeze %dma_start3A_29 : memref<1x125xi32, #tpu.memory_space<vmem>> -> memref<125xi32, #tpu.memory_space<vmem>>
      %dma_start3A_31 = arith.constant 0 : i32
      %dma_start3A_32 = arith.constant 0 : i32
      %dma_start3A_33 = tpu.memref_slice %arg2[%dma_start3A_31, %dma_start3A_32] : memref<10000x64xf32, #tpu.memory_space<hbm>> -> memref<10000x64xf32, #tpu.memory_space<hbm>>
      tpu.enqueue_indirect_dma source(%dma_start3A_33 : memref<10000x64xf32, #tpu.memory_space<hbm>>) target(%arg11 : memref<125x64xf32, #tpu.memory_space<vmem>>) offsets(%dma_start3A_30 : memref<125xi32, #tpu.memory_space<vmem>>) semaphore(%arg16 : memref<!tpu.dma_semaphore, #tpu.memory_space<semaphore_mem>>)
      %scan3A = arith.constant 0 : i32
      %scan3A_34 = arith.constant 0 : i32
      %scan3A_35 = arith.constant 40 : i32
      %scan3A_36 = arith.addi %scan3A_34, %scan3A_35 : i32
      %scan3A_37 = arith.constant 1 : i32
      scf.for %scan3A_39 = %scan3A_34 to %scan3A_36 step %scan3A_37  : i32 {
        %mul3A_40 = arith.constant 4 : i32
        %mul3A_41 = arith.muli %mul3A_40, %scan3A_39 : i32
        %add3A = arith.constant 0 : i32
        %add3A_42 = arith.addi %mul3A_41, %add3A : i32
        %add3A_43 = arith.constant 3 : i32
        %add3A_44 = arith.addi %add3A_42, %add3A_43 : i32
        %lt3A = arith.constant 160 : i32
        %lt3A_45 = arith.cmpi slt, %add3A_44, %lt3A : i32
        %convert_element_type3A_46 = arith.extui %lt3A_45 : i1 to i32
        %cond3A_47 = arith.constant 0 : i32
        %cond3A_48 = arith.cmpi ne, %convert_element_type3A_46, %cond3A_47 : i32
        scf.if %cond3A_48 {
          %dma_start3A_99 = arith.constant 0 : i32
          %dma_start3A_100 = tpu.memref_slice %arg7[%add3A_44, %dma_start3A_99] : memref<160x125xi32, #tpu.memory_space<vmem>> -> memref<1x125xi32, #tpu.memory_space<vmem>>
          %dma_start3A_101 = tpu.memref_squeeze %dma_start3A_100 : memref<1x125xi32, #tpu.memory_space<vmem>> -> memref<125xi32, #tpu.memory_space<vmem>>
          %dma_start3A_102 = arith.constant 0 : i32
          %dma_start3A_103 = arith.constant 0 : i32
          %dma_start3A_104 = tpu.memref_slice %arg2[%dma_start3A_102, %dma_start3A_103] : memref<10000x64xf32, #tpu.memory_space<hbm>> -> memref<10000x64xf32, #tpu.memory_space<hbm>>
          tpu.enqueue_indirect_dma source(%dma_start3A_104 : memref<10000x64xf32, #tpu.memory_space<hbm>>) target(%arg12 : memref<125x64xf32, #tpu.memory_space<vmem>>) offsets(%dma_start3A_101 : memref<125xi32, #tpu.memory_space<vmem>>) semaphore(%arg17 : memref<!tpu.dma_semaphore, #tpu.memory_space<semaphore_mem>>)
        } else {
        }
        %dma_wait3A = arith.constant 0 : i32
        %dma_wait3A_49 = tpu.memref_slice %arg7[%add3A_42, %dma_wait3A] : memref<160x125xi32, #tpu.memory_space<vmem>> -> memref<1x125xi32, #tpu.memory_space<vmem>>
        %dma_wait3A_50 = tpu.memref_squeeze %dma_wait3A_49 : memref<1x125xi32, #tpu.memory_space<vmem>> -> memref<125xi32, #tpu.memory_space<vmem>>
        %dma_wait3A_51 = arith.constant 0 : i32
        %dma_wait3A_52 = arith.constant 0 : i32
        %dma_wait3A_53 = tpu.memref_slice %arg2[%dma_wait3A_51, %dma_wait3A_52] : memref<10000x64xf32, #tpu.memory_space<hbm>> -> memref<10000x64xf32, #tpu.memory_space<hbm>>
        tpu.wait_indirect_dma semaphore(%arg14 : memref<!tpu.dma_semaphore, #tpu.memory_space<semaphore_mem>>) src(%dma_wait3A_53 : memref<10000x64xf32, #tpu.memory_space<hbm>>) dst(%arg9 : memref<125x64xf32, #tpu.memory_space<vmem>>)
        "tpu.region"() ({
          %run_scoped3A_99 = tpu.sem_alloc : memref<!tpu.dma_semaphore, #tpu.memory_space<semaphore_mem>>
          %dma_start3A_100 = arith.constant 0 : i32
          %dma_start3A_101 = tpu.memref_slice %arg8[%add3A_42, %dma_start3A_100] : memref<160x125xi32, #tpu.memory_space<vmem>> -> memref<1x125xi32, #tpu.memory_space<vmem>>
          %dma_start3A_102 = tpu.memref_squeeze %dma_start3A_101 : memref<1x125xi32, #tpu.memory_space<vmem>> -> memref<125xi32, #tpu.memory_space<vmem>>
          %dma_start3A_103 = arith.constant 0 : i32
          %dma_start3A_104 = arith.constant 0 : i32
          %dma_start3A_105 = tpu.memref_slice %arg13[%dma_start3A_103, %dma_start3A_104] : memref<10240x64xf32, #tpu.memory_space<vmem_shared>> -> memref<10240x64xf32, #tpu.memory_space<vmem_shared>>
          tpu.enqueue_indirect_dma source(%arg9 : memref<125x64xf32, #tpu.memory_space<vmem>>) target(%dma_start3A_105 : memref<10240x64xf32, #tpu.memory_space<vmem_shared>>) offsets(%dma_start3A_102 : memref<125xi32, #tpu.memory_space<vmem>>) semaphore(%run_scoped3A_99 : memref<!tpu.dma_semaphore, #tpu.memory_space<semaphore_mem>>) {add = true}
          %dma_wait3A_106 = arith.constant 0 : i32
          %dma_wait3A_107 = tpu.memref_slice %arg8[%add3A_42, %dma_wait3A_106] : memref<160x125xi32, #tpu.memory_space<vmem>> -> memref<1x125xi32, #tpu.memory_space<vmem>>
          %dma_wait3A_108 = tpu.memref_squeeze %dma_wait3A_107 : memref<1x125xi32, #tpu.memory_space<vmem>> -> memref<125xi32, #tpu.memory_space<vmem>>
          %dma_wait3A_109 = arith.constant 0 : i32
          %dma_wait3A_110 = arith.constant 0 : i32
          %dma_wait3A_111 = tpu.memref_slice %arg13[%dma_wait3A_109, %dma_wait3A_110] : memref<10240x64xf32, #tpu.memory_space<vmem_shared>> -> memref<10240x64xf32, #tpu.memory_space<vmem_shared>>
          tpu.wait_indirect_dma semaphore(%run_scoped3A_99 : memref<!tpu.dma_semaphore, #tpu.memory_space<semaphore_mem>>) src(%arg9 : memref<125x64xf32, #tpu.memory_space<vmem>>) dst(%dma_wait3A_111 : memref<10240x64xf32, #tpu.memory_space<vmem_shared>>)
          tpu.yield
        }) : () -> ()
        %add3A_54 = arith.constant 1 : i32
        %add3A_55 = arith.addi %mul3A_41, %add3A_54 : i32
        %add3A_56 = arith.constant 3 : i32
        %add3A_57 = arith.addi %add3A_55, %add3A_56 : i32
        %lt3A_58 = arith.constant 160 : i32
        %lt3A_59 = arith.cmpi slt, %add3A_57, %lt3A_58 : i32
        %convert_element_type3A_60 = arith.extui %lt3A_59 : i1 to i32
        %cond3A_61 = arith.constant 0 : i32
        %cond3A_62 = arith.cmpi ne, %convert_element_type3A_60, %cond3A_61 : i32
        scf.if %cond3A_62 {
          %dma_start3A_99 = arith.constant 0 : i32
          %dma_start3A_100 = tpu.memref_slice %arg7[%add3A_57, %dma_start3A_99] : memref<160x125xi32, #tpu.memory_space<vmem>> -> memref<1x125xi32, #tpu.memory_space<vmem>>
          %dma_start3A_101 = tpu.memref_squeeze %dma_start3A_100 : memref<1x125xi32, #tpu.memory_space<vmem>> -> memref<125xi32, #tpu.memory_space<vmem>>
          %dma_start3A_102 = arith.constant 0 : i32
          %dma_start3A_103 = arith.constant 0 : i32
          %dma_start3A_104 = tpu.memref_slice %arg2[%dma_start3A_102, %dma_start3A_103] : memref<10000x64xf32, #tpu.memory_space<hbm>> -> memref<10000x64xf32, #tpu.memory_space<hbm>>
          tpu.enqueue_indirect_dma source(%dma_start3A_104 : memref<10000x64xf32, #tpu.memory_space<hbm>>) target(%arg9 : memref<125x64xf32, #tpu.memory_space<vmem>>) offsets(%dma_start3A_101 : memref<125xi32, #tpu.memory_space<vmem>>) semaphore(%arg14 : memref<!tpu.dma_semaphore, #tpu.memory_space<semaphore_mem>>)
        } else {
        }
        %dma_wait3A_63 = arith.constant 0 : i32
        %dma_wait3A_64 = tpu.memref_slice %arg7[%add3A_55, %dma_wait3A_63] : memref<160x125xi32, #tpu.memory_space<vmem>> -> memref<1x125xi32, #tpu.memory_space<vmem>>
        %dma_wait3A_65 = tpu.memref_squeeze %dma_wait3A_64 : memref<1x125xi32, #tpu.memory_space<vmem>> -> memref<125xi32, #tpu.memory_space<vmem>>
        %dma_wait3A_66 = arith.constant 0 : i32
        %dma_wait3A_67 = arith.constant 0 : i32
        %dma_wait3A_68 = tpu.memref_slice %arg2[%dma_wait3A_66, %dma_wait3A_67] : memref<10000x64xf32, #tpu.memory_space<hbm>> -> memref<10000x64xf32, #tpu.memory_space<hbm>>
        tpu.wait_indirect_dma semaphore(%arg15 : memref<!tpu.dma_semaphore, #tpu.memory_space<semaphore_mem>>) src(%dma_wait3A_68 : memref<10000x64xf32, #tpu.memory_space<hbm>>) dst(%arg10 : memref<125x64xf32, #tpu.memory_space<vmem>>)
        "tpu.region"() ({
          %run_scoped3A_99 = tpu.sem_alloc : memref<!tpu.dma_semaphore, #tpu.memory_space<semaphore_mem>>
          %dma_start3A_100 = arith.constant 0 : i32
          %dma_start3A_101 = tpu.memref_slice %arg8[%add3A_55, %dma_start3A_100] : memref<160x125xi32, #tpu.memory_space<vmem>> -> memref<1x125xi32, #tpu.memory_space<vmem>>
          %dma_start3A_102 = tpu.memref_squeeze %dma_start3A_101 : memref<1x125xi32, #tpu.memory_space<vmem>> -> memref<125xi32, #tpu.memory_space<vmem>>
          %dma_start3A_103 = arith.constant 0 : i32
          %dma_start3A_104 = arith.constant 0 : i32
          %dma_start3A_105 = tpu.memref_slice %arg13[%dma_start3A_103, %dma_start3A_104] : memref<10240x64xf32, #tpu.memory_space<vmem_shared>> -> memref<10240x64xf32, #tpu.memory_space<vmem_shared>>
          tpu.enqueue_indirect_dma source(%arg10 : memref<125x64xf32, #tpu.memory_space<vmem>>) target(%dma_start3A_105 : memref<10240x64xf32, #tpu.memory_space<vmem_shared>>) offsets(%dma_start3A_102 : memref<125xi32, #tpu.memory_space<vmem>>) semaphore(%run_scoped3A_99 : memref<!tpu.dma_semaphore, #tpu.memory_space<semaphore_mem>>) {add = true}
          %dma_wait3A_106 = arith.constant 0 : i32
          %dma_wait3A_107 = tpu.memref_slice %arg8[%add3A_55, %dma_wait3A_106] : memref<160x125xi32, #tpu.memory_space<vmem>> -> memref<1x125xi32, #tpu.memory_space<vmem>>
          %dma_wait3A_108 = tpu.memref_squeeze %dma_wait3A_107 : memref<1x125xi32, #tpu.memory_space<vmem>> -> memref<125xi32, #tpu.memory_space<vmem>>
          %dma_wait3A_109 = arith.constant 0 : i32
          %dma_wait3A_110 = arith.constant 0 : i32
          %dma_wait3A_111 = tpu.memref_slice %arg13[%dma_wait3A_109, %dma_wait3A_110] : memref<10240x64xf32, #tpu.memory_space<vmem_shared>> -> memref<10240x64xf32, #tpu.memory_space<vmem_shared>>
          tpu.wait_indirect_dma semaphore(%run_scoped3A_99 : memref<!tpu.dma_semaphore, #tpu.memory_space<semaphore_mem>>) src(%arg10 : memref<125x64xf32, #tpu.memory_space<vmem>>) dst(%dma_wait3A_111 : memref<10240x64xf32, #tpu.memory_space<vmem_shared>>)
          tpu.yield
        }) : () -> ()
        %add3A_69 = arith.constant 2 : i32
        %add3A_70 = arith.addi %mul3A_41, %add3A_69 : i32
        %add3A_71 = arith.constant 3 : i32
        %add3A_72 = arith.addi %add3A_70, %add3A_71 : i32
        %lt3A_73 = arith.constant 160 : i32
        %lt3A_74 = arith.cmpi slt, %add3A_72, %lt3A_73 : i32
        %convert_element_type3A_75 = arith.extui %lt3A_74 : i1 to i32
        %cond3A_76 = arith.constant 0 : i32
        %cond3A_77 = arith.cmpi ne, %convert_element_type3A_75, %cond3A_76 : i32
        scf.if %cond3A_77 {
          %dma_start3A_99 = arith.constant 0 : i32
          %dma_start3A_100 = tpu.memref_slice %arg7[%add3A_72, %dma_start3A_99] : memref<160x125xi32, #tpu.memory_space<vmem>> -> memref<1x125xi32, #tpu.memory_space<vmem>>
          %dma_start3A_101 = tpu.memref_squeeze %dma_start3A_100 : memref<1x125xi32, #tpu.memory_space<vmem>> -> memref<125xi32, #tpu.memory_space<vmem>>
          %dma_start3A_102 = arith.constant 0 : i32
          %dma_start3A_103 = arith.constant 0 : i32
          %dma_start3A_104 = tpu.memref_slice %arg2[%dma_start3A_102, %dma_start3A_103] : memref<10000x64xf32, #tpu.memory_space<hbm>> -> memref<10000x64xf32, #tpu.memory_space<hbm>>
          tpu.enqueue_indirect_dma source(%dma_start3A_104 : memref<10000x64xf32, #tpu.memory_space<hbm>>) target(%arg10 : memref<125x64xf32, #tpu.memory_space<vmem>>) offsets(%dma_start3A_101 : memref<125xi32, #tpu.memory_space<vmem>>) semaphore(%arg15 : memref<!tpu.dma_semaphore, #tpu.memory_space<semaphore_mem>>)
        } else {
        }
        %dma_wait3A_78 = arith.constant 0 : i32
        %dma_wait3A_79 = tpu.memref_slice %arg7[%add3A_70, %dma_wait3A_78] : memref<160x125xi32, #tpu.memory_space<vmem>> -> memref<1x125xi32, #tpu.memory_space<vmem>>
        %dma_wait3A_80 = tpu.memref_squeeze %dma_wait3A_79 : memref<1x125xi32, #tpu.memory_space<vmem>> -> memref<125xi32, #tpu.memory_space<vmem>>
        %dma_wait3A_81 = arith.constant 0 : i32
        %dma_wait3A_82 = arith.constant 0 : i32
        %dma_wait3A_83 = tpu.memref_slice %arg2[%dma_wait3A_81, %dma_wait3A_82] : memref<10000x64xf32, #tpu.memory_space<hbm>> -> memref<10000x64xf32, #tpu.memory_space<hbm>>
        tpu.wait_indirect_dma semaphore(%arg16 : memref<!tpu.dma_semaphore, #tpu.memory_space<semaphore_mem>>) src(%dma_wait3A_83 : memref<10000x64xf32, #tpu.memory_space<hbm>>) dst(%arg11 : memref<125x64xf32, #tpu.memory_space<vmem>>)
        "tpu.region"() ({
          %run_scoped3A_99 = tpu.sem_alloc : memref<!tpu.dma_semaphore, #tpu.memory_space<semaphore_mem>>
          %dma_start3A_100 = arith.constant 0 : i32
          %dma_start3A_101 = tpu.memref_slice %arg8[%add3A_70, %dma_start3A_100] : memref<160x125xi32, #tpu.memory_space<vmem>> -> memref<1x125xi32, #tpu.memory_space<vmem>>
          %dma_start3A_102 = tpu.memref_squeeze %dma_start3A_101 : memref<1x125xi32, #tpu.memory_space<vmem>> -> memref<125xi32, #tpu.memory_space<vmem>>
          %dma_start3A_103 = arith.constant 0 : i32
          %dma_start3A_104 = arith.constant 0 : i32
          %dma_start3A_105 = tpu.memref_slice %arg13[%dma_start3A_103, %dma_start3A_104] : memref<10240x64xf32, #tpu.memory_space<vmem_shared>> -> memref<10240x64xf32, #tpu.memory_space<vmem_shared>>
          tpu.enqueue_indirect_dma source(%arg11 : memref<125x64xf32, #tpu.memory_space<vmem>>) target(%dma_start3A_105 : memref<10240x64xf32, #tpu.memory_space<vmem_shared>>) offsets(%dma_start3A_102 : memref<125xi32, #tpu.memory_space<vmem>>) semaphore(%run_scoped3A_99 : memref<!tpu.dma_semaphore, #tpu.memory_space<semaphore_mem>>) {add = true}
          %dma_wait3A_106 = arith.constant 0 : i32
          %dma_wait3A_107 = tpu.memref_slice %arg8[%add3A_70, %dma_wait3A_106] : memref<160x125xi32, #tpu.memory_space<vmem>> -> memref<1x125xi32, #tpu.memory_space<vmem>>
          %dma_wait3A_108 = tpu.memref_squeeze %dma_wait3A_107 : memref<1x125xi32, #tpu.memory_space<vmem>> -> memref<125xi32, #tpu.memory_space<vmem>>
          %dma_wait3A_109 = arith.constant 0 : i32
          %dma_wait3A_110 = arith.constant 0 : i32
          %dma_wait3A_111 = tpu.memref_slice %arg13[%dma_wait3A_109, %dma_wait3A_110] : memref<10240x64xf32, #tpu.memory_space<vmem_shared>> -> memref<10240x64xf32, #tpu.memory_space<vmem_shared>>
          tpu.wait_indirect_dma semaphore(%run_scoped3A_99 : memref<!tpu.dma_semaphore, #tpu.memory_space<semaphore_mem>>) src(%arg11 : memref<125x64xf32, #tpu.memory_space<vmem>>) dst(%dma_wait3A_111 : memref<10240x64xf32, #tpu.memory_space<vmem_shared>>)
          tpu.yield
        }) : () -> ()
        %add3A_84 = arith.constant 3 : i32
        %add3A_85 = arith.addi %mul3A_41, %add3A_84 : i32
        %add3A_86 = arith.constant 3 : i32
        %add3A_87 = arith.addi %add3A_85, %add3A_86 : i32
        %lt3A_88 = arith.constant 160 : i32
        %lt3A_89 = arith.cmpi slt, %add3A_87, %lt3A_88 : i32
        %convert_element_type3A_90 = arith.extui %lt3A_89 : i1 to i32
        %cond3A_91 = arith.constant 0 : i32
        %cond3A_92 = arith.cmpi ne, %convert_element_type3A_90, %cond3A_91 : i32
        scf.if %cond3A_92 {
          %dma_start3A_99 = arith.constant 0 : i32
          %dma_start3A_100 = tpu.memref_slice %arg7[%add3A_87, %dma_start3A_99] : memref<160x125xi32, #tpu.memory_space<vmem>> -> memref<1x125xi32, #tpu.memory_space<vmem>>
          %dma_start3A_101 = tpu.memref_squeeze %dma_start3A_100 : memref<1x125xi32, #tpu.memory_space<vmem>> -> memref<125xi32, #tpu.memory_space<vmem>>
          %dma_start3A_102 = arith.constant 0 : i32
          %dma_start3A_103 = arith.constant 0 : i32
          %dma_start3A_104 = tpu.memref_slice %arg2[%dma_start3A_102, %dma_start3A_103] : memref<10000x64xf32, #tpu.memory_space<hbm>> -> memref<10000x64xf32, #tpu.memory_space<hbm>>
          tpu.enqueue_indirect_dma source(%dma_start3A_104 : memref<10000x64xf32, #tpu.memory_space<hbm>>) target(%arg11 : memref<125x64xf32, #tpu.memory_space<vmem>>) offsets(%dma_start3A_101 : memref<125xi32, #tpu.memory_space<vmem>>) semaphore(%arg16 : memref<!tpu.dma_semaphore, #tpu.memory_space<semaphore_mem>>)
        } else {
        }
        %dma_wait3A_93 = arith.constant 0 : i32
        %dma_wait3A_94 = tpu.memref_slice %arg7[%add3A_85, %dma_wait3A_93] : memref<160x125xi32, #tpu.memory_space<vmem>> -> memref<1x125xi32, #tpu.memory_space<vmem>>
        %dma_wait3A_95 = tpu.memref_squeeze %dma_wait3A_94 : memref<1x125xi32, #tpu.memory_space<vmem>> -> memref<125xi32, #tpu.memory_space<vmem>>
        %dma_wait3A_96 = arith.constant 0 : i32
        %dma_wait3A_97 = arith.constant 0 : i32
        %dma_wait3A_98 = tpu.memref_slice %arg2[%dma_wait3A_96, %dma_wait3A_97] : memref<10000x64xf32, #tpu.memory_space<hbm>> -> memref<10000x64xf32, #tpu.memory_space<hbm>>
        tpu.wait_indirect_dma semaphore(%arg17 : memref<!tpu.dma_semaphore, #tpu.memory_space<semaphore_mem>>) src(%dma_wait3A_98 : memref<10000x64xf32, #tpu.memory_space<hbm>>) dst(%arg12 : memref<125x64xf32, #tpu.memory_space<vmem>>)
        "tpu.region"() ({
          %run_scoped3A_99 = tpu.sem_alloc : memref<!tpu.dma_semaphore, #tpu.memory_space<semaphore_mem>>
          %dma_start3A_100 = arith.constant 0 : i32
          %dma_start3A_101 = tpu.memref_slice %arg8[%add3A_85, %dma_start3A_100] : memref<160x125xi32, #tpu.memory_space<vmem>> -> memref<1x125xi32, #tpu.memory_space<vmem>>
          %dma_start3A_102 = tpu.memref_squeeze %dma_start3A_101 : memref<1x125xi32, #tpu.memory_space<vmem>> -> memref<125xi32, #tpu.memory_space<vmem>>
          %dma_start3A_103 = arith.constant 0 : i32
          %dma_start3A_104 = arith.constant 0 : i32
          %dma_start3A_105 = tpu.memref_slice %arg13[%dma_start3A_103, %dma_start3A_104] : memref<10240x64xf32, #tpu.memory_space<vmem_shared>> -> memref<10240x64xf32, #tpu.memory_space<vmem_shared>>
          tpu.enqueue_indirect_dma source(%arg12 : memref<125x64xf32, #tpu.memory_space<vmem>>) target(%dma_start3A_105 : memref<10240x64xf32, #tpu.memory_space<vmem_shared>>) offsets(%dma_start3A_102 : memref<125xi32, #tpu.memory_space<vmem>>) semaphore(%run_scoped3A_99 : memref<!tpu.dma_semaphore, #tpu.memory_space<semaphore_mem>>) {add = true}
          %dma_wait3A_106 = arith.constant 0 : i32
          %dma_wait3A_107 = tpu.memref_slice %arg8[%add3A_85, %dma_wait3A_106] : memref<160x125xi32, #tpu.memory_space<vmem>> -> memref<1x125xi32, #tpu.memory_space<vmem>>
          %dma_wait3A_108 = tpu.memref_squeeze %dma_wait3A_107 : memref<1x125xi32, #tpu.memory_space<vmem>> -> memref<125xi32, #tpu.memory_space<vmem>>
          %dma_wait3A_109 = arith.constant 0 : i32
          %dma_wait3A_110 = arith.constant 0 : i32
          %dma_wait3A_111 = tpu.memref_slice %arg13[%dma_wait3A_109, %dma_wait3A_110] : memref<10240x64xf32, #tpu.memory_space<vmem_shared>> -> memref<10240x64xf32, #tpu.memory_space<vmem_shared>>
          tpu.wait_indirect_dma semaphore(%run_scoped3A_99 : memref<!tpu.dma_semaphore, #tpu.memory_space<semaphore_mem>>) src(%arg12 : memref<125x64xf32, #tpu.memory_space<vmem>>) dst(%dma_wait3A_111 : memref<10240x64xf32, #tpu.memory_space<vmem_shared>>)
          tpu.yield
        }) : () -> ()
      }
      %scan3A_38 = arith.constant 40 : i32
    } else {
    }
    %eq3A_4 = arith.constant 1 : i32
    %eq3A_5 = arith.cmpi eq, %arg0, %eq3A_4 : i32
    %convert_element_type3A_6 = arith.extui %eq3A_5 : i1 to i32
    %cond3A_7 = arith.constant 0 : i32
    %cond3A_8 = arith.cmpi ne, %convert_element_type3A_6, %cond3A_7 : i32
    scf.if %cond3A_8 {
      %dma_start3A = arith.constant 0 : i32
      %dma_start3A_14 = arith.constant 0 : i32
      %dma_start3A_15 = tpu.memref_slice %arg7[%dma_start3A, %dma_start3A_14] : memref<160x125xi32, #tpu.memory_space<vmem>> -> memref<1x125xi32, #tpu.memory_space<vmem>>
      %dma_start3A_16 = tpu.memref_squeeze %dma_start3A_15 : memref<1x125xi32, #tpu.memory_space<vmem>> -> memref<125xi32, #tpu.memory_space<vmem>>
      %dma_start3A_17 = arith.constant 0 : i32
      %dma_start3A_18 = arith.constant 0 : i32
      %dma_start3A_19 = tpu.memref_slice %arg3[%dma_start3A_17, %dma_start3A_18] : memref<10000x64xf32, #tpu.memory_space<hbm>> -> memref<10000x64xf32, #tpu.memory_space<hbm>>
      tpu.enqueue_indirect_dma source(%dma_start3A_19 : memref<10000x64xf32, #tpu.memory_space<hbm>>) target(%arg9 : memref<125x64xf32, #tpu.memory_space<vmem>>) offsets(%dma_start3A_16 : memref<125xi32, #tpu.memory_space<vmem>>) semaphore(%arg14 : memref<!tpu.dma_semaphore, #tpu.memory_space<semaphore_mem>>)
      %dma_start3A_20 = arith.constant 1 : i32
      %dma_start3A_21 = arith.constant 0 : i32
      %dma_start3A_22 = tpu.memref_slice %arg7[%dma_start3A_20, %dma_start3A_21] : memref<160x125xi32, #tpu.memory_space<vmem>> -> memref<1x125xi32, #tpu.memory_space<vmem>>
      %dma_start3A_23 = tpu.memref_squeeze %dma_start3A_22 : memref<1x125xi32, #tpu.memory_space<vmem>> -> memref<125xi32, #tpu.memory_space<vmem>>
      %dma_start3A_24 = arith.constant 0 : i32
      %dma_start3A_25 = arith.constant 0 : i32
      %dma_start3A_26 = tpu.memref_slice %arg3[%dma_start3A_24, %dma_start3A_25] : memref<10000x64xf32, #tpu.memory_space<hbm>> -> memref<10000x64xf32, #tpu.memory_space<hbm>>
      tpu.enqueue_indirect_dma source(%dma_start3A_26 : memref<10000x64xf32, #tpu.memory_space<hbm>>) target(%arg10 : memref<125x64xf32, #tpu.memory_space<vmem>>) offsets(%dma_start3A_23 : memref<125xi32, #tpu.memory_space<vmem>>) semaphore(%arg15 : memref<!tpu.dma_semaphore, #tpu.memory_space<semaphore_mem>>)
      %dma_start3A_27 = arith.constant 2 : i32
      %dma_start3A_28 = arith.constant 0 : i32
      %dma_start3A_29 = tpu.memref_slice %arg7[%dma_start3A_27, %dma_start3A_28] : memref<160x125xi32, #tpu.memory_space<vmem>> -> memref<1x125xi32, #tpu.memory_space<vmem>>
      %dma_start3A_30 = tpu.memref_squeeze %dma_start3A_29 : memref<1x125xi32, #tpu.memory_space<vmem>> -> memref<125xi32, #tpu.memory_space<vmem>>
      %dma_start3A_31 = arith.constant 0 : i32
      %dma_start3A_32 = arith.constant 0 : i32
      %dma_start3A_33 = tpu.memref_slice %arg3[%dma_start3A_31, %dma_start3A_32] : memref<10000x64xf32, #tpu.memory_space<hbm>> -> memref<10000x64xf32, #tpu.memory_space<hbm>>
      tpu.enqueue_indirect_dma source(%dma_start3A_33 : memref<10000x64xf32, #tpu.memory_space<hbm>>) target(%arg11 : memref<125x64xf32, #tpu.memory_space<vmem>>) offsets(%dma_start3A_30 : memref<125xi32, #tpu.memory_space<vmem>>) semaphore(%arg16 : memref<!tpu.dma_semaphore, #tpu.memory_space<semaphore_mem>>)
      %scan3A = arith.constant 0 : i32
      %scan3A_34 = arith.constant 0 : i32
      %scan3A_35 = arith.constant 40 : i32
      %scan3A_36 = arith.addi %scan3A_34, %scan3A_35 : i32
      %scan3A_37 = arith.constant 1 : i32
      scf.for %scan3A_39 = %scan3A_34 to %scan3A_36 step %scan3A_37  : i32 {
        %mul3A_40 = arith.constant 4 : i32
        %mul3A_41 = arith.muli %mul3A_40, %scan3A_39 : i32
        %add3A = arith.constant 0 : i32
        %add3A_42 = arith.addi %mul3A_41, %add3A : i32
        %add3A_43 = arith.constant 3 : i32
        %add3A_44 = arith.addi %add3A_42, %add3A_43 : i32
        %lt3A = arith.constant 160 : i32
        %lt3A_45 = arith.cmpi slt, %add3A_44, %lt3A : i32
        %convert_element_type3A_46 = arith.extui %lt3A_45 : i1 to i32
        %cond3A_47 = arith.constant 0 : i32
        %cond3A_48 = arith.cmpi ne, %convert_element_type3A_46, %cond3A_47 : i32
        scf.if %cond3A_48 {
          %dma_start3A_99 = arith.constant 0 : i32
          %dma_start3A_100 = tpu.memref_slice %arg7[%add3A_44, %dma_start3A_99] : memref<160x125xi32, #tpu.memory_space<vmem>> -> memref<1x125xi32, #tpu.memory_space<vmem>>
          %dma_start3A_101 = tpu.memref_squeeze %dma_start3A_100 : memref<1x125xi32, #tpu.memory_space<vmem>> -> memref<125xi32, #tpu.memory_space<vmem>>
          %dma_start3A_102 = arith.constant 0 : i32
          %dma_start3A_103 = arith.constant 0 : i32
          %dma_start3A_104 = tpu.memref_slice %arg3[%dma_start3A_102, %dma_start3A_103] : memref<10000x64xf32, #tpu.memory_space<hbm>> -> memref<10000x64xf32, #tpu.memory_space<hbm>>
          tpu.enqueue_indirect_dma source(%dma_start3A_104 : memref<10000x64xf32, #tpu.memory_space<hbm>>) target(%arg12 : memref<125x64xf32, #tpu.memory_space<vmem>>) offsets(%dma_start3A_101 : memref<125xi32, #tpu.memory_space<vmem>>) semaphore(%arg17 : memref<!tpu.dma_semaphore, #tpu.memory_space<semaphore_mem>>)
        } else {
        }
        %dma_wait3A = arith.constant 0 : i32
        %dma_wait3A_49 = tpu.memref_slice %arg7[%add3A_42, %dma_wait3A] : memref<160x125xi32, #tpu.memory_space<vmem>> -> memref<1x125xi32, #tpu.memory_space<vmem>>
        %dma_wait3A_50 = tpu.memref_squeeze %dma_wait3A_49 : memref<1x125xi32, #tpu.memory_space<vmem>> -> memref<125xi32, #tpu.memory_space<vmem>>
        %dma_wait3A_51 = arith.constant 0 : i32
        %dma_wait3A_52 = arith.constant 0 : i32
        %dma_wait3A_53 = tpu.memref_slice %arg3[%dma_wait3A_51, %dma_wait3A_52] : memref<10000x64xf32, #tpu.memory_space<hbm>> -> memref<10000x64xf32, #tpu.memory_space<hbm>>
        tpu.wait_indirect_dma semaphore(%arg14 : memref<!tpu.dma_semaphore, #tpu.memory_space<semaphore_mem>>) src(%dma_wait3A_53 : memref<10000x64xf32, #tpu.memory_space<hbm>>) dst(%arg9 : memref<125x64xf32, #tpu.memory_space<vmem>>)
        "tpu.region"() ({
          %run_scoped3A_99 = tpu.sem_alloc : memref<!tpu.dma_semaphore, #tpu.memory_space<semaphore_mem>>
          %dma_start3A_100 = arith.constant 0 : i32
          %dma_start3A_101 = tpu.memref_slice %arg8[%add3A_42, %dma_start3A_100] : memref<160x125xi32, #tpu.memory_space<vmem>> -> memref<1x125xi32, #tpu.memory_space<vmem>>
          %dma_start3A_102 = tpu.memref_squeeze %dma_start3A_101 : memref<1x125xi32, #tpu.memory_space<vmem>> -> memref<125xi32, #tpu.memory_space<vmem>>
          %dma_start3A_103 = arith.constant 0 : i32
          %dma_start3A_104 = arith.constant 0 : i32
          %dma_start3A_105 = tpu.memref_slice %arg13[%dma_start3A_103, %dma_start3A_104] : memref<10240x64xf32, #tpu.memory_space<vmem_shared>> -> memref<10240x64xf32, #tpu.memory_space<vmem_shared>>
          tpu.enqueue_indirect_dma source(%arg9 : memref<125x64xf32, #tpu.memory_space<vmem>>) target(%dma_start3A_105 : memref<10240x64xf32, #tpu.memory_space<vmem_shared>>) offsets(%dma_start3A_102 : memref<125xi32, #tpu.memory_space<vmem>>) semaphore(%run_scoped3A_99 : memref<!tpu.dma_semaphore, #tpu.memory_space<semaphore_mem>>) {add = true}
          %dma_wait3A_106 = arith.constant 0 : i32
          %dma_wait3A_107 = tpu.memref_slice %arg8[%add3A_42, %dma_wait3A_106] : memref<160x125xi32, #tpu.memory_space<vmem>> -> memref<1x125xi32, #tpu.memory_space<vmem>>
          %dma_wait3A_108 = tpu.memref_squeeze %dma_wait3A_107 : memref<1x125xi32, #tpu.memory_space<vmem>> -> memref<125xi32, #tpu.memory_space<vmem>>
          %dma_wait3A_109 = arith.constant 0 : i32
          %dma_wait3A_110 = arith.constant 0 : i32
          %dma_wait3A_111 = tpu.memref_slice %arg13[%dma_wait3A_109, %dma_wait3A_110] : memref<10240x64xf32, #tpu.memory_space<vmem_shared>> -> memref<10240x64xf32, #tpu.memory_space<vmem_shared>>
          tpu.wait_indirect_dma semaphore(%run_scoped3A_99 : memref<!tpu.dma_semaphore, #tpu.memory_space<semaphore_mem>>) src(%arg9 : memref<125x64xf32, #tpu.memory_space<vmem>>) dst(%dma_wait3A_111 : memref<10240x64xf32, #tpu.memory_space<vmem_shared>>)
          tpu.yield
        }) : () -> ()
        %add3A_54 = arith.constant 1 : i32
        %add3A_55 = arith.addi %mul3A_41, %add3A_54 : i32
        %add3A_56 = arith.constant 3 : i32
        %add3A_57 = arith.addi %add3A_55, %add3A_56 : i32
        %lt3A_58 = arith.constant 160 : i32
        %lt3A_59 = arith.cmpi slt, %add3A_57, %lt3A_58 : i32
        %convert_element_type3A_60 = arith.extui %lt3A_59 : i1 to i32
        %cond3A_61 = arith.constant 0 : i32
        %cond3A_62 = arith.cmpi ne, %convert_element_type3A_60, %cond3A_61 : i32
        scf.if %cond3A_62 {
          %dma_start3A_99 = arith.constant 0 : i32
          %dma_start3A_100 = tpu.memref_slice %arg7[%add3A_57, %dma_start3A_99] : memref<160x125xi32, #tpu.memory_space<vmem>> -> memref<1x125xi32, #tpu.memory_space<vmem>>
          %dma_start3A_101 = tpu.memref_squeeze %dma_start3A_100 : memref<1x125xi32, #tpu.memory_space<vmem>> -> memref<125xi32, #tpu.memory_space<vmem>>
          %dma_start3A_102 = arith.constant 0 : i32
          %dma_start3A_103 = arith.constant 0 : i32
          %dma_start3A_104 = tpu.memref_slice %arg3[%dma_start3A_102, %dma_start3A_103] : memref<10000x64xf32, #tpu.memory_space<hbm>> -> memref<10000x64xf32, #tpu.memory_space<hbm>>
          tpu.enqueue_indirect_dma source(%dma_start3A_104 : memref<10000x64xf32, #tpu.memory_space<hbm>>) target(%arg9 : memref<125x64xf32, #tpu.memory_space<vmem>>) offsets(%dma_start3A_101 : memref<125xi32, #tpu.memory_space<vmem>>) semaphore(%arg14 : memref<!tpu.dma_semaphore, #tpu.memory_space<semaphore_mem>>)
        } else {
        }
        %dma_wait3A_63 = arith.constant 0 : i32
        %dma_wait3A_64 = tpu.memref_slice %arg7[%add3A_55, %dma_wait3A_63] : memref<160x125xi32, #tpu.memory_space<vmem>> -> memref<1x125xi32, #tpu.memory_space<vmem>>
        %dma_wait3A_65 = tpu.memref_squeeze %dma_wait3A_64 : memref<1x125xi32, #tpu.memory_space<vmem>> -> memref<125xi32, #tpu.memory_space<vmem>>
        %dma_wait3A_66 = arith.constant 0 : i32
        %dma_wait3A_67 = arith.constant 0 : i32
        %dma_wait3A_68 = tpu.memref_slice %arg3[%dma_wait3A_66, %dma_wait3A_67] : memref<10000x64xf32, #tpu.memory_space<hbm>> -> memref<10000x64xf32, #tpu.memory_space<hbm>>
        tpu.wait_indirect_dma semaphore(%arg15 : memref<!tpu.dma_semaphore, #tpu.memory_space<semaphore_mem>>) src(%dma_wait3A_68 : memref<10000x64xf32, #tpu.memory_space<hbm>>) dst(%arg10 : memref<125x64xf32, #tpu.memory_space<vmem>>)
        "tpu.region"() ({
          %run_scoped3A_99 = tpu.sem_alloc : memref<!tpu.dma_semaphore, #tpu.memory_space<semaphore_mem>>
          %dma_start3A_100 = arith.constant 0 : i32
          %dma_start3A_101 = tpu.memref_slice %arg8[%add3A_55, %dma_start3A_100] : memref<160x125xi32, #tpu.memory_space<vmem>> -> memref<1x125xi32, #tpu.memory_space<vmem>>
          %dma_start3A_102 = tpu.memref_squeeze %dma_start3A_101 : memref<1x125xi32, #tpu.memory_space<vmem>> -> memref<125xi32, #tpu.memory_space<vmem>>
          %dma_start3A_103 = arith.constant 0 : i32
          %dma_start3A_104 = arith.constant 0 : i32
          %dma_start3A_105 = tpu.memref_slice %arg13[%dma_start3A_103, %dma_start3A_104] : memref<10240x64xf32, #tpu.memory_space<vmem_shared>> -> memref<10240x64xf32, #tpu.memory_space<vmem_shared>>
          tpu.enqueue_indirect_dma source(%arg10 : memref<125x64xf32, #tpu.memory_space<vmem>>) target(%dma_start3A_105 : memref<10240x64xf32, #tpu.memory_space<vmem_shared>>) offsets(%dma_start3A_102 : memref<125xi32, #tpu.memory_space<vmem>>) semaphore(%run_scoped3A_99 : memref<!tpu.dma_semaphore, #tpu.memory_space<semaphore_mem>>) {add = true}
          %dma_wait3A_106 = arith.constant 0 : i32
          %dma_wait3A_107 = tpu.memref_slice %arg8[%add3A_55, %dma_wait3A_106] : memref<160x125xi32, #tpu.memory_space<vmem>> -> memref<1x125xi32, #tpu.memory_space<vmem>>
          %dma_wait3A_108 = tpu.memref_squeeze %dma_wait3A_107 : memref<1x125xi32, #tpu.memory_space<vmem>> -> memref<125xi32, #tpu.memory_space<vmem>>
          %dma_wait3A_109 = arith.constant 0 : i32
          %dma_wait3A_110 = arith.constant 0 : i32
          %dma_wait3A_111 = tpu.memref_slice %arg13[%dma_wait3A_109, %dma_wait3A_110] : memref<10240x64xf32, #tpu.memory_space<vmem_shared>> -> memref<10240x64xf32, #tpu.memory_space<vmem_shared>>
          tpu.wait_indirect_dma semaphore(%run_scoped3A_99 : memref<!tpu.dma_semaphore, #tpu.memory_space<semaphore_mem>>) src(%arg10 : memref<125x64xf32, #tpu.memory_space<vmem>>) dst(%dma_wait3A_111 : memref<10240x64xf32, #tpu.memory_space<vmem_shared>>)
          tpu.yield
        }) : () -> ()
        %add3A_69 = arith.constant 2 : i32
        %add3A_70 = arith.addi %mul3A_41, %add3A_69 : i32
        %add3A_71 = arith.constant 3 : i32
        %add3A_72 = arith.addi %add3A_70, %add3A_71 : i32
        %lt3A_73 = arith.constant 160 : i32
        %lt3A_74 = arith.cmpi slt, %add3A_72, %lt3A_73 : i32
        %convert_element_type3A_75 = arith.extui %lt3A_74 : i1 to i32
        %cond3A_76 = arith.constant 0 : i32
        %cond3A_77 = arith.cmpi ne, %convert_element_type3A_75, %cond3A_76 : i32
        scf.if %cond3A_77 {
          %dma_start3A_99 = arith.constant 0 : i32
          %dma_start3A_100 = tpu.memref_slice %arg7[%add3A_72, %dma_start3A_99] : memref<160x125xi32, #tpu.memory_space<vmem>> -> memref<1x125xi32, #tpu.memory_space<vmem>>
          %dma_start3A_101 = tpu.memref_squeeze %dma_start3A_100 : memref<1x125xi32, #tpu.memory_space<vmem>> -> memref<125xi32, #tpu.memory_space<vmem>>
          %dma_start3A_102 = arith.constant 0 : i32
          %dma_start3A_103 = arith.constant 0 : i32
          %dma_start3A_104 = tpu.memref_slice %arg3[%dma_start3A_102, %dma_start3A_103] : memref<10000x64xf32, #tpu.memory_space<hbm>> -> memref<10000x64xf32, #tpu.memory_space<hbm>>
          tpu.enqueue_indirect_dma source(%dma_start3A_104 : memref<10000x64xf32, #tpu.memory_space<hbm>>) target(%arg10 : memref<125x64xf32, #tpu.memory_space<vmem>>) offsets(%dma_start3A_101 : memref<125xi32, #tpu.memory_space<vmem>>) semaphore(%arg15 : memref<!tpu.dma_semaphore, #tpu.memory_space<semaphore_mem>>)
        } else {
        }
        %dma_wait3A_78 = arith.constant 0 : i32
        %dma_wait3A_79 = tpu.memref_slice %arg7[%add3A_70, %dma_wait3A_78] : memref<160x125xi32, #tpu.memory_space<vmem>> -> memref<1x125xi32, #tpu.memory_space<vmem>>
        %dma_wait3A_80 = tpu.memref_squeeze %dma_wait3A_79 : memref<1x125xi32, #tpu.memory_space<vmem>> -> memref<125xi32, #tpu.memory_space<vmem>>
        %dma_wait3A_81 = arith.constant 0 : i32
        %dma_wait3A_82 = arith.constant 0 : i32
        %dma_wait3A_83 = tpu.memref_slice %arg3[%dma_wait3A_81, %dma_wait3A_82] : memref<10000x64xf32, #tpu.memory_space<hbm>> -> memref<10000x64xf32, #tpu.memory_space<hbm>>
        tpu.wait_indirect_dma semaphore(%arg16 : memref<!tpu.dma_semaphore, #tpu.memory_space<semaphore_mem>>) src(%dma_wait3A_83 : memref<10000x64xf32, #tpu.memory_space<hbm>>) dst(%arg11 : memref<125x64xf32, #tpu.memory_space<vmem>>)
        "tpu.region"() ({
          %run_scoped3A_99 = tpu.sem_alloc : memref<!tpu.dma_semaphore, #tpu.memory_space<semaphore_mem>>
          %dma_start3A_100 = arith.constant 0 : i32
          %dma_start3A_101 = tpu.memref_slice %arg8[%add3A_70, %dma_start3A_100] : memref<160x125xi32, #tpu.memory_space<vmem>> -> memref<1x125xi32, #tpu.memory_space<vmem>>
          %dma_start3A_102 = tpu.memref_squeeze %dma_start3A_101 : memref<1x125xi32, #tpu.memory_space<vmem>> -> memref<125xi32, #tpu.memory_space<vmem>>
          %dma_start3A_103 = arith.constant 0 : i32
          %dma_start3A_104 = arith.constant 0 : i32
          %dma_start3A_105 = tpu.memref_slice %arg13[%dma_start3A_103, %dma_start3A_104] : memref<10240x64xf32, #tpu.memory_space<vmem_shared>> -> memref<10240x64xf32, #tpu.memory_space<vmem_shared>>
          tpu.enqueue_indirect_dma source(%arg11 : memref<125x64xf32, #tpu.memory_space<vmem>>) target(%dma_start3A_105 : memref<10240x64xf32, #tpu.memory_space<vmem_shared>>) offsets(%dma_start3A_102 : memref<125xi32, #tpu.memory_space<vmem>>) semaphore(%run_scoped3A_99 : memref<!tpu.dma_semaphore, #tpu.memory_space<semaphore_mem>>) {add = true}
          %dma_wait3A_106 = arith.constant 0 : i32
          %dma_wait3A_107 = tpu.memref_slice %arg8[%add3A_70, %dma_wait3A_106] : memref<160x125xi32, #tpu.memory_space<vmem>> -> memref<1x125xi32, #tpu.memory_space<vmem>>
          %dma_wait3A_108 = tpu.memref_squeeze %dma_wait3A_107 : memref<1x125xi32, #tpu.memory_space<vmem>> -> memref<125xi32, #tpu.memory_space<vmem>>
          %dma_wait3A_109 = arith.constant 0 : i32
          %dma_wait3A_110 = arith.constant 0 : i32
          %dma_wait3A_111 = tpu.memref_slice %arg13[%dma_wait3A_109, %dma_wait3A_110] : memref<10240x64xf32, #tpu.memory_space<vmem_shared>> -> memref<10240x64xf32, #tpu.memory_space<vmem_shared>>
          tpu.wait_indirect_dma semaphore(%run_scoped3A_99 : memref<!tpu.dma_semaphore, #tpu.memory_space<semaphore_mem>>) src(%arg11 : memref<125x64xf32, #tpu.memory_space<vmem>>) dst(%dma_wait3A_111 : memref<10240x64xf32, #tpu.memory_space<vmem_shared>>)
          tpu.yield
        }) : () -> ()
        %add3A_84 = arith.constant 3 : i32
        %add3A_85 = arith.addi %mul3A_41, %add3A_84 : i32
        %add3A_86 = arith.constant 3 : i32
        %add3A_87 = arith.addi %add3A_85, %add3A_86 : i32
        %lt3A_88 = arith.constant 160 : i32
        %lt3A_89 = arith.cmpi slt, %add3A_87, %lt3A_88 : i32
        %convert_element_type3A_90 = arith.extui %lt3A_89 : i1 to i32
        %cond3A_91 = arith.constant 0 : i32
        %cond3A_92 = arith.cmpi ne, %convert_element_type3A_90, %cond3A_91 : i32
        scf.if %cond3A_92 {
          %dma_start3A_99 = arith.constant 0 : i32
          %dma_start3A_100 = tpu.memref_slice %arg7[%add3A_87, %dma_start3A_99] : memref<160x125xi32, #tpu.memory_space<vmem>> -> memref<1x125xi32, #tpu.memory_space<vmem>>
          %dma_start3A_101 = tpu.memref_squeeze %dma_start3A_100 : memref<1x125xi32, #tpu.memory_space<vmem>> -> memref<125xi32, #tpu.memory_space<vmem>>
          %dma_start3A_102 = arith.constant 0 : i32
          %dma_start3A_103 = arith.constant 0 : i32
          %dma_start3A_104 = tpu.memref_slice %arg3[%dma_start3A_102, %dma_start3A_103] : memref<10000x64xf32, #tpu.memory_space<hbm>> -> memref<10000x64xf32, #tpu.memory_space<hbm>>
          tpu.enqueue_indirect_dma source(%dma_start3A_104 : memref<10000x64xf32, #tpu.memory_space<hbm>>) target(%arg11 : memref<125x64xf32, #tpu.memory_space<vmem>>) offsets(%dma_start3A_101 : memref<125xi32, #tpu.memory_space<vmem>>) semaphore(%arg16 : memref<!tpu.dma_semaphore, #tpu.memory_space<semaphore_mem>>)
        } else {
        }
        %dma_wait3A_93 = arith.constant 0 : i32
        %dma_wait3A_94 = tpu.memref_slice %arg7[%add3A_85, %dma_wait3A_93] : memref<160x125xi32, #tpu.memory_space<vmem>> -> memref<1x125xi32, #tpu.memory_space<vmem>>
        %dma_wait3A_95 = tpu.memref_squeeze %dma_wait3A_94 : memref<1x125xi32, #tpu.memory_space<vmem>> -> memref<125xi32, #tpu.memory_space<vmem>>
        %dma_wait3A_96 = arith.constant 0 : i32
        %dma_wait3A_97 = arith.constant 0 : i32
        %dma_wait3A_98 = tpu.memref_slice %arg3[%dma_wait3A_96, %dma_wait3A_97] : memref<10000x64xf32, #tpu.memory_space<hbm>> -> memref<10000x64xf32, #tpu.memory_space<hbm>>
        tpu.wait_indirect_dma semaphore(%arg17 : memref<!tpu.dma_semaphore, #tpu.memory_space<semaphore_mem>>) src(%dma_wait3A_98 : memref<10000x64xf32, #tpu.memory_space<hbm>>) dst(%arg12 : memref<125x64xf32, #tpu.memory_space<vmem>>)
        "tpu.region"() ({
          %run_scoped3A_99 = tpu.sem_alloc : memref<!tpu.dma_semaphore, #tpu.memory_space<semaphore_mem>>
          %dma_start3A_100 = arith.constant 0 : i32
          %dma_start3A_101 = tpu.memref_slice %arg8[%add3A_85, %dma_start3A_100] : memref<160x125xi32, #tpu.memory_space<vmem>> -> memref<1x125xi32, #tpu.memory_space<vmem>>
          %dma_start3A_102 = tpu.memref_squeeze %dma_start3A_101 : memref<1x125xi32, #tpu.memory_space<vmem>> -> memref<125xi32, #tpu.memory_space<vmem>>
          %dma_start3A_103 = arith.constant 0 : i32
          %dma_start3A_104 = arith.constant 0 : i32
          %dma_start3A_105 = tpu.memref_slice %arg13[%dma_start3A_103, %dma_start3A_104] : memref<10240x64xf32, #tpu.memory_space<vmem_shared>> -> memref<10240x64xf32, #tpu.memory_space<vmem_shared>>
          tpu.enqueue_indirect_dma source(%arg12 : memref<125x64xf32, #tpu.memory_space<vmem>>) target(%dma_start3A_105 : memref<10240x64xf32, #tpu.memory_space<vmem_shared>>) offsets(%dma_start3A_102 : memref<125xi32, #tpu.memory_space<vmem>>) semaphore(%run_scoped3A_99 : memref<!tpu.dma_semaphore, #tpu.memory_space<semaphore_mem>>) {add = true}
          %dma_wait3A_106 = arith.constant 0 : i32
          %dma_wait3A_107 = tpu.memref_slice %arg8[%add3A_85, %dma_wait3A_106] : memref<160x125xi32, #tpu.memory_space<vmem>> -> memref<1x125xi32, #tpu.memory_space<vmem>>
          %dma_wait3A_108 = tpu.memref_squeeze %dma_wait3A_107 : memref<1x125xi32, #tpu.memory_space<vmem>> -> memref<125xi32, #tpu.memory_space<vmem>>
          %dma_wait3A_109 = arith.constant 0 : i32
          %dma_wait3A_110 = arith.constant 0 : i32
          %dma_wait3A_111 = tpu.memref_slice %arg13[%dma_wait3A_109, %dma_wait3A_110] : memref<10240x64xf32, #tpu.memory_space<vmem_shared>> -> memref<10240x64xf32, #tpu.memory_space<vmem_shared>>
          tpu.wait_indirect_dma semaphore(%run_scoped3A_99 : memref<!tpu.dma_semaphore, #tpu.memory_space<semaphore_mem>>) src(%arg12 : memref<125x64xf32, #tpu.memory_space<vmem>>) dst(%dma_wait3A_111 : memref<10240x64xf32, #tpu.memory_space<vmem_shared>>)
          tpu.yield
        }) : () -> ()
      }
      %scan3A_38 = arith.constant 40 : i32
    } else {
    }
    %barrier3A_9 = arith.constant 0 : index
    tpu.barrier barrier_id(%barrier3A_9)
    %mul3A_10 = arith.constant 640 : i32
    %mul3A_11 = arith.muli %arg1, %mul3A_10 : i32
    %mul3A_12 = arith.constant 640 : i32
    %mul3A_13 = arith.muli %arg1, %mul3A_12 : i32
    "tpu.region"() ({
      %run_scoped3A_14 = tpu.sem_alloc : memref<!tpu.dma_semaphore, #tpu.memory_space<semaphore_mem>>
      %dma_start3A = arith.constant 0 : i32
      %dma_start3A_15 = tpu.memref_slice %arg6[%arg0, %mul3A_13, %dma_start3A] : memref<2x10240x64xf32, #tpu.memory_space<hbm>> -> memref<1x640x64xf32, #tpu.memory_space<hbm>>
      %dma_start3A_16 = tpu.memref_squeeze %dma_start3A_15 : memref<1x640x64xf32, #tpu.memory_space<hbm>> -> memref<640x64xf32, #tpu.memory_space<hbm>>
      %dma_start3A_17 = arith.constant 0 : i32
      %dma_start3A_18 = tpu.memref_slice %arg13[%mul3A_11, %dma_start3A_17] : memref<10240x64xf32, #tpu.memory_space<vmem_shared>> -> memref<640x64xf32, #tpu.memory_space<vmem_shared>>
      tpu.enqueue_dma source(%dma_start3A_18 : memref<640x64xf32, #tpu.memory_space<vmem_shared>>) target(%dma_start3A_16 : memref<640x64xf32, #tpu.memory_space<hbm>>) target_semaphore(%run_scoped3A_14 : memref<!tpu.dma_semaphore, #tpu.memory_space<semaphore_mem>>)
      %dma_wait3A = arith.constant 0 : i32
      %dma_wait3A_19 = tpu.memref_slice %arg6[%arg0, %mul3A_13, %dma_wait3A] : memref<2x10240x64xf32, #tpu.memory_space<hbm>> -> memref<1x640x64xf32, #tpu.memory_space<hbm>>
      %dma_wait3A_20 = tpu.memref_squeeze %dma_wait3A_19 : memref<1x640x64xf32, #tpu.memory_space<hbm>> -> memref<640x64xf32, #tpu.memory_space<hbm>>
      %dma_wait3A_21 = arith.constant 0 : i32
      %dma_wait3A_22 = tpu.memref_slice %arg13[%mul3A_11, %dma_wait3A_21] : memref<10240x64xf32, #tpu.memory_space<vmem_shared>> -> memref<640x64xf32, #tpu.memory_space<vmem_shared>>
      tpu.wait_dma2 semaphore(%run_scoped3A_14 : memref<!tpu.dma_semaphore, #tpu.memory_space<semaphore_mem>>) src(%dma_wait3A_22 : memref<640x64xf32, #tpu.memory_space<vmem_shared>>) dst(%dma_wait3A_20 : memref<640x64xf32, #tpu.memory_space<hbm>>)
      tpu.yield
    }) : () -> ()
    return
  }
}

module attributes {stable_mosaic.version = 14 : i64} {
  func.func @_gin_body(%arg0: i32, %arg1: memref<1x1xf32, #tpu.memory_space<vmem>>, %arg2: memref<1000x128xf32, #tpu.memory_space<vmem>>, %arg3: memref<1000x64xf32, #tpu.memory_space<vmem>>, %arg4: memref<1000x64xf32, #tpu.memory_space<vmem>>, %arg5: memref<128x128xf32, #tpu.memory_space<vmem>>, %arg6: memref<1x128xf32, #tpu.memory_space<vmem>>, %arg7: memref<128x128xf32, #tpu.memory_space<vmem>>, %arg8: memref<1x128xf32, #tpu.memory_space<vmem>>, %arg9: memref<1000x128xf32, #tpu.memory_space<vmem>>, %arg10: memref<1000x64xf32, #tpu.memory_space<vmem>>, %arg11: memref<1000x64xf32, #tpu.memory_space<vmem>>) attributes {dimension_semantics = [#tpu.dimension_semantics<arbitrary>], iteration_bounds = array<i64: 10>, scalar_prefetch = 0 : i64, scratch_operands = 0 : i64, tpu.core_type = #tpu.core_type<tc>, window_params = [{pipeline_mode = #tpu.pipeline_mode<synchronous>, transform_indices = @transform_0, window_bounds = array<i64: 1, 1>}, {transform_indices = @transform_1, window_bounds = array<i64: 1000, 128>}, {transform_indices = @transform_2, window_bounds = array<i64: 1000, 64>}, {transform_indices = @transform_3, window_bounds = array<i64: 1000, 64>}, {pipeline_mode = #tpu.pipeline_mode<synchronous>, transform_indices = @transform_4, window_bounds = array<i64: 128, 128>}, {pipeline_mode = #tpu.pipeline_mode<synchronous>, transform_indices = @transform_5, window_bounds = array<i64: 1, 128>}, {pipeline_mode = #tpu.pipeline_mode<synchronous>, transform_indices = @transform_6, window_bounds = array<i64: 128, 128>}, {pipeline_mode = #tpu.pipeline_mode<synchronous>, transform_indices = @transform_7, window_bounds = array<i64: 1, 128>}, {transform_indices = @transform_8, window_bounds = array<i64: 1000, 128>}, {transform_indices = @transform_9, window_bounds = array<i64: 1000, 64>}, {transform_indices = @transform_10, window_bounds = array<i64: 1000, 64>}]} {
    %get3A = arith.constant 0 : index
    %get3A_0 = arith.constant 0 : index
    %get3A_1 = vector.load %arg3[%get3A, %get3A_0] : memref<1000x64xf32, #tpu.memory_space<vmem>>, vector<1000x64xf32>
    %get3A_2 = arith.constant 0 : index
    %get3A_3 = arith.constant 0 : index
    %get3A_4 = vector.load %arg4[%get3A_2, %get3A_3] : memref<1000x64xf32, #tpu.memory_space<vmem>>, vector<1000x64xf32>
    %concatenate3A = tpu.concatenate %get3A_1, %get3A_4 in 1 : vector<1000x64xf32>, vector<1000x64xf32> -> vector<1000x128xf32>
    %get3A_5 = arith.constant 0 : index
    %get3A_6 = arith.constant 0 : index
    %get3A_7 = vector.load %arg1[%get3A_5, %get3A_6] : memref<1x1xf32, #tpu.memory_space<vmem>>, vector<1x1xf32>
    %get3A_8 = vector.extract %get3A_7[0, 0] : f32 from vector<1x1xf32>
    %add3A = arith.constant 1.000000e+00 : f32
    %add3A_9 = arith.addf %add3A, %get3A_8 : f32
    %get3A_10 = arith.constant 0 : index
    %get3A_11 = arith.constant 0 : index
    %get3A_12 = vector.load %arg2[%get3A_10, %get3A_11] : memref<1000x128xf32, #tpu.memory_space<vmem>>, vector<1000x128xf32>
    %mul3A = vector.broadcast %add3A_9 : f32 to vector<1000x128xf32>
    %mul3A_13 = arith.mulf %mul3A, %get3A_12 : vector<1000x128xf32>
    %add3A_14 = arith.addf %mul3A_13, %concatenate3A : vector<1000x128xf32>
    %get3A_15 = arith.constant 0 : index
    %get3A_16 = arith.constant 0 : index
    %get3A_17 = vector.load %arg5[%get3A_15, %get3A_16] : memref<128x128xf32, #tpu.memory_space<vmem>>, vector<128x128xf32>
    %dot_general3A = arith.constant dense<0.000000e+00> : vector<1000x128xf32>
    %dot_general3A_18 = tpu.matmul %add3A_14, %get3A_17, %dot_general3A {dimension_numbers = #tpu.dot_dimension_numbers<[1], [0], [0], [1], [0, 0, 1, 1], [], []>, transpose_lhs_hint = false} : vector<1000x128xf32>, vector<128x128xf32>, vector<1000x128xf32> -> vector<1000x128xf32>
    %get3A_19 = arith.constant 0 : index
    %get3A_20 = arith.constant 0 : index
    %get3A_21 = vector.load %arg6[%get3A_19, %get3A_20] : memref<1x128xf32, #tpu.memory_space<vmem>>, vector<1x128xf32>
    %add3A_22 = vector.broadcast %get3A_21 : vector<1x128xf32> to vector<1000x128xf32>
    %add3A_23 = arith.addf %dot_general3A_18, %add3A_22 : vector<1000x128xf32>
    %max3A = arith.constant 0.000000e+00 : f32
    %max3A_24 = vector.broadcast %max3A : f32 to vector<1000x128xf32>
    %max3A_25 = arith.maximumf %add3A_23, %max3A_24 : vector<1000x128xf32>
    %get3A_26 = arith.constant 0 : index
    %get3A_27 = arith.constant 0 : index
    %get3A_28 = vector.load %arg7[%get3A_26, %get3A_27] : memref<128x128xf32, #tpu.memory_space<vmem>>, vector<128x128xf32>
    %dot_general3A_29 = arith.constant dense<0.000000e+00> : vector<1000x128xf32>
    %dot_general3A_30 = tpu.matmul %max3A_25, %get3A_28, %dot_general3A_29 {dimension_numbers = #tpu.dot_dimension_numbers<[1], [0], [0], [1], [0, 0, 1, 1], [], []>, transpose_lhs_hint = false} : vector<1000x128xf32>, vector<128x128xf32>, vector<1000x128xf32> -> vector<1000x128xf32>
    %get3A_31 = arith.constant 0 : index
    %get3A_32 = arith.constant 0 : index
    %get3A_33 = vector.load %arg8[%get3A_31, %get3A_32] : memref<1x128xf32, #tpu.memory_space<vmem>>, vector<1x128xf32>
    %add3A_34 = vector.broadcast %get3A_33 : vector<1x128xf32> to vector<1000x128xf32>
    %add3A_35 = arith.addf %dot_general3A_30, %add3A_34 : vector<1000x128xf32>
    %mul3A_36 = arith.constant 0.999994993 : f32
    %mul3A_37 = vector.broadcast %mul3A_36 : f32 to vector<1000x128xf32>
    %mul3A_38 = arith.mulf %add3A_35, %mul3A_37 : vector<1000x128xf32>
    %max3A_39 = arith.constant 0.000000e+00 : f32
    %max3A_40 = vector.broadcast %max3A_39 : f32 to vector<1000x128xf32>
    %max3A_41 = arith.maximumf %mul3A_38, %max3A_40 : vector<1000x128xf32>
    %swap3A = arith.constant 0 : index
    %swap3A_42 = arith.constant 0 : index
    %swap3A_43 = vector.load %arg9[%swap3A, %swap3A_42] : memref<1000x128xf32, #tpu.memory_space<vmem>>, vector<1000x128xf32>
    tpu.vector_store %arg9[%swap3A, %swap3A_42], %max3A_41 {strides = array<i32>} : memref<1000x128xf32, #tpu.memory_space<vmem>>, vector<1000x128xf32>,
    %slice3A = vector.extract_strided_slice %max3A_41 {offsets = [0, 0], sizes = [1000, 64], strides = [1, 1]} : vector<1000x128xf32> to vector<1000x64xf32>
    %swap3A_44 = arith.constant 0 : index
    %swap3A_45 = arith.constant 0 : index
    %swap3A_46 = vector.load %arg10[%swap3A_44, %swap3A_45] : memref<1000x64xf32, #tpu.memory_space<vmem>>, vector<1000x64xf32>
    tpu.vector_store %arg10[%swap3A_44, %swap3A_45], %slice3A {strides = array<i32>} : memref<1000x64xf32, #tpu.memory_space<vmem>>, vector<1000x64xf32>,
    %slice3A_47 = vector.extract_strided_slice %max3A_41 {offsets = [0, 64], sizes = [1000, 64], strides = [1, 1]} : vector<1000x128xf32> to vector<1000x64xf32>
    %swap3A_48 = arith.constant 0 : index
    %swap3A_49 = arith.constant 0 : index
    %swap3A_50 = vector.load %arg11[%swap3A_48, %swap3A_49] : memref<1000x64xf32, #tpu.memory_space<vmem>>, vector<1000x64xf32>
    tpu.vector_store %arg11[%swap3A_48, %swap3A_49], %slice3A_47 {strides = array<i32>} : memref<1000x64xf32, #tpu.memory_space<vmem>>, vector<1000x64xf32>,
    return
  }
  func.func @transform_0(%arg0: i32) -> (i32, i32) {
    %c0_i32 = arith.constant 0 : i32
    %c0_i32_0 = arith.constant 0 : i32
    %c0_i32_1 = arith.constant 0 : i32
    return %c0_i32, %c0_i32_0 : i32, i32
  }
  func.func @transform_1(%arg0: i32) -> (i32, i32) {
    %c0_i32 = arith.constant 0 : i32
    %c0_i32_0 = arith.constant 0 : i32
    return %arg0, %c0_i32 : i32, i32
  }
  func.func @transform_2(%arg0: i32) -> (i32, i32) {
    %c0_i32 = arith.constant 0 : i32
    %c0_i32_0 = arith.constant 0 : i32
    return %arg0, %c0_i32 : i32, i32
  }
  func.func @transform_3(%arg0: i32) -> (i32, i32) {
    %c0_i32 = arith.constant 0 : i32
    %c0_i32_0 = arith.constant 0 : i32
    return %arg0, %c0_i32 : i32, i32
  }
  func.func @transform_4(%arg0: i32) -> (i32, i32) {
    %c0_i32 = arith.constant 0 : i32
    %c0_i32_0 = arith.constant 0 : i32
    %c0_i32_1 = arith.constant 0 : i32
    return %c0_i32, %c0_i32_0 : i32, i32
  }
  func.func @transform_5(%arg0: i32) -> (i32, i32) {
    %c0_i32 = arith.constant 0 : i32
    %c0_i32_0 = arith.constant 0 : i32
    %c0_i32_1 = arith.constant 0 : i32
    return %c0_i32, %c0_i32_0 : i32, i32
  }
  func.func @transform_6(%arg0: i32) -> (i32, i32) {
    %c0_i32 = arith.constant 0 : i32
    %c0_i32_0 = arith.constant 0 : i32
    %c0_i32_1 = arith.constant 0 : i32
    return %c0_i32, %c0_i32_0 : i32, i32
  }
  func.func @transform_7(%arg0: i32) -> (i32, i32) {
    %c0_i32 = arith.constant 0 : i32
    %c0_i32_0 = arith.constant 0 : i32
    %c0_i32_1 = arith.constant 0 : i32
    return %c0_i32, %c0_i32_0 : i32, i32
  }
  func.func @transform_8(%arg0: i32) -> (i32, i32) {
    %c0_i32 = arith.constant 0 : i32
    %c0_i32_0 = arith.constant 0 : i32
    return %arg0, %c0_i32 : i32, i32
  }
  func.func @transform_9(%arg0: i32) -> (i32, i32) {
    %c0_i32 = arith.constant 0 : i32
    %c0_i32_0 = arith.constant 0 : i32
    return %arg0, %c0_i32 : i32, i32
  }
  func.func @transform_10(%arg0: i32) -> (i32, i32) {
    %c0_i32 = arith.constant 0 : i32
    %c0_i32_0 = arith.constant 0 : i32
    return %arg0, %c0_i32 : i32, i32
  }
}

module attributes {stable_mosaic.version = 14 : i64} {
  func.func @_gin_body(%arg0: i32, %arg1: memref<1x1xf32, #tpu.memory_space<vmem>>, %arg2: memref<1000x128xf32, #tpu.memory_space<vmem>>, %arg3: memref<1000x64xf32, #tpu.memory_space<vmem>>, %arg4: memref<1000x64xf32, #tpu.memory_space<vmem>>, %arg5: memref<128x128xf32, #tpu.memory_space<vmem>>, %arg6: memref<1x128xf32, #tpu.memory_space<vmem>>, %arg7: memref<128x128xf32, #tpu.memory_space<vmem>>, %arg8: memref<1x128xf32, #tpu.memory_space<vmem>>, %arg9: memref<1000x128xf32, #tpu.memory_space<vmem>>, %arg10: memref<1000x64xf32, #tpu.memory_space<vmem>>, %arg11: memref<1000x64xf32, #tpu.memory_space<vmem>>) attributes {dimension_semantics = [#tpu.dimension_semantics<arbitrary>], iteration_bounds = array<i64: 10>, scalar_prefetch = 0 : i64, scratch_operands = 0 : i64, tpu.core_type = #tpu.core_type<tc>, window_params = [{pipeline_mode = #tpu.pipeline_mode<synchronous>, transform_indices = @transform_0, window_bounds = array<i64: 1, 1>}, {transform_indices = @transform_1, window_bounds = array<i64: 1000, 128>}, {transform_indices = @transform_2, window_bounds = array<i64: 1000, 64>}, {transform_indices = @transform_3, window_bounds = array<i64: 1000, 64>}, {pipeline_mode = #tpu.pipeline_mode<synchronous>, transform_indices = @transform_4, window_bounds = array<i64: 128, 128>}, {pipeline_mode = #tpu.pipeline_mode<synchronous>, transform_indices = @transform_5, window_bounds = array<i64: 1, 128>}, {pipeline_mode = #tpu.pipeline_mode<synchronous>, transform_indices = @transform_6, window_bounds = array<i64: 128, 128>}, {pipeline_mode = #tpu.pipeline_mode<synchronous>, transform_indices = @transform_7, window_bounds = array<i64: 1, 128>}, {transform_indices = @transform_8, window_bounds = array<i64: 1000, 128>}, {transform_indices = @transform_9, window_bounds = array<i64: 1000, 64>}, {transform_indices = @transform_10, window_bounds = array<i64: 1000, 64>}]} {
    %get3A = arith.constant 0 : index
    %get3A_0 = arith.constant 0 : index
    %get3A_1 = vector.load %arg3[%get3A, %get3A_0] : memref<1000x64xf32, #tpu.memory_space<vmem>>, vector<1000x64xf32>
    %get3A_2 = arith.constant 0 : index
    %get3A_3 = arith.constant 0 : index
    %get3A_4 = vector.load %arg4[%get3A_2, %get3A_3] : memref<1000x64xf32, #tpu.memory_space<vmem>>, vector<1000x64xf32>
    %concatenate3A = tpu.concatenate %get3A_1, %get3A_4 in 1 : vector<1000x64xf32>, vector<1000x64xf32> -> vector<1000x128xf32>
    %get3A_5 = arith.constant 0 : index
    %get3A_6 = arith.constant 0 : index
    %get3A_7 = vector.load %arg1[%get3A_5, %get3A_6] : memref<1x1xf32, #tpu.memory_space<vmem>>, vector<1x1xf32>
    %get3A_8 = vector.extract %get3A_7[0, 0] : f32 from vector<1x1xf32>
    %add3A = arith.constant 1.000000e+00 : f32
    %add3A_9 = arith.addf %add3A, %get3A_8 : f32
    %get3A_10 = arith.constant 0 : index
    %get3A_11 = arith.constant 0 : index
    %get3A_12 = vector.load %arg2[%get3A_10, %get3A_11] : memref<1000x128xf32, #tpu.memory_space<vmem>>, vector<1000x128xf32>
    %mul3A = vector.broadcast %add3A_9 : f32 to vector<1000x128xf32>
    %mul3A_13 = arith.mulf %mul3A, %get3A_12 : vector<1000x128xf32>
    %add3A_14 = arith.addf %mul3A_13, %concatenate3A : vector<1000x128xf32>
    %get3A_15 = arith.constant 0 : index
    %get3A_16 = arith.constant 0 : index
    %get3A_17 = vector.load %arg5[%get3A_15, %get3A_16] : memref<128x128xf32, #tpu.memory_space<vmem>>, vector<128x128xf32>
    %dot_general3A = arith.constant dense<0.000000e+00> : vector<1000x128xf32>
    %dot_general3A_18 = tpu.matmul %add3A_14, %get3A_17, %dot_general3A {dimension_numbers = #tpu.dot_dimension_numbers<[1], [0], [0], [1], [0, 0, 1, 1], [], []>, transpose_lhs_hint = false} : vector<1000x128xf32>, vector<128x128xf32>, vector<1000x128xf32> -> vector<1000x128xf32>
    %get3A_19 = arith.constant 0 : index
    %get3A_20 = arith.constant 0 : index
    %get3A_21 = vector.load %arg6[%get3A_19, %get3A_20] : memref<1x128xf32, #tpu.memory_space<vmem>>, vector<1x128xf32>
    %add3A_22 = vector.broadcast %get3A_21 : vector<1x128xf32> to vector<1000x128xf32>
    %add3A_23 = arith.addf %dot_general3A_18, %add3A_22 : vector<1000x128xf32>
    %max3A = arith.constant 0.000000e+00 : f32
    %max3A_24 = vector.broadcast %max3A : f32 to vector<1000x128xf32>
    %max3A_25 = arith.maximumf %add3A_23, %max3A_24 : vector<1000x128xf32>
    %get3A_26 = arith.constant 0 : index
    %get3A_27 = arith.constant 0 : index
    %get3A_28 = vector.load %arg7[%get3A_26, %get3A_27] : memref<128x128xf32, #tpu.memory_space<vmem>>, vector<128x128xf32>
    %dot_general3A_29 = arith.constant dense<0.000000e+00> : vector<1000x128xf32>
    %dot_general3A_30 = tpu.matmul %max3A_25, %get3A_28, %dot_general3A_29 {dimension_numbers = #tpu.dot_dimension_numbers<[1], [0], [0], [1], [0, 0, 1, 1], [], []>, transpose_lhs_hint = false} : vector<1000x128xf32>, vector<128x128xf32>, vector<1000x128xf32> -> vector<1000x128xf32>
    %get3A_31 = arith.constant 0 : index
    %get3A_32 = arith.constant 0 : index
    %get3A_33 = vector.load %arg8[%get3A_31, %get3A_32] : memref<1x128xf32, #tpu.memory_space<vmem>>, vector<1x128xf32>
    %add3A_34 = vector.broadcast %get3A_33 : vector<1x128xf32> to vector<1000x128xf32>
    %add3A_35 = arith.addf %dot_general3A_30, %add3A_34 : vector<1000x128xf32>
    %mul3A_36 = arith.constant 0.999994993 : f32
    %mul3A_37 = vector.broadcast %mul3A_36 : f32 to vector<1000x128xf32>
    %mul3A_38 = arith.mulf %add3A_35, %mul3A_37 : vector<1000x128xf32>
    %max3A_39 = arith.constant 0.000000e+00 : f32
    %max3A_40 = vector.broadcast %max3A_39 : f32 to vector<1000x128xf32>
    %max3A_41 = arith.maximumf %mul3A_38, %max3A_40 : vector<1000x128xf32>
    %swap3A = arith.constant 0 : index
    %swap3A_42 = arith.constant 0 : index
    %swap3A_43 = vector.load %arg9[%swap3A, %swap3A_42] : memref<1000x128xf32, #tpu.memory_space<vmem>>, vector<1000x128xf32>
    tpu.vector_store %arg9[%swap3A, %swap3A_42], %max3A_41 {strides = array<i32>} : memref<1000x128xf32, #tpu.memory_space<vmem>>, vector<1000x128xf32>,
    %slice3A = vector.extract_strided_slice %max3A_41 {offsets = [0, 0], sizes = [1000, 64], strides = [1, 1]} : vector<1000x128xf32> to vector<1000x64xf32>
    %swap3A_44 = arith.constant 0 : index
    %swap3A_45 = arith.constant 0 : index
    %swap3A_46 = vector.load %arg10[%swap3A_44, %swap3A_45] : memref<1000x64xf32, #tpu.memory_space<vmem>>, vector<1000x64xf32>
    tpu.vector_store %arg10[%swap3A_44, %swap3A_45], %slice3A {strides = array<i32>} : memref<1000x64xf32, #tpu.memory_space<vmem>>, vector<1000x64xf32>,
    %slice3A_47 = vector.extract_strided_slice %max3A_41 {offsets = [0, 64], sizes = [1000, 64], strides = [1, 1]} : vector<1000x128xf32> to vector<1000x64xf32>
    %swap3A_48 = arith.constant 0 : index
    %swap3A_49 = arith.constant 0 : index
    %swap3A_50 = vector.load %arg11[%swap3A_48, %swap3A_49] : memref<1000x64xf32, #tpu.memory_space<vmem>>, vector<1000x64xf32>
    tpu.vector_store %arg11[%swap3A_48, %swap3A_49], %slice3A_47 {strides = array<i32>} : memref<1000x64xf32, #tpu.memory_space<vmem>>, vector<1000x64xf32>,
    return
  }
  func.func @transform_0(%arg0: i32) -> (i32, i32) {
    %c0_i32 = arith.constant 0 : i32
    %c0_i32_0 = arith.constant 0 : i32
    %c0_i32_1 = arith.constant 0 : i32
    return %c0_i32, %c0_i32_0 : i32, i32
  }
  func.func @transform_1(%arg0: i32) -> (i32, i32) {
    %c0_i32 = arith.constant 0 : i32
    %c0_i32_0 = arith.constant 0 : i32
    return %arg0, %c0_i32 : i32, i32
  }
  func.func @transform_2(%arg0: i32) -> (i32, i32) {
    %c0_i32 = arith.constant 0 : i32
    %c0_i32_0 = arith.constant 0 : i32
    return %arg0, %c0_i32 : i32, i32
  }
  func.func @transform_3(%arg0: i32) -> (i32, i32) {
    %c0_i32 = arith.constant 0 : i32
    %c0_i32_0 = arith.constant 0 : i32
    return %arg0, %c0_i32 : i32, i32
  }
  func.func @transform_4(%arg0: i32) -> (i32, i32) {
    %c0_i32 = arith.constant 0 : i32
    %c0_i32_0 = arith.constant 0 : i32
    %c0_i32_1 = arith.constant 0 : i32
    return %c0_i32, %c0_i32_0 : i32, i32
  }
  func.func @transform_5(%arg0: i32) -> (i32, i32) {
    %c0_i32 = arith.constant 0 : i32
    %c0_i32_0 = arith.constant 0 : i32
    %c0_i32_1 = arith.constant 0 : i32
    return %c0_i32, %c0_i32_0 : i32, i32
  }
  func.func @transform_6(%arg0: i32) -> (i32, i32) {
    %c0_i32 = arith.constant 0 : i32
    %c0_i32_0 = arith.constant 0 : i32
    %c0_i32_1 = arith.constant 0 : i32
    return %c0_i32, %c0_i32_0 : i32, i32
  }
  func.func @transform_7(%arg0: i32) -> (i32, i32) {
    %c0_i32 = arith.constant 0 : i32
    %c0_i32_0 = arith.constant 0 : i32
    %c0_i32_1 = arith.constant 0 : i32
    return %c0_i32, %c0_i32_0 : i32, i32
  }
  func.func @transform_8(%arg0: i32) -> (i32, i32) {
    %c0_i32 = arith.constant 0 : i32
    %c0_i32_0 = arith.constant 0 : i32
    return %arg0, %c0_i32 : i32, i32
  }
  func.func @transform_9(%arg0: i32) -> (i32, i32) {
    %c0_i32 = arith.constant 0 : i32
    %c0_i32_0 = arith.constant 0 : i32
    return %arg0, %c0_i32 : i32, i32
  }
  func.func @transform_10(%arg0: i32) -> (i32, i32) {
    %c0_i32 = arith.constant 0 : i32
    %c0_i32_0 = arith.constant 0 : i32
    return %arg0, %c0_i32 : i32, i32
  }
}

module attributes {stable_mosaic.version = 14 : i64} {
  func.func @_moe_body(%arg0: memref<2048x128xf32, #tpu.memory_space<vmem>>, %arg1: memref<2048x128xf32, #tpu.memory_space<vmem>>, %arg2: memref<128x8xf32, #tpu.memory_space<vmem>>, %arg3: memref<8x128x256xf32, #tpu.memory_space<vmem>>, %arg4: memref<8x256xf32, #tpu.memory_space<vmem>>, %arg5: memref<8x256x256xf32, #tpu.memory_space<vmem>>, %arg6: memref<8x256xf32, #tpu.memory_space<vmem>>, %arg7: memref<8x256x128xf32, #tpu.memory_space<vmem>>, %arg8: memref<8x128xf32, #tpu.memory_space<vmem>>, %arg9: memref<2048x1xi32, #tpu.memory_space<vmem>>, %arg10: memref<3x128x64xf32, #tpu.memory_space<vmem>>, %arg11: memref<3x64xf32, #tpu.memory_space<vmem>>, %arg12: memref<3x64x1xf32, #tpu.memory_space<vmem>>, %arg13: memref<3x1xf32, #tpu.memory_space<vmem>>, %arg14: memref<256x3xf32, #tpu.memory_space<vmem>>, %arg15: memref<1x1xf32, #tpu.memory_space<vmem>>) attributes {dimension_semantics = [], scalar_prefetch = 0 : i64, scratch_operands = 0 : i64, tpu.core_type = #tpu.core_type<tc>} {
    %get3A = arith.constant 0 : index
    %get3A_0 = arith.constant 0 : index
    %get3A_1 = vector.load %arg0[%get3A, %get3A_0] : memref<2048x128xf32, #tpu.memory_space<vmem>>, vector<2048x128xf32>
    %get3A_2 = arith.constant 0 : index
    %get3A_3 = arith.constant 0 : index
    %get3A_4 = vector.load %arg1[%get3A_2, %get3A_3] : memref<2048x128xf32, #tpu.memory_space<vmem>>, vector<2048x1xf32>
    %max3A = arith.constant 1.000000e+00 : f32
    %max3A_5 = vector.broadcast %max3A : f32 to vector<2048x1xf32>
    %max3A_6 = arith.maximumf %get3A_4, %max3A_5 : vector<2048x1xf32>
    %div3A = vector.broadcast %max3A_6 : vector<2048x1xf32> to vector<2048x128xf32>
    %div3A_7 = arith.divf %get3A_1, %div3A : vector<2048x128xf32>
    %get3A_8 = arith.constant 0 : index
    %get3A_9 = arith.constant 0 : index
    %get3A_10 = vector.load %arg2[%get3A_8, %get3A_9] : memref<128x8xf32, #tpu.memory_space<vmem>>, vector<128x8xf32>
    %dot_general3A = arith.constant dense<0.000000e+00> : vector<2048x8xf32>
    %dot_general3A_11 = tpu.matmul %div3A_7, %get3A_10, %dot_general3A {dimension_numbers = #tpu.dot_dimension_numbers<[1], [0], [0], [1], [0, 0, 1, 1], [], []>, transpose_lhs_hint = false} : vector<2048x128xf32>, vector<128x8xf32>, vector<2048x8xf32> -> vector<2048x8xf32>
    %iota3A = tpu.iota {dimensions = array<i32: 1>} : vector<2048x8xi32>
    %reduce_max3A = arith.constant dense<0xFF800000> : vector<2048xf32>
    %reduce_max3A_12 = vector.multi_reduction <maximumf>, %dot_general3A_11, %reduce_max3A [1] : vector<2048x8xf32> to vector<2048xf32>
    %broadcast_in_dim3A = vector.shape_cast %reduce_max3A_12 : vector<2048xf32> to vector<2048x1xf32>
    %eq3A = vector.broadcast %broadcast_in_dim3A : vector<2048x1xf32> to vector<2048x8xf32>
    %eq3A_13 = arith.cmpf oeq, %dot_general3A_11, %eq3A : vector<2048x8xf32>
    %jit3A = arith.constant 8 : i32
    %broadcast_in_dim3A_14 = vector.broadcast %jit3A : i32 to vector<2048x8xi32>
    %select_n3A = arith.select %eq3A_13, %iota3A, %broadcast_in_dim3A_14 : vector<2048x8xi1>, vector<2048x8xi32>
    %reduce_min3A = arith.constant dense<2147483647> : vector<2048xi32>
    %reduce_min3A_15 = vector.multi_reduction <minsi>, %select_n3A, %reduce_min3A [1] : vector<2048x8xi32> to vector<2048xi32>
    %broadcast_in_dim3A_16 = vector.shape_cast %reduce_min3A_15 : vector<2048xi32> to vector<2048x1xi32>
    %eq3A_17 = vector.broadcast %broadcast_in_dim3A_16 : vector<2048x1xi32> to vector<2048x8xi32>
    %eq3A_18 = arith.cmpi eq, %iota3A, %eq3A_17 : vector<2048x8xi32>
    %jit3A_19 = arith.constant 0xFF800000 : f32
    %broadcast_in_dim3A_20 = vector.broadcast %jit3A_19 : f32 to vector<2048x8xf32>
    %select_n3A_21 = arith.select %eq3A_18, %broadcast_in_dim3A_20, %dot_general3A_11 : vector<2048x8xi1>, vector<2048x8xf32>
    %reduce_max3A_22 = arith.constant dense<0xFF800000> : vector<2048xf32>
    %reduce_max3A_23 = vector.multi_reduction <maximumf>, %select_n3A_21, %reduce_max3A_22 [1] : vector<2048x8xf32> to vector<2048xf32>
    %broadcast_in_dim3A_24 = vector.shape_cast %reduce_max3A_23 : vector<2048xf32> to vector<2048x1xf32>
    %eq3A_25 = vector.broadcast %broadcast_in_dim3A_24 : vector<2048x1xf32> to vector<2048x8xf32>
    %eq3A_26 = arith.cmpf oeq, %select_n3A_21, %eq3A_25 : vector<2048x8xf32>
    %jit3A_27 = arith.constant 8 : i32
    %broadcast_in_dim3A_28 = vector.broadcast %jit3A_27 : i32 to vector<2048x8xi32>
    %select_n3A_29 = arith.select %eq3A_26, %iota3A, %broadcast_in_dim3A_28 : vector<2048x8xi1>, vector<2048x8xi32>
    %reduce_min3A_30 = arith.constant dense<2147483647> : vector<2048xi32>
    %reduce_min3A_31 = vector.multi_reduction <minsi>, %select_n3A_29, %reduce_min3A_30 [1] : vector<2048x8xi32> to vector<2048xi32>
    %broadcast_in_dim3A_32 = vector.shape_cast %reduce_min3A_31 : vector<2048xi32> to vector<2048x1xi32>
    %sub3A = arith.subf %broadcast_in_dim3A_24, %broadcast_in_dim3A : vector<2048x1xf32>
    %exp3A = math.exp %sub3A : vector<2048x1xf32>
    %add3A = arith.constant 1.000000e+00 : f32
    %add3A_33 = vector.broadcast %add3A : f32 to vector<2048x1xf32>
    %add3A_34 = arith.addf %add3A_33, %exp3A : vector<2048x1xf32>
    %eq3A_35 = vector.broadcast %broadcast_in_dim3A_16 : vector<2048x1xi32> to vector<2048x8xi32>
    %eq3A_36 = arith.cmpi eq, %iota3A, %eq3A_35 : vector<2048x8xi32>
    %jit3A_37 = arith.constant 1.000000e+00 : f32
    %jit3A_38 = arith.constant 0.000000e+00 : f32
    %broadcast_in_dim3A_39 = vector.broadcast %jit3A_37 : f32 to vector<2048x8xf32>
    %broadcast_in_dim3A_40 = vector.broadcast %jit3A_38 : f32 to vector<2048x8xf32>
    %select_n3A_41 = arith.select %eq3A_36, %broadcast_in_dim3A_39, %broadcast_in_dim3A_40 : vector<2048x8xi1>, vector<2048x8xf32>
    %eq3A_42 = vector.broadcast %broadcast_in_dim3A_32 : vector<2048x1xi32> to vector<2048x8xi32>
    %eq3A_43 = arith.cmpi eq, %iota3A, %eq3A_42 : vector<2048x8xi32>
    %jit3A_44 = arith.constant 0.000000e+00 : f32
    %broadcast_in_dim3A_45 = vector.shape_cast %exp3A : vector<2048x1xf32> to vector<2048x1xf32>
    %broadcast_in_dim3A_46 = vector.broadcast %broadcast_in_dim3A_45 : vector<2048x1xf32> to vector<2048x8xf32>
    %broadcast_in_dim3A_47 = vector.broadcast %jit3A_44 : f32 to vector<2048x8xf32>
    %select_n3A_48 = arith.select %eq3A_43, %broadcast_in_dim3A_46, %broadcast_in_dim3A_47 : vector<2048x8xi1>, vector<2048x8xf32>
    %add3A_49 = arith.addf %select_n3A_41, %select_n3A_48 : vector<2048x8xf32>
    %div3A_50 = vector.broadcast %add3A_34 : vector<2048x1xf32> to vector<2048x8xf32>
    %div3A_51 = arith.divf %add3A_49, %div3A_50 : vector<2048x8xf32>
    %reduce_sum3A = arith.constant dense<0.000000e+00> : vector<8xf32>
    %reduce_sum3A_52 = vector.multi_reduction <add>, %div3A_51, %reduce_sum3A [0] : vector<2048x8xf32> to vector<8xf32>
    %broadcast_in_dim3A_53 = vector.shape_cast %reduce_sum3A_52 : vector<8xf32> to vector<1x8xf32>
    %div3A_54 = arith.constant 2.048000e+03 : f32
    %div3A_55 = vector.broadcast %div3A_54 : f32 to vector<1x8xf32>
    %div3A_56 = arith.divf %broadcast_in_dim3A_53, %div3A_55 : vector<1x8xf32>
    %mul3A = arith.mulf %div3A_56, %div3A_56 : vector<1x8xf32>
    %reduce_sum3A_57 = vector.shape_cast %mul3A : vector<1x8xf32> to vector<1x1x8xf32>
    %reduce_sum3A_58 = arith.constant dense<0.000000e+00> : vector<1xf32>
    %reduce_sum3A_59 = vector.multi_reduction <add>, %reduce_sum3A_57, %reduce_sum3A_58 [1, 2] : vector<1x1x8xf32> to vector<1xf32>
    %reduce_sum3A_60 = vector.shape_cast %reduce_sum3A_59 : vector<1xf32> to vector<1x1x1xf32>
    %reduce_sum3A_61 = vector.extract %reduce_sum3A_60[0, 0, 0] : f32 from vector<1x1x1xf32>
    %mul3A_62 = arith.constant 8.000000e+00 : f32
    %mul3A_63 = arith.mulf %mul3A_62, %reduce_sum3A_61 : f32
    %reshape3A = vector.broadcast %mul3A_63 : f32 to vector<1x1xf32>
    %swap3A = arith.constant 0 : index
    %swap3A_64 = arith.constant 0 : index
    %swap3A_65 = vector.load %arg15[%swap3A, %swap3A_64] : memref<1x1xf32, #tpu.memory_space<vmem>>, vector<1x1xf32>
    tpu.vector_store %arg15[%swap3A, %swap3A_64], %reshape3A {strides = array<i32>} : memref<1x1xf32, #tpu.memory_space<vmem>>, vector<1x1xf32>,
    %broadcast_in_dim3A_66 = arith.constant 0.000000e+00 : f32
    %broadcast_in_dim3A_67 = vector.broadcast %broadcast_in_dim3A_66 : f32 to vector<2048x128xf32>
    %get3A_68 = arith.constant 0 : index
    %get3A_69 = arith.constant 0 : index
    %get3A_70 = arith.constant 0 : index
    %get3A_71 = vector.load %arg3[%get3A_68, %get3A_69, %get3A_70] : memref<8x128x256xf32, #tpu.memory_space<vmem>>, vector<1x128x256xf32>
    %get3A_72 = vector.shape_cast %get3A_71 : vector<1x128x256xf32> to vector<128x256xf32>
    %dot_general3A_73 = arith.constant dense<0.000000e+00> : vector<2048x256xf32>
    %dot_general3A_74 = tpu.matmul %div3A_7, %get3A_72, %dot_general3A_73 {dimension_numbers = #tpu.dot_dimension_numbers<[1], [0], [0], [1], [0, 0, 1, 1], [], []>, transpose_lhs_hint = false} : vector<2048x128xf32>, vector<128x256xf32>, vector<2048x256xf32> -> vector<2048x256xf32>
    %get3A_75 = arith.constant 0 : index
    %get3A_76 = arith.constant 0 : index
    %get3A_77 = vector.load %arg4[%get3A_75, %get3A_76] : memref<8x256xf32, #tpu.memory_space<vmem>>, vector<1x256xf32>
    %get3A_78 = vector.shape_cast %get3A_77 : vector<1x256xf32> to vector<256xf32>
    %broadcast_in_dim3A_79 = vector.shape_cast %get3A_78 : vector<256xf32> to vector<1x256xf32>
    %add3A_80 = vector.broadcast %broadcast_in_dim3A_79 : vector<1x256xf32> to vector<2048x256xf32>
    %add3A_81 = arith.addf %dot_general3A_74, %add3A_80 : vector<2048x256xf32>
    %mul3A_82 = arith.constant 5.000000e-01 : f32
    %mul3A_83 = vector.broadcast %mul3A_82 : f32 to vector<2048x256xf32>
    %mul3A_84 = arith.mulf %mul3A_83, %add3A_81 : vector<2048x256xf32>
    %mul3A_85 = arith.constant 0.707106769 : f32
    %mul3A_86 = vector.broadcast %mul3A_85 : f32 to vector<2048x256xf32>
    %mul3A_87 = arith.mulf %add3A_81, %mul3A_86 : vector<2048x256xf32>
    %erf3A = math.erf %mul3A_87 : vector<2048x256xf32>
    %add3A_88 = arith.constant 1.000000e+00 : f32
    %add3A_89 = vector.broadcast %add3A_88 : f32 to vector<2048x256xf32>
    %add3A_90 = arith.addf %add3A_89, %erf3A : vector<2048x256xf32>
    %mul3A_91 = arith.mulf %mul3A_84, %add3A_90 : vector<2048x256xf32>
    %get3A_92 = arith.constant 0 : index
    %get3A_93 = arith.constant 0 : index
    %get3A_94 = arith.constant 0 : index
    %get3A_95 = vector.load %arg5[%get3A_92, %get3A_93, %get3A_94] : memref<8x256x256xf32, #tpu.memory_space<vmem>>, vector<1x256x256xf32>
    %get3A_96 = vector.shape_cast %get3A_95 : vector<1x256x256xf32> to vector<256x256xf32>
    %dot_general3A_97 = arith.constant dense<0.000000e+00> : vector<2048x256xf32>
    %dot_general3A_98 = tpu.matmul %mul3A_91, %get3A_96, %dot_general3A_97 {dimension_numbers = #tpu.dot_dimension_numbers<[1], [0], [0], [1], [0, 0, 1, 1], [], []>, transpose_lhs_hint = false} : vector<2048x256xf32>, vector<256x256xf32>, vector<2048x256xf32> -> vector<2048x256xf32>
    %get3A_99 = arith.constant 0 : index
    %get3A_100 = arith.constant 0 : index
    %get3A_101 = vector.load %arg6[%get3A_99, %get3A_100] : memref<8x256xf32, #tpu.memory_space<vmem>>, vector<1x256xf32>
    %get3A_102 = vector.shape_cast %get3A_101 : vector<1x256xf32> to vector<256xf32>
    %broadcast_in_dim3A_103 = vector.shape_cast %get3A_102 : vector<256xf32> to vector<1x256xf32>
    %add3A_104 = vector.broadcast %broadcast_in_dim3A_103 : vector<1x256xf32> to vector<2048x256xf32>
    %add3A_105 = arith.addf %dot_general3A_98, %add3A_104 : vector<2048x256xf32>
    %mul3A_106 = arith.constant 5.000000e-01 : f32
    %mul3A_107 = vector.broadcast %mul3A_106 : f32 to vector<2048x256xf32>
    %mul3A_108 = arith.mulf %mul3A_107, %add3A_105 : vector<2048x256xf32>
    %mul3A_109 = arith.constant 0.707106769 : f32
    %mul3A_110 = vector.broadcast %mul3A_109 : f32 to vector<2048x256xf32>
    %mul3A_111 = arith.mulf %add3A_105, %mul3A_110 : vector<2048x256xf32>
    %erf3A_112 = math.erf %mul3A_111 : vector<2048x256xf32>
    %add3A_113 = arith.constant 1.000000e+00 : f32
    %add3A_114 = vector.broadcast %add3A_113 : f32 to vector<2048x256xf32>
    %add3A_115 = arith.addf %add3A_114, %erf3A_112 : vector<2048x256xf32>
    %mul3A_116 = arith.mulf %mul3A_108, %add3A_115 : vector<2048x256xf32>
    %get3A_117 = arith.constant 0 : index
    %get3A_118 = arith.constant 0 : index
    %get3A_119 = arith.constant 0 : index
    %get3A_120 = vector.load %arg7[%get3A_117, %get3A_118, %get3A_119] : memref<8x256x128xf32, #tpu.memory_space<vmem>>, vector<1x256x128xf32>
    %get3A_121 = vector.shape_cast %get3A_120 : vector<1x256x128xf32> to vector<256x128xf32>
    %dot_general3A_122 = arith.constant dense<0.000000e+00> : vector<2048x128xf32>
    %dot_general3A_123 = tpu.matmul %mul3A_116, %get3A_121, %dot_general3A_122 {dimension_numbers = #tpu.dot_dimension_numbers<[1], [0], [0], [1], [0, 0, 1, 1], [], []>, transpose_lhs_hint = false} : vector<2048x256xf32>, vector<256x128xf32>, vector<2048x128xf32> -> vector<2048x128xf32>
    %get3A_124 = arith.constant 0 : index
    %get3A_125 = arith.constant 0 : index
    %get3A_126 = vector.load %arg8[%get3A_124, %get3A_125] : memref<8x128xf32, #tpu.memory_space<vmem>>, vector<1x128xf32>
    %get3A_127 = vector.shape_cast %get3A_126 : vector<1x128xf32> to vector<128xf32>
    %broadcast_in_dim3A_128 = vector.shape_cast %get3A_127 : vector<128xf32> to vector<1x128xf32>
    %add3A_129 = vector.broadcast %broadcast_in_dim3A_128 : vector<1x128xf32> to vector<2048x128xf32>
    %add3A_130 = arith.addf %dot_general3A_123, %add3A_129 : vector<2048x128xf32>
    %slice3A = vector.extract_strided_slice %div3A_51 {offsets = [0, 0], sizes = [2048, 1], strides = [1, 1]} : vector<2048x8xf32> to vector<2048x1xf32>
    %mul3A_131 = vector.broadcast %slice3A : vector<2048x1xf32> to vector<2048x128xf32>
    %mul3A_132 = arith.mulf %mul3A_131, %add3A_130 : vector<2048x128xf32>
    %add3A_133 = arith.addf %broadcast_in_dim3A_67, %mul3A_132 : vector<2048x128xf32>
    %get3A_134 = arith.constant 1 : index
    %get3A_135 = arith.constant 0 : index
    %get3A_136 = arith.constant 0 : index
    %get3A_137 = vector.load %arg3[%get3A_134, %get3A_135, %get3A_136] : memref<8x128x256xf32, #tpu.memory_space<vmem>>, vector<1x128x256xf32>
    %get3A_138 = vector.shape_cast %get3A_137 : vector<1x128x256xf32> to vector<128x256xf32>
    %dot_general3A_139 = arith.constant dense<0.000000e+00> : vector<2048x256xf32>
    %dot_general3A_140 = tpu.matmul %div3A_7, %get3A_138, %dot_general3A_139 {dimension_numbers = #tpu.dot_dimension_numbers<[1], [0], [0], [1], [0, 0, 1, 1], [], []>, transpose_lhs_hint = false} : vector<2048x128xf32>, vector<128x256xf32>, vector<2048x256xf32> -> vector<2048x256xf32>
    %get3A_141 = arith.constant 1 : index
    %get3A_142 = arith.constant 0 : index
    %get3A_143 = vector.load %arg4[%get3A_141, %get3A_142] : memref<8x256xf32, #tpu.memory_space<vmem>>, vector<1x256xf32>
    %get3A_144 = vector.shape_cast %get3A_143 : vector<1x256xf32> to vector<256xf32>
    %broadcast_in_dim3A_145 = vector.shape_cast %get3A_144 : vector<256xf32> to vector<1x256xf32>
    %add3A_146 = vector.broadcast %broadcast_in_dim3A_145 : vector<1x256xf32> to vector<2048x256xf32>
    %add3A_147 = arith.addf %dot_general3A_140, %add3A_146 : vector<2048x256xf32>
    %mul3A_148 = arith.constant 5.000000e-01 : f32
    %mul3A_149 = vector.broadcast %mul3A_148 : f32 to vector<2048x256xf32>
    %mul3A_150 = arith.mulf %mul3A_149, %add3A_147 : vector<2048x256xf32>
    %mul3A_151 = arith.constant 0.707106769 : f32
    %mul3A_152 = vector.broadcast %mul3A_151 : f32 to vector<2048x256xf32>
    %mul3A_153 = arith.mulf %add3A_147, %mul3A_152 : vector<2048x256xf32>
    %erf3A_154 = math.erf %mul3A_153 : vector<2048x256xf32>
    %add3A_155 = arith.constant 1.000000e+00 : f32
    %add3A_156 = vector.broadcast %add3A_155 : f32 to vector<2048x256xf32>
    %add3A_157 = arith.addf %add3A_156, %erf3A_154 : vector<2048x256xf32>
    %mul3A_158 = arith.mulf %mul3A_150, %add3A_157 : vector<2048x256xf32>
    %get3A_159 = arith.constant 1 : index
    %get3A_160 = arith.constant 0 : index
    %get3A_161 = arith.constant 0 : index
    %get3A_162 = vector.load %arg5[%get3A_159, %get3A_160, %get3A_161] : memref<8x256x256xf32, #tpu.memory_space<vmem>>, vector<1x256x256xf32>
    %get3A_163 = vector.shape_cast %get3A_162 : vector<1x256x256xf32> to vector<256x256xf32>
    %dot_general3A_164 = arith.constant dense<0.000000e+00> : vector<2048x256xf32>
    %dot_general3A_165 = tpu.matmul %mul3A_158, %get3A_163, %dot_general3A_164 {dimension_numbers = #tpu.dot_dimension_numbers<[1], [0], [0], [1], [0, 0, 1, 1], [], []>, transpose_lhs_hint = false} : vector<2048x256xf32>, vector<256x256xf32>, vector<2048x256xf32> -> vector<2048x256xf32>
    %get3A_166 = arith.constant 1 : index
    %get3A_167 = arith.constant 0 : index
    %get3A_168 = vector.load %arg6[%get3A_166, %get3A_167] : memref<8x256xf32, #tpu.memory_space<vmem>>, vector<1x256xf32>
    %get3A_169 = vector.shape_cast %get3A_168 : vector<1x256xf32> to vector<256xf32>
    %broadcast_in_dim3A_170 = vector.shape_cast %get3A_169 : vector<256xf32> to vector<1x256xf32>
    %add3A_171 = vector.broadcast %broadcast_in_dim3A_170 : vector<1x256xf32> to vector<2048x256xf32>
    %add3A_172 = arith.addf %dot_general3A_165, %add3A_171 : vector<2048x256xf32>
    %mul3A_173 = arith.constant 5.000000e-01 : f32
    %mul3A_174 = vector.broadcast %mul3A_173 : f32 to vector<2048x256xf32>
    %mul3A_175 = arith.mulf %mul3A_174, %add3A_172 : vector<2048x256xf32>
    %mul3A_176 = arith.constant 0.707106769 : f32
    %mul3A_177 = vector.broadcast %mul3A_176 : f32 to vector<2048x256xf32>
    %mul3A_178 = arith.mulf %add3A_172, %mul3A_177 : vector<2048x256xf32>
    %erf3A_179 = math.erf %mul3A_178 : vector<2048x256xf32>
    %add3A_180 = arith.constant 1.000000e+00 : f32
    %add3A_181 = vector.broadcast %add3A_180 : f32 to vector<2048x256xf32>
    %add3A_182 = arith.addf %add3A_181, %erf3A_179 : vector<2048x256xf32>
    %mul3A_183 = arith.mulf %mul3A_175, %add3A_182 : vector<2048x256xf32>
    %get3A_184 = arith.constant 1 : index
    %get3A_185 = arith.constant 0 : index
    %get3A_186 = arith.constant 0 : index
    %get3A_187 = vector.load %arg7[%get3A_184, %get3A_185, %get3A_186] : memref<8x256x128xf32, #tpu.memory_space<vmem>>, vector<1x256x128xf32>
    %get3A_188 = vector.shape_cast %get3A_187 : vector<1x256x128xf32> to vector<256x128xf32>
    %dot_general3A_189 = arith.constant dense<0.000000e+00> : vector<2048x128xf32>
    %dot_general3A_190 = tpu.matmul %mul3A_183, %get3A_188, %dot_general3A_189 {dimension_numbers = #tpu.dot_dimension_numbers<[1], [0], [0], [1], [0, 0, 1, 1], [], []>, transpose_lhs_hint = false} : vector<2048x256xf32>, vector<256x128xf32>, vector<2048x128xf32> -> vector<2048x128xf32>
    %get3A_191 = arith.constant 1 : index
    %get3A_192 = arith.constant 0 : index
    %get3A_193 = vector.load %arg8[%get3A_191, %get3A_192] : memref<8x128xf32, #tpu.memory_space<vmem>>, vector<1x128xf32>
    %get3A_194 = vector.shape_cast %get3A_193 : vector<1x128xf32> to vector<128xf32>
    %broadcast_in_dim3A_195 = vector.shape_cast %get3A_194 : vector<128xf32> to vector<1x128xf32>
    %add3A_196 = vector.broadcast %broadcast_in_dim3A_195 : vector<1x128xf32> to vector<2048x128xf32>
    %add3A_197 = arith.addf %dot_general3A_190, %add3A_196 : vector<2048x128xf32>
    %slice3A_198 = vector.extract_strided_slice %div3A_51 {offsets = [0, 1], sizes = [2048, 1], strides = [1, 1]} : vector<2048x8xf32> to vector<2048x1xf32>
    %mul3A_199 = vector.broadcast %slice3A_198 : vector<2048x1xf32> to vector<2048x128xf32>
    %mul3A_200 = arith.mulf %mul3A_199, %add3A_197 : vector<2048x128xf32>
    %add3A_201 = arith.addf %add3A_133, %mul3A_200 : vector<2048x128xf32>
    %get3A_202 = arith.constant 2 : index
    %get3A_203 = arith.constant 0 : index
    %get3A_204 = arith.constant 0 : index
    %get3A_205 = vector.load %arg3[%get3A_202, %get3A_203, %get3A_204] : memref<8x128x256xf32, #tpu.memory_space<vmem>>, vector<1x128x256xf32>
    %get3A_206 = vector.shape_cast %get3A_205 : vector<1x128x256xf32> to vector<128x256xf32>
    %dot_general3A_207 = arith.constant dense<0.000000e+00> : vector<2048x256xf32>
    %dot_general3A_208 = tpu.matmul %div3A_7, %get3A_206, %dot_general3A_207 {dimension_numbers = #tpu.dot_dimension_numbers<[1], [0], [0], [1], [0, 0, 1, 1], [], []>, transpose_lhs_hint = false} : vector<2048x128xf32>, vector<128x256xf32>, vector<2048x256xf32> -> vector<2048x256xf32>
    %get3A_209 = arith.constant 2 : index
    %get3A_210 = arith.constant 0 : index
    %get3A_211 = vector.load %arg4[%get3A_209, %get3A_210] : memref<8x256xf32, #tpu.memory_space<vmem>>, vector<1x256xf32>
    %get3A_212 = vector.shape_cast %get3A_211 : vector<1x256xf32> to vector<256xf32>
    %broadcast_in_dim3A_213 = vector.shape_cast %get3A_212 : vector<256xf32> to vector<1x256xf32>
    %add3A_214 = vector.broadcast %broadcast_in_dim3A_213 : vector<1x256xf32> to vector<2048x256xf32>
    %add3A_215 = arith.addf %dot_general3A_208, %add3A_214 : vector<2048x256xf32>
    %mul3A_216 = arith.constant 5.000000e-01 : f32
    %mul3A_217 = vector.broadcast %mul3A_216 : f32 to vector<2048x256xf32>
    %mul3A_218 = arith.mulf %mul3A_217, %add3A_215 : vector<2048x256xf32>
    %mul3A_219 = arith.constant 0.707106769 : f32
    %mul3A_220 = vector.broadcast %mul3A_219 : f32 to vector<2048x256xf32>
    %mul3A_221 = arith.mulf %add3A_215, %mul3A_220 : vector<2048x256xf32>
    %erf3A_222 = math.erf %mul3A_221 : vector<2048x256xf32>
    %add3A_223 = arith.constant 1.000000e+00 : f32
    %add3A_224 = vector.broadcast %add3A_223 : f32 to vector<2048x256xf32>
    %add3A_225 = arith.addf %add3A_224, %erf3A_222 : vector<2048x256xf32>
    %mul3A_226 = arith.mulf %mul3A_218, %add3A_225 : vector<2048x256xf32>
    %get3A_227 = arith.constant 2 : index
    %get3A_228 = arith.constant 0 : index
    %get3A_229 = arith.constant 0 : index
    %get3A_230 = vector.load %arg5[%get3A_227, %get3A_228, %get3A_229] : memref<8x256x256xf32, #tpu.memory_space<vmem>>, vector<1x256x256xf32>
    %get3A_231 = vector.shape_cast %get3A_230 : vector<1x256x256xf32> to vector<256x256xf32>
    %dot_general3A_232 = arith.constant dense<0.000000e+00> : vector<2048x256xf32>
    %dot_general3A_233 = tpu.matmul %mul3A_226, %get3A_231, %dot_general3A_232 {dimension_numbers = #tpu.dot_dimension_numbers<[1], [0], [0], [1], [0, 0, 1, 1], [], []>, transpose_lhs_hint = false} : vector<2048x256xf32>, vector<256x256xf32>, vector<2048x256xf32> -> vector<2048x256xf32>
    %get3A_234 = arith.constant 2 : index
    %get3A_235 = arith.constant 0 : index
    %get3A_236 = vector.load %arg6[%get3A_234, %get3A_235] : memref<8x256xf32, #tpu.memory_space<vmem>>, vector<1x256xf32>
    %get3A_237 = vector.shape_cast %get3A_236 : vector<1x256xf32> to vector<256xf32>
    %broadcast_in_dim3A_238 = vector.shape_cast %get3A_237 : vector<256xf32> to vector<1x256xf32>
    %add3A_239 = vector.broadcast %broadcast_in_dim3A_238 : vector<1x256xf32> to vector<2048x256xf32>
    %add3A_240 = arith.addf %dot_general3A_233, %add3A_239 : vector<2048x256xf32>
    %mul3A_241 = arith.constant 5.000000e-01 : f32
    %mul3A_242 = vector.broadcast %mul3A_241 : f32 to vector<2048x256xf32>
    %mul3A_243 = arith.mulf %mul3A_242, %add3A_240 : vector<2048x256xf32>
    %mul3A_244 = arith.constant 0.707106769 : f32
    %mul3A_245 = vector.broadcast %mul3A_244 : f32 to vector<2048x256xf32>
    %mul3A_246 = arith.mulf %add3A_240, %mul3A_245 : vector<2048x256xf32>
    %erf3A_247 = math.erf %mul3A_246 : vector<2048x256xf32>
    %add3A_248 = arith.constant 1.000000e+00 : f32
    %add3A_249 = vector.broadcast %add3A_248 : f32 to vector<2048x256xf32>
    %add3A_250 = arith.addf %add3A_249, %erf3A_247 : vector<2048x256xf32>
    %mul3A_251 = arith.mulf %mul3A_243, %add3A_250 : vector<2048x256xf32>
    %get3A_252 = arith.constant 2 : index
    %get3A_253 = arith.constant 0 : index
    %get3A_254 = arith.constant 0 : index
    %get3A_255 = vector.load %arg7[%get3A_252, %get3A_253, %get3A_254] : memref<8x256x128xf32, #tpu.memory_space<vmem>>, vector<1x256x128xf32>
    %get3A_256 = vector.shape_cast %get3A_255 : vector<1x256x128xf32> to vector<256x128xf32>
    %dot_general3A_257 = arith.constant dense<0.000000e+00> : vector<2048x128xf32>
    %dot_general3A_258 = tpu.matmul %mul3A_251, %get3A_256, %dot_general3A_257 {dimension_numbers = #tpu.dot_dimension_numbers<[1], [0], [0], [1], [0, 0, 1, 1], [], []>, transpose_lhs_hint = false} : vector<2048x256xf32>, vector<256x128xf32>, vector<2048x128xf32> -> vector<2048x128xf32>
    %get3A_259 = arith.constant 2 : index
    %get3A_260 = arith.constant 0 : index
    %get3A_261 = vector.load %arg8[%get3A_259, %get3A_260] : memref<8x128xf32, #tpu.memory_space<vmem>>, vector<1x128xf32>
    %get3A_262 = vector.shape_cast %get3A_261 : vector<1x128xf32> to vector<128xf32>
    %broadcast_in_dim3A_263 = vector.shape_cast %get3A_262 : vector<128xf32> to vector<1x128xf32>
    %add3A_264 = vector.broadcast %broadcast_in_dim3A_263 : vector<1x128xf32> to vector<2048x128xf32>
    %add3A_265 = arith.addf %dot_general3A_258, %add3A_264 : vector<2048x128xf32>
    %slice3A_266 = vector.extract_strided_slice %div3A_51 {offsets = [0, 2], sizes = [2048, 1], strides = [1, 1]} : vector<2048x8xf32> to vector<2048x1xf32>
    %mul3A_267 = vector.broadcast %slice3A_266 : vector<2048x1xf32> to vector<2048x128xf32>
    %mul3A_268 = arith.mulf %mul3A_267, %add3A_265 : vector<2048x128xf32>
    %add3A_269 = arith.addf %add3A_201, %mul3A_268 : vector<2048x128xf32>
    %get3A_270 = arith.constant 3 : index
    %get3A_271 = arith.constant 0 : index
    %get3A_272 = arith.constant 0 : index
    %get3A_273 = vector.load %arg3[%get3A_270, %get3A_271, %get3A_272] : memref<8x128x256xf32, #tpu.memory_space<vmem>>, vector<1x128x256xf32>
    %get3A_274 = vector.shape_cast %get3A_273 : vector<1x128x256xf32> to vector<128x256xf32>
    %dot_general3A_275 = arith.constant dense<0.000000e+00> : vector<2048x256xf32>
    %dot_general3A_276 = tpu.matmul %div3A_7, %get3A_274, %dot_general3A_275 {dimension_numbers = #tpu.dot_dimension_numbers<[1], [0], [0], [1], [0, 0, 1, 1], [], []>, transpose_lhs_hint = false} : vector<2048x128xf32>, vector<128x256xf32>, vector<2048x256xf32> -> vector<2048x256xf32>
    %get3A_277 = arith.constant 3 : index
    %get3A_278 = arith.constant 0 : index
    %get3A_279 = vector.load %arg4[%get3A_277, %get3A_278] : memref<8x256xf32, #tpu.memory_space<vmem>>, vector<1x256xf32>
    %get3A_280 = vector.shape_cast %get3A_279 : vector<1x256xf32> to vector<256xf32>
    %broadcast_in_dim3A_281 = vector.shape_cast %get3A_280 : vector<256xf32> to vector<1x256xf32>
    %add3A_282 = vector.broadcast %broadcast_in_dim3A_281 : vector<1x256xf32> to vector<2048x256xf32>
    %add3A_283 = arith.addf %dot_general3A_276, %add3A_282 : vector<2048x256xf32>
    %mul3A_284 = arith.constant 5.000000e-01 : f32
    %mul3A_285 = vector.broadcast %mul3A_284 : f32 to vector<2048x256xf32>
    %mul3A_286 = arith.mulf %mul3A_285, %add3A_283 : vector<2048x256xf32>
    %mul3A_287 = arith.constant 0.707106769 : f32
    %mul3A_288 = vector.broadcast %mul3A_287 : f32 to vector<2048x256xf32>
    %mul3A_289 = arith.mulf %add3A_283, %mul3A_288 : vector<2048x256xf32>
    %erf3A_290 = math.erf %mul3A_289 : vector<2048x256xf32>
    %add3A_291 = arith.constant 1.000000e+00 : f32
    %add3A_292 = vector.broadcast %add3A_291 : f32 to vector<2048x256xf32>
    %add3A_293 = arith.addf %add3A_292, %erf3A_290 : vector<2048x256xf32>
    %mul3A_294 = arith.mulf %mul3A_286, %add3A_293 : vector<2048x256xf32>
    %get3A_295 = arith.constant 3 : index
    %get3A_296 = arith.constant 0 : index
    %get3A_297 = arith.constant 0 : index
    %get3A_298 = vector.load %arg5[%get3A_295, %get3A_296, %get3A_297] : memref<8x256x256xf32, #tpu.memory_space<vmem>>, vector<1x256x256xf32>
    %get3A_299 = vector.shape_cast %get3A_298 : vector<1x256x256xf32> to vector<256x256xf32>
    %dot_general3A_300 = arith.constant dense<0.000000e+00> : vector<2048x256xf32>
    %dot_general3A_301 = tpu.matmul %mul3A_294, %get3A_299, %dot_general3A_300 {dimension_numbers = #tpu.dot_dimension_numbers<[1], [0], [0], [1], [0, 0, 1, 1], [], []>, transpose_lhs_hint = false} : vector<2048x256xf32>, vector<256x256xf32>, vector<2048x256xf32> -> vector<2048x256xf32>
    %get3A_302 = arith.constant 3 : index
    %get3A_303 = arith.constant 0 : index
    %get3A_304 = vector.load %arg6[%get3A_302, %get3A_303] : memref<8x256xf32, #tpu.memory_space<vmem>>, vector<1x256xf32>
    %get3A_305 = vector.shape_cast %get3A_304 : vector<1x256xf32> to vector<256xf32>
    %broadcast_in_dim3A_306 = vector.shape_cast %get3A_305 : vector<256xf32> to vector<1x256xf32>
    %add3A_307 = vector.broadcast %broadcast_in_dim3A_306 : vector<1x256xf32> to vector<2048x256xf32>
    %add3A_308 = arith.addf %dot_general3A_301, %add3A_307 : vector<2048x256xf32>
    %mul3A_309 = arith.constant 5.000000e-01 : f32
    %mul3A_310 = vector.broadcast %mul3A_309 : f32 to vector<2048x256xf32>
    %mul3A_311 = arith.mulf %mul3A_310, %add3A_308 : vector<2048x256xf32>
    %mul3A_312 = arith.constant 0.707106769 : f32
    %mul3A_313 = vector.broadcast %mul3A_312 : f32 to vector<2048x256xf32>
    %mul3A_314 = arith.mulf %add3A_308, %mul3A_313 : vector<2048x256xf32>
    %erf3A_315 = math.erf %mul3A_314 : vector<2048x256xf32>
    %add3A_316 = arith.constant 1.000000e+00 : f32
    %add3A_317 = vector.broadcast %add3A_316 : f32 to vector<2048x256xf32>
    %add3A_318 = arith.addf %add3A_317, %erf3A_315 : vector<2048x256xf32>
    %mul3A_319 = arith.mulf %mul3A_311, %add3A_318 : vector<2048x256xf32>
    %get3A_320 = arith.constant 3 : index
    %get3A_321 = arith.constant 0 : index
    %get3A_322 = arith.constant 0 : index
    %get3A_323 = vector.load %arg7[%get3A_320, %get3A_321, %get3A_322] : memref<8x256x128xf32, #tpu.memory_space<vmem>>, vector<1x256x128xf32>
    %get3A_324 = vector.shape_cast %get3A_323 : vector<1x256x128xf32> to vector<256x128xf32>
    %dot_general3A_325 = arith.constant dense<0.000000e+00> : vector<2048x128xf32>
    %dot_general3A_326 = tpu.matmul %mul3A_319, %get3A_324, %dot_general3A_325 {dimension_numbers = #tpu.dot_dimension_numbers<[1], [0], [0], [1], [0, 0, 1, 1], [], []>, transpose_lhs_hint = false} : vector<2048x256xf32>, vector<256x128xf32>, vector<2048x128xf32> -> vector<2048x128xf32>
    %get3A_327 = arith.constant 3 : index
    %get3A_328 = arith.constant 0 : index
    %get3A_329 = vector.load %arg8[%get3A_327, %get3A_328] : memref<8x128xf32, #tpu.memory_space<vmem>>, vector<1x128xf32>
    %get3A_330 = vector.shape_cast %get3A_329 : vector<1x128xf32> to vector<128xf32>
    %broadcast_in_dim3A_331 = vector.shape_cast %get3A_330 : vector<128xf32> to vector<1x128xf32>
    %add3A_332 = vector.broadcast %broadcast_in_dim3A_331 : vector<1x128xf32> to vector<2048x128xf32>
    %add3A_333 = arith.addf %dot_general3A_326, %add3A_332 : vector<2048x128xf32>
    %slice3A_334 = vector.extract_strided_slice %div3A_51 {offsets = [0, 3], sizes = [2048, 1], strides = [1, 1]} : vector<2048x8xf32> to vector<2048x1xf32>
    %mul3A_335 = vector.broadcast %slice3A_334 : vector<2048x1xf32> to vector<2048x128xf32>
    %mul3A_336 = arith.mulf %mul3A_335, %add3A_333 : vector<2048x128xf32>
    %add3A_337 = arith.addf %add3A_269, %mul3A_336 : vector<2048x128xf32>
    %get3A_338 = arith.constant 4 : index
    %get3A_339 = arith.constant 0 : index
    %get3A_340 = arith.constant 0 : index
    %get3A_341 = vector.load %arg3[%get3A_338, %get3A_339, %get3A_340] : memref<8x128x256xf32, #tpu.memory_space<vmem>>, vector<1x128x256xf32>
    %get3A_342 = vector.shape_cast %get3A_341 : vector<1x128x256xf32> to vector<128x256xf32>
    %dot_general3A_343 = arith.constant dense<0.000000e+00> : vector<2048x256xf32>
    %dot_general3A_344 = tpu.matmul %div3A_7, %get3A_342, %dot_general3A_343 {dimension_numbers = #tpu.dot_dimension_numbers<[1], [0], [0], [1], [0, 0, 1, 1], [], []>, transpose_lhs_hint = false} : vector<2048x128xf32>, vector<128x256xf32>, vector<2048x256xf32> -> vector<2048x256xf32>
    %get3A_345 = arith.constant 4 : index
    %get3A_346 = arith.constant 0 : index
    %get3A_347 = vector.load %arg4[%get3A_345, %get3A_346] : memref<8x256xf32, #tpu.memory_space<vmem>>, vector<1x256xf32>
    %get3A_348 = vector.shape_cast %get3A_347 : vector<1x256xf32> to vector<256xf32>
    %broadcast_in_dim3A_349 = vector.shape_cast %get3A_348 : vector<256xf32> to vector<1x256xf32>
    %add3A_350 = vector.broadcast %broadcast_in_dim3A_349 : vector<1x256xf32> to vector<2048x256xf32>
    %add3A_351 = arith.addf %dot_general3A_344, %add3A_350 : vector<2048x256xf32>
    %mul3A_352 = arith.constant 5.000000e-01 : f32
    %mul3A_353 = vector.broadcast %mul3A_352 : f32 to vector<2048x256xf32>
    %mul3A_354 = arith.mulf %mul3A_353, %add3A_351 : vector<2048x256xf32>
    %mul3A_355 = arith.constant 0.707106769 : f32
    %mul3A_356 = vector.broadcast %mul3A_355 : f32 to vector<2048x256xf32>
    %mul3A_357 = arith.mulf %add3A_351, %mul3A_356 : vector<2048x256xf32>
    %erf3A_358 = math.erf %mul3A_357 : vector<2048x256xf32>
    %add3A_359 = arith.constant 1.000000e+00 : f32
    %add3A_360 = vector.broadcast %add3A_359 : f32 to vector<2048x256xf32>
    %add3A_361 = arith.addf %add3A_360, %erf3A_358 : vector<2048x256xf32>
    %mul3A_362 = arith.mulf %mul3A_354, %add3A_361 : vector<2048x256xf32>
    %get3A_363 = arith.constant 4 : index
    %get3A_364 = arith.constant 0 : index
    %get3A_365 = arith.constant 0 : index
    %get3A_366 = vector.load %arg5[%get3A_363, %get3A_364, %get3A_365] : memref<8x256x256xf32, #tpu.memory_space<vmem>>, vector<1x256x256xf32>
    %get3A_367 = vector.shape_cast %get3A_366 : vector<1x256x256xf32> to vector<256x256xf32>
    %dot_general3A_368 = arith.constant dense<0.000000e+00> : vector<2048x256xf32>
    %dot_general3A_369 = tpu.matmul %mul3A_362, %get3A_367, %dot_general3A_368 {dimension_numbers = #tpu.dot_dimension_numbers<[1], [0], [0], [1], [0, 0, 1, 1], [], []>, transpose_lhs_hint = false} : vector<2048x256xf32>, vector<256x256xf32>, vector<2048x256xf32> -> vector<2048x256xf32>
    %get3A_370 = arith.constant 4 : index
    %get3A_371 = arith.constant 0 : index
    %get3A_372 = vector.load %arg6[%get3A_370, %get3A_371] : memref<8x256xf32, #tpu.memory_space<vmem>>, vector<1x256xf32>
    %get3A_373 = vector.shape_cast %get3A_372 : vector<1x256xf32> to vector<256xf32>
    %broadcast_in_dim3A_374 = vector.shape_cast %get3A_373 : vector<256xf32> to vector<1x256xf32>
    %add3A_375 = vector.broadcast %broadcast_in_dim3A_374 : vector<1x256xf32> to vector<2048x256xf32>
    %add3A_376 = arith.addf %dot_general3A_369, %add3A_375 : vector<2048x256xf32>
    %mul3A_377 = arith.constant 5.000000e-01 : f32
    %mul3A_378 = vector.broadcast %mul3A_377 : f32 to vector<2048x256xf32>
    %mul3A_379 = arith.mulf %mul3A_378, %add3A_376 : vector<2048x256xf32>
    %mul3A_380 = arith.constant 0.707106769 : f32
    %mul3A_381 = vector.broadcast %mul3A_380 : f32 to vector<2048x256xf32>
    %mul3A_382 = arith.mulf %add3A_376, %mul3A_381 : vector<2048x256xf32>
    %erf3A_383 = math.erf %mul3A_382 : vector<2048x256xf32>
    %add3A_384 = arith.constant 1.000000e+00 : f32
    %add3A_385 = vector.broadcast %add3A_384 : f32 to vector<2048x256xf32>
    %add3A_386 = arith.addf %add3A_385, %erf3A_383 : vector<2048x256xf32>
    %mul3A_387 = arith.mulf %mul3A_379, %add3A_386 : vector<2048x256xf32>
    %get3A_388 = arith.constant 4 : index
    %get3A_389 = arith.constant 0 : index
    %get3A_390 = arith.constant 0 : index
    %get3A_391 = vector.load %arg7[%get3A_388, %get3A_389, %get3A_390] : memref<8x256x128xf32, #tpu.memory_space<vmem>>, vector<1x256x128xf32>
    %get3A_392 = vector.shape_cast %get3A_391 : vector<1x256x128xf32> to vector<256x128xf32>
    %dot_general3A_393 = arith.constant dense<0.000000e+00> : vector<2048x128xf32>
    %dot_general3A_394 = tpu.matmul %mul3A_387, %get3A_392, %dot_general3A_393 {dimension_numbers = #tpu.dot_dimension_numbers<[1], [0], [0], [1], [0, 0, 1, 1], [], []>, transpose_lhs_hint = false} : vector<2048x256xf32>, vector<256x128xf32>, vector<2048x128xf32> -> vector<2048x128xf32>
    %get3A_395 = arith.constant 4 : index
    %get3A_396 = arith.constant 0 : index
    %get3A_397 = vector.load %arg8[%get3A_395, %get3A_396] : memref<8x128xf32, #tpu.memory_space<vmem>>, vector<1x128xf32>
    %get3A_398 = vector.shape_cast %get3A_397 : vector<1x128xf32> to vector<128xf32>
    %broadcast_in_dim3A_399 = vector.shape_cast %get3A_398 : vector<128xf32> to vector<1x128xf32>
    %add3A_400 = vector.broadcast %broadcast_in_dim3A_399 : vector<1x128xf32> to vector<2048x128xf32>
    %add3A_401 = arith.addf %dot_general3A_394, %add3A_400 : vector<2048x128xf32>
    %slice3A_402 = vector.extract_strided_slice %div3A_51 {offsets = [0, 4], sizes = [2048, 1], strides = [1, 1]} : vector<2048x8xf32> to vector<2048x1xf32>
    %mul3A_403 = vector.broadcast %slice3A_402 : vector<2048x1xf32> to vector<2048x128xf32>
    %mul3A_404 = arith.mulf %mul3A_403, %add3A_401 : vector<2048x128xf32>
    %add3A_405 = arith.addf %add3A_337, %mul3A_404 : vector<2048x128xf32>
    %get3A_406 = arith.constant 5 : index
    %get3A_407 = arith.constant 0 : index
    %get3A_408 = arith.constant 0 : index
    %get3A_409 = vector.load %arg3[%get3A_406, %get3A_407, %get3A_408] : memref<8x128x256xf32, #tpu.memory_space<vmem>>, vector<1x128x256xf32>
    %get3A_410 = vector.shape_cast %get3A_409 : vector<1x128x256xf32> to vector<128x256xf32>
    %dot_general3A_411 = arith.constant dense<0.000000e+00> : vector<2048x256xf32>
    %dot_general3A_412 = tpu.matmul %div3A_7, %get3A_410, %dot_general3A_411 {dimension_numbers = #tpu.dot_dimension_numbers<[1], [0], [0], [1], [0, 0, 1, 1], [], []>, transpose_lhs_hint = false} : vector<2048x128xf32>, vector<128x256xf32>, vector<2048x256xf32> -> vector<2048x256xf32>
    %get3A_413 = arith.constant 5 : index
    %get3A_414 = arith.constant 0 : index
    %get3A_415 = vector.load %arg4[%get3A_413, %get3A_414] : memref<8x256xf32, #tpu.memory_space<vmem>>, vector<1x256xf32>
    %get3A_416 = vector.shape_cast %get3A_415 : vector<1x256xf32> to vector<256xf32>
    %broadcast_in_dim3A_417 = vector.shape_cast %get3A_416 : vector<256xf32> to vector<1x256xf32>
    %add3A_418 = vector.broadcast %broadcast_in_dim3A_417 : vector<1x256xf32> to vector<2048x256xf32>
    %add3A_419 = arith.addf %dot_general3A_412, %add3A_418 : vector<2048x256xf32>
    %mul3A_420 = arith.constant 5.000000e-01 : f32
    %mul3A_421 = vector.broadcast %mul3A_420 : f32 to vector<2048x256xf32>
    %mul3A_422 = arith.mulf %mul3A_421, %add3A_419 : vector<2048x256xf32>
    %mul3A_423 = arith.constant 0.707106769 : f32
    %mul3A_424 = vector.broadcast %mul3A_423 : f32 to vector<2048x256xf32>
    %mul3A_425 = arith.mulf %add3A_419, %mul3A_424 : vector<2048x256xf32>
    %erf3A_426 = math.erf %mul3A_425 : vector<2048x256xf32>
    %add3A_427 = arith.constant 1.000000e+00 : f32
    %add3A_428 = vector.broadcast %add3A_427 : f32 to vector<2048x256xf32>
    %add3A_429 = arith.addf %add3A_428, %erf3A_426 : vector<2048x256xf32>
    %mul3A_430 = arith.mulf %mul3A_422, %add3A_429 : vector<2048x256xf32>
    %get3A_431 = arith.constant 5 : index
    %get3A_432 = arith.constant 0 : index
    %get3A_433 = arith.constant 0 : index
    %get3A_434 = vector.load %arg5[%get3A_431, %get3A_432, %get3A_433] : memref<8x256x256xf32, #tpu.memory_space<vmem>>, vector<1x256x256xf32>
    %get3A_435 = vector.shape_cast %get3A_434 : vector<1x256x256xf32> to vector<256x256xf32>
    %dot_general3A_436 = arith.constant dense<0.000000e+00> : vector<2048x256xf32>
    %dot_general3A_437 = tpu.matmul %mul3A_430, %get3A_435, %dot_general3A_436 {dimension_numbers = #tpu.dot_dimension_numbers<[1], [0], [0], [1], [0, 0, 1, 1], [], []>, transpose_lhs_hint = false} : vector<2048x256xf32>, vector<256x256xf32>, vector<2048x256xf32> -> vector<2048x256xf32>
    %get3A_438 = arith.constant 5 : index
    %get3A_439 = arith.constant 0 : index
    %get3A_440 = vector.load %arg6[%get3A_438, %get3A_439] : memref<8x256xf32, #tpu.memory_space<vmem>>, vector<1x256xf32>
    %get3A_441 = vector.shape_cast %get3A_440 : vector<1x256xf32> to vector<256xf32>
    %broadcast_in_dim3A_442 = vector.shape_cast %get3A_441 : vector<256xf32> to vector<1x256xf32>
    %add3A_443 = vector.broadcast %broadcast_in_dim3A_442 : vector<1x256xf32> to vector<2048x256xf32>
    %add3A_444 = arith.addf %dot_general3A_437, %add3A_443 : vector<2048x256xf32>
    %mul3A_445 = arith.constant 5.000000e-01 : f32
    %mul3A_446 = vector.broadcast %mul3A_445 : f32 to vector<2048x256xf32>
    %mul3A_447 = arith.mulf %mul3A_446, %add3A_444 : vector<2048x256xf32>
    %mul3A_448 = arith.constant 0.707106769 : f32
    %mul3A_449 = vector.broadcast %mul3A_448 : f32 to vector<2048x256xf32>
    %mul3A_450 = arith.mulf %add3A_444, %mul3A_449 : vector<2048x256xf32>
    %erf3A_451 = math.erf %mul3A_450 : vector<2048x256xf32>
    %add3A_452 = arith.constant 1.000000e+00 : f32
    %add3A_453 = vector.broadcast %add3A_452 : f32 to vector<2048x256xf32>
    %add3A_454 = arith.addf %add3A_453, %erf3A_451 : vector<2048x256xf32>
    %mul3A_455 = arith.mulf %mul3A_447, %add3A_454 : vector<2048x256xf32>
    %get3A_456 = arith.constant 5 : index
    %get3A_457 = arith.constant 0 : index
    %get3A_458 = arith.constant 0 : index
    %get3A_459 = vector.load %arg7[%get3A_456, %get3A_457, %get3A_458] : memref<8x256x128xf32, #tpu.memory_space<vmem>>, vector<1x256x128xf32>
    %get3A_460 = vector.shape_cast %get3A_459 : vector<1x256x128xf32> to vector<256x128xf32>
    %dot_general3A_461 = arith.constant dense<0.000000e+00> : vector<2048x128xf32>
    %dot_general3A_462 = tpu.matmul %mul3A_455, %get3A_460, %dot_general3A_461 {dimension_numbers = #tpu.dot_dimension_numbers<[1], [0], [0], [1], [0, 0, 1, 1], [], []>, transpose_lhs_hint = false} : vector<2048x256xf32>, vector<256x128xf32>, vector<2048x128xf32> -> vector<2048x128xf32>
    %get3A_463 = arith.constant 5 : index
    %get3A_464 = arith.constant 0 : index
    %get3A_465 = vector.load %arg8[%get3A_463, %get3A_464] : memref<8x128xf32, #tpu.memory_space<vmem>>, vector<1x128xf32>
    %get3A_466 = vector.shape_cast %get3A_465 : vector<1x128xf32> to vector<128xf32>
    %broadcast_in_dim3A_467 = vector.shape_cast %get3A_466 : vector<128xf32> to vector<1x128xf32>
    %add3A_468 = vector.broadcast %broadcast_in_dim3A_467 : vector<1x128xf32> to vector<2048x128xf32>
    %add3A_469 = arith.addf %dot_general3A_462, %add3A_468 : vector<2048x128xf32>
    %slice3A_470 = vector.extract_strided_slice %div3A_51 {offsets = [0, 5], sizes = [2048, 1], strides = [1, 1]} : vector<2048x8xf32> to vector<2048x1xf32>
    %mul3A_471 = vector.broadcast %slice3A_470 : vector<2048x1xf32> to vector<2048x128xf32>
    %mul3A_472 = arith.mulf %mul3A_471, %add3A_469 : vector<2048x128xf32>
    %add3A_473 = arith.addf %add3A_405, %mul3A_472 : vector<2048x128xf32>
    %get3A_474 = arith.constant 6 : index
    %get3A_475 = arith.constant 0 : index
    %get3A_476 = arith.constant 0 : index
    %get3A_477 = vector.load %arg3[%get3A_474, %get3A_475, %get3A_476] : memref<8x128x256xf32, #tpu.memory_space<vmem>>, vector<1x128x256xf32>
    %get3A_478 = vector.shape_cast %get3A_477 : vector<1x128x256xf32> to vector<128x256xf32>
    %dot_general3A_479 = arith.constant dense<0.000000e+00> : vector<2048x256xf32>
    %dot_general3A_480 = tpu.matmul %div3A_7, %get3A_478, %dot_general3A_479 {dimension_numbers = #tpu.dot_dimension_numbers<[1], [0], [0], [1], [0, 0, 1, 1], [], []>, transpose_lhs_hint = false} : vector<2048x128xf32>, vector<128x256xf32>, vector<2048x256xf32> -> vector<2048x256xf32>
    %get3A_481 = arith.constant 6 : index
    %get3A_482 = arith.constant 0 : index
    %get3A_483 = vector.load %arg4[%get3A_481, %get3A_482] : memref<8x256xf32, #tpu.memory_space<vmem>>, vector<1x256xf32>
    %get3A_484 = vector.shape_cast %get3A_483 : vector<1x256xf32> to vector<256xf32>
    %broadcast_in_dim3A_485 = vector.shape_cast %get3A_484 : vector<256xf32> to vector<1x256xf32>
    %add3A_486 = vector.broadcast %broadcast_in_dim3A_485 : vector<1x256xf32> to vector<2048x256xf32>
    %add3A_487 = arith.addf %dot_general3A_480, %add3A_486 : vector<2048x256xf32>
    %mul3A_488 = arith.constant 5.000000e-01 : f32
    %mul3A_489 = vector.broadcast %mul3A_488 : f32 to vector<2048x256xf32>
    %mul3A_490 = arith.mulf %mul3A_489, %add3A_487 : vector<2048x256xf32>
    %mul3A_491 = arith.constant 0.707106769 : f32
    %mul3A_492 = vector.broadcast %mul3A_491 : f32 to vector<2048x256xf32>
    %mul3A_493 = arith.mulf %add3A_487, %mul3A_492 : vector<2048x256xf32>
    %erf3A_494 = math.erf %mul3A_493 : vector<2048x256xf32>
    %add3A_495 = arith.constant 1.000000e+00 : f32
    %add3A_496 = vector.broadcast %add3A_495 : f32 to vector<2048x256xf32>
    %add3A_497 = arith.addf %add3A_496, %erf3A_494 : vector<2048x256xf32>
    %mul3A_498 = arith.mulf %mul3A_490, %add3A_497 : vector<2048x256xf32>
    %get3A_499 = arith.constant 6 : index
    %get3A_500 = arith.constant 0 : index
    %get3A_501 = arith.constant 0 : index
    %get3A_502 = vector.load %arg5[%get3A_499, %get3A_500, %get3A_501] : memref<8x256x256xf32, #tpu.memory_space<vmem>>, vector<1x256x256xf32>
    %get3A_503 = vector.shape_cast %get3A_502 : vector<1x256x256xf32> to vector<256x256xf32>
    %dot_general3A_504 = arith.constant dense<0.000000e+00> : vector<2048x256xf32>
    %dot_general3A_505 = tpu.matmul %mul3A_498, %get3A_503, %dot_general3A_504 {dimension_numbers = #tpu.dot_dimension_numbers<[1], [0], [0], [1], [0, 0, 1, 1], [], []>, transpose_lhs_hint = false} : vector<2048x256xf32>, vector<256x256xf32>, vector<2048x256xf32> -> vector<2048x256xf32>
    %get3A_506 = arith.constant 6 : index
    %get3A_507 = arith.constant 0 : index
    %get3A_508 = vector.load %arg6[%get3A_506, %get3A_507] : memref<8x256xf32, #tpu.memory_space<vmem>>, vector<1x256xf32>
    %get3A_509 = vector.shape_cast %get3A_508 : vector<1x256xf32> to vector<256xf32>
    %broadcast_in_dim3A_510 = vector.shape_cast %get3A_509 : vector<256xf32> to vector<1x256xf32>
    %add3A_511 = vector.broadcast %broadcast_in_dim3A_510 : vector<1x256xf32> to vector<2048x256xf32>
    %add3A_512 = arith.addf %dot_general3A_505, %add3A_511 : vector<2048x256xf32>
    %mul3A_513 = arith.constant 5.000000e-01 : f32
    %mul3A_514 = vector.broadcast %mul3A_513 : f32 to vector<2048x256xf32>
    %mul3A_515 = arith.mulf %mul3A_514, %add3A_512 : vector<2048x256xf32>
    %mul3A_516 = arith.constant 0.707106769 : f32
    %mul3A_517 = vector.broadcast %mul3A_516 : f32 to vector<2048x256xf32>
    %mul3A_518 = arith.mulf %add3A_512, %mul3A_517 : vector<2048x256xf32>
    %erf3A_519 = math.erf %mul3A_518 : vector<2048x256xf32>
    %add3A_520 = arith.constant 1.000000e+00 : f32
    %add3A_521 = vector.broadcast %add3A_520 : f32 to vector<2048x256xf32>
    %add3A_522 = arith.addf %add3A_521, %erf3A_519 : vector<2048x256xf32>
    %mul3A_523 = arith.mulf %mul3A_515, %add3A_522 : vector<2048x256xf32>
    %get3A_524 = arith.constant 6 : index
    %get3A_525 = arith.constant 0 : index
    %get3A_526 = arith.constant 0 : index
    %get3A_527 = vector.load %arg7[%get3A_524, %get3A_525, %get3A_526] : memref<8x256x128xf32, #tpu.memory_space<vmem>>, vector<1x256x128xf32>
    %get3A_528 = vector.shape_cast %get3A_527 : vector<1x256x128xf32> to vector<256x128xf32>
    %dot_general3A_529 = arith.constant dense<0.000000e+00> : vector<2048x128xf32>
    %dot_general3A_530 = tpu.matmul %mul3A_523, %get3A_528, %dot_general3A_529 {dimension_numbers = #tpu.dot_dimension_numbers<[1], [0], [0], [1], [0, 0, 1, 1], [], []>, transpose_lhs_hint = false} : vector<2048x256xf32>, vector<256x128xf32>, vector<2048x128xf32> -> vector<2048x128xf32>
    %get3A_531 = arith.constant 6 : index
    %get3A_532 = arith.constant 0 : index
    %get3A_533 = vector.load %arg8[%get3A_531, %get3A_532] : memref<8x128xf32, #tpu.memory_space<vmem>>, vector<1x128xf32>
    %get3A_534 = vector.shape_cast %get3A_533 : vector<1x128xf32> to vector<128xf32>
    %broadcast_in_dim3A_535 = vector.shape_cast %get3A_534 : vector<128xf32> to vector<1x128xf32>
    %add3A_536 = vector.broadcast %broadcast_in_dim3A_535 : vector<1x128xf32> to vector<2048x128xf32>
    %add3A_537 = arith.addf %dot_general3A_530, %add3A_536 : vector<2048x128xf32>
    %slice3A_538 = vector.extract_strided_slice %div3A_51 {offsets = [0, 6], sizes = [2048, 1], strides = [1, 1]} : vector<2048x8xf32> to vector<2048x1xf32>
    %mul3A_539 = vector.broadcast %slice3A_538 : vector<2048x1xf32> to vector<2048x128xf32>
    %mul3A_540 = arith.mulf %mul3A_539, %add3A_537 : vector<2048x128xf32>
    %add3A_541 = arith.addf %add3A_473, %mul3A_540 : vector<2048x128xf32>
    %get3A_542 = arith.constant 7 : index
    %get3A_543 = arith.constant 0 : index
    %get3A_544 = arith.constant 0 : index
    %get3A_545 = vector.load %arg3[%get3A_542, %get3A_543, %get3A_544] : memref<8x128x256xf32, #tpu.memory_space<vmem>>, vector<1x128x256xf32>
    %get3A_546 = vector.shape_cast %get3A_545 : vector<1x128x256xf32> to vector<128x256xf32>
    %dot_general3A_547 = arith.constant dense<0.000000e+00> : vector<2048x256xf32>
    %dot_general3A_548 = tpu.matmul %div3A_7, %get3A_546, %dot_general3A_547 {dimension_numbers = #tpu.dot_dimension_numbers<[1], [0], [0], [1], [0, 0, 1, 1], [], []>, transpose_lhs_hint = false} : vector<2048x128xf32>, vector<128x256xf32>, vector<2048x256xf32> -> vector<2048x256xf32>
    %get3A_549 = arith.constant 7 : index
    %get3A_550 = arith.constant 0 : index
    %get3A_551 = vector.load %arg4[%get3A_549, %get3A_550] : memref<8x256xf32, #tpu.memory_space<vmem>>, vector<1x256xf32>
    %get3A_552 = vector.shape_cast %get3A_551 : vector<1x256xf32> to vector<256xf32>
    %broadcast_in_dim3A_553 = vector.shape_cast %get3A_552 : vector<256xf32> to vector<1x256xf32>
    %add3A_554 = vector.broadcast %broadcast_in_dim3A_553 : vector<1x256xf32> to vector<2048x256xf32>
    %add3A_555 = arith.addf %dot_general3A_548, %add3A_554 : vector<2048x256xf32>
    %mul3A_556 = arith.constant 5.000000e-01 : f32
    %mul3A_557 = vector.broadcast %mul3A_556 : f32 to vector<2048x256xf32>
    %mul3A_558 = arith.mulf %mul3A_557, %add3A_555 : vector<2048x256xf32>
    %mul3A_559 = arith.constant 0.707106769 : f32
    %mul3A_560 = vector.broadcast %mul3A_559 : f32 to vector<2048x256xf32>
    %mul3A_561 = arith.mulf %add3A_555, %mul3A_560 : vector<2048x256xf32>
    %erf3A_562 = math.erf %mul3A_561 : vector<2048x256xf32>
    %add3A_563 = arith.constant 1.000000e+00 : f32
    %add3A_564 = vector.broadcast %add3A_563 : f32 to vector<2048x256xf32>
    %add3A_565 = arith.addf %add3A_564, %erf3A_562 : vector<2048x256xf32>
    %mul3A_566 = arith.mulf %mul3A_558, %add3A_565 : vector<2048x256xf32>
    %get3A_567 = arith.constant 7 : index
    %get3A_568 = arith.constant 0 : index
    %get3A_569 = arith.constant 0 : index
    %get3A_570 = vector.load %arg5[%get3A_567, %get3A_568, %get3A_569] : memref<8x256x256xf32, #tpu.memory_space<vmem>>, vector<1x256x256xf32>
    %get3A_571 = vector.shape_cast %get3A_570 : vector<1x256x256xf32> to vector<256x256xf32>
    %dot_general3A_572 = arith.constant dense<0.000000e+00> : vector<2048x256xf32>
    %dot_general3A_573 = tpu.matmul %mul3A_566, %get3A_571, %dot_general3A_572 {dimension_numbers = #tpu.dot_dimension_numbers<[1], [0], [0], [1], [0, 0, 1, 1], [], []>, transpose_lhs_hint = false} : vector<2048x256xf32>, vector<256x256xf32>, vector<2048x256xf32> -> vector<2048x256xf32>
    %get3A_574 = arith.constant 7 : index
    %get3A_575 = arith.constant 0 : index
    %get3A_576 = vector.load %arg6[%get3A_574, %get3A_575] : memref<8x256xf32, #tpu.memory_space<vmem>>, vector<1x256xf32>
    %get3A_577 = vector.shape_cast %get3A_576 : vector<1x256xf32> to vector<256xf32>
    %broadcast_in_dim3A_578 = vector.shape_cast %get3A_577 : vector<256xf32> to vector<1x256xf32>
    %add3A_579 = vector.broadcast %broadcast_in_dim3A_578 : vector<1x256xf32> to vector<2048x256xf32>
    %add3A_580 = arith.addf %dot_general3A_573, %add3A_579 : vector<2048x256xf32>
    %mul3A_581 = arith.constant 5.000000e-01 : f32
    %mul3A_582 = vector.broadcast %mul3A_581 : f32 to vector<2048x256xf32>
    %mul3A_583 = arith.mulf %mul3A_582, %add3A_580 : vector<2048x256xf32>
    %mul3A_584 = arith.constant 0.707106769 : f32
    %mul3A_585 = vector.broadcast %mul3A_584 : f32 to vector<2048x256xf32>
    %mul3A_586 = arith.mulf %add3A_580, %mul3A_585 : vector<2048x256xf32>
    %erf3A_587 = math.erf %mul3A_586 : vector<2048x256xf32>
    %add3A_588 = arith.constant 1.000000e+00 : f32
    %add3A_589 = vector.broadcast %add3A_588 : f32 to vector<2048x256xf32>
    %add3A_590 = arith.addf %add3A_589, %erf3A_587 : vector<2048x256xf32>
    %mul3A_591 = arith.mulf %mul3A_583, %add3A_590 : vector<2048x256xf32>
    %get3A_592 = arith.constant 7 : index
    %get3A_593 = arith.constant 0 : index
    %get3A_594 = arith.constant 0 : index
    %get3A_595 = vector.load %arg7[%get3A_592, %get3A_593, %get3A_594] : memref<8x256x128xf32, #tpu.memory_space<vmem>>, vector<1x256x128xf32>
    %get3A_596 = vector.shape_cast %get3A_595 : vector<1x256x128xf32> to vector<256x128xf32>
    %dot_general3A_597 = arith.constant dense<0.000000e+00> : vector<2048x128xf32>
    %dot_general3A_598 = tpu.matmul %mul3A_591, %get3A_596, %dot_general3A_597 {dimension_numbers = #tpu.dot_dimension_numbers<[1], [0], [0], [1], [0, 0, 1, 1], [], []>, transpose_lhs_hint = false} : vector<2048x256xf32>, vector<256x128xf32>, vector<2048x128xf32> -> vector<2048x128xf32>
    %get3A_599 = arith.constant 7 : index
    %get3A_600 = arith.constant 0 : index
    %get3A_601 = vector.load %arg8[%get3A_599, %get3A_600] : memref<8x128xf32, #tpu.memory_space<vmem>>, vector<1x128xf32>
    %get3A_602 = vector.shape_cast %get3A_601 : vector<1x128xf32> to vector<128xf32>
    %broadcast_in_dim3A_603 = vector.shape_cast %get3A_602 : vector<128xf32> to vector<1x128xf32>
    %add3A_604 = vector.broadcast %broadcast_in_dim3A_603 : vector<1x128xf32> to vector<2048x128xf32>
    %add3A_605 = arith.addf %dot_general3A_598, %add3A_604 : vector<2048x128xf32>
    %slice3A_606 = vector.extract_strided_slice %div3A_51 {offsets = [0, 7], sizes = [2048, 1], strides = [1, 1]} : vector<2048x8xf32> to vector<2048x1xf32>
    %mul3A_607 = vector.broadcast %slice3A_606 : vector<2048x1xf32> to vector<2048x128xf32>
    %mul3A_608 = arith.mulf %mul3A_607, %add3A_605 : vector<2048x128xf32>
    %add3A_609 = arith.addf %add3A_541, %mul3A_608 : vector<2048x128xf32>
    %iota3A_610 = tpu.iota {dimensions = array<i32: 1>} : vector<2048x256xi32>
    %get3A_611 = arith.constant 0 : index
    %get3A_612 = arith.constant 0 : index
    %get3A_613 = vector.load %arg9[%get3A_611, %get3A_612] : memref<2048x1xi32, #tpu.memory_space<vmem>>, vector<2048x1xi32>
    %eq3A_614 = vector.broadcast %get3A_613 : vector<2048x1xi32> to vector<2048x256xi32>
    %eq3A_615 = arith.cmpi eq, %eq3A_614, %iota3A_610 : vector<2048x256xi32>
    %jit3A_616 = arith.constant 1.000000e+00 : f32
    %jit3A_617 = arith.constant 0.000000e+00 : f32
    %broadcast_in_dim3A_618 = vector.broadcast %jit3A_616 : f32 to vector<2048x256xf32>
    %broadcast_in_dim3A_619 = vector.broadcast %jit3A_617 : f32 to vector<2048x256xf32>
    %select_n3A_620 = arith.select %eq3A_615, %broadcast_in_dim3A_618, %broadcast_in_dim3A_619 : vector<2048x256xi1>, vector<2048x256xf32>
    %dot_general3A_621 = arith.constant dense<0.000000e+00> : vector<256x128xf32>
    %dot_general3A_622 = tpu.matmul %select_n3A_620, %add3A_609, %dot_general3A_621 {dimension_numbers = #tpu.dot_dimension_numbers<[0], [0], [1], [1], [0, 1, 1, 1], [], []>, precision = #tpu.contract_precision<fp32>, transpose_lhs_hint = false} : vector<2048x256xf32>, vector<2048x128xf32>, vector<256x128xf32> -> vector<256x128xf32>
    %broadcast_in_dim3A_623 = arith.constant 1.000000e+00 : f32
    %broadcast_in_dim3A_624 = vector.broadcast %broadcast_in_dim3A_623 : f32 to vector<2048x1xf32>
    %dot_general3A_625 = arith.constant dense<0.000000e+00> : vector<256x1xf32>
    %dot_general3A_626 = tpu.matmul %select_n3A_620, %broadcast_in_dim3A_624, %dot_general3A_625 {dimension_numbers = #tpu.dot_dimension_numbers<[0], [0], [1], [1], [0, 1, 1, 1], [], []>, precision = #tpu.contract_precision<fp32>, transpose_lhs_hint = false} : vector<2048x256xf32>, vector<2048x1xf32>, vector<256x1xf32> -> vector<256x1xf32>
    %max3A_627 = arith.constant 1.000000e+00 : f32
    %max3A_628 = vector.broadcast %max3A_627 : f32 to vector<256x1xf32>
    %max3A_629 = arith.maximumf %dot_general3A_626, %max3A_628 : vector<256x1xf32>
    %div3A_630 = vector.broadcast %max3A_629 : vector<256x1xf32> to vector<256x128xf32>
    %div3A_631 = arith.divf %dot_general3A_622, %div3A_630 : vector<256x128xf32>
    %get3A_632 = arith.constant 0 : index
    %get3A_633 = arith.constant 0 : index
    %get3A_634 = arith.constant 0 : index
    %get3A_635 = vector.load %arg10[%get3A_632, %get3A_633, %get3A_634] : memref<3x128x64xf32, #tpu.memory_space<vmem>>, vector<1x128x64xf32>
    %get3A_636 = vector.shape_cast %get3A_635 : vector<1x128x64xf32> to vector<128x64xf32>
    %dot_general3A_637 = arith.constant dense<0.000000e+00> : vector<256x64xf32>
    %dot_general3A_638 = tpu.matmul %div3A_631, %get3A_636, %dot_general3A_637 {dimension_numbers = #tpu.dot_dimension_numbers<[1], [0], [0], [1], [0, 0, 1, 1], [], []>, transpose_lhs_hint = false} : vector<256x128xf32>, vector<128x64xf32>, vector<256x64xf32> -> vector<256x64xf32>
    %get3A_639 = arith.constant 0 : index
    %get3A_640 = arith.constant 0 : index
    %get3A_641 = vector.load %arg11[%get3A_639, %get3A_640] : memref<3x64xf32, #tpu.memory_space<vmem>>, vector<1x64xf32>
    %get3A_642 = vector.shape_cast %get3A_641 : vector<1x64xf32> to vector<64xf32>
    %broadcast_in_dim3A_643 = vector.shape_cast %get3A_642 : vector<64xf32> to vector<1x64xf32>
    %add3A_644 = vector.broadcast %broadcast_in_dim3A_643 : vector<1x64xf32> to vector<256x64xf32>
    %add3A_645 = arith.addf %dot_general3A_638, %add3A_644 : vector<256x64xf32>
    %max3A_646 = arith.constant 0.000000e+00 : f32
    %max3A_647 = vector.broadcast %max3A_646 : f32 to vector<256x64xf32>
    %max3A_648 = arith.maximumf %add3A_645, %max3A_647 : vector<256x64xf32>
    %get3A_649 = arith.constant 0 : index
    %get3A_650 = arith.constant 0 : index
    %get3A_651 = arith.constant 0 : index
    %get3A_652 = vector.load %arg12[%get3A_649, %get3A_650, %get3A_651] : memref<3x64x1xf32, #tpu.memory_space<vmem>>, vector<1x64x1xf32>
    %get3A_653 = vector.shape_cast %get3A_652 : vector<1x64x1xf32> to vector<64x1xf32>
    %dot_general3A_654 = arith.constant dense<0.000000e+00> : vector<256x1xf32>
    %dot_general3A_655 = tpu.matmul %max3A_648, %get3A_653, %dot_general3A_654 {dimension_numbers = #tpu.dot_dimension_numbers<[1], [0], [0], [1], [0, 0, 1, 1], [], []>, transpose_lhs_hint = false} : vector<256x64xf32>, vector<64x1xf32>, vector<256x1xf32> -> vector<256x1xf32>
    %get3A_656 = arith.constant 0 : index
    %get3A_657 = arith.constant 0 : index
    %get3A_658 = vector.load %arg13[%get3A_656, %get3A_657] : memref<3x1xf32, #tpu.memory_space<vmem>>, vector<1x1xf32>
    %get3A_659 = vector.shape_cast %get3A_658 : vector<1x1xf32> to vector<1xf32>
    %broadcast_in_dim3A_660 = vector.shape_cast %get3A_659 : vector<1xf32> to vector<1x1xf32>
    %add3A_661 = vector.broadcast %broadcast_in_dim3A_660 : vector<1x1xf32> to vector<256x1xf32>
    %add3A_662 = arith.addf %dot_general3A_655, %add3A_661 : vector<256x1xf32>
    %swap3A_663 = arith.constant 0 : index
    %swap3A_664 = arith.constant 0 : index
    %swap3A_665 = vector.load %arg14[%swap3A_663, %swap3A_664] : memref<256x3xf32, #tpu.memory_space<vmem>>, vector<256x1xf32>
    tpu.vector_store %arg14[%swap3A_663, %swap3A_664], %add3A_662 {strides = array<i32>} : memref<256x3xf32, #tpu.memory_space<vmem>>, vector<256x1xf32>,
    %get3A_666 = arith.constant 1 : index
    %get3A_667 = arith.constant 0 : index
    %get3A_668 = arith.constant 0 : index
    %get3A_669 = vector.load %arg10[%get3A_666, %get3A_667, %get3A_668] : memref<3x128x64xf32, #tpu.memory_space<vmem>>, vector<1x128x64xf32>
    %get3A_670 = vector.shape_cast %get3A_669 : vector<1x128x64xf32> to vector<128x64xf32>
    %dot_general3A_671 = arith.constant dense<0.000000e+00> : vector<256x64xf32>
    %dot_general3A_672 = tpu.matmul %div3A_631, %get3A_670, %dot_general3A_671 {dimension_numbers = #tpu.dot_dimension_numbers<[1], [0], [0], [1], [0, 0, 1, 1], [], []>, transpose_lhs_hint = false} : vector<256x128xf32>, vector<128x64xf32>, vector<256x64xf32> -> vector<256x64xf32>
    %get3A_673 = arith.constant 1 : index
    %get3A_674 = arith.constant 0 : index
    %get3A_675 = vector.load %arg11[%get3A_673, %get3A_674] : memref<3x64xf32, #tpu.memory_space<vmem>>, vector<1x64xf32>
    %get3A_676 = vector.shape_cast %get3A_675 : vector<1x64xf32> to vector<64xf32>
    %broadcast_in_dim3A_677 = vector.shape_cast %get3A_676 : vector<64xf32> to vector<1x64xf32>
    %add3A_678 = vector.broadcast %broadcast_in_dim3A_677 : vector<1x64xf32> to vector<256x64xf32>
    %add3A_679 = arith.addf %dot_general3A_672, %add3A_678 : vector<256x64xf32>
    %max3A_680 = arith.constant 0.000000e+00 : f32
    %max3A_681 = vector.broadcast %max3A_680 : f32 to vector<256x64xf32>
    %max3A_682 = arith.maximumf %add3A_679, %max3A_681 : vector<256x64xf32>
    %get3A_683 = arith.constant 1 : index
    %get3A_684 = arith.constant 0 : index
    %get3A_685 = arith.constant 0 : index
    %get3A_686 = vector.load %arg12[%get3A_683, %get3A_684, %get3A_685] : memref<3x64x1xf32, #tpu.memory_space<vmem>>, vector<1x64x1xf32>
    %get3A_687 = vector.shape_cast %get3A_686 : vector<1x64x1xf32> to vector<64x1xf32>
    %dot_general3A_688 = arith.constant dense<0.000000e+00> : vector<256x1xf32>
    %dot_general3A_689 = tpu.matmul %max3A_682, %get3A_687, %dot_general3A_688 {dimension_numbers = #tpu.dot_dimension_numbers<[1], [0], [0], [1], [0, 0, 1, 1], [], []>, transpose_lhs_hint = false} : vector<256x64xf32>, vector<64x1xf32>, vector<256x1xf32> -> vector<256x1xf32>
    %get3A_690 = arith.constant 1 : index
    %get3A_691 = arith.constant 0 : index
    %get3A_692 = vector.load %arg13[%get3A_690, %get3A_691] : memref<3x1xf32, #tpu.memory_space<vmem>>, vector<1x1xf32>
    %get3A_693 = vector.shape_cast %get3A_692 : vector<1x1xf32> to vector<1xf32>
    %broadcast_in_dim3A_694 = vector.shape_cast %get3A_693 : vector<1xf32> to vector<1x1xf32>
    %add3A_695 = vector.broadcast %broadcast_in_dim3A_694 : vector<1x1xf32> to vector<256x1xf32>
    %add3A_696 = arith.addf %dot_general3A_689, %add3A_695 : vector<256x1xf32>
    %swap3A_697 = arith.constant 0 : index
    %swap3A_698 = arith.constant 1 : index
    %swap3A_699 = vector.load %arg14[%swap3A_697, %swap3A_698] : memref<256x3xf32, #tpu.memory_space<vmem>>, vector<256x1xf32>
    tpu.vector_store %arg14[%swap3A_697, %swap3A_698], %add3A_696 {strides = array<i32>} : memref<256x3xf32, #tpu.memory_space<vmem>>, vector<256x1xf32>,
    %get3A_700 = arith.constant 2 : index
    %get3A_701 = arith.constant 0 : index
    %get3A_702 = arith.constant 0 : index
    %get3A_703 = vector.load %arg10[%get3A_700, %get3A_701, %get3A_702] : memref<3x128x64xf32, #tpu.memory_space<vmem>>, vector<1x128x64xf32>
    %get3A_704 = vector.shape_cast %get3A_703 : vector<1x128x64xf32> to vector<128x64xf32>
    %dot_general3A_705 = arith.constant dense<0.000000e+00> : vector<256x64xf32>
    %dot_general3A_706 = tpu.matmul %div3A_631, %get3A_704, %dot_general3A_705 {dimension_numbers = #tpu.dot_dimension_numbers<[1], [0], [0], [1], [0, 0, 1, 1], [], []>, transpose_lhs_hint = false} : vector<256x128xf32>, vector<128x64xf32>, vector<256x64xf32> -> vector<256x64xf32>
    %get3A_707 = arith.constant 2 : index
    %get3A_708 = arith.constant 0 : index
    %get3A_709 = vector.load %arg11[%get3A_707, %get3A_708] : memref<3x64xf32, #tpu.memory_space<vmem>>, vector<1x64xf32>
    %get3A_710 = vector.shape_cast %get3A_709 : vector<1x64xf32> to vector<64xf32>
    %broadcast_in_dim3A_711 = vector.shape_cast %get3A_710 : vector<64xf32> to vector<1x64xf32>
    %add3A_712 = vector.broadcast %broadcast_in_dim3A_711 : vector<1x64xf32> to vector<256x64xf32>
    %add3A_713 = arith.addf %dot_general3A_706, %add3A_712 : vector<256x64xf32>
    %max3A_714 = arith.constant 0.000000e+00 : f32
    %max3A_715 = vector.broadcast %max3A_714 : f32 to vector<256x64xf32>
    %max3A_716 = arith.maximumf %add3A_713, %max3A_715 : vector<256x64xf32>
    %get3A_717 = arith.constant 2 : index
    %get3A_718 = arith.constant 0 : index
    %get3A_719 = arith.constant 0 : index
    %get3A_720 = vector.load %arg12[%get3A_717, %get3A_718, %get3A_719] : memref<3x64x1xf32, #tpu.memory_space<vmem>>, vector<1x64x1xf32>
    %get3A_721 = vector.shape_cast %get3A_720 : vector<1x64x1xf32> to vector<64x1xf32>
    %dot_general3A_722 = arith.constant dense<0.000000e+00> : vector<256x1xf32>
    %dot_general3A_723 = tpu.matmul %max3A_716, %get3A_721, %dot_general3A_722 {dimension_numbers = #tpu.dot_dimension_numbers<[1], [0], [0], [1], [0, 0, 1, 1], [], []>, transpose_lhs_hint = false} : vector<256x64xf32>, vector<64x1xf32>, vector<256x1xf32> -> vector<256x1xf32>
    %get3A_724 = arith.constant 2 : index
    %get3A_725 = arith.constant 0 : index
    %get3A_726 = vector.load %arg13[%get3A_724, %get3A_725] : memref<3x1xf32, #tpu.memory_space<vmem>>, vector<1x1xf32>
    %get3A_727 = vector.shape_cast %get3A_726 : vector<1x1xf32> to vector<1xf32>
    %broadcast_in_dim3A_728 = vector.shape_cast %get3A_727 : vector<1xf32> to vector<1x1xf32>
    %add3A_729 = vector.broadcast %broadcast_in_dim3A_728 : vector<1x1xf32> to vector<256x1xf32>
    %add3A_730 = arith.addf %dot_general3A_723, %add3A_729 : vector<256x1xf32>
    %swap3A_731 = arith.constant 0 : index
    %swap3A_732 = arith.constant 2 : index
    %swap3A_733 = vector.load %arg14[%swap3A_731, %swap3A_732] : memref<256x3xf32, #tpu.memory_space<vmem>>, vector<256x1xf32>
    tpu.vector_store %arg14[%swap3A_731, %swap3A_732], %add3A_730 {strides = array<i32>} : memref<256x3xf32, #tpu.memory_space<vmem>>, vector<256x1xf32>,
    return
  }
}

</mosaic_0001>

<sc_bundles>
// kernel: kernel.10.cloned.1.call-start
scs
__scs_entry_jumppad:
0x0: {  	(pc) =	sbr.rel $0x88, $3  }
0x1: {  	(tag) =	ssettag $0x0;
	lr =	simm.s32 $0x1  }
0x2: {  	[smem:$0x3F8D] =	sst lr;
	_ =	strace $0xD0000000  }
0x3: {  	_ = 	snop  }
0x4: {  	_ = 	snop  }
0x5: {  	_ = 	snop  }
0x6: {  	_ = 	snop  }
0x7: {  	_ = 	snop  }
__scs_overlays_trampoline_lowered:
0x8: {  	[smem:$0x3F9C] =	sst s0  }
0x9: {  	[smem:$0x3F9D] =	sst s1  }
0xa: {  	[smem:$0x3F9E] =	sst s2  }
0xb: {  	[smem:$0x3F9F] =	sst s3  }
0xc: {  	[smem:$0x3FA0] =	sst s4  }
0xd: {  	[smem:$0x3FA1] =	sst s5  }
0xe: {  	[smem:$0x3FA2] =	sst s6  }
0xf: {  	[smem:$0x3FA3] =	sst s7  }
0x10: {  	[smem:$0x3FA4] =	sst s8  }
0x11: {  	[smem:$0x3FA5] =	sst s9;
	s0 =	simm.s32 @!p0 $0x0  }
0x12: {  	s1 =	sld [smem:$0x3F8B];
	s0 =	simm.s32 @p0 $0x1  }
0x13: {  	[smem:$0x3FA6] =	sst s0;
	s0 =	simm.s32 @!p1 $0x0  }
0x14: {  	s2 =	sld [smem:$0x3F8A];
	s0 =	simm.s32 @p1 $0x1  }
0x15: {  	[smem:$0x3FA7] =	sst s0;
	s0 =	simm.s32 @!p2 $0x0  }
0x16: {  	s3 =	sld [smem:$0x3FDB];
	s0 =	simm.s32 @p2 $0x1  }
0x17: {  	s4 =	simm.s32 $0x1BF5;
	[smem:$0x3FA9] =	sst s0  }
0x18: {  	s0 =	sld [smem:$0x3F8C];
	_ =	swait.ge [sflag:s4], $0x0  }
0x19: {  	s7 =	sld [smem:$0x3F8D]  }
0x1a: {  	s8 =	sadd.s32 $0xFFFFE003, lr  }
0x1b: {  	s9 =	sadd.s32 $0xFFFFFEF7, lr;
	s5 =	simm.s32 $0xFFFFFFFF;
	p2 =	slt.u32 s8, $0xFFFFF086  }
0x1c: {  	p1 =	slt.u32 s9, $0xF7A;
	s5 =	simm.s32 @!p2 $0x0  }
0x1d: {  	s5 =	simm.s32 @p1 $0x1;
	p0 =	seq.s32 s7, s2  }
0x1e: {  	s7 =	smul.u32 @!p0 $0xF7A, s2;
	p2 =	seq.s32 @!p0 s5, $0x0  }
0x1f: {  	s9 =	smul.u32 $0xF7A, s1;
	s8 =	simm.s32 @!p0 $0x1BF5;
	p2 =	por !p2, p0  }
0x20: {  	[sflag:s8] =	ssyncset.s32 @!p0 $0xFFFFF086;
	s6 =	sadd.s32 @!p0 s3, s7;
	s7 =	simm.s32 @!p0 $0x108  }
0x21: {  	s3 =	sadd.s32 s3, s9;
	s6 =	sadd.s32 @!p0 $0x88, s6;
	s7 =	simm.s32 @p2 $0x1082  }
0x22: {  	[simem:s7], [sflag:s8] =	dma.local @!p0 [hbm:s6], $0xF7A  }
0x23: {  	s9 =	sor.u32 $0xD0000000, s2;
	s6 =	simm.s32 $0x108;
	_ =	swait.ge @!p0 [sflag:s8], $0x0  }
0x24: {  	s3 =	sadd.s32 $0x88, s3;
	s6 =	simm.s32 @!p1 $0x1082;
	[sflag:s4] =	ssyncset.s32 $0xFFFFF086  }
0x25: {  	[simem:s6], [sflag:s4] =	dma.local [hbm:s3], $0xF7A  }
0x26: {  	[smem:$0x3F8D] =	sst s1;
	(tag) =	ssettag s2;
	_ =	strace s9  }
0x27: {  	s1 =	sld [smem:$0x3F9D]  }
0x28: {  	s2 =	sld [smem:$0x3F9E]  }
0x29: {  	s4 =	sld [smem:$0x3FA0]  }
0x2a: {  	p0 =	seq.s32 s5, $0x0;
	s5 =	sld [smem:$0x3FA1]  }
0x2b: {  	s6 =	sld [smem:$0x3FA2]  }
0x2c: {  	s7 =	sld [smem:$0x3FA3]  }
0x2d: {  	s3 =	simm.s32 $0x108;
	s8 =	sld [smem:$0x3FA4]  }
0x2e: {  	s3 =	simm.s32 @!p0 $0x1082;
	s9 =	sld [smem:$0x3FA5]  }
0x2f: {  	lr =	sadd.s32 s0, s3;
	s0 =	sld [smem:$0x3F9C]  }
0x30: {  	s3 =	sld [smem:$0x3F9F]  }
0x31: {  	[smem:$0x3FA8] =	sst s10  }
0x32: {  	s10 =	sld [smem:$0x3FA6];
	_ =	sdelay $0x3  }
0x33: {  	p0 =	seq.s32 s10, $0x1;
	s10 =	sld [smem:$0x3FA8];
	_ =	sdelay $0x3  }
0x34: {  	[smem:$0x3FA8] =	sst s10  }
0x35: {  	s10 =	sld [smem:$0x3FA7];
	_ =	sdelay $0x3  }
0x36: {  	p1 =	seq.s32 s10, $0x1;
	s10 =	sld [smem:$0x3FA8];
	_ =	sdelay $0x3  }
0x37: {  	[smem:$0x3FA8] =	sst s10  }
0x38: {  	s10 =	sld [smem:$0x3FA9]  }
0x39: {  	_ = 	snop;
	(pc) =	sbr.ind lr, $3  }
0x3a: {  	_ = 	snop  }
0x3b: {  	_ = 	snop  }
0x3c: {  	p2 =	seq.s32 s10, $0x1;
	s10 =	sld [smem:$0x3FA8]  }
0x3d: {  	_ =	shalt  }
0x3e: {  	_ =	shalt  }
0x3f: {  	_ =	shalt  }
0x40: {  	_ =	shalt  }
0x41: {  	_ =	shalt  }
0x42: {  	_ =	shalt  }
0x43: {  	_ =	shalt  }
0x44: {  	_ =	shalt  }
0x45: {  	_ =	shalt  }
0x46: {  	_ =	shalt  }
0x47: {  	_ =	shalt  }
0x48: {  	_ =	shalt  }
0x49: {  	_ =	shalt  }
0x4a: {  	_ =	shalt  }
0x4b: {  	_ =	shalt  }
0x4c: {  	_ =	shalt  }
0x4d: {  	_ =	shalt  }
0x4e: {  	_ =	shalt  }
0x4f: {  	_ =	shalt  }
0x50: {  	_ =	shalt  }
0x51: {  	_ =	shalt  }
0x52: {  	_ =	shalt  }
0x53: {  	_ =	shalt  }
0x54: {  	_ =	shalt  }
0x55: {  	_ =	shalt  }
0x56: {  	_ =	shalt  }
0x57: {  	_ =	shalt  }
0x58: {  	_ =	shalt  }
0x59: {  	_ =	shalt  }
0x5a: {  	_ =	shalt  }
0x5b: {  	_ =	shalt  }
0x5c: {  	_ =	shalt  }
0x5d: {  	_ =	shalt  }
0x5e: {  	_ =	shalt  }
0x5f: {  	_ =	shalt  }
0x60: {  	_ =	shalt  }
0x61: {  	_ =	shalt  }
0x62: {  	_ =	shalt  }
0x63: {  	_ =	shalt  }
0x64: {  	_ =	shalt  }
0x65: {  	_ =	shalt  }
0x66: {  	_ =	shalt  }
0x67: {  	_ =	shalt  }
0x68: {  	_ =	shalt  }
0x69: {  	_ =	shalt  }
0x6a: {  	_ =	shalt  }
0x6b: {  	_ =	shalt  }
0x6c: {  	_ =	shalt  }
0x6d: {  	_ =	shalt  }
0x6e: {  	_ =	shalt  }
0x6f: {  	_ =	shalt  }
0x70: {  	_ =	shalt  }
0x71: {  	_ =	shalt  }
0x72: {  	_ =	shalt  }
0x73: {  	_ =	shalt  }
0x74: {  	_ =	shalt  }
0x75: {  	_ =	shalt  }
0x76: {  	_ =	shalt  }
0x77: {  	_ =	shalt  }
0x78: {  	_ =	shalt  }
0x79: {  	_ =	shalt  }
0x7a: {  	_ =	shalt  }
0x7b: {  	_ =	shalt  }
0x7c: {  	_ =	shalt  }
0x7d: {  	_ =	shalt  }
0x7e: {  	_ =	shalt  }
0x7f: {  	_ =	shalt  }
0x80: {  	_ =	shalt  }
0x81: {  	_ =	shalt  }
0x82: {  	_ =	shalt  }
0x83: {  	_ =	shalt  }
0x84: {  	_ =	shalt  }
0x85: {  	_ =	shalt  }
0x86: {  	_ =	shalt  }
0x87: {  	_ =	shalt  }
.Lfunc_end0:
.L_simem_size_0:
called_computation_lowered:
.L_overlay_start_0:
0x88: {  	s2 =	sld [smem:$0x3FD9]  }
0x89: {  	s3 =	sld [smem:$0x3FFE];
	_ =	sdelay $0x1  }
0x8a: {  	s1 =	srdreg.scid  }
0x8b: {  	s0 =	sand.u32 $0x1, s1  }
0x8c: {  	s16 =	sshll.u32 s0, $0xA;
	s2 =	sadd.s32 s3, s2  }
0x8d: {  	s2 =	sadd.s32 s2, s16  }
0x8e: {  	[smem:$0x3FB4] =	sst s2  }
0x8f: {  	_ = 	snop  }
0x90: {  	(tm) =	ssettm $0x1  }
0x91: {  	s17 =	sld [smem:$0x3FFB];
	_ =	sdelay $0x3  }
0x92: {  	_ =	strace s17  }
0x93: {  	s2 =	sld [smem:$0x3FFC];
	_ =	sdelay $0x3  }
0x94: {  	_ =	strace s2  }
0x95: {  	s2 =	sld [smem:$0x3FFD];
	_ =	sdelay $0x3  }
0x96: {  	_ =	strace s2  }
0x97: {  	_ =	strace $0x8FFFFFFF  }
0x98: {  	s18 =	sld [smem:$0x3FDB];
	_ =	sdelay $0x1  }
0x99: {  	s19 =	simm.s32 $_scs_section_size  }
0x9a: {  	s4 =	simm.s32 $_size__tile_overlayer_lowered;
	s5 =	simm.s32 $_tile_overlayer_lowered  }
0x9b: {  	s22 =	simm.s32 $0x1BFF;
	s21 =	sshll.u32 s5, $0x1;
	s2 =	sadd.s32 s19, s18  }
0x9c: {  	s6 =	simm.s32 $0x0;
	s20 =	sshll.u32 s4, $0x1;
	s4 =	sadd.s32 s21, s2  }
0x9d: {  	[timem:s6], [sflag:s22] =	dma.local [hbm:s4], s20  }
0x9e: {  	_ =	swait.ge [sflag:s22], s20  }
0x9f: {  	s3 =	ssub.s32 $0x0, s20;
	[sflag:s22] =	ssyncset.done $0x0  }
0xa0: {  	[sflag:s22] =	ssyncadd.s32 s3;
	_ =	sdelay $0x1  }
0xa1: {  	s23 =	simm.s32 $0x1B8B  }
0xa2: {  	_ =	swait.ge [sflag:s23], $0x1  }
0xa3: {  	[sflag:s23] =	ssyncset.done $0x0  }
0xa4: {  	s25 =	simm.s32 $0x1B8E;
	s24 =	sld [smem:$0x3FFE];
	[sflag:s23] =	ssyncadd.s32 $0xFFFFFFFF  }
0xa5: {  	s26 =	simm.s32 $execute0_lowered;
	[smem:$0x3FD2] =	sst s25  }
0xa6: {  	s4 =	sshll.u32 s26, $0x1;
	_ =	strace $0x80000046;
	[dreg:$0x1] =	wrdreg $0xFFFFFFFF  }
0xa7: {  	s28 =	simm.s32 $_size_execute0_lowered;
	s2 =	sadd.s32 s2, s4;
	[dreg:$0x0] =	wrdreg $0x0  }
0xa8: {  	s4 =	sshll.u32 s28, $0x1;
	[dreg:$0x2] =	wrdreg s2  }
0xa9: {  	[dreg:$0x3] =	wrdreg s4  }
0xaa: {  	[dreg:$0x4] =	wrdreg $0xC0  }
0xab: {  	_ =	task [dreg:s6], $0x5FFFF  }
0xac: {  	[dreg:$0x1] =	wrdreg $0xFFFFFFFF  }
0xad: {  	[dreg:$0x0] =	wrdreg $0x60  }
0xae: {  	[dreg:$0x2] =	wrdreg s24  }
0xaf: {  	[dreg:$0x3] =	wrdreg $0x11D000  }
0xb0: {  	[dreg:$0x4] =	wrdreg $0x9  }
0xb1: {  	_ =	task.clear_ibuf [dreg:s6], $0x5FFFF;
	_ =	strace $0x90000046  }
0xb2: {  	s29 =	simm.s32 $0x9;
	_ =	strace $0x80000048  }
0xb3: {  	_ =	swait.ge [sflag:s29], $0x1  }
0xb4: {  	[sflag:s29] =	ssyncadd.s32 $0xFFFFFFFF  }
0xb5: {  	_ =	strace $0x90000048  }
0xb6: {  	_ =	sfence  }
0xb7: {  	s30 =	sld [smem:$0x0];
	_ =	sdelay $0x2  }
0xb8: {  	s31 =	sshll.u32 s1, $0xD;
	s1 =	sshrl.u32 s1, $0x2  }
0xb9: {  	s3 =	sand.u32 $0x4000, s31;
	s1 =	sadd.s32 s1, s30  }
0xba: {  	s0 =	sor.u32 s3, s0;
	s1 =	sshll.u32 s1, $0x11  }
0xbb: {  	s0 =	sor.u32 s1, s0  }
0xbc: {  	s0 =	sadd.s32 $0x8F2B, s0  }
0xbd: {  	[sflag:s0] =	ssyncadd.remote.s32 $0x1  }
0xbe: {  	_ =	sfence.sel $0xFFFF  }
0xbf: {  	[dreg:$0x0] =	wrdreg $0xFFFFFFFF;
	(pc) =	sbr.abs _section_cstart, $3  }
0xc0: {  	[dreg:$0x1] =	wrdreg $0xFFFFFFFF  }
0xc1: {  	_ =	task.clear_ibuf [dreg:s6], $0x2FFFF;
	_ =	strace $0x9FFFFFFF  }
0xc2: {  	(tm) =	ssettm $0x7FFFFFFF  }
0xc3: {  	_ =	shalt  }
tec
execute0_lowered:
.L_overlay_start_1:
0x0: {  	(tag) =	ssettag $0x1  }
0x1: {  	s0 =	rddreg [dreg:$0x0]  }
0x2: {  	s2 =	rddreg [dreg:$0x1]  }
0x3: {  	s12 =	stileid.u32;
	s3 =	simm.s32 $0x0;
	s4 =	srdreg.scid  }
0x4: {  	s13 =	simm.s32 $0x5;
	s15 =	simm.s32 $0x7D;
	s16 =	simm.s32 $0xA000  }
0x5: {  	s18 =	simm.s32 $0xBF40;
	s20 =	simm.s32 $0xDE80;
	s21 =	simm.s32 $0xFDC0  }
0x6: {  	s22 =	simm.s32 $0x1;
	s23 =	simm.s32 $0x2;
	s24 =	simm.s32 $0x3  }
0x7: {  	s28 =	simm.s32 $0x9E00;
	s29 =	simm.s32 $0x9E80;
	s30 =	simm.s32 $0x9F00  }
0x8: {  	s31 =	simm.s32 $0x9F80;
	s1 =	smul.u32 $0x5000, s12;
	[smem:$0x7FF] =	sst s3  }
0x9: {  	s10 =	sand.u32 $0x1, s4;
	s7 =	smul.u32 $0xA000, s12;
	s4 =	sadd.s32 $0x5C00, s0  }
0xa: {  	s5 =	sadd.s32 $0x19600, s0;
	s25 =	sshll.u32 s12, $0x6;
	_ =	strace $0x80000047  }
0xb: {  	s6 =	smul.u32 $0xA0000, s10;
	s9 =	ssub.s32 $0x2, s10;
	p0 =	seq.s32 s10, $0x1  }
0xc: {  	s1 =	sshrl.u32 s1, $0x3;
	s11 =	sshrl.u32 s9, $0x1;
	s26 =	sadd.s32 s7, s2  }
.Ltmp0:
0xd: {  	s1 =	sadd.s32 s1, s0;
	s8 =	sadd.s32 s7, s6;
	(pc) =	sbr.rel .LBB2_1-.Ltmp0, $4  }
0xe: {  	s6 =	sadd.s32 $0x41000, s0;
	s11 =	ssub.s32 s9, s11;
	s7 =	sor.u32 $0x1C05, s25  }
0xf: {  	s12 =	sshrl.u32 s26, $0x3;
	s25 =	simm.s32 $0x4;
	s8 =	sshrl.u32 s8, $0x3  }
0x10: {  	s9 =	sadd.s32 $0x37000, s1;
	s11 =	smax.u32 s11, $0x1;
	s0 =	sadd.s32 s8, s0  }
0x11: {  	s8 =	sadd.s32 $0x2D000, s1;
	s10 =	sadd.s32 $0x42400, s0;
	s0 =	simm.s32 $0x0  }
.LBB2_7:
0x12: {  	s14 =	sadd.s32 $0x180, s1;
	[sflag:s13] =	ssyncadd.s32 $0xFFFFE0C0  }
0x13: {  	[tilespmem:s21], [sflag:$0x4] =	stream.indirect.gather [hbm4b:s5+s15], $0x40, s14, s15, $0xb8;
	[tilespmem:$0x1BD00] =	vst v63  }
0x14: {  	_ =	swait.ge [sflag:s22], $0x1F40  }
0x15: {  	[sflag:s22] =	ssyncset.done $0x0  }
0x16: {  	s19 =	sadd.s32 $0x5000, s1;
	[sflag:s22] =	ssyncadd.s32 $0xFFFFE0C0  }
0x17: {  	[spmem:s2] =	stream.indirect.scatter.add.f32 [tilespmem:s16], [sflag:$0x5], $0x40, s19, s15, $0xb8;
	[tilespmem:$0x1BD00] =	vst v63  }
0x18: {  	_ =	swait.ge [sflag:s13], $0x1F40  }
0x19: {  	[sflag:s13] =	ssyncset.done $0x0  }
0x1a: {  	s26 =	sadd.s32 $0x200, s1;
	[sflag:s13] =	ssyncadd.s32 $0xFFFFE0C0  }
0x1b: {  	[tilespmem:s16], [sflag:$0x1] =	stream.indirect.gather [hbm4b:s5+s15], $0x40, s26, s15, $0xb8;
	[tilespmem:$0x1BD00] =	vst v63  }
0x1c: {  	_ =	swait.ge [sflag:s23], $0x1F40  }
0x1d: {  	[sflag:s23] =	ssyncset.done $0x0  }
0x1e: {  	s17 =	sadd.s32 $0x5080, s1;
	[sflag:s23] =	ssyncadd.s32 $0xFFFFE0C0  }
0x1f: {  	[spmem:s2] =	stream.indirect.scatter.add.f32 [tilespmem:s18], [sflag:$0x5], $0x40, s17, s15, $0xb8;
	[tilespmem:$0x1BD00] =	vst v63  }
0x20: {  	_ =	swait.ge [sflag:s13], $0x1F40  }
0x21: {  	[sflag:s13] =	ssyncset.done $0x0  }
0x22: {  	s19 =	sadd.s32 $0x280, s1;
	[sflag:s13] =	ssyncadd.s32 $0xFFFFE0C0  }
0x23: {  	[tilespmem:s18], [sflag:$0x2] =	stream.indirect.gather [hbm4b:s5+s15], $0x40, s19, s15, $0xb8;
	[tilespmem:$0x1BD00] =	vst v63  }
0x24: {  	_ =	swait.ge [sflag:s24], $0x1F40  }
0x25: {  	[sflag:s24] =	ssyncset.done $0x0  }
0x26: {  	s26 =	sadd.s32 $0x5100, s1;
	[sflag:s24] =	ssyncadd.s32 $0xFFFFE0C0  }
0x27: {  	[spmem:s2] =	stream.indirect.scatter.add.f32 [tilespmem:s20], [sflag:$0x5], $0x40, s26, s15, $0xb8;
	[tilespmem:$0x1BD00] =	vst v63  }
0x28: {  	_ =	swait.ge [sflag:s13], $0x1F40  }
0x29: {  	[sflag:s13] =	ssyncset.done $0x0  }
0x2a: {  	s17 =	sadd.s32 $0x300, s1;
	[sflag:s13] =	ssyncadd.s32 $0xFFFFE0C0  }
0x2b: {  	[tilespmem:s20], [sflag:$0x3] =	stream.indirect.gather [hbm4b:s5+s15], $0x40, s17, s15, $0xb8;
	[tilespmem:$0x1BD00] =	vst v63  }
0x2c: {  	_ =	swait.ge [sflag:s25], $0x1F40  }
0x2d: {  	[sflag:s25] =	ssyncset.done $0x0  }
0x2e: {  	s19 =	sadd.s32 $0x5180, s1;
	[sflag:s25] =	ssyncadd.s32 $0xFFFFE0C0  }
0x2f: {  	[spmem:s2] =	stream.indirect.scatter.add.f32 [tilespmem:s21], [sflag:$0x5], $0x40, s19, s15, $0xb8;
	[tilespmem:$0x1BD00] =	vst v63  }
0x30: {  	_ =	swait.ge [sflag:s13], $0x1F40  }
0x31: {  	[sflag:s13] =	ssyncset.done $0x0  }
0x32: {  	s26 =	simm.s32 $0x4F80;
	[sflag:s13] =	ssyncadd.s32 $0xFFFFE0C0  }
0x33: {  	[tilespmem:s21], [sflag:$0x4] =	stream.indirect.gather [hbm4b:s5+s15], $0x40, s26, s15, $0xb8;
	[tilespmem:$0x1BD00] =	vst v63  }
.LBB2_8:
0x34: {  	_ =	swait.ge [sflag:s22], $0x1F40  }
0x35: {  	[sflag:s22] =	ssyncset.done $0x0  }
0x36: {  	[sflag:s22] =	ssyncadd.s32 $0xFFFFE0C0  }
0x37: {  	[spmem:s2] =	stream.indirect.scatter.add.f32 [tilespmem:s16], [sflag:$0x5], $0x40, s28, s15, $0xb8;
	[tilespmem:$0x1BD00] =	vst v63  }
0x38: {  	_ =	swait.ge [sflag:s13], $0x1F40  }
0x39: {  	[sflag:s13] =	ssyncset.done $0x0  }
0x3a: {  	[sflag:s13] =	ssyncadd.s32 $0xFFFFE0C0  }
0x3b: {  	_ =	swait.ge [sflag:s23], $0x1F40  }
0x3c: {  	[sflag:s23] =	ssyncset.done $0x0  }
0x3d: {  	[sflag:s23] =	ssyncadd.s32 $0xFFFFE0C0  }
0x3e: {  	[spmem:s2] =	stream.indirect.scatter.add.f32 [tilespmem:s18], [sflag:$0x5], $0x40, s29, s15, $0xb8;
	[tilespmem:$0x1BD00] =	vst v63  }
0x3f: {  	_ =	swait.ge [sflag:s13], $0x1F40  }
0x40: {  	[sflag:s13] =	ssyncset.done $0x0  }
0x41: {  	[sflag:s13] =	ssyncadd.s32 $0xFFFFE0C0  }
0x42: {  	_ =	swait.ge [sflag:s24], $0x1F40  }
0x43: {  	[sflag:s24] =	ssyncset.done $0x0  }
0x44: {  	[sflag:s24] =	ssyncadd.s32 $0xFFFFE0C0  }
0x45: {  	[spmem:s2] =	stream.indirect.scatter.add.f32 [tilespmem:s20], [sflag:$0x5], $0x40, s30, s15, $0xb8;
	[tilespmem:$0x1BD00] =	vst v63  }
0x46: {  	_ =	swait.ge [sflag:s13], $0x1F40  }
0x47: {  	[sflag:s13] =	ssyncset.done $0x0  }
0x48: {  	[sflag:s13] =	ssyncadd.s32 $0xFFFFE0C0  }
0x49: {  	_ =	swait.ge [sflag:s25], $0x1F40  }
0x4a: {  	[sflag:s25] =	ssyncset.done $0x0  }
0x4b: {  	[sflag:s25] =	ssyncadd.s32 $0xFFFFE0C0  }
0x4c: {  	[spmem:s2] =	stream.indirect.scatter.add.f32 [tilespmem:s21], [sflag:$0x5], $0x40, s31, s15, $0xb8;
	[tilespmem:$0x1BD00] =	vst v63  }
0x4d: {  	_ =	swait.ge [sflag:s13], $0x1F40  }
0x4e: {  	s0 =	sadd.s32 $0x1, s0;
	[sflag:s13] =	ssyncset.done $0x0  }
0x4f: {  	p1 =	sne.s32 s0, s11;
	[sflag:s13] =	ssyncadd.s32 $0xFFFFE0C0  }
.Ltmp1:
0x50: {  	[bflag:$0x0] =	sbarrier.arrive $0xFFFF;
	(pc) =	sbr.rel @!p1 .LBB2_9-.Ltmp1, $4  }
0x51: {  	[hbm:s10], [sflag:s7] =	dma.local [spmem:s12], $0x1400  }
0x52: {  	_ =	swait.ge [sflag:s13], $0x1400  }
0x53: {  	[sflag:s13] =	ssyncset.done $0x0  }
0x54: {  	[sflag:s13] =	ssyncadd.s32 $0xFFFFEC00  }
.LBB2_1:
0x55: {  	[spmem:s12], [sflag:s7] =	dma.local [hbm:s6], $0x1400  }
0x56: {  	_ =	swait.ge [sflag:s13], $0x1400  }
0x57: {  	[sflag:s13] =	ssyncset.done $0x0  }
0x58: {  	[sflag:s13] =	ssyncadd.s32 $0xFFFFEC00  }
0x59: {  	[tilespmem:s3], [sflag:$0x5] =	stream.linear.gather [hbm4b:s8+s3], $0x5000, $0x38;
	[tilespmem:$0x1BD00] =	vst v63  }
0x5a: {  	_ =	swait.ge [sflag:s13], $0x5000  }
0x5b: {  	[sflag:s13] =	ssyncset.done $0x0  }
0x5c: {  	s1 =	simm.s32 $0x5000;
	[sflag:s13] =	ssyncadd.s32 $0xFFFFB000  }
0x5d: {  	[tilespmem:s1], [sflag:$0x5] =	stream.linear.gather [hbm4b:s9+s3], $0x5000, $0x38;
	[tilespmem:$0x1BD00] =	vst v63  }
.Ltmp2:
0x5e: {  	_ =	swait.ge [sflag:s13], $0x5000;
	(pc) =	sbr.rel @!p0 .LBB2_2-.Ltmp2, $4  }
0x5f: {  	[sflag:s13] =	ssyncset.done $0x0  }
0x60: {  	[sflag:s13] =	ssyncadd.s32 $0xFFFFB000  }
0x61: {  	[bflag:$0x0] =	sbarrier.arrive $0xFFFF  }
0x62: {  	s1 =	simm.s32 $0x0  }
0x63: {  	[tilespmem:s16], [sflag:$0x1] =	stream.indirect.gather [hbm4b:s5+s15], $0x40, s1, s15, $0xb8;
	[tilespmem:$0x1BD00] =	vst v63  }
0x64: {  	s19 =	simm.s32 $0x80  }
0x65: {  	[tilespmem:s18], [sflag:$0x2] =	stream.indirect.gather [hbm4b:s5+s15], $0x40, s19, s15, $0xb8;
	[tilespmem:$0x1BD00] =	vst v63  }
0x66: {  	s26 =	simm.s32 $0x100  }
0x67: {  	[tilespmem:s20], [sflag:$0x3] =	stream.indirect.gather [hbm4b:s5+s15], $0x40, s26, s15, $0xb8;
	[tilespmem:$0x1BD00] =	vst v63  }
0x68: {  	s14 =	simm.s32 $0x180  }
0x69: {  	[tilespmem:s21], [sflag:$0x4] =	stream.indirect.gather [hbm4b:s5+s15], $0x40, s14, s15, $0xb8;
	[tilespmem:$0x1BD00] =	vst v63  }
0x6a: {  	_ =	swait.ge [sflag:s22], $0x1F40  }
0x6b: {  	[sflag:s22] =	ssyncset.done $0x0  }
0x6c: {  	s17 =	simm.s32 $0x5000;
	[sflag:s22] =	ssyncadd.s32 $0xFFFFE0C0  }
0x6d: {  	[spmem:s2] =	stream.indirect.scatter.add.f32 [tilespmem:s16], [sflag:$0x5], $0x40, s17, s15, $0xb8;
	[tilespmem:$0x1BD00] =	vst v63  }
0x6e: {  	_ =	swait.ge [sflag:s13], $0x1F40  }
0x6f: {  	[sflag:s13] =	ssyncset.done $0x0  }
0x70: {  	s19 =	simm.s32 $0x200;
	[sflag:s13] =	ssyncadd.s32 $0xFFFFE0C0  }
0x71: {  	[tilespmem:s16], [sflag:$0x1] =	stream.indirect.gather [hbm4b:s5+s15], $0x40, s19, s15, $0xb8;
	[tilespmem:$0x1BD00] =	vst v63  }
0x72: {  	_ =	swait.ge [sflag:s23], $0x1F40  }
0x73: {  	[sflag:s23] =	ssyncset.done $0x0  }
0x74: {  	s26 =	simm.s32 $0x5080;
	[sflag:s23] =	ssyncadd.s32 $0xFFFFE0C0  }
0x75: {  	[spmem:s2] =	stream.indirect.scatter.add.f32 [tilespmem:s18], [sflag:$0x5], $0x40, s26, s15, $0xb8;
	[tilespmem:$0x1BD00] =	vst v63  }
0x76: {  	_ =	swait.ge [sflag:s13], $0x1F40  }
0x77: {  	[sflag:s13] =	ssyncset.done $0x0  }
0x78: {  	s14 =	simm.s32 $0x280;
	[sflag:s13] =	ssyncadd.s32 $0xFFFFE0C0  }
0x79: {  	[tilespmem:s18], [sflag:$0x2] =	stream.indirect.gather [hbm4b:s5+s15], $0x40, s14, s15, $0xb8;
	[tilespmem:$0x1BD00] =	vst v63  }
0x7a: {  	_ =	swait.ge [sflag:s24], $0x1F40  }
0x7b: {  	[sflag:s24] =	ssyncset.done $0x0  }
0x7c: {  	s17 =	simm.s32 $0x5100;
	[sflag:s24] =	ssyncadd.s32 $0xFFFFE0C0  }
0x7d: {  	[spmem:s2] =	stream.indirect.scatter.add.f32 [tilespmem:s20], [sflag:$0x5], $0x40, s17, s15, $0xb8;
	[tilespmem:$0x1BD00] =	vst v63  }
0x7e: {  	_ =	swait.ge [sflag:s13], $0x1F40  }
0x7f: {  	[sflag:s13] =	ssyncset.done $0x0  }
0x80: {  	s19 =	simm.s32 $0x300;
	[sflag:s13] =	ssyncadd.s32 $0xFFFFE0C0  }
0x81: {  	[tilespmem:s20], [sflag:$0x3] =	stream.indirect.gather [hbm4b:s5+s15], $0x40, s19, s15, $0xb8;
	[tilespmem:$0x1BD00] =	vst v63  }
0x82: {  	_ =	swait.ge [sflag:s25], $0x1F40  }
0x83: {  	[sflag:s25] =	ssyncset.done $0x0  }
0x84: {  	s26 =	simm.s32 $0x5180;
	[sflag:s25] =	ssyncadd.s32 $0xFFFFE0C0  }
0x85: {  	[spmem:s2] =	stream.indirect.scatter.add.f32 [tilespmem:s21], [sflag:$0x5], $0x40, s26, s15, $0xb8;
	[tilespmem:$0x1BD00] =	vst v63  }
0x86: {  	_ =	swait.ge [sflag:s13], $0x1F40  }
0x87: {  	s1 =	simm.s32 $0x200;
	s19 =	simm.s32 $0x1000;
	[sflag:s13] =	ssyncset.done $0x0  }
.LBB2_6:
0x88: {  	s26 =	sadd.s32 $0x180, s1  }
0x89: {  	[sflag:s13] =	ssyncadd.s32 $0xFFFFE0C0;
	s17 =	smov.u32 s19;
	s14 =	sadd.s32 $0x800, s19  }
0x8a: {  	[tilespmem:s21], [sflag:$0x4] =	stream.indirect.gather [hbm4b:s5+s15], $0x40, s26, s15, $0xb8;
	[tilespmem:$0x1BD00] =	vst v63  }
0x8b: {  	p1 =	sne.s32 s19, $0x13000;
	_ =	swait.ge [sflag:s22], $0x1F40  }
0x8c: {  	[sflag:s22] =	ssyncset.done $0x0  }
0x8d: {  	s19 =	sadd.s32 $0x5000, s1;
	[sflag:s22] =	ssyncadd.s32 $0xFFFFE0C0  }
0x8e: {  	[spmem:s2] =	stream.indirect.scatter.add.f32 [tilespmem:s16], [sflag:$0x5], $0x40, s19, s15, $0xb8;
	[tilespmem:$0x1BD00] =	vst v63  }
0x8f: {  	_ =	swait.ge [sflag:s13], $0x1F40  }
0x90: {  	[sflag:s13] =	ssyncset.done $0x0  }
0x91: {  	s19 =	sadd.s32 $0x200, s1;
	[sflag:s13] =	ssyncadd.s32 $0xFFFFE0C0  }
0x92: {  	[tilespmem:s16], [sflag:$0x1] =	stream.indirect.gather [hbm4b:s5+s15], $0x40, s19, s15, $0xb8;
	[tilespmem:$0x1BD00] =	vst v63  }
0x93: {  	_ =	swait.ge [sflag:s23], $0x1F40  }
0x94: {  	[sflag:s23] =	ssyncset.done $0x0  }
0x95: {  	s19 =	sadd.s32 $0x5080, s1;
	[sflag:s23] =	ssyncadd.s32 $0xFFFFE0C0  }
0x96: {  	[spmem:s2] =	stream.indirect.scatter.add.f32 [tilespmem:s18], [sflag:$0x5], $0x40, s19, s15, $0xb8;
	[tilespmem:$0x1BD00] =	vst v63  }
0x97: {  	_ =	swait.ge [sflag:s13], $0x1F40  }
0x98: {  	[sflag:s13] =	ssyncset.done $0x0  }
0x99: {  	s19 =	sadd.s32 $0x280, s1;
	[sflag:s13] =	ssyncadd.s32 $0xFFFFE0C0  }
0x9a: {  	[tilespmem:s18], [sflag:$0x2] =	stream.indirect.gather [hbm4b:s5+s15], $0x40, s19, s15, $0xb8;
	[tilespmem:$0x1BD00] =	vst v63  }
0x9b: {  	_ =	swait.ge [sflag:s24], $0x1F40  }
0x9c: {  	[sflag:s24] =	ssyncset.done $0x0  }
0x9d: {  	s19 =	sadd.s32 $0x5100, s1;
	[sflag:s24] =	ssyncadd.s32 $0xFFFFE0C0  }
0x9e: {  	[spmem:s2] =	stream.indirect.scatter.add.f32 [tilespmem:s20], [sflag:$0x5], $0x40, s19, s15, $0xb8;
	[tilespmem:$0x1BD00] =	vst v63  }
0x9f: {  	_ =	swait.ge [sflag:s13], $0x1F40  }
0xa0: {  	[sflag:s13] =	ssyncset.done $0x0  }
0xa1: {  	s19 =	sadd.s32 $0x300, s1;
	[sflag:s13] =	ssyncadd.s32 $0xFFFFE0C0  }
0xa2: {  	[tilespmem:s20], [sflag:$0x3] =	stream.indirect.gather [hbm4b:s5+s15], $0x40, s19, s15, $0xb8;
	[tilespmem:$0x1BD00] =	vst v63  }
0xa3: {  	_ =	swait.ge [sflag:s25], $0x1F40  }
.Ltmp3:
0xa4: {  	[sflag:s25] =	ssyncset.done $0x0;
	(pc) =	sbr.rel @p1 .LBB2_6-.Ltmp3, $4  }
0xa5: {  	s1 =	sadd.s32 $0x5180, s1;
	[sflag:s25] =	ssyncadd.s32 $0xFFFFE0C0  }
0xa6: {  	[spmem:s2] =	stream.indirect.scatter.add.f32 [tilespmem:s21], [sflag:$0x5], $0x40, s1, s15, $0xb8;
	[tilespmem:$0x1BD00] =	vst v63  }
0xa7: {  	_ =	swait.ge [sflag:s13], $0x1F40  }
0xa8: {  	s19 =	smov.u32 s14;
	s1 =	sshra.s32 s17, $0x2;
	[sflag:s13] =	ssyncset.done $0x0  }
.Ltmp4:
0xa9: {  	_ = 	snop;
	(pc) =	sbr.rel .LBB2_7-.Ltmp4, $1  }
0xaa: {  	_ =	sdelay $0x3  }
.LBB2_2:
0xab: {  	[tilespmem:s16], [sflag:$0x1] =	stream.indirect.gather [hbm4b:s4+s15], $0x40, s1, s15, $0xb8;
	[tilespmem:$0x1BD00] =	vst v63  }
0xac: {  	s19 =	simm.s32 $0x80  }
0xad: {  	[tilespmem:s18], [sflag:$0x2] =	stream.indirect.gather [hbm4b:s4+s15], $0x40, s19, s15, $0xb8;
	[tilespmem:$0x1BD00] =	vst v63  }
0xae: {  	s26 =	simm.s32 $0x100  }
0xaf: {  	[tilespmem:s20], [sflag:$0x3] =	stream.indirect.gather [hbm4b:s4+s15], $0x40, s26, s15, $0xb8;
	[tilespmem:$0x1BD00] =	vst v63  }
0xb0: {  	s14 =	simm.s32 $0x180  }
0xb1: {  	[tilespmem:s21], [sflag:$0x4] =	stream.indirect.gather [hbm4b:s4+s15], $0x40, s14, s15, $0xb8;
	[tilespmem:$0x1BD00] =	vst v63  }
0xb2: {  	_ =	swait.ge [sflag:s22], $0x1F40  }
0xb3: {  	[sflag:s22] =	ssyncset.done $0x0  }
0xb4: {  	s17 =	simm.s32 $0x5000;
	[sflag:s22] =	ssyncadd.s32 $0xFFFFE0C0  }
0xb5: {  	[spmem:s2] =	stream.indirect.scatter.add.f32 [tilespmem:s16], [sflag:$0x5], $0x40, s17, s15, $0xb8;
	[tilespmem:$0x1BD00] =	vst v63  }
0xb6: {  	_ =	swait.ge [sflag:s13], $0x1F40  }
0xb7: {  	[sflag:s13] =	ssyncset.done $0x0  }
0xb8: {  	s19 =	simm.s32 $0x200;
	[sflag:s13] =	ssyncadd.s32 $0xFFFFE0C0  }
0xb9: {  	[tilespmem:s16], [sflag:$0x1] =	stream.indirect.gather [hbm4b:s4+s15], $0x40, s19, s15, $0xb8;
	[tilespmem:$0x1BD00] =	vst v63  }
0xba: {  	_ =	swait.ge [sflag:s23], $0x1F40  }
0xbb: {  	[sflag:s23] =	ssyncset.done $0x0  }
0xbc: {  	s26 =	simm.s32 $0x5080;
	[sflag:s23] =	ssyncadd.s32 $0xFFFFE0C0  }
0xbd: {  	[spmem:s2] =	stream.indirect.scatter.add.f32 [tilespmem:s18], [sflag:$0x5], $0x40, s26, s15, $0xb8;
	[tilespmem:$0x1BD00] =	vst v63  }
0xbe: {  	_ =	swait.ge [sflag:s13], $0x1F40  }
0xbf: {  	[sflag:s13] =	ssyncset.done $0x0  }
0xc0: {  	s14 =	simm.s32 $0x280;
	[sflag:s13] =	ssyncadd.s32 $0xFFFFE0C0  }
0xc1: {  	[tilespmem:s18], [sflag:$0x2] =	stream.indirect.gather [hbm4b:s4+s15], $0x40, s14, s15, $0xb8;
	[tilespmem:$0x1BD00] =	vst v63  }
0xc2: {  	_ =	swait.ge [sflag:s24], $0x1F40  }
0xc3: {  	[sflag:s24] =	ssyncset.done $0x0  }
0xc4: {  	s17 =	simm.s32 $0x5100;
	[sflag:s24] =	ssyncadd.s32 $0xFFFFE0C0  }
0xc5: {  	[spmem:s2] =	stream.indirect.scatter.add.f32 [tilespmem:s20], [sflag:$0x5], $0x40, s17, s15, $0xb8;
	[tilespmem:$0x1BD00] =	vst v63  }
0xc6: {  	_ =	swait.ge [sflag:s13], $0x1F40  }
0xc7: {  	[sflag:s13] =	ssyncset.done $0x0  }
0xc8: {  	s19 =	simm.s32 $0x300;
	[sflag:s13] =	ssyncadd.s32 $0xFFFFE0C0  }
0xc9: {  	[tilespmem:s20], [sflag:$0x3] =	stream.indirect.gather [hbm4b:s4+s15], $0x40, s19, s15, $0xb8;
	[tilespmem:$0x1BD00] =	vst v63  }
0xca: {  	_ =	swait.ge [sflag:s25], $0x1F40  }
0xcb: {  	[sflag:s25] =	ssyncset.done $0x0  }
0xcc: {  	s26 =	simm.s32 $0x5180;
	[sflag:s25] =	ssyncadd.s32 $0xFFFFE0C0  }
0xcd: {  	[spmem:s2] =	stream.indirect.scatter.add.f32 [tilespmem:s21], [sflag:$0x5], $0x40, s26, s15, $0xb8;
	[tilespmem:$0x1BD00] =	vst v63  }
0xce: {  	_ =	swait.ge [sflag:s13], $0x1F40  }
0xcf: {  	s1 =	simm.s32 $0x200;
	s14 =	simm.s32 $0x1000;
	[sflag:s13] =	ssyncset.done $0x0  }
.LBB2_3:
0xd0: {  	s26 =	sadd.s32 $0x180, s1  }
0xd1: {  	[sflag:s13] =	ssyncadd.s32 $0xFFFFE0C0;
	s17 =	smov.u32 s14;
	s19 =	sadd.s32 $0x800, s14  }
0xd2: {  	[tilespmem:s21], [sflag:$0x4] =	stream.indirect.gather [hbm4b:s4+s15], $0x40, s26, s15, $0xb8;
	[tilespmem:$0x1BD00] =	vst v63  }
0xd3: {  	p1 =	seq.s32 s14, $0x13000;
	_ =	swait.ge [sflag:s22], $0x1F40  }
0xd4: {  	[sflag:s22] =	ssyncset.done $0x0  }
0xd5: {  	s14 =	sadd.s32 $0x5000, s1;
	[sflag:s22] =	ssyncadd.s32 $0xFFFFE0C0  }
0xd6: {  	[spmem:s2] =	stream.indirect.scatter.add.f32 [tilespmem:s16], [sflag:$0x5], $0x40, s14, s15, $0xb8;
	[tilespmem:$0x1BD00] =	vst v63  }
0xd7: {  	_ =	swait.ge [sflag:s13], $0x1F40  }
0xd8: {  	[sflag:s13] =	ssyncset.done $0x0  }
0xd9: {  	s14 =	sadd.s32 $0x200, s1;
	[sflag:s13] =	ssyncadd.s32 $0xFFFFE0C0  }
0xda: {  	[tilespmem:s16], [sflag:$0x1] =	stream.indirect.gather [hbm4b:s4+s15], $0x40, s14, s15, $0xb8;
	[tilespmem:$0x1BD00] =	vst v63  }
0xdb: {  	_ =	swait.ge [sflag:s23], $0x1F40  }
0xdc: {  	[sflag:s23] =	ssyncset.done $0x0  }
0xdd: {  	s14 =	sadd.s32 $0x5080, s1;
	[sflag:s23] =	ssyncadd.s32 $0xFFFFE0C0  }
0xde: {  	[spmem:s2] =	stream.indirect.scatter.add.f32 [tilespmem:s18], [sflag:$0x5], $0x40, s14, s15, $0xb8;
	[tilespmem:$0x1BD00] =	vst v63  }
0xdf: {  	_ =	swait.ge [sflag:s13], $0x1F40  }
0xe0: {  	[sflag:s13] =	ssyncset.done $0x0  }
0xe1: {  	s14 =	sadd.s32 $0x280, s1;
	[sflag:s13] =	ssyncadd.s32 $0xFFFFE0C0  }
0xe2: {  	[tilespmem:s18], [sflag:$0x2] =	stream.indirect.gather [hbm4b:s4+s15], $0x40, s14, s15, $0xb8;
	[tilespmem:$0x1BD00] =	vst v63  }
0xe3: {  	_ =	swait.ge [sflag:s24], $0x1F40  }
0xe4: {  	[sflag:s24] =	ssyncset.done $0x0  }
0xe5: {  	s14 =	sadd.s32 $0x5100, s1;
	[sflag:s24] =	ssyncadd.s32 $0xFFFFE0C0  }
0xe6: {  	[spmem:s2] =	stream.indirect.scatter.add.f32 [tilespmem:s20], [sflag:$0x5], $0x40, s14, s15, $0xb8;
	[tilespmem:$0x1BD00] =	vst v63  }
0xe7: {  	_ =	swait.ge [sflag:s13], $0x1F40  }
0xe8: {  	[sflag:s13] =	ssyncset.done $0x0  }
0xe9: {  	s14 =	sadd.s32 $0x300, s1;
	[sflag:s13] =	ssyncadd.s32 $0xFFFFE0C0  }
0xea: {  	[tilespmem:s20], [sflag:$0x3] =	stream.indirect.gather [hbm4b:s4+s15], $0x40, s14, s15, $0xb8;
	[tilespmem:$0x1BD00] =	vst v63  }
0xeb: {  	_ =	swait.ge [sflag:s25], $0x1F40  }
.Ltmp5:
0xec: {  	[sflag:s25] =	ssyncset.done $0x0;
	(pc) =	sbr.rel @!p1 .LBB2_3-.Ltmp5, $4  }
0xed: {  	s1 =	sadd.s32 $0x5180, s1;
	[sflag:s25] =	ssyncadd.s32 $0xFFFFE0C0  }
0xee: {  	[spmem:s2] =	stream.indirect.scatter.add.f32 [tilespmem:s21], [sflag:$0x5], $0x40, s1, s15, $0xb8;
	[tilespmem:$0x1BD00] =	vst v63  }
0xef: {  	_ =	swait.ge [sflag:s13], $0x1F40  }
0xf0: {  	s14 =	smov.u32 s19;
	s1 =	sshra.s32 s17, $0x2;
	[sflag:s13] =	ssyncset.done $0x0  }
0xf1: {  	s14 =	sadd.s32 $0x180, s1;
	[sflag:s13] =	ssyncadd.s32 $0xFFFFE0C0  }
0xf2: {  	[tilespmem:s21], [sflag:$0x4] =	stream.indirect.gather [hbm4b:s4+s15], $0x40, s14, s15, $0xb8;
	[tilespmem:$0x1BD00] =	vst v63  }
0xf3: {  	_ =	swait.ge [sflag:s22], $0x1F40  }
0xf4: {  	[sflag:s22] =	ssyncset.done $0x0  }
0xf5: {  	s19 =	sadd.s32 $0x5000, s1;
	[sflag:s22] =	ssyncadd.s32 $0xFFFFE0C0  }
0xf6: {  	[spmem:s2] =	stream.indirect.scatter.add.f32 [tilespmem:s16], [sflag:$0x5], $0x40, s19, s15, $0xb8;
	[tilespmem:$0x1BD00] =	vst v63  }
0xf7: {  	_ =	swait.ge [sflag:s13], $0x1F40  }
0xf8: {  	[sflag:s13] =	ssyncset.done $0x0  }
0xf9: {  	s26 =	sadd.s32 $0x200, s1;
	[sflag:s13] =	ssyncadd.s32 $0xFFFFE0C0  }
0xfa: {  	[tilespmem:s16], [sflag:$0x1] =	stream.indirect.gather [hbm4b:s4+s15], $0x40, s26, s15, $0xb8;
	[tilespmem:$0x1BD00] =	vst v63  }
0xfb: {  	_ =	swait.ge [sflag:s23], $0x1F40  }
0xfc: {  	[sflag:s23] =	ssyncset.done $0x0  }
0xfd: {  	s17 =	sadd.s32 $0x5080, s1;
	[sflag:s23] =	ssyncadd.s32 $0xFFFFE0C0  }
0xfe: {  	[spmem:s2] =	stream.indirect.scatter.add.f32 [tilespmem:s18], [sflag:$0x5], $0x40, s17, s15, $0xb8;
	[tilespmem:$0x1BD00] =	vst v63  }
0xff: {  	_ =	swait.ge [sflag:s13], $0x1F40  }
0x100: {  	[sflag:s13] =	ssyncset.done $0x0  }
0x101: {  	s19 =	sadd.s32 $0x280, s1;
	[sflag:s13] =	ssyncadd.s32 $0xFFFFE0C0  }
0x102: {  	[tilespmem:s18], [sflag:$0x2] =	stream.indirect.gather [hbm4b:s4+s15], $0x40, s19, s15, $0xb8;
	[tilespmem:$0x1BD00] =	vst v63  }
0x103: {  	_ =	swait.ge [sflag:s24], $0x1F40  }
0x104: {  	[sflag:s24] =	ssyncset.done $0x0  }
0x105: {  	s26 =	sadd.s32 $0x5100, s1;
	[sflag:s24] =	ssyncadd.s32 $0xFFFFE0C0  }
0x106: {  	[spmem:s2] =	stream.indirect.scatter.add.f32 [tilespmem:s20], [sflag:$0x5], $0x40, s26, s15, $0xb8;
	[tilespmem:$0x1BD00] =	vst v63  }
0x107: {  	_ =	swait.ge [sflag:s13], $0x1F40  }
0x108: {  	[sflag:s13] =	ssyncset.done $0x0  }
0x109: {  	s17 =	sadd.s32 $0x300, s1;
	[sflag:s13] =	ssyncadd.s32 $0xFFFFE0C0  }
0x10a: {  	[tilespmem:s20], [sflag:$0x3] =	stream.indirect.gather [hbm4b:s4+s15], $0x40, s17, s15, $0xb8;
	[tilespmem:$0x1BD00] =	vst v63  }
0x10b: {  	_ =	swait.ge [sflag:s25], $0x1F40  }
0x10c: {  	[sflag:s25] =	ssyncset.done $0x0  }
0x10d: {  	s19 =	sadd.s32 $0x5180, s1;
	[sflag:s25] =	ssyncadd.s32 $0xFFFFE0C0  }
0x10e: {  	[spmem:s2] =	stream.indirect.scatter.add.f32 [tilespmem:s21], [sflag:$0x5], $0x40, s19, s15, $0xb8;
	[tilespmem:$0x1BD00] =	vst v63  }
.Ltmp6:
0x10f: {  	_ = 	snop;
	(pc) =	sbr.rel .LBB2_8-.Ltmp6, $4  }
0x110: {  	_ =	swait.ge [sflag:s13], $0x1F40  }
0x111: {  	[sflag:s13] =	ssyncset.done $0x0  }
0x112: {  	s26 =	simm.s32 $0x4F80;
	[sflag:s13] =	ssyncadd.s32 $0xFFFFE0C0  }
0x113: {  	[tilespmem:s21], [sflag:$0x4] =	stream.indirect.gather [hbm4b:s4+s15], $0x40, s26, s15, $0xb8;
	[tilespmem:$0x1BD00] =	vst v63  }
.LBB2_9:
0x114: {  	_ =	sfence.sel $0x180000  }
0x115: {  	[bflag:$0x0] =	sbarrier.arrive $0xFFFF  }
0x116: {  	_ =	strace $0x90000047  }
0x117: {  	s0 =	stileid.u32;
	[bflag:$0x2] =	sbarrier.arrive $0xFFFF  }
0x118: {  	p0 =	sne.s32 s0, $0x0;
	s0 =	rddreg [dreg:$0x2]  }
0x119: {  	s0 =	sadd.s32 @!p0 $0x100000, s0  }
0x11a: {  	[sflag:s0] =	ssyncadd.tile.s32 @!p0 $0x1;
	_ =	shalt  }
.Lfunc_end2:
_tile_overlayer_lowered:
.L_overlay_start_2:
0x11b: {  	(tag) =	ssettag $0x2  }
0x11c: {  	s0 =	rddreg [dreg:$0x0];
	s2 =	stileid.u32  }
0x11d: {  	s1 =	rddreg [dreg:$0x1];
	p0 =	sne.s32 s2, $0x0  }
0x11e: {  	s3 =	rddreg [dreg:$0x2];
	[bflag:$0x3] =	sbarrier.arrive $0xFFFF;
	s2 =	simm.s32 @!p0 $0x1C05  }
0x11f: {  	[timem:s3], [sflag:s2] =	dma.local @!p0 [hbm:s0], s1  }
0x120: {  	s0 =	simm.s32 @!p0 $0x5  }
0x121: {  	_ =	swait.ge @!p0 [sflag:s0], s1  }
0x122: {  	s1 =	ssub.s32 @!p0 $0x0, s1;
	[sflag:s0] =	ssyncset.done @!p0 $0x0  }
0x123: {  	[sflag:s0] =	ssyncadd.s32 @!p0 s1  }
0x124: {  	[bflag:$0x3] =	sbarrier.arrive $0xFFFF  }
0x125: {  	_ =	shalt  }

// kernel: kernel.13.cloned.1.call-start
scs
__scs_entry_jumppad:
0x0: {  	(pc) =	sbr.rel $0x88, $3  }
0x1: {  	(tag) =	ssettag $0x0;
	lr =	simm.s32 $0x1  }
0x2: {  	[smem:$0x3F8D] =	sst lr;
	_ =	strace $0xD0000000  }
0x3: {  	_ = 	snop  }
0x4: {  	_ = 	snop  }
0x5: {  	_ = 	snop  }
0x6: {  	_ = 	snop  }
0x7: {  	_ = 	snop  }
__scs_overlays_trampoline_lowered:
0x8: {  	[smem:$0x3F9C] =	sst s0  }
0x9: {  	[smem:$0x3F9D] =	sst s1  }
0xa: {  	[smem:$0x3F9E] =	sst s2  }
0xb: {  	[smem:$0x3F9F] =	sst s3  }
0xc: {  	[smem:$0x3FA0] =	sst s4  }
0xd: {  	[smem:$0x3FA1] =	sst s5  }
0xe: {  	[smem:$0x3FA2] =	sst s6  }
0xf: {  	[smem:$0x3FA3] =	sst s7  }
0x10: {  	[smem:$0x3FA4] =	sst s8  }
0x11: {  	[smem:$0x3FA5] =	sst s9;
	s0 =	simm.s32 @!p0 $0x0  }
0x12: {  	s1 =	sld [smem:$0x3F8B];
	s0 =	simm.s32 @p0 $0x1  }
0x13: {  	[smem:$0x3FA6] =	sst s0;
	s0 =	simm.s32 @!p1 $0x0  }
0x14: {  	s2 =	sld [smem:$0x3F8A];
	s0 =	simm.s32 @p1 $0x1  }
0x15: {  	[smem:$0x3FA7] =	sst s0;
	s0 =	simm.s32 @!p2 $0x0  }
0x16: {  	s3 =	sld [smem:$0x3FDB];
	s0 =	simm.s32 @p2 $0x1  }
0x17: {  	s4 =	simm.s32 $0x1BF5;
	[smem:$0x3FA9] =	sst s0  }
0x18: {  	s0 =	sld [smem:$0x3F8C];
	_ =	swait.ge [sflag:s4], $0x0  }
0x19: {  	s7 =	sld [smem:$0x3F8D]  }
0x1a: {  	s8 =	sadd.s32 $0xFFFFE003, lr  }
0x1b: {  	s9 =	sadd.s32 $0xFFFFFEF7, lr;
	s5 =	simm.s32 $0xFFFFFFFF;
	p2 =	slt.u32 s8, $0xFFFFF086  }
0x1c: {  	p1 =	slt.u32 s9, $0xF7A;
	s5 =	simm.s32 @!p2 $0x0  }
0x1d: {  	s5 =	simm.s32 @p1 $0x1;
	p0 =	seq.s32 s7, s2  }
0x1e: {  	s7 =	smul.u32 @!p0 $0xF7A, s2;
	p2 =	seq.s32 @!p0 s5, $0x0  }
0x1f: {  	s9 =	smul.u32 $0xF7A, s1;
	s8 =	simm.s32 @!p0 $0x1BF5;
	p2 =	por !p2, p0  }
0x20: {  	[sflag:s8] =	ssyncset.s32 @!p0 $0xFFFFF086;
	s6 =	sadd.s32 @!p0 s3, s7;
	s7 =	simm.s32 @!p0 $0x108  }
0x21: {  	s3 =	sadd.s32 s3, s9;
	s6 =	sadd.s32 @!p0 $0x88, s6;
	s7 =	simm.s32 @p2 $0x1082  }
0x22: {  	[simem:s7], [sflag:s8] =	dma.local @!p0 [hbm:s6], $0xF7A  }
0x23: {  	s9 =	sor.u32 $0xD0000000, s2;
	s6 =	simm.s32 $0x108;
	_ =	swait.ge @!p0 [sflag:s8], $0x0  }
0x24: {  	s3 =	sadd.s32 $0x88, s3;
	s6 =	simm.s32 @!p1 $0x1082;
	[sflag:s4] =	ssyncset.s32 $0xFFFFF086  }
0x25: {  	[simem:s6], [sflag:s4] =	dma.local [hbm:s3], $0xF7A  }
0x26: {  	[smem:$0x3F8D] =	sst s1;
	(tag) =	ssettag s2;
	_ =	strace s9  }
0x27: {  	s1 =	sld [smem:$0x3F9D]  }
0x28: {  	s2 =	sld [smem:$0x3F9E]  }
0x29: {  	s4 =	sld [smem:$0x3FA0]  }
0x2a: {  	p0 =	seq.s32 s5, $0x0;
	s5 =	sld [smem:$0x3FA1]  }
0x2b: {  	s6 =	sld [smem:$0x3FA2]  }
0x2c: {  	s7 =	sld [smem:$0x3FA3]  }
0x2d: {  	s3 =	simm.s32 $0x108;
	s8 =	sld [smem:$0x3FA4]  }
0x2e: {  	s3 =	simm.s32 @!p0 $0x1082;
	s9 =	sld [smem:$0x3FA5]  }
0x2f: {  	lr =	sadd.s32 s0, s3;
	s0 =	sld [smem:$0x3F9C]  }
0x30: {  	s3 =	sld [smem:$0x3F9F]  }
0x31: {  	[smem:$0x3FA8] =	sst s10  }
0x32: {  	s10 =	sld [smem:$0x3FA6];
	_ =	sdelay $0x3  }
0x33: {  	p0 =	seq.s32 s10, $0x1;
	s10 =	sld [smem:$0x3FA8];
	_ =	sdelay $0x3  }
0x34: {  	[smem:$0x3FA8] =	sst s10  }
0x35: {  	s10 =	sld [smem:$0x3FA7];
	_ =	sdelay $0x3  }
0x36: {  	p1 =	seq.s32 s10, $0x1;
	s10 =	sld [smem:$0x3FA8];
	_ =	sdelay $0x3  }
0x37: {  	[smem:$0x3FA8] =	sst s10  }
0x38: {  	s10 =	sld [smem:$0x3FA9]  }
0x39: {  	_ = 	snop;
	(pc) =	sbr.ind lr, $3  }
0x3a: {  	_ = 	snop  }
0x3b: {  	_ = 	snop  }
0x3c: {  	p2 =	seq.s32 s10, $0x1;
	s10 =	sld [smem:$0x3FA8]  }
0x3d: {  	_ =	shalt  }
0x3e: {  	_ =	shalt  }
0x3f: {  	_ =	shalt  }
0x40: {  	_ =	shalt  }
0x41: {  	_ =	shalt  }
0x42: {  	_ =	shalt  }
0x43: {  	_ =	shalt  }
0x44: {  	_ =	shalt  }
0x45: {  	_ =	shalt  }
0x46: {  	_ =	shalt  }
0x47: {  	_ =	shalt  }
0x48: {  	_ =	shalt  }
0x49: {  	_ =	shalt  }
0x4a: {  	_ =	shalt  }
0x4b: {  	_ =	shalt  }
0x4c: {  	_ =	shalt  }
0x4d: {  	_ =	shalt  }
0x4e: {  	_ =	shalt  }
0x4f: {  	_ =	shalt  }
0x50: {  	_ =	shalt  }
0x51: {  	_ =	shalt  }
0x52: {  	_ =	shalt  }
0x53: {  	_ =	shalt  }
0x54: {  	_ =	shalt  }
0x55: {  	_ =	shalt  }
0x56: {  	_ =	shalt  }
0x57: {  	_ =	shalt  }
0x58: {  	_ =	shalt  }
0x59: {  	_ =	shalt  }
0x5a: {  	_ =	shalt  }
0x5b: {  	_ =	shalt  }
0x5c: {  	_ =	shalt  }
0x5d: {  	_ =	shalt  }
0x5e: {  	_ =	shalt  }
0x5f: {  	_ =	shalt  }
0x60: {  	_ =	shalt  }
0x61: {  	_ =	shalt  }
0x62: {  	_ =	shalt  }
0x63: {  	_ =	shalt  }
0x64: {  	_ =	shalt  }
0x65: {  	_ =	shalt  }
0x66: {  	_ =	shalt  }
0x67: {  	_ =	shalt  }
0x68: {  	_ =	shalt  }
0x69: {  	_ =	shalt  }
0x6a: {  	_ =	shalt  }
0x6b: {  	_ =	shalt  }
0x6c: {  	_ =	shalt  }
0x6d: {  	_ =	shalt  }
0x6e: {  	_ =	shalt  }
0x6f: {  	_ =	shalt  }
0x70: {  	_ =	shalt  }
0x71: {  	_ =	shalt  }
0x72: {  	_ =	shalt  }
0x73: {  	_ =	shalt  }
0x74: {  	_ =	shalt  }
0x75: {  	_ =	shalt  }
0x76: {  	_ =	shalt  }
0x77: {  	_ =	shalt  }
0x78: {  	_ =	shalt  }
0x79: {  	_ =	shalt  }
0x7a: {  	_ =	shalt  }
0x7b: {  	_ =	shalt  }
0x7c: {  	_ =	shalt  }
0x7d: {  	_ =	shalt  }
0x7e: {  	_ =	shalt  }
0x7f: {  	_ =	shalt  }
0x80: {  	_ =	shalt  }
0x81: {  	_ =	shalt  }
0x82: {  	_ =	shalt  }
0x83: {  	_ =	shalt  }
0x84: {  	_ =	shalt  }
0x85: {  	_ =	shalt  }
0x86: {  	_ =	shalt  }
0x87: {  	_ =	shalt  }
.Lfunc_end0:
.L_simem_size_0:
called_computation.1_lowered:
.L_overlay_start_0:
0x88: {  	s2 =	sld [smem:$0x3FD9]  }
0x89: {  	s3 =	sld [smem:$0x3FFE];
	_ =	sdelay $0x1  }
0x8a: {  	s1 =	srdreg.scid  }
0x8b: {  	s0 =	sand.u32 $0x1, s1  }
0x8c: {  	s16 =	sshll.u32 s0, $0xA;
	s2 =	sadd.s32 s3, s2  }
0x8d: {  	s2 =	sadd.s32 s2, s16  }
0x8e: {  	[smem:$0x3FB4] =	sst s2  }
0x8f: {  	_ = 	snop  }
0x90: {  	(tm) =	ssettm $0x1  }
0x91: {  	s17 =	sld [smem:$0x3FFB];
	_ =	sdelay $0x3  }
0x92: {  	_ =	strace s17  }
0x93: {  	s2 =	sld [smem:$0x3FFC];
	_ =	sdelay $0x3  }
0x94: {  	_ =	strace s2  }
0x95: {  	s2 =	sld [smem:$0x3FFD];
	_ =	sdelay $0x3  }
0x96: {  	_ =	strace s2  }
0x97: {  	_ =	strace $0x8FFFFFFF  }
0x98: {  	s18 =	sld [smem:$0x3FDB];
	_ =	sdelay $0x1  }
0x99: {  	s19 =	simm.s32 $_scs_section_size  }
0x9a: {  	s4 =	simm.s32 $_size__tile_overlayer_lowered;
	s5 =	simm.s32 $_tile_overlayer_lowered  }
0x9b: {  	s22 =	simm.s32 $0x1BFF;
	s21 =	sshll.u32 s5, $0x1;
	s2 =	sadd.s32 s19, s18  }
0x9c: {  	s6 =	simm.s32 $0x0;
	s20 =	sshll.u32 s4, $0x1;
	s4 =	sadd.s32 s21, s2  }
0x9d: {  	[timem:s6], [sflag:s22] =	dma.local [hbm:s4], s20  }
0x9e: {  	_ =	swait.ge [sflag:s22], s20  }
0x9f: {  	s3 =	ssub.s32 $0x0, s20;
	[sflag:s22] =	ssyncset.done $0x0  }
0xa0: {  	[sflag:s22] =	ssyncadd.s32 s3;
	_ =	sdelay $0x1  }
0xa1: {  	s23 =	simm.s32 $0x1B8B  }
0xa2: {  	_ =	swait.ge [sflag:s23], $0x1  }
0xa3: {  	[sflag:s23] =	ssyncset.done $0x0  }
0xa4: {  	s25 =	simm.s32 $0x1B8E;
	s24 =	sld [smem:$0x3FFE];
	[sflag:s23] =	ssyncadd.s32 $0xFFFFFFFF  }
0xa5: {  	s26 =	simm.s32 $execute0_lowered;
	[smem:$0x3FD2] =	sst s25  }
0xa6: {  	s4 =	sshll.u32 s26, $0x1;
	_ =	strace $0x80000049;
	[dreg:$0x1] =	wrdreg $0xFFFFFFFF  }
0xa7: {  	s28 =	simm.s32 $_size_execute0_lowered;
	s2 =	sadd.s32 s2, s4;
	[dreg:$0x0] =	wrdreg $0x0  }
0xa8: {  	s4 =	sshll.u32 s28, $0x1;
	[dreg:$0x2] =	wrdreg s2  }
0xa9: {  	[dreg:$0x3] =	wrdreg s4  }
0xaa: {  	[dreg:$0x4] =	wrdreg $0xC0  }
0xab: {  	_ =	task [dreg:s6], $0x5FFFF  }
0xac: {  	[dreg:$0x1] =	wrdreg $0xFFFFFFFF  }
0xad: {  	[dreg:$0x0] =	wrdreg $0x60  }
0xae: {  	[dreg:$0x2] =	wrdreg s24  }
0xaf: {  	[dreg:$0x3] =	wrdreg $0x11D000  }
0xb0: {  	[dreg:$0x4] =	wrdreg $0x9  }
0xb1: {  	_ =	task.clear_ibuf [dreg:s6], $0x5FFFF;
	_ =	strace $0x90000049  }
0xb2: {  	s29 =	simm.s32 $0x9;
	_ =	strace $0x8000004B  }
0xb3: {  	_ =	swait.ge [sflag:s29], $0x1  }
0xb4: {  	[sflag:s29] =	ssyncadd.s32 $0xFFFFFFFF  }
0xb5: {  	_ =	strace $0x9000004B  }
0xb6: {  	_ =	sfence  }
0xb7: {  	s30 =	sld [smem:$0x0];
	_ =	sdelay $0x2  }
0xb8: {  	s31 =	sshll.u32 s1, $0xD;
	s1 =	sshrl.u32 s1, $0x2  }
0xb9: {  	s3 =	sand.u32 $0x4000, s31;
	s1 =	sadd.s32 s1, s30  }
0xba: {  	s0 =	sor.u32 s3, s0;
	s1 =	sshll.u32 s1, $0x11  }
0xbb: {  	s0 =	sor.u32 s1, s0  }
0xbc: {  	s0 =	sadd.s32 $0x8F2B, s0  }
0xbd: {  	[sflag:s0] =	ssyncadd.remote.s32 $0x1  }
0xbe: {  	_ =	sfence.sel $0xFFFF  }
0xbf: {  	[dreg:$0x0] =	wrdreg $0xFFFFFFFF;
	(pc) =	sbr.abs _section_cstart, $3  }
0xc0: {  	[dreg:$0x1] =	wrdreg $0xFFFFFFFF  }
0xc1: {  	_ =	task.clear_ibuf [dreg:s6], $0x2FFFF;
	_ =	strace $0x9FFFFFFF  }
0xc2: {  	(tm) =	ssettm $0x7FFFFFFF  }
0xc3: {  	_ =	shalt  }
tec
execute0_lowered:
.L_overlay_start_1:
0x0: {  	(tag) =	ssettag $0x1  }
0x1: {  	s0 =	rddreg [dreg:$0x0]  }
0x2: {  	s2 =	rddreg [dreg:$0x1]  }
0x3: {  	s12 =	stileid.u32;
	s3 =	simm.s32 $0x0;
	s4 =	srdreg.scid  }
0x4: {  	s13 =	simm.s32 $0x5;
	s15 =	simm.s32 $0x7D;
	s16 =	simm.s32 $0xA000  }
0x5: {  	s18 =	simm.s32 $0xBF40;
	s20 =	simm.s32 $0xDE80;
	s21 =	simm.s32 $0xFDC0  }
0x6: {  	s22 =	simm.s32 $0x1;
	s23 =	simm.s32 $0x2;
	s24 =	simm.s32 $0x3  }
0x7: {  	s28 =	simm.s32 $0x9E00;
	s29 =	simm.s32 $0x9E80;
	s30 =	simm.s32 $0x9F00  }
0x8: {  	s31 =	simm.s32 $0x9F80;
	s1 =	smul.u32 $0x5000, s12;
	[smem:$0x7FF] =	sst s3  }
0x9: {  	s10 =	sand.u32 $0x1, s4;
	s7 =	smul.u32 $0xA000, s12;
	s4 =	sadd.s32 $0x5C00, s0  }
0xa: {  	s5 =	sadd.s32 $0x19600, s0;
	s25 =	sshll.u32 s12, $0x6;
	_ =	strace $0x8000004A  }
0xb: {  	s6 =	smul.u32 $0xA0000, s10;
	s9 =	ssub.s32 $0x2, s10;
	p0 =	seq.s32 s10, $0x1  }
0xc: {  	s1 =	sshrl.u32 s1, $0x3;
	s11 =	sshrl.u32 s9, $0x1;
	s26 =	sadd.s32 s7, s2  }
.Ltmp0:
0xd: {  	s1 =	sadd.s32 s1, s0;
	s8 =	sadd.s32 s7, s6;
	(pc) =	sbr.rel .LBB2_1-.Ltmp0, $4  }
0xe: {  	s6 =	sadd.s32 $0x41000, s0;
	s11 =	ssub.s32 s9, s11;
	s7 =	sor.u32 $0x1C05, s25  }
0xf: {  	s12 =	sshrl.u32 s26, $0x3;
	s25 =	simm.s32 $0x4;
	s8 =	sshrl.u32 s8, $0x3  }
0x10: {  	s9 =	sadd.s32 $0x37000, s1;
	s11 =	smax.u32 s11, $0x1;
	s0 =	sadd.s32 s8, s0  }
0x11: {  	s8 =	sadd.s32 $0x2D000, s1;
	s10 =	sadd.s32 $0x42400, s0;
	s0 =	simm.s32 $0x0  }
.LBB2_7:
0x12: {  	s14 =	sadd.s32 $0x180, s1;
	[sflag:s13] =	ssyncadd.s32 $0xFFFFE0C0  }
0x13: {  	[tilespmem:s21], [sflag:$0x4] =	stream.indirect.gather [hbm4b:s5+s15], $0x40, s14, s15, $0xb8;
	[tilespmem:$0x1BD00] =	vst v63  }
0x14: {  	_ =	swait.ge [sflag:s22], $0x1F40  }
0x15: {  	[sflag:s22] =	ssyncset.done $0x0  }
0x16: {  	s19 =	sadd.s32 $0x5000, s1;
	[sflag:s22] =	ssyncadd.s32 $0xFFFFE0C0  }
0x17: {  	[spmem:s2] =	stream.indirect.scatter.add.f32 [tilespmem:s16], [sflag:$0x5], $0x40, s19, s15, $0xb8;
	[tilespmem:$0x1BD00] =	vst v63  }
0x18: {  	_ =	swait.ge [sflag:s13], $0x1F40  }
0x19: {  	[sflag:s13] =	ssyncset.done $0x0  }
0x1a: {  	s26 =	sadd.s32 $0x200, s1;
	[sflag:s13] =	ssyncadd.s32 $0xFFFFE0C0  }
0x1b: {  	[tilespmem:s16], [sflag:$0x1] =	stream.indirect.gather [hbm4b:s5+s15], $0x40, s26, s15, $0xb8;
	[tilespmem:$0x1BD00] =	vst v63  }
0x1c: {  	_ =	swait.ge [sflag:s23], $0x1F40  }
0x1d: {  	[sflag:s23] =	ssyncset.done $0x0  }
0x1e: {  	s17 =	sadd.s32 $0x5080, s1;
	[sflag:s23] =	ssyncadd.s32 $0xFFFFE0C0  }
0x1f: {  	[spmem:s2] =	stream.indirect.scatter.add.f32 [tilespmem:s18], [sflag:$0x5], $0x40, s17, s15, $0xb8;
	[tilespmem:$0x1BD00] =	vst v63  }
0x20: {  	_ =	swait.ge [sflag:s13], $0x1F40  }
0x21: {  	[sflag:s13] =	ssyncset.done $0x0  }
0x22: {  	s19 =	sadd.s32 $0x280, s1;
	[sflag:s13] =	ssyncadd.s32 $0xFFFFE0C0  }
0x23: {  	[tilespmem:s18], [sflag:$0x2] =	stream.indirect.gather [hbm4b:s5+s15], $0x40, s19, s15, $0xb8;
	[tilespmem:$0x1BD00] =	vst v63  }
0x24: {  	_ =	swait.ge [sflag:s24], $0x1F40  }
0x25: {  	[sflag:s24] =	ssyncset.done $0x0  }
0x26: {  	s26 =	sadd.s32 $0x5100, s1;
	[sflag:s24] =	ssyncadd.s32 $0xFFFFE0C0  }
0x27: {  	[spmem:s2] =	stream.indirect.scatter.add.f32 [tilespmem:s20], [sflag:$0x5], $0x40, s26, s15, $0xb8;
	[tilespmem:$0x1BD00] =	vst v63  }
0x28: {  	_ =	swait.ge [sflag:s13], $0x1F40  }
0x29: {  	[sflag:s13] =	ssyncset.done $0x0  }
0x2a: {  	s17 =	sadd.s32 $0x300, s1;
	[sflag:s13] =	ssyncadd.s32 $0xFFFFE0C0  }
0x2b: {  	[tilespmem:s20], [sflag:$0x3] =	stream.indirect.gather [hbm4b:s5+s15], $0x40, s17, s15, $0xb8;
	[tilespmem:$0x1BD00] =	vst v63  }
0x2c: {  	_ =	swait.ge [sflag:s25], $0x1F40  }
0x2d: {  	[sflag:s25] =	ssyncset.done $0x0  }
0x2e: {  	s19 =	sadd.s32 $0x5180, s1;
	[sflag:s25] =	ssyncadd.s32 $0xFFFFE0C0  }
0x2f: {  	[spmem:s2] =	stream.indirect.scatter.add.f32 [tilespmem:s21], [sflag:$0x5], $0x40, s19, s15, $0xb8;
	[tilespmem:$0x1BD00] =	vst v63  }
0x30: {  	_ =	swait.ge [sflag:s13], $0x1F40  }
0x31: {  	[sflag:s13] =	ssyncset.done $0x0  }
0x32: {  	s26 =	simm.s32 $0x4F80;
	[sflag:s13] =	ssyncadd.s32 $0xFFFFE0C0  }
0x33: {  	[tilespmem:s21], [sflag:$0x4] =	stream.indirect.gather [hbm4b:s5+s15], $0x40, s26, s15, $0xb8;
	[tilespmem:$0x1BD00] =	vst v63  }
.LBB2_8:
0x34: {  	_ =	swait.ge [sflag:s22], $0x1F40  }
0x35: {  	[sflag:s22] =	ssyncset.done $0x0  }
0x36: {  	[sflag:s22] =	ssyncadd.s32 $0xFFFFE0C0  }
0x37: {  	[spmem:s2] =	stream.indirect.scatter.add.f32 [tilespmem:s16], [sflag:$0x5], $0x40, s28, s15, $0xb8;
	[tilespmem:$0x1BD00] =	vst v63  }
0x38: {  	_ =	swait.ge [sflag:s13], $0x1F40  }
0x39: {  	[sflag:s13] =	ssyncset.done $0x0  }
0x3a: {  	[sflag:s13] =	ssyncadd.s32 $0xFFFFE0C0  }
0x3b: {  	_ =	swait.ge [sflag:s23], $0x1F40  }
0x3c: {  	[sflag:s23] =	ssyncset.done $0x0  }
0x3d: {  	[sflag:s23] =	ssyncadd.s32 $0xFFFFE0C0  }
0x3e: {  	[spmem:s2] =	stream.indirect.scatter.add.f32 [tilespmem:s18], [sflag:$0x5], $0x40, s29, s15, $0xb8;
	[tilespmem:$0x1BD00] =	vst v63  }
0x3f: {  	_ =	swait.ge [sflag:s13], $0x1F40  }
0x40: {  	[sflag:s13] =	ssyncset.done $0x0  }
0x41: {  	[sflag:s13] =	ssyncadd.s32 $0xFFFFE0C0  }
0x42: {  	_ =	swait.ge [sflag:s24], $0x1F40  }
0x43: {  	[sflag:s24] =	ssyncset.done $0x0  }
0x44: {  	[sflag:s24] =	ssyncadd.s32 $0xFFFFE0C0  }
0x45: {  	[spmem:s2] =	stream.indirect.scatter.add.f32 [tilespmem:s20], [sflag:$0x5], $0x40, s30, s15, $0xb8;
	[tilespmem:$0x1BD00] =	vst v63  }
0x46: {  	_ =	swait.ge [sflag:s13], $0x1F40  }
0x47: {  	[sflag:s13] =	ssyncset.done $0x0  }
0x48: {  	[sflag:s13] =	ssyncadd.s32 $0xFFFFE0C0  }
0x49: {  	_ =	swait.ge [sflag:s25], $0x1F40  }
0x4a: {  	[sflag:s25] =	ssyncset.done $0x0  }
0x4b: {  	[sflag:s25] =	ssyncadd.s32 $0xFFFFE0C0  }
0x4c: {  	[spmem:s2] =	stream.indirect.scatter.add.f32 [tilespmem:s21], [sflag:$0x5], $0x40, s31, s15, $0xb8;
	[tilespmem:$0x1BD00] =	vst v63  }
0x4d: {  	_ =	swait.ge [sflag:s13], $0x1F40  }
0x4e: {  	s0 =	sadd.s32 $0x1, s0;
	[sflag:s13] =	ssyncset.done $0x0  }
0x4f: {  	p1 =	sne.s32 s0, s11;
	[sflag:s13] =	ssyncadd.s32 $0xFFFFE0C0  }
.Ltmp1:
0x50: {  	[bflag:$0x0] =	sbarrier.arrive $0xFFFF;
	(pc) =	sbr.rel @!p1 .LBB2_9-.Ltmp1, $4  }
0x51: {  	[hbm:s10], [sflag:s7] =	dma.local [spmem:s12], $0x1400  }
0x52: {  	_ =	swait.ge [sflag:s13], $0x1400  }
0x53: {  	[sflag:s13] =	ssyncset.done $0x0  }
0x54: {  	[sflag:s13] =	ssyncadd.s32 $0xFFFFEC00  }
.LBB2_1:
0x55: {  	[spmem:s12], [sflag:s7] =	dma.local [hbm:s6], $0x1400  }
0x56: {  	_ =	swait.ge [sflag:s13], $0x1400  }
0x57: {  	[sflag:s13] =	ssyncset.done $0x0  }
0x58: {  	[sflag:s13] =	ssyncadd.s32 $0xFFFFEC00  }
0x59: {  	[tilespmem:s3], [sflag:$0x5] =	stream.linear.gather [hbm4b:s8+s3], $0x5000, $0x38;
	[tilespmem:$0x1BD00] =	vst v63  }
0x5a: {  	_ =	swait.ge [sflag:s13], $0x5000  }
0x5b: {  	[sflag:s13] =	ssyncset.done $0x0  }
0x5c: {  	s1 =	simm.s32 $0x5000;
	[sflag:s13] =	ssyncadd.s32 $0xFFFFB000  }
0x5d: {  	[tilespmem:s1], [sflag:$0x5] =	stream.linear.gather [hbm4b:s9+s3], $0x5000, $0x38;
	[tilespmem:$0x1BD00] =	vst v63  }
.Ltmp2:
0x5e: {  	_ =	swait.ge [sflag:s13], $0x5000;
	(pc) =	sbr.rel @!p0 .LBB2_2-.Ltmp2, $4  }
0x5f: {  	[sflag:s13] =	ssyncset.done $0x0  }
0x60: {  	[sflag:s13] =	ssyncadd.s32 $0xFFFFB000  }
0x61: {  	[bflag:$0x0] =	sbarrier.arrive $0xFFFF  }
0x62: {  	s1 =	simm.s32 $0x0  }
0x63: {  	[tilespmem:s16], [sflag:$0x1] =	stream.indirect.gather [hbm4b:s5+s15], $0x40, s1, s15, $0xb8;
	[tilespmem:$0x1BD00] =	vst v63  }
0x64: {  	s19 =	simm.s32 $0x80  }
0x65: {  	[tilespmem:s18], [sflag:$0x2] =	stream.indirect.gather [hbm4b:s5+s15], $0x40, s19, s15, $0xb8;
	[tilespmem:$0x1BD00] =	vst v63  }
0x66: {  	s26 =	simm.s32 $0x100  }
0x67: {  	[tilespmem:s20], [sflag:$0x3] =	stream.indirect.gather [hbm4b:s5+s15], $0x40, s26, s15, $0xb8;
	[tilespmem:$0x1BD00] =	vst v63  }
0x68: {  	s14 =	simm.s32 $0x180  }
0x69: {  	[tilespmem:s21], [sflag:$0x4] =	stream.indirect.gather [hbm4b:s5+s15], $0x40, s14, s15, $0xb8;
	[tilespmem:$0x1BD00] =	vst v63  }
0x6a: {  	_ =	swait.ge [sflag:s22], $0x1F40  }
0x6b: {  	[sflag:s22] =	ssyncset.done $0x0  }
0x6c: {  	s17 =	simm.s32 $0x5000;
	[sflag:s22] =	ssyncadd.s32 $0xFFFFE0C0  }
0x6d: {  	[spmem:s2] =	stream.indirect.scatter.add.f32 [tilespmem:s16], [sflag:$0x5], $0x40, s17, s15, $0xb8;
	[tilespmem:$0x1BD00] =	vst v63  }
0x6e: {  	_ =	swait.ge [sflag:s13], $0x1F40  }
0x6f: {  	[sflag:s13] =	ssyncset.done $0x0  }
0x70: {  	s19 =	simm.s32 $0x200;
	[sflag:s13] =	ssyncadd.s32 $0xFFFFE0C0  }
0x71: {  	[tilespmem:s16], [sflag:$0x1] =	stream.indirect.gather [hbm4b:s5+s15], $0x40, s19, s15, $0xb8;
	[tilespmem:$0x1BD00] =	vst v63  }
0x72: {  	_ =	swait.ge [sflag:s23], $0x1F40  }
0x73: {  	[sflag:s23] =	ssyncset.done $0x0  }
0x74: {  	s26 =	simm.s32 $0x5080;
	[sflag:s23] =	ssyncadd.s32 $0xFFFFE0C0  }
0x75: {  	[spmem:s2] =	stream.indirect.scatter.add.f32 [tilespmem:s18], [sflag:$0x5], $0x40, s26, s15, $0xb8;
	[tilespmem:$0x1BD00] =	vst v63  }
0x76: {  	_ =	swait.ge [sflag:s13], $0x1F40  }
0x77: {  	[sflag:s13] =	ssyncset.done $0x0  }
0x78: {  	s14 =	simm.s32 $0x280;
	[sflag:s13] =	ssyncadd.s32 $0xFFFFE0C0  }
0x79: {  	[tilespmem:s18], [sflag:$0x2] =	stream.indirect.gather [hbm4b:s5+s15], $0x40, s14, s15, $0xb8;
	[tilespmem:$0x1BD00] =	vst v63  }
0x7a: {  	_ =	swait.ge [sflag:s24], $0x1F40  }
0x7b: {  	[sflag:s24] =	ssyncset.done $0x0  }
0x7c: {  	s17 =	simm.s32 $0x5100;
	[sflag:s24] =	ssyncadd.s32 $0xFFFFE0C0  }
0x7d: {  	[spmem:s2] =	stream.indirect.scatter.add.f32 [tilespmem:s20], [sflag:$0x5], $0x40, s17, s15, $0xb8;
	[tilespmem:$0x1BD00] =	vst v63  }
0x7e: {  	_ =	swait.ge [sflag:s13], $0x1F40  }
0x7f: {  	[sflag:s13] =	ssyncset.done $0x0  }
0x80: {  	s19 =	simm.s32 $0x300;
	[sflag:s13] =	ssyncadd.s32 $0xFFFFE0C0  }
0x81: {  	[tilespmem:s20], [sflag:$0x3] =	stream.indirect.gather [hbm4b:s5+s15], $0x40, s19, s15, $0xb8;
	[tilespmem:$0x1BD00] =	vst v63  }
0x82: {  	_ =	swait.ge [sflag:s25], $0x1F40  }
0x83: {  	[sflag:s25] =	ssyncset.done $0x0  }
0x84: {  	s26 =	simm.s32 $0x5180;
	[sflag:s25] =	ssyncadd.s32 $0xFFFFE0C0  }
0x85: {  	[spmem:s2] =	stream.indirect.scatter.add.f32 [tilespmem:s21], [sflag:$0x5], $0x40, s26, s15, $0xb8;
	[tilespmem:$0x1BD00] =	vst v63  }
0x86: {  	_ =	swait.ge [sflag:s13], $0x1F40  }
0x87: {  	s1 =	simm.s32 $0x200;
	s19 =	simm.s32 $0x1000;
	[sflag:s13] =	ssyncset.done $0x0  }
.LBB2_6:
0x88: {  	s26 =	sadd.s32 $0x180, s1  }
0x89: {  	[sflag:s13] =	ssyncadd.s32 $0xFFFFE0C0;
	s17 =	smov.u32 s19;
	s14 =	sadd.s32 $0x800, s19  }
0x8a: {  	[tilespmem:s21], [sflag:$0x4] =	stream.indirect.gather [hbm4b:s5+s15], $0x40, s26, s15, $0xb8;
	[tilespmem:$0x1BD00] =	vst v63  }
0x8b: {  	p1 =	sne.s32 s19, $0x13000;
	_ =	swait.ge [sflag:s22], $0x1F40  }
0x8c: {  	[sflag:s22] =	ssyncset.done $0x0  }
0x8d: {  	s19 =	sadd.s32 $0x5000, s1;
	[sflag:s22] =	ssyncadd.s32 $0xFFFFE0C0  }
0x8e: {  	[spmem:s2] =	stream.indirect.scatter.add.f32 [tilespmem:s16], [sflag:$0x5], $0x40, s19, s15, $0xb8;
	[tilespmem:$0x1BD00] =	vst v63  }
0x8f: {  	_ =	swait.ge [sflag:s13], $0x1F40  }
0x90: {  	[sflag:s13] =	ssyncset.done $0x0  }
0x91: {  	s19 =	sadd.s32 $0x200, s1;
	[sflag:s13] =	ssyncadd.s32 $0xFFFFE0C0  }
0x92: {  	[tilespmem:s16], [sflag:$0x1] =	stream.indirect.gather [hbm4b:s5+s15], $0x40, s19, s15, $0xb8;
	[tilespmem:$0x1BD00] =	vst v63  }
0x93: {  	_ =	swait.ge [sflag:s23], $0x1F40  }
0x94: {  	[sflag:s23] =	ssyncset.done $0x0  }
0x95: {  	s19 =	sadd.s32 $0x5080, s1;
	[sflag:s23] =	ssyncadd.s32 $0xFFFFE0C0  }
0x96: {  	[spmem:s2] =	stream.indirect.scatter.add.f32 [tilespmem:s18], [sflag:$0x5], $0x40, s19, s15, $0xb8;
	[tilespmem:$0x1BD00] =	vst v63  }
0x97: {  	_ =	swait.ge [sflag:s13], $0x1F40  }
0x98: {  	[sflag:s13] =	ssyncset.done $0x0  }
0x99: {  	s19 =	sadd.s32 $0x280, s1;
	[sflag:s13] =	ssyncadd.s32 $0xFFFFE0C0  }
0x9a: {  	[tilespmem:s18], [sflag:$0x2] =	stream.indirect.gather [hbm4b:s5+s15], $0x40, s19, s15, $0xb8;
	[tilespmem:$0x1BD00] =	vst v63  }
0x9b: {  	_ =	swait.ge [sflag:s24], $0x1F40  }
0x9c: {  	[sflag:s24] =	ssyncset.done $0x0  }
0x9d: {  	s19 =	sadd.s32 $0x5100, s1;
	[sflag:s24] =	ssyncadd.s32 $0xFFFFE0C0  }
0x9e: {  	[spmem:s2] =	stream.indirect.scatter.add.f32 [tilespmem:s20], [sflag:$0x5], $0x40, s19, s15, $0xb8;
	[tilespmem:$0x1BD00] =	vst v63  }
0x9f: {  	_ =	swait.ge [sflag:s13], $0x1F40  }
0xa0: {  	[sflag:s13] =	ssyncset.done $0x0  }
0xa1: {  	s19 =	sadd.s32 $0x300, s1;
	[sflag:s13] =	ssyncadd.s32 $0xFFFFE0C0  }
0xa2: {  	[tilespmem:s20], [sflag:$0x3] =	stream.indirect.gather [hbm4b:s5+s15], $0x40, s19, s15, $0xb8;
	[tilespmem:$0x1BD00] =	vst v63  }
0xa3: {  	_ =	swait.ge [sflag:s25], $0x1F40  }
.Ltmp3:
0xa4: {  	[sflag:s25] =	ssyncset.done $0x0;
	(pc) =	sbr.rel @p1 .LBB2_6-.Ltmp3, $4  }
0xa5: {  	s1 =	sadd.s32 $0x5180, s1;
	[sflag:s25] =	ssyncadd.s32 $0xFFFFE0C0  }
0xa6: {  	[spmem:s2] =	stream.indirect.scatter.add.f32 [tilespmem:s21], [sflag:$0x5], $0x40, s1, s15, $0xb8;
	[tilespmem:$0x1BD00] =	vst v63  }
0xa7: {  	_ =	swait.ge [sflag:s13], $0x1F40  }
0xa8: {  	s19 =	smov.u32 s14;
	s1 =	sshra.s32 s17, $0x2;
	[sflag:s13] =	ssyncset.done $0x0  }
.Ltmp4:
0xa9: {  	_ = 	snop;
	(pc) =	sbr.rel .LBB2_7-.Ltmp4, $1  }
0xaa: {  	_ =	sdelay $0x3  }
.LBB2_2:
0xab: {  	[tilespmem:s16], [sflag:$0x1] =	stream.indirect.gather [hbm4b:s4+s15], $0x40, s1, s15, $0xb8;
	[tilespmem:$0x1BD00] =	vst v63  }
0xac: {  	s19 =	simm.s32 $0x80  }
0xad: {  	[tilespmem:s18], [sflag:$0x2] =	stream.indirect.gather [hbm4b:s4+s15], $0x40, s19, s15, $0xb8;
	[tilespmem:$0x1BD00] =	vst v63  }
0xae: {  	s26 =	simm.s32 $0x100  }
0xaf: {  	[tilespmem:s20], [sflag:$0x3] =	stream.indirect.gather [hbm4b:s4+s15], $0x40, s26, s15, $0xb8;
	[tilespmem:$0x1BD00] =	vst v63  }
0xb0: {  	s14 =	simm.s32 $0x180  }
0xb1: {  	[tilespmem:s21], [sflag:$0x4] =	stream.indirect.gather [hbm4b:s4+s15], $0x40, s14, s15, $0xb8;
	[tilespmem:$0x1BD00] =	vst v63  }
0xb2: {  	_ =	swait.ge [sflag:s22], $0x1F40  }
0xb3: {  	[sflag:s22] =	ssyncset.done $0x0  }
0xb4: {  	s17 =	simm.s32 $0x5000;
	[sflag:s22] =	ssyncadd.s32 $0xFFFFE0C0  }
0xb5: {  	[spmem:s2] =	stream.indirect.scatter.add.f32 [tilespmem:s16], [sflag:$0x5], $0x40, s17, s15, $0xb8;
	[tilespmem:$0x1BD00] =	vst v63  }
0xb6: {  	_ =	swait.ge [sflag:s13], $0x1F40  }
0xb7: {  	[sflag:s13] =	ssyncset.done $0x0  }
0xb8: {  	s19 =	simm.s32 $0x200;
	[sflag:s13] =	ssyncadd.s32 $0xFFFFE0C0  }
0xb9: {  	[tilespmem:s16], [sflag:$0x1] =	stream.indirect.gather [hbm4b:s4+s15], $0x40, s19, s15, $0xb8;
	[tilespmem:$0x1BD00] =	vst v63  }
0xba: {  	_ =	swait.ge [sflag:s23], $0x1F40  }
0xbb: {  	[sflag:s23] =	ssyncset.done $0x0  }
0xbc: {  	s26 =	simm.s32 $0x5080;
	[sflag:s23] =	ssyncadd.s32 $0xFFFFE0C0  }
0xbd: {  	[spmem:s2] =	stream.indirect.scatter.add.f32 [tilespmem:s18], [sflag:$0x5], $0x40, s26, s15, $0xb8;
	[tilespmem:$0x1BD00] =	vst v63  }
0xbe: {  	_ =	swait.ge [sflag:s13], $0x1F40  }
0xbf: {  	[sflag:s13] =	ssyncset.done $0x0  }
0xc0: {  	s14 =	simm.s32 $0x280;
	[sflag:s13] =	ssyncadd.s32 $0xFFFFE0C0  }
0xc1: {  	[tilespmem:s18], [sflag:$0x2] =	stream.indirect.gather [hbm4b:s4+s15], $0x40, s14, s15, $0xb8;
	[tilespmem:$0x1BD00] =	vst v63  }
0xc2: {  	_ =	swait.ge [sflag:s24], $0x1F40  }
0xc3: {  	[sflag:s24] =	ssyncset.done $0x0  }
0xc4: {  	s17 =	simm.s32 $0x5100;
	[sflag:s24] =	ssyncadd.s32 $0xFFFFE0C0  }
0xc5: {  	[spmem:s2] =	stream.indirect.scatter.add.f32 [tilespmem:s20], [sflag:$0x5], $0x40, s17, s15, $0xb8;
	[tilespmem:$0x1BD00] =	vst v63  }
0xc6: {  	_ =	swait.ge [sflag:s13], $0x1F40  }
0xc7: {  	[sflag:s13] =	ssyncset.done $0x0  }
0xc8: {  	s19 =	simm.s32 $0x300;
	[sflag:s13] =	ssyncadd.s32 $0xFFFFE0C0  }
0xc9: {  	[tilespmem:s20], [sflag:$0x3] =	stream.indirect.gather [hbm4b:s4+s15], $0x40, s19, s15, $0xb8;
	[tilespmem:$0x1BD00] =	vst v63  }
0xca: {  	_ =	swait.ge [sflag:s25], $0x1F40  }
0xcb: {  	[sflag:s25] =	ssyncset.done $0x0  }
0xcc: {  	s26 =	simm.s32 $0x5180;
	[sflag:s25] =	ssyncadd.s32 $0xFFFFE0C0  }
0xcd: {  	[spmem:s2] =	stream.indirect.scatter.add.f32 [tilespmem:s21], [sflag:$0x5], $0x40, s26, s15, $0xb8;
	[tilespmem:$0x1BD00] =	vst v63  }
0xce: {  	_ =	swait.ge [sflag:s13], $0x1F40  }
0xcf: {  	s1 =	simm.s32 $0x200;
	s14 =	simm.s32 $0x1000;
	[sflag:s13] =	ssyncset.done $0x0  }
.LBB2_3:
0xd0: {  	s26 =	sadd.s32 $0x180, s1  }
0xd1: {  	[sflag:s13] =	ssyncadd.s32 $0xFFFFE0C0;
	s17 =	smov.u32 s14;
	s19 =	sadd.s32 $0x800, s14  }
0xd2: {  	[tilespmem:s21], [sflag:$0x4] =	stream.indirect.gather [hbm4b:s4+s15], $0x40, s26, s15, $0xb8;
	[tilespmem:$0x1BD00] =	vst v63  }
0xd3: {  	p1 =	seq.s32 s14, $0x13000;
	_ =	swait.ge [sflag:s22], $0x1F40  }
0xd4: {  	[sflag:s22] =	ssyncset.done $0x0  }
0xd5: {  	s14 =	sadd.s32 $0x5000, s1;
	[sflag:s22] =	ssyncadd.s32 $0xFFFFE0C0  }
0xd6: {  	[spmem:s2] =	stream.indirect.scatter.add.f32 [tilespmem:s16], [sflag:$0x5], $0x40, s14, s15, $0xb8;
	[tilespmem:$0x1BD00] =	vst v63  }
0xd7: {  	_ =	swait.ge [sflag:s13], $0x1F40  }
0xd8: {  	[sflag:s13] =	ssyncset.done $0x0  }
0xd9: {  	s14 =	sadd.s32 $0x200, s1;
	[sflag:s13] =	ssyncadd.s32 $0xFFFFE0C0  }
0xda: {  	[tilespmem:s16], [sflag:$0x1] =	stream.indirect.gather [hbm4b:s4+s15], $0x40, s14, s15, $0xb8;
	[tilespmem:$0x1BD00] =	vst v63  }
0xdb: {  	_ =	swait.ge [sflag:s23], $0x1F40  }
0xdc: {  	[sflag:s23] =	ssyncset.done $0x0  }
0xdd: {  	s14 =	sadd.s32 $0x5080, s1;
	[sflag:s23] =	ssyncadd.s32 $0xFFFFE0C0  }
0xde: {  	[spmem:s2] =	stream.indirect.scatter.add.f32 [tilespmem:s18], [sflag:$0x5], $0x40, s14, s15, $0xb8;
	[tilespmem:$0x1BD00] =	vst v63  }
0xdf: {  	_ =	swait.ge [sflag:s13], $0x1F40  }
0xe0: {  	[sflag:s13] =	ssyncset.done $0x0  }
0xe1: {  	s14 =	sadd.s32 $0x280, s1;
	[sflag:s13] =	ssyncadd.s32 $0xFFFFE0C0  }
0xe2: {  	[tilespmem:s18], [sflag:$0x2] =	stream.indirect.gather [hbm4b:s4+s15], $0x40, s14, s15, $0xb8;
	[tilespmem:$0x1BD00] =	vst v63  }
0xe3: {  	_ =	swait.ge [sflag:s24], $0x1F40  }
0xe4: {  	[sflag:s24] =	ssyncset.done $0x0  }
0xe5: {  	s14 =	sadd.s32 $0x5100, s1;
	[sflag:s24] =	ssyncadd.s32 $0xFFFFE0C0  }
0xe6: {  	[spmem:s2] =	stream.indirect.scatter.add.f32 [tilespmem:s20], [sflag:$0x5], $0x40, s14, s15, $0xb8;
	[tilespmem:$0x1BD00] =	vst v63  }
0xe7: {  	_ =	swait.ge [sflag:s13], $0x1F40  }
0xe8: {  	[sflag:s13] =	ssyncset.done $0x0  }
0xe9: {  	s14 =	sadd.s32 $0x300, s1;
	[sflag:s13] =	ssyncadd.s32 $0xFFFFE0C0  }
0xea: {  	[tilespmem:s20], [sflag:$0x3] =	stream.indirect.gather [hbm4b:s4+s15], $0x40, s14, s15, $0xb8;
	[tilespmem:$0x1BD00] =	vst v63  }
0xeb: {  	_ =	swait.ge [sflag:s25], $0x1F40  }
.Ltmp5:
0xec: {  	[sflag:s25] =	ssyncset.done $0x0;
	(pc) =	sbr.rel @!p1 .LBB2_3-.Ltmp5, $4  }
0xed: {  	s1 =	sadd.s32 $0x5180, s1;
	[sflag:s25] =	ssyncadd.s32 $0xFFFFE0C0  }
0xee: {  	[spmem:s2] =	stream.indirect.scatter.add.f32 [tilespmem:s21], [sflag:$0x5], $0x40, s1, s15, $0xb8;
	[tilespmem:$0x1BD00] =	vst v63  }
0xef: {  	_ =	swait.ge [sflag:s13], $0x1F40  }
0xf0: {  	s14 =	smov.u32 s19;
	s1 =	sshra.s32 s17, $0x2;
	[sflag:s13] =	ssyncset.done $0x0  }
0xf1: {  	s14 =	sadd.s32 $0x180, s1;
	[sflag:s13] =	ssyncadd.s32 $0xFFFFE0C0  }
0xf2: {  	[tilespmem:s21], [sflag:$0x4] =	stream.indirect.gather [hbm4b:s4+s15], $0x40, s14, s15, $0xb8;
	[tilespmem:$0x1BD00] =	vst v63  }
0xf3: {  	_ =	swait.ge [sflag:s22], $0x1F40  }
0xf4: {  	[sflag:s22] =	ssyncset.done $0x0  }
0xf5: {  	s19 =	sadd.s32 $0x5000, s1;
	[sflag:s22] =	ssyncadd.s32 $0xFFFFE0C0  }
0xf6: {  	[spmem:s2] =	stream.indirect.scatter.add.f32 [tilespmem:s16], [sflag:$0x5], $0x40, s19, s15, $0xb8;
	[tilespmem:$0x1BD00] =	vst v63  }
0xf7: {  	_ =	swait.ge [sflag:s13], $0x1F40  }
0xf8: {  	[sflag:s13] =	ssyncset.done $0x0  }
0xf9: {  	s26 =	sadd.s32 $0x200, s1;
	[sflag:s13] =	ssyncadd.s32 $0xFFFFE0C0  }
0xfa: {  	[tilespmem:s16], [sflag:$0x1] =	stream.indirect.gather [hbm4b:s4+s15], $0x40, s26, s15, $0xb8;
	[tilespmem:$0x1BD00] =	vst v63  }
0xfb: {  	_ =	swait.ge [sflag:s23], $0x1F40  }
0xfc: {  	[sflag:s23] =	ssyncset.done $0x0  }
0xfd: {  	s17 =	sadd.s32 $0x5080, s1;
	[sflag:s23] =	ssyncadd.s32 $0xFFFFE0C0  }
0xfe: {  	[spmem:s2] =	stream.indirect.scatter.add.f32 [tilespmem:s18], [sflag:$0x5], $0x40, s17, s15, $0xb8;
	[tilespmem:$0x1BD00] =	vst v63  }
0xff: {  	_ =	swait.ge [sflag:s13], $0x1F40  }
0x100: {  	[sflag:s13] =	ssyncset.done $0x0  }
0x101: {  	s19 =	sadd.s32 $0x280, s1;
	[sflag:s13] =	ssyncadd.s32 $0xFFFFE0C0  }
0x102: {  	[tilespmem:s18], [sflag:$0x2] =	stream.indirect.gather [hbm4b:s4+s15], $0x40, s19, s15, $0xb8;
	[tilespmem:$0x1BD00] =	vst v63  }
0x103: {  	_ =	swait.ge [sflag:s24], $0x1F40  }
0x104: {  	[sflag:s24] =	ssyncset.done $0x0  }
0x105: {  	s26 =	sadd.s32 $0x5100, s1;
	[sflag:s24] =	ssyncadd.s32 $0xFFFFE0C0  }
0x106: {  	[spmem:s2] =	stream.indirect.scatter.add.f32 [tilespmem:s20], [sflag:$0x5], $0x40, s26, s15, $0xb8;
	[tilespmem:$0x1BD00] =	vst v63  }
0x107: {  	_ =	swait.ge [sflag:s13], $0x1F40  }
0x108: {  	[sflag:s13] =	ssyncset.done $0x0  }
0x109: {  	s17 =	sadd.s32 $0x300, s1;
	[sflag:s13] =	ssyncadd.s32 $0xFFFFE0C0  }
0x10a: {  	[tilespmem:s20], [sflag:$0x3] =	stream.indirect.gather [hbm4b:s4+s15], $0x40, s17, s15, $0xb8;
	[tilespmem:$0x1BD00] =	vst v63  }
0x10b: {  	_ =	swait.ge [sflag:s25], $0x1F40  }
0x10c: {  	[sflag:s25] =	ssyncset.done $0x0  }
0x10d: {  	s19 =	sadd.s32 $0x5180, s1;
	[sflag:s25] =	ssyncadd.s32 $0xFFFFE0C0  }
0x10e: {  	[spmem:s2] =	stream.indirect.scatter.add.f32 [tilespmem:s21], [sflag:$0x5], $0x40, s19, s15, $0xb8;
	[tilespmem:$0x1BD00] =	vst v63  }
.Ltmp6:
0x10f: {  	_ = 	snop;
	(pc) =	sbr.rel .LBB2_8-.Ltmp6, $4  }
0x110: {  	_ =	swait.ge [sflag:s13], $0x1F40  }
0x111: {  	[sflag:s13] =	ssyncset.done $0x0  }
0x112: {  	s26 =	simm.s32 $0x4F80;
	[sflag:s13] =	ssyncadd.s32 $0xFFFFE0C0  }
0x113: {  	[tilespmem:s21], [sflag:$0x4] =	stream.indirect.gather [hbm4b:s4+s15], $0x40, s26, s15, $0xb8;
	[tilespmem:$0x1BD00] =	vst v63  }
.LBB2_9:
0x114: {  	_ =	sfence.sel $0x180000  }
0x115: {  	[bflag:$0x0] =	sbarrier.arrive $0xFFFF  }
0x116: {  	_ =	strace $0x9000004A  }
0x117: {  	s0 =	stileid.u32;
	[bflag:$0x2] =	sbarrier.arrive $0xFFFF  }
0x118: {  	p0 =	sne.s32 s0, $0x0;
	s0 =	rddreg [dreg:$0x2]  }
0x119: {  	s0 =	sadd.s32 @!p0 $0x100000, s0  }
0x11a: {  	[sflag:s0] =	ssyncadd.tile.s32 @!p0 $0x1;
	_ =	shalt  }
.Lfunc_end2:
_tile_overlayer_lowered:
.L_overlay_start_2:
0x11b: {  	(tag) =	ssettag $0x2  }
0x11c: {  	s0 =	rddreg [dreg:$0x0];
	s2 =	stileid.u32  }
0x11d: {  	s1 =	rddreg [dreg:$0x1];
	p0 =	sne.s32 s2, $0x0  }
0x11e: {  	s3 =	rddreg [dreg:$0x2];
	[bflag:$0x3] =	sbarrier.arrive $0xFFFF;
	s2 =	simm.s32 @!p0 $0x1C05  }
0x11f: {  	[timem:s3], [sflag:s2] =	dma.local @!p0 [hbm:s0], s1  }
0x120: {  	s0 =	simm.s32 @!p0 $0x5  }
0x121: {  	_ =	swait.ge @!p0 [sflag:s0], s1  }
0x122: {  	s1 =	ssub.s32 @!p0 $0x0, s1;
	[sflag:s0] =	ssyncset.done @!p0 $0x0  }
0x123: {  	[sflag:s0] =	ssyncadd.s32 @!p0 s1  }
0x124: {  	[bflag:$0x3] =	sbarrier.arrive $0xFFFF  }
0x125: {  	_ =	shalt  }

// kernel: kernel.16.cloned.1.call-start
scs
__scs_entry_jumppad:
0x0: {  	(pc) =	sbr.rel $0x88, $3  }
0x1: {  	(tag) =	ssettag $0x0;
	lr =	simm.s32 $0x1  }
0x2: {  	[smem:$0x3F8D] =	sst lr;
	_ =	strace $0xD0000000  }
0x3: {  	_ = 	snop  }
0x4: {  	_ = 	snop  }
0x5: {  	_ = 	snop  }
0x6: {  	_ = 	snop  }
0x7: {  	_ = 	snop  }
__scs_overlays_trampoline_lowered:
0x8: {  	[smem:$0x3F9C] =	sst s0  }
0x9: {  	[smem:$0x3F9D] =	sst s1  }
0xa: {  	[smem:$0x3F9E] =	sst s2  }
0xb: {  	[smem:$0x3F9F] =	sst s3  }
0xc: {  	[smem:$0x3FA0] =	sst s4  }
0xd: {  	[smem:$0x3FA1] =	sst s5  }
0xe: {  	[smem:$0x3FA2] =	sst s6  }
0xf: {  	[smem:$0x3FA3] =	sst s7  }
0x10: {  	[smem:$0x3FA4] =	sst s8  }
0x11: {  	[smem:$0x3FA5] =	sst s9;
	s0 =	simm.s32 @!p0 $0x0  }
0x12: {  	s1 =	sld [smem:$0x3F8B];
	s0 =	simm.s32 @p0 $0x1  }
0x13: {  	[smem:$0x3FA6] =	sst s0;
	s0 =	simm.s32 @!p1 $0x0  }
0x14: {  	s2 =	sld [smem:$0x3F8A];
	s0 =	simm.s32 @p1 $0x1  }
0x15: {  	[smem:$0x3FA7] =	sst s0;
	s0 =	simm.s32 @!p2 $0x0  }
0x16: {  	s3 =	sld [smem:$0x3FDB];
	s0 =	simm.s32 @p2 $0x1  }
0x17: {  	s4 =	simm.s32 $0x1BF5;
	[smem:$0x3FA9] =	sst s0  }
0x18: {  	s0 =	sld [smem:$0x3F8C];
	_ =	swait.ge [sflag:s4], $0x0  }
0x19: {  	s7 =	sld [smem:$0x3F8D]  }
0x1a: {  	s8 =	sadd.s32 $0xFFFFE003, lr  }
0x1b: {  	s9 =	sadd.s32 $0xFFFFFEF7, lr;
	s5 =	simm.s32 $0xFFFFFFFF;
	p2 =	slt.u32 s8, $0xFFFFF086  }
0x1c: {  	p1 =	slt.u32 s9, $0xF7A;
	s5 =	simm.s32 @!p2 $0x0  }
0x1d: {  	s5 =	simm.s32 @p1 $0x1;
	p0 =	seq.s32 s7, s2  }
0x1e: {  	s7 =	smul.u32 @!p0 $0xF7A, s2;
	p2 =	seq.s32 @!p0 s5, $0x0  }
0x1f: {  	s9 =	smul.u32 $0xF7A, s1;
	s8 =	simm.s32 @!p0 $0x1BF5;
	p2 =	por !p2, p0  }
0x20: {  	[sflag:s8] =	ssyncset.s32 @!p0 $0xFFFFF086;
	s6 =	sadd.s32 @!p0 s3, s7;
	s7 =	simm.s32 @!p0 $0x108  }
0x21: {  	s3 =	sadd.s32 s3, s9;
	s6 =	sadd.s32 @!p0 $0x88, s6;
	s7 =	simm.s32 @p2 $0x1082  }
0x22: {  	[simem:s7], [sflag:s8] =	dma.local @!p0 [hbm:s6], $0xF7A  }
0x23: {  	s9 =	sor.u32 $0xD0000000, s2;
	s6 =	simm.s32 $0x108;
	_ =	swait.ge @!p0 [sflag:s8], $0x0  }
0x24: {  	s3 =	sadd.s32 $0x88, s3;
	s6 =	simm.s32 @!p1 $0x1082;
	[sflag:s4] =	ssyncset.s32 $0xFFFFF086  }
0x25: {  	[simem:s6], [sflag:s4] =	dma.local [hbm:s3], $0xF7A  }
0x26: {  	[smem:$0x3F8D] =	sst s1;
	(tag) =	ssettag s2;
	_ =	strace s9  }
0x27: {  	s1 =	sld [smem:$0x3F9D]  }
0x28: {  	s2 =	sld [smem:$0x3F9E]  }
0x29: {  	s4 =	sld [smem:$0x3FA0]  }
0x2a: {  	p0 =	seq.s32 s5, $0x0;
	s5 =	sld [smem:$0x3FA1]  }
0x2b: {  	s6 =	sld [smem:$0x3FA2]  }
0x2c: {  	s7 =	sld [smem:$0x3FA3]  }
0x2d: {  	s3 =	simm.s32 $0x108;
	s8 =	sld [smem:$0x3FA4]  }
0x2e: {  	s3 =	simm.s32 @!p0 $0x1082;
	s9 =	sld [smem:$0x3FA5]  }
0x2f: {  	lr =	sadd.s32 s0, s3;
	s0 =	sld [smem:$0x3F9C]  }
0x30: {  	s3 =	sld [smem:$0x3F9F]  }
0x31: {  	[smem:$0x3FA8] =	sst s10  }
0x32: {  	s10 =	sld [smem:$0x3FA6];
	_ =	sdelay $0x3  }
0x33: {  	p0 =	seq.s32 s10, $0x1;
	s10 =	sld [smem:$0x3FA8];
	_ =	sdelay $0x3  }
0x34: {  	[smem:$0x3FA8] =	sst s10  }
0x35: {  	s10 =	sld [smem:$0x3FA7];
	_ =	sdelay $0x3  }
0x36: {  	p1 =	seq.s32 s10, $0x1;
	s10 =	sld [smem:$0x3FA8];
	_ =	sdelay $0x3  }
0x37: {  	[smem:$0x3FA8] =	sst s10  }
0x38: {  	s10 =	sld [smem:$0x3FA9]  }
0x39: {  	_ = 	snop;
	(pc) =	sbr.ind lr, $3  }
0x3a: {  	_ = 	snop  }
0x3b: {  	_ = 	snop  }
0x3c: {  	p2 =	seq.s32 s10, $0x1;
	s10 =	sld [smem:$0x3FA8]  }
0x3d: {  	_ =	shalt  }
0x3e: {  	_ =	shalt  }
0x3f: {  	_ =	shalt  }
0x40: {  	_ =	shalt  }
0x41: {  	_ =	shalt  }
0x42: {  	_ =	shalt  }
0x43: {  	_ =	shalt  }
0x44: {  	_ =	shalt  }
0x45: {  	_ =	shalt  }
0x46: {  	_ =	shalt  }
0x47: {  	_ =	shalt  }
0x48: {  	_ =	shalt  }
0x49: {  	_ =	shalt  }
0x4a: {  	_ =	shalt  }
0x4b: {  	_ =	shalt  }
0x4c: {  	_ =	shalt  }
0x4d: {  	_ =	shalt  }
0x4e: {  	_ =	shalt  }
0x4f: {  	_ =	shalt  }
0x50: {  	_ =	shalt  }
0x51: {  	_ =	shalt  }
0x52: {  	_ =	shalt  }
0x53: {  	_ =	shalt  }
0x54: {  	_ =	shalt  }
0x55: {  	_ =	shalt  }
0x56: {  	_ =	shalt  }
0x57: {  	_ =	shalt  }
0x58: {  	_ =	shalt  }
0x59: {  	_ =	shalt  }
0x5a: {  	_ =	shalt  }
0x5b: {  	_ =	shalt  }
0x5c: {  	_ =	shalt  }
0x5d: {  	_ =	shalt  }
0x5e: {  	_ =	shalt  }
0x5f: {  	_ =	shalt  }
0x60: {  	_ =	shalt  }
0x61: {  	_ =	shalt  }
0x62: {  	_ =	shalt  }
0x63: {  	_ =	shalt  }
0x64: {  	_ =	shalt  }
0x65: {  	_ =	shalt  }
0x66: {  	_ =	shalt  }
0x67: {  	_ =	shalt  }
0x68: {  	_ =	shalt  }
0x69: {  	_ =	shalt  }
0x6a: {  	_ =	shalt  }
0x6b: {  	_ =	shalt  }
0x6c: {  	_ =	shalt  }
0x6d: {  	_ =	shalt  }
0x6e: {  	_ =	shalt  }
0x6f: {  	_ =	shalt  }
0x70: {  	_ =	shalt  }
0x71: {  	_ =	shalt  }
0x72: {  	_ =	shalt  }
0x73: {  	_ =	shalt  }
0x74: {  	_ =	shalt  }
0x75: {  	_ =	shalt  }
0x76: {  	_ =	shalt  }
0x77: {  	_ =	shalt  }
0x78: {  	_ =	shalt  }
0x79: {  	_ =	shalt  }
0x7a: {  	_ =	shalt  }
0x7b: {  	_ =	shalt  }
0x7c: {  	_ =	shalt  }
0x7d: {  	_ =	shalt  }
0x7e: {  	_ =	shalt  }
0x7f: {  	_ =	shalt  }
0x80: {  	_ =	shalt  }
0x81: {  	_ =	shalt  }
0x82: {  	_ =	shalt  }
0x83: {  	_ =	shalt  }
0x84: {  	_ =	shalt  }
0x85: {  	_ =	shalt  }
0x86: {  	_ =	shalt  }
0x87: {  	_ =	shalt  }
.Lfunc_end0:
.L_simem_size_0:
called_computation.2_lowered:
.L_overlay_start_0:
0x88: {  	s2 =	sld [smem:$0x3FD9]  }
0x89: {  	s3 =	sld [smem:$0x3FFE];
	_ =	sdelay $0x1  }
0x8a: {  	s1 =	srdreg.scid  }
0x8b: {  	s0 =	sand.u32 $0x1, s1  }
0x8c: {  	s16 =	sshll.u32 s0, $0xA;
	s2 =	sadd.s32 s3, s2  }
0x8d: {  	s2 =	sadd.s32 s2, s16  }
0x8e: {  	[smem:$0x3FB4] =	sst s2  }
0x8f: {  	_ = 	snop  }
0x90: {  	(tm) =	ssettm $0x1  }
0x91: {  	s17 =	sld [smem:$0x3FFB];
	_ =	sdelay $0x3  }
0x92: {  	_ =	strace s17  }
0x93: {  	s2 =	sld [smem:$0x3FFC];
	_ =	sdelay $0x3  }
0x94: {  	_ =	strace s2  }
0x95: {  	s2 =	sld [smem:$0x3FFD];
	_ =	sdelay $0x3  }
0x96: {  	_ =	strace s2  }
0x97: {  	_ =	strace $0x8FFFFFFF  }
0x98: {  	s18 =	sld [smem:$0x3FDB];
	_ =	sdelay $0x1  }
0x99: {  	s19 =	simm.s32 $_scs_section_size  }
0x9a: {  	s4 =	simm.s32 $_size__tile_overlayer_lowered;
	s5 =	simm.s32 $_tile_overlayer_lowered  }
0x9b: {  	s22 =	simm.s32 $0x1BFF;
	s21 =	sshll.u32 s5, $0x1;
	s2 =	sadd.s32 s19, s18  }
0x9c: {  	s6 =	simm.s32 $0x0;
	s20 =	sshll.u32 s4, $0x1;
	s4 =	sadd.s32 s21, s2  }
0x9d: {  	[timem:s6], [sflag:s22] =	dma.local [hbm:s4], s20  }
0x9e: {  	_ =	swait.ge [sflag:s22], s20  }
0x9f: {  	s3 =	ssub.s32 $0x0, s20;
	[sflag:s22] =	ssyncset.done $0x0  }
0xa0: {  	[sflag:s22] =	ssyncadd.s32 s3;
	_ =	sdelay $0x1  }
0xa1: {  	s23 =	simm.s32 $0x1B8B  }
0xa2: {  	_ =	swait.ge [sflag:s23], $0x1  }
0xa3: {  	[sflag:s23] =	ssyncset.done $0x0  }
0xa4: {  	s25 =	simm.s32 $0x1B8E;
	s24 =	sld [smem:$0x3FFE];
	[sflag:s23] =	ssyncadd.s32 $0xFFFFFFFF  }
0xa5: {  	s26 =	simm.s32 $execute0_lowered;
	[smem:$0x3FD2] =	sst s25  }
0xa6: {  	s4 =	sshll.u32 s26, $0x1;
	_ =	strace $0x8000004C;
	[dreg:$0x1] =	wrdreg $0xFFFFFFFF  }
0xa7: {  	s28 =	simm.s32 $_size_execute0_lowered;
	s2 =	sadd.s32 s2, s4;
	[dreg:$0x0] =	wrdreg $0x0  }
0xa8: {  	s4 =	sshll.u32 s28, $0x1;
	[dreg:$0x2] =	wrdreg s2  }
0xa9: {  	[dreg:$0x3] =	wrdreg s4  }
0xaa: {  	[dreg:$0x4] =	wrdreg $0xC0  }
0xab: {  	_ =	task [dreg:s6], $0x5FFFF  }
0xac: {  	[dreg:$0x1] =	wrdreg $0xFFFFFFFF  }
0xad: {  	[dreg:$0x0] =	wrdreg $0x60  }
0xae: {  	[dreg:$0x2] =	wrdreg s24  }
0xaf: {  	[dreg:$0x3] =	wrdreg $0x11D000  }
0xb0: {  	[dreg:$0x4] =	wrdreg $0x9  }
0xb1: {  	_ =	task.clear_ibuf [dreg:s6], $0x5FFFF;
	_ =	strace $0x9000004C  }
0xb2: {  	s29 =	simm.s32 $0x9;
	_ =	strace $0x8000004E  }
0xb3: {  	_ =	swait.ge [sflag:s29], $0x1  }
0xb4: {  	[sflag:s29] =	ssyncadd.s32 $0xFFFFFFFF  }
0xb5: {  	_ =	strace $0x9000004E  }
0xb6: {  	_ =	sfence  }
0xb7: {  	s30 =	sld [smem:$0x0];
	_ =	sdelay $0x2  }
0xb8: {  	s31 =	sshll.u32 s1, $0xD;
	s1 =	sshrl.u32 s1, $0x2  }
0xb9: {  	s3 =	sand.u32 $0x4000, s31;
	s1 =	sadd.s32 s1, s30  }
0xba: {  	s0 =	sor.u32 s3, s0;
	s1 =	sshll.u32 s1, $0x11  }
0xbb: {  	s0 =	sor.u32 s1, s0  }
0xbc: {  	s0 =	sadd.s32 $0x8F2B, s0  }
0xbd: {  	[sflag:s0] =	ssyncadd.remote.s32 $0x1  }
0xbe: {  	_ =	sfence.sel $0xFFFF  }
0xbf: {  	[dreg:$0x0] =	wrdreg $0xFFFFFFFF;
	(pc) =	sbr.abs _section_cstart, $3  }
0xc0: {  	[dreg:$0x1] =	wrdreg $0xFFFFFFFF  }
0xc1: {  	_ =	task.clear_ibuf [dreg:s6], $0x2FFFF;
	_ =	strace $0x9FFFFFFF  }
0xc2: {  	(tm) =	ssettm $0x7FFFFFFF  }
0xc3: {  	_ =	shalt  }
tec
execute0_lowered:
.L_overlay_start_1:
0x0: {  	(tag) =	ssettag $0x1  }
0x1: {  	s0 =	rddreg [dreg:$0x0]  }
0x2: {  	s2 =	rddreg [dreg:$0x1]  }
0x3: {  	s12 =	stileid.u32;
	s3 =	simm.s32 $0x0;
	s4 =	srdreg.scid  }
0x4: {  	s13 =	simm.s32 $0x5;
	s15 =	simm.s32 $0x7D;
	s16 =	simm.s32 $0xA000  }
0x5: {  	s18 =	simm.s32 $0xBF40;
	s20 =	simm.s32 $0xDE80;
	s21 =	simm.s32 $0xFDC0  }
0x6: {  	s22 =	simm.s32 $0x1;
	s23 =	simm.s32 $0x2;
	s24 =	simm.s32 $0x3  }
0x7: {  	s28 =	simm.s32 $0x9E00;
	s29 =	simm.s32 $0x9E80;
	s30 =	simm.s32 $0x9F00  }
0x8: {  	s31 =	simm.s32 $0x9F80;
	s1 =	smul.u32 $0x5000, s12;
	[smem:$0x7FF] =	sst s3  }
0x9: {  	s10 =	sand.u32 $0x1, s4;
	s7 =	smul.u32 $0xA000, s12;
	s4 =	sadd.s32 $0x5C00, s0  }
0xa: {  	s5 =	sadd.s32 $0x19600, s0;
	s25 =	sshll.u32 s12, $0x6;
	_ =	strace $0x8000004D  }
0xb: {  	s6 =	smul.u32 $0xA0000, s10;
	s9 =	ssub.s32 $0x2, s10;
	p0 =	seq.s32 s10, $0x1  }
0xc: {  	s1 =	sshrl.u32 s1, $0x3;
	s11 =	sshrl.u32 s9, $0x1;
	s26 =	sadd.s32 s7, s2  }
.Ltmp0:
0xd: {  	s1 =	sadd.s32 s1, s0;
	s8 =	sadd.s32 s7, s6;
	(pc) =	sbr.rel .LBB2_1-.Ltmp0, $4  }
0xe: {  	s6 =	sadd.s32 $0x41000, s0;
	s11 =	ssub.s32 s9, s11;
	s7 =	sor.u32 $0x1C05, s25  }
0xf: {  	s12 =	sshrl.u32 s26, $0x3;
	s25 =	simm.s32 $0x4;
	s8 =	sshrl.u32 s8, $0x3  }
0x10: {  	s9 =	sadd.s32 $0x37000, s1;
	s11 =	smax.u32 s11, $0x1;
	s0 =	sadd.s32 s8, s0  }
0x11: {  	s8 =	sadd.s32 $0x2D000, s1;
	s10 =	sadd.s32 $0x42400, s0;
	s0 =	simm.s32 $0x0  }
.LBB2_7:
0x12: {  	s14 =	sadd.s32 $0x180, s1;
	[sflag:s13] =	ssyncadd.s32 $0xFFFFE0C0  }
0x13: {  	[tilespmem:s21], [sflag:$0x4] =	stream.indirect.gather [hbm4b:s5+s15], $0x40, s14, s15, $0xb8;
	[tilespmem:$0x1BD00] =	vst v63  }
0x14: {  	_ =	swait.ge [sflag:s22], $0x1F40  }
0x15: {  	[sflag:s22] =	ssyncset.done $0x0  }
0x16: {  	s19 =	sadd.s32 $0x5000, s1;
	[sflag:s22] =	ssyncadd.s32 $0xFFFFE0C0  }
0x17: {  	[spmem:s2] =	stream.indirect.scatter.add.f32 [tilespmem:s16], [sflag:$0x5], $0x40, s19, s15, $0xb8;
	[tilespmem:$0x1BD00] =	vst v63  }
0x18: {  	_ =	swait.ge [sflag:s13], $0x1F40  }
0x19: {  	[sflag:s13] =	ssyncset.done $0x0  }
0x1a: {  	s26 =	sadd.s32 $0x200, s1;
	[sflag:s13] =	ssyncadd.s32 $0xFFFFE0C0  }
0x1b: {  	[tilespmem:s16], [sflag:$0x1] =	stream.indirect.gather [hbm4b:s5+s15], $0x40, s26, s15, $0xb8;
	[tilespmem:$0x1BD00] =	vst v63  }
0x1c: {  	_ =	swait.ge [sflag:s23], $0x1F40  }
0x1d: {  	[sflag:s23] =	ssyncset.done $0x0  }
0x1e: {  	s17 =	sadd.s32 $0x5080, s1;
	[sflag:s23] =	ssyncadd.s32 $0xFFFFE0C0  }
0x1f: {  	[spmem:s2] =	stream.indirect.scatter.add.f32 [tilespmem:s18], [sflag:$0x5], $0x40, s17, s15, $0xb8;
	[tilespmem:$0x1BD00] =	vst v63  }
0x20: {  	_ =	swait.ge [sflag:s13], $0x1F40  }
0x21: {  	[sflag:s13] =	ssyncset.done $0x0  }
0x22: {  	s19 =	sadd.s32 $0x280, s1;
	[sflag:s13] =	ssyncadd.s32 $0xFFFFE0C0  }
0x23: {  	[tilespmem:s18], [sflag:$0x2] =	stream.indirect.gather [hbm4b:s5+s15], $0x40, s19, s15, $0xb8;
	[tilespmem:$0x1BD00] =	vst v63  }
0x24: {  	_ =	swait.ge [sflag:s24], $0x1F40  }
0x25: {  	[sflag:s24] =	ssyncset.done $0x0  }
0x26: {  	s26 =	sadd.s32 $0x5100, s1;
	[sflag:s24] =	ssyncadd.s32 $0xFFFFE0C0  }
0x27: {  	[spmem:s2] =	stream.indirect.scatter.add.f32 [tilespmem:s20], [sflag:$0x5], $0x40, s26, s15, $0xb8;
	[tilespmem:$0x1BD00] =	vst v63  }
0x28: {  	_ =	swait.ge [sflag:s13], $0x1F40  }
0x29: {  	[sflag:s13] =	ssyncset.done $0x0  }
0x2a: {  	s17 =	sadd.s32 $0x300, s1;
	[sflag:s13] =	ssyncadd.s32 $0xFFFFE0C0  }
0x2b: {  	[tilespmem:s20], [sflag:$0x3] =	stream.indirect.gather [hbm4b:s5+s15], $0x40, s17, s15, $0xb8;
	[tilespmem:$0x1BD00] =	vst v63  }
0x2c: {  	_ =	swait.ge [sflag:s25], $0x1F40  }
0x2d: {  	[sflag:s25] =	ssyncset.done $0x0  }
0x2e: {  	s19 =	sadd.s32 $0x5180, s1;
	[sflag:s25] =	ssyncadd.s32 $0xFFFFE0C0  }
0x2f: {  	[spmem:s2] =	stream.indirect.scatter.add.f32 [tilespmem:s21], [sflag:$0x5], $0x40, s19, s15, $0xb8;
	[tilespmem:$0x1BD00] =	vst v63  }
0x30: {  	_ =	swait.ge [sflag:s13], $0x1F40  }
0x31: {  	[sflag:s13] =	ssyncset.done $0x0  }
0x32: {  	s26 =	simm.s32 $0x4F80;
	[sflag:s13] =	ssyncadd.s32 $0xFFFFE0C0  }
0x33: {  	[tilespmem:s21], [sflag:$0x4] =	stream.indirect.gather [hbm4b:s5+s15], $0x40, s26, s15, $0xb8;
	[tilespmem:$0x1BD00] =	vst v63  }
.LBB2_8:
0x34: {  	_ =	swait.ge [sflag:s22], $0x1F40  }
0x35: {  	[sflag:s22] =	ssyncset.done $0x0  }
0x36: {  	[sflag:s22] =	ssyncadd.s32 $0xFFFFE0C0  }
0x37: {  	[spmem:s2] =	stream.indirect.scatter.add.f32 [tilespmem:s16], [sflag:$0x5], $0x40, s28, s15, $0xb8;
	[tilespmem:$0x1BD00] =	vst v63  }
0x38: {  	_ =	swait.ge [sflag:s13], $0x1F40  }
0x39: {  	[sflag:s13] =	ssyncset.done $0x0  }
0x3a: {  	[sflag:s13] =	ssyncadd.s32 $0xFFFFE0C0  }
0x3b: {  	_ =	swait.ge [sflag:s23], $0x1F40  }
0x3c: {  	[sflag:s23] =	ssyncset.done $0x0  }
0x3d: {  	[sflag:s23] =	ssyncadd.s32 $0xFFFFE0C0  }
0x3e: {  	[spmem:s2] =	stream.indirect.scatter.add.f32 [tilespmem:s18], [sflag:$0x5], $0x40, s29, s15, $0xb8;
	[tilespmem:$0x1BD00] =	vst v63  }
0x3f: {  	_ =	swait.ge [sflag:s13], $0x1F40  }
0x40: {  	[sflag:s13] =	ssyncset.done $0x0  }
0x41: {  	[sflag:s13] =	ssyncadd.s32 $0xFFFFE0C0  }
0x42: {  	_ =	swait.ge [sflag:s24], $0x1F40  }
0x43: {  	[sflag:s24] =	ssyncset.done $0x0  }
0x44: {  	[sflag:s24] =	ssyncadd.s32 $0xFFFFE0C0  }
0x45: {  	[spmem:s2] =	stream.indirect.scatter.add.f32 [tilespmem:s20], [sflag:$0x5], $0x40, s30, s15, $0xb8;
	[tilespmem:$0x1BD00] =	vst v63  }
0x46: {  	_ =	swait.ge [sflag:s13], $0x1F40  }
0x47: {  	[sflag:s13] =	ssyncset.done $0x0  }
0x48: {  	[sflag:s13] =	ssyncadd.s32 $0xFFFFE0C0  }
0x49: {  	_ =	swait.ge [sflag:s25], $0x1F40  }
0x4a: {  	[sflag:s25] =	ssyncset.done $0x0  }
0x4b: {  	[sflag:s25] =	ssyncadd.s32 $0xFFFFE0C0  }
0x4c: {  	[spmem:s2] =	stream.indirect.scatter.add.f32 [tilespmem:s21], [sflag:$0x5], $0x40, s31, s15, $0xb8;
	[tilespmem:$0x1BD00] =	vst v63  }
0x4d: {  	_ =	swait.ge [sflag:s13], $0x1F40  }
0x4e: {  	s0 =	sadd.s32 $0x1, s0;
	[sflag:s13] =	ssyncset.done $0x0  }
0x4f: {  	p1 =	sne.s32 s0, s11;
	[sflag:s13] =	ssyncadd.s32 $0xFFFFE0C0  }
.Ltmp1:
0x50: {  	[bflag:$0x0] =	sbarrier.arrive $0xFFFF;
	(pc) =	sbr.rel @!p1 .LBB2_9-.Ltmp1, $4  }
0x51: {  	[hbm:s10], [sflag:s7] =	dma.local [spmem:s12], $0x1400  }
0x52: {  	_ =	swait.ge [sflag:s13], $0x1400  }
0x53: {  	[sflag:s13] =	ssyncset.done $0x0  }
0x54: {  	[sflag:s13] =	ssyncadd.s32 $0xFFFFEC00  }
.LBB2_1:
0x55: {  	[spmem:s12], [sflag:s7] =	dma.local [hbm:s6], $0x1400  }
0x56: {  	_ =	swait.ge [sflag:s13], $0x1400  }
0x57: {  	[sflag:s13] =	ssyncset.done $0x0  }
0x58: {  	[sflag:s13] =	ssyncadd.s32 $0xFFFFEC00  }
0x59: {  	[tilespmem:s3], [sflag:$0x5] =	stream.linear.gather [hbm4b:s8+s3], $0x5000, $0x38;
	[tilespmem:$0x1BD00] =	vst v63  }
0x5a: {  	_ =	swait.ge [sflag:s13], $0x5000  }
0x5b: {  	[sflag:s13] =	ssyncset.done $0x0  }
0x5c: {  	s1 =	simm.s32 $0x5000;
	[sflag:s13] =	ssyncadd.s32 $0xFFFFB000  }
0x5d: {  	[tilespmem:s1], [sflag:$0x5] =	stream.linear.gather [hbm4b:s9+s3], $0x5000, $0x38;
	[tilespmem:$0x1BD00] =	vst v63  }
.Ltmp2:
0x5e: {  	_ =	swait.ge [sflag:s13], $0x5000;
	(pc) =	sbr.rel @!p0 .LBB2_2-.Ltmp2, $4  }
0x5f: {  	[sflag:s13] =	ssyncset.done $0x0  }
0x60: {  	[sflag:s13] =	ssyncadd.s32 $0xFFFFB000  }
0x61: {  	[bflag:$0x0] =	sbarrier.arrive $0xFFFF  }
0x62: {  	s1 =	simm.s32 $0x0  }
0x63: {  	[tilespmem:s16], [sflag:$0x1] =	stream.indirect.gather [hbm4b:s5+s15], $0x40, s1, s15, $0xb8;
	[tilespmem:$0x1BD00] =	vst v63  }
0x64: {  	s19 =	simm.s32 $0x80  }
0x65: {  	[tilespmem:s18], [sflag:$0x2] =	stream.indirect.gather [hbm4b:s5+s15], $0x40, s19, s15, $0xb8;
	[tilespmem:$0x1BD00] =	vst v63  }
0x66: {  	s26 =	simm.s32 $0x100  }
0x67: {  	[tilespmem:s20], [sflag:$0x3] =	stream.indirect.gather [hbm4b:s5+s15], $0x40, s26, s15, $0xb8;
	[tilespmem:$0x1BD00] =	vst v63  }
0x68: {  	s14 =	simm.s32 $0x180  }
0x69: {  	[tilespmem:s21], [sflag:$0x4] =	stream.indirect.gather [hbm4b:s5+s15], $0x40, s14, s15, $0xb8;
	[tilespmem:$0x1BD00] =	vst v63  }
0x6a: {  	_ =	swait.ge [sflag:s22], $0x1F40  }
0x6b: {  	[sflag:s22] =	ssyncset.done $0x0  }
0x6c: {  	s17 =	simm.s32 $0x5000;
	[sflag:s22] =	ssyncadd.s32 $0xFFFFE0C0  }
0x6d: {  	[spmem:s2] =	stream.indirect.scatter.add.f32 [tilespmem:s16], [sflag:$0x5], $0x40, s17, s15, $0xb8;
	[tilespmem:$0x1BD00] =	vst v63  }
0x6e: {  	_ =	swait.ge [sflag:s13], $0x1F40  }
0x6f: {  	[sflag:s13] =	ssyncset.done $0x0  }
0x70: {  	s19 =	simm.s32 $0x200;
	[sflag:s13] =	ssyncadd.s32 $0xFFFFE0C0  }
0x71: {  	[tilespmem:s16], [sflag:$0x1] =	stream.indirect.gather [hbm4b:s5+s15], $0x40, s19, s15, $0xb8;
	[tilespmem:$0x1BD00] =	vst v63  }
0x72: {  	_ =	swait.ge [sflag:s23], $0x1F40  }
0x73: {  	[sflag:s23] =	ssyncset.done $0x0  }
0x74: {  	s26 =	simm.s32 $0x5080;
	[sflag:s23] =	ssyncadd.s32 $0xFFFFE0C0  }
0x75: {  	[spmem:s2] =	stream.indirect.scatter.add.f32 [tilespmem:s18], [sflag:$0x5], $0x40, s26, s15, $0xb8;
	[tilespmem:$0x1BD00] =	vst v63  }
0x76: {  	_ =	swait.ge [sflag:s13], $0x1F40  }
0x77: {  	[sflag:s13] =	ssyncset.done $0x0  }
0x78: {  	s14 =	simm.s32 $0x280;
	[sflag:s13] =	ssyncadd.s32 $0xFFFFE0C0  }
0x79: {  	[tilespmem:s18], [sflag:$0x2] =	stream.indirect.gather [hbm4b:s5+s15], $0x40, s14, s15, $0xb8;
	[tilespmem:$0x1BD00] =	vst v63  }
0x7a: {  	_ =	swait.ge [sflag:s24], $0x1F40  }
0x7b: {  	[sflag:s24] =	ssyncset.done $0x0  }
0x7c: {  	s17 =	simm.s32 $0x5100;
	[sflag:s24] =	ssyncadd.s32 $0xFFFFE0C0  }
0x7d: {  	[spmem:s2] =	stream.indirect.scatter.add.f32 [tilespmem:s20], [sflag:$0x5], $0x40, s17, s15, $0xb8;
	[tilespmem:$0x1BD00] =	vst v63  }
0x7e: {  	_ =	swait.ge [sflag:s13], $0x1F40  }
0x7f: {  	[sflag:s13] =	ssyncset.done $0x0  }
0x80: {  	s19 =	simm.s32 $0x300;
	[sflag:s13] =	ssyncadd.s32 $0xFFFFE0C0  }
0x81: {  	[tilespmem:s20], [sflag:$0x3] =	stream.indirect.gather [hbm4b:s5+s15], $0x40, s19, s15, $0xb8;
	[tilespmem:$0x1BD00] =	vst v63  }
0x82: {  	_ =	swait.ge [sflag:s25], $0x1F40  }
0x83: {  	[sflag:s25] =	ssyncset.done $0x0  }
0x84: {  	s26 =	simm.s32 $0x5180;
	[sflag:s25] =	ssyncadd.s32 $0xFFFFE0C0  }
0x85: {  	[spmem:s2] =	stream.indirect.scatter.add.f32 [tilespmem:s21], [sflag:$0x5], $0x40, s26, s15, $0xb8;
	[tilespmem:$0x1BD00] =	vst v63  }
0x86: {  	_ =	swait.ge [sflag:s13], $0x1F40  }
0x87: {  	s1 =	simm.s32 $0x200;
	s19 =	simm.s32 $0x1000;
	[sflag:s13] =	ssyncset.done $0x0  }
.LBB2_6:
0x88: {  	s26 =	sadd.s32 $0x180, s1  }
0x89: {  	[sflag:s13] =	ssyncadd.s32 $0xFFFFE0C0;
	s17 =	smov.u32 s19;
	s14 =	sadd.s32 $0x800, s19  }
0x8a: {  	[tilespmem:s21], [sflag:$0x4] =	stream.indirect.gather [hbm4b:s5+s15], $0x40, s26, s15, $0xb8;
	[tilespmem:$0x1BD00] =	vst v63  }
0x8b: {  	p1 =	sne.s32 s19, $0x13000;
	_ =	swait.ge [sflag:s22], $0x1F40  }
0x8c: {  	[sflag:s22] =	ssyncset.done $0x0  }
0x8d: {  	s19 =	sadd.s32 $0x5000, s1;
	[sflag:s22] =	ssyncadd.s32 $0xFFFFE0C0  }
0x8e: {  	[spmem:s2] =	stream.indirect.scatter.add.f32 [tilespmem:s16], [sflag:$0x5], $0x40, s19, s15, $0xb8;
	[tilespmem:$0x1BD00] =	vst v63  }
0x8f: {  	_ =	swait.ge [sflag:s13], $0x1F40  }
0x90: {  	[sflag:s13] =	ssyncset.done $0x0  }
0x91: {  	s19 =	sadd.s32 $0x200, s1;
	[sflag:s13] =	ssyncadd.s32 $0xFFFFE0C0  }
0x92: {  	[tilespmem:s16], [sflag:$0x1] =	stream.indirect.gather [hbm4b:s5+s15], $0x40, s19, s15, $0xb8;
	[tilespmem:$0x1BD00] =	vst v63  }
0x93: {  	_ =	swait.ge [sflag:s23], $0x1F40  }
0x94: {  	[sflag:s23] =	ssyncset.done $0x0  }
0x95: {  	s19 =	sadd.s32 $0x5080, s1;
	[sflag:s23] =	ssyncadd.s32 $0xFFFFE0C0  }
0x96: {  	[spmem:s2] =	stream.indirect.scatter.add.f32 [tilespmem:s18], [sflag:$0x5], $0x40, s19, s15, $0xb8;
	[tilespmem:$0x1BD00] =	vst v63  }
0x97: {  	_ =	swait.ge [sflag:s13], $0x1F40  }
0x98: {  	[sflag:s13] =	ssyncset.done $0x0  }
0x99: {  	s19 =	sadd.s32 $0x280, s1;
	[sflag:s13] =	ssyncadd.s32 $0xFFFFE0C0  }
0x9a: {  	[tilespmem:s18], [sflag:$0x2] =	stream.indirect.gather [hbm4b:s5+s15], $0x40, s19, s15, $0xb8;
	[tilespmem:$0x1BD00] =	vst v63  }
0x9b: {  	_ =	swait.ge [sflag:s24], $0x1F40  }
0x9c: {  	[sflag:s24] =	ssyncset.done $0x0  }
0x9d: {  	s19 =	sadd.s32 $0x5100, s1;
	[sflag:s24] =	ssyncadd.s32 $0xFFFFE0C0  }
0x9e: {  	[spmem:s2] =	stream.indirect.scatter.add.f32 [tilespmem:s20], [sflag:$0x5], $0x40, s19, s15, $0xb8;
	[tilespmem:$0x1BD00] =	vst v63  }
0x9f: {  	_ =	swait.ge [sflag:s13], $0x1F40  }
0xa0: {  	[sflag:s13] =	ssyncset.done $0x0  }
0xa1: {  	s19 =	sadd.s32 $0x300, s1;
	[sflag:s13] =	ssyncadd.s32 $0xFFFFE0C0  }
0xa2: {  	[tilespmem:s20], [sflag:$0x3] =	stream.indirect.gather [hbm4b:s5+s15], $0x40, s19, s15, $0xb8;
	[tilespmem:$0x1BD00] =	vst v63  }
0xa3: {  	_ =	swait.ge [sflag:s25], $0x1F40  }
.Ltmp3:
0xa4: {  	[sflag:s25] =	ssyncset.done $0x0;
	(pc) =	sbr.rel @p1 .LBB2_6-.Ltmp3, $4  }
0xa5: {  	s1 =	sadd.s32 $0x5180, s1;
	[sflag:s25] =	ssyncadd.s32 $0xFFFFE0C0  }
0xa6: {  	[spmem:s2] =	stream.indirect.scatter.add.f32 [tilespmem:s21], [sflag:$0x5], $0x40, s1, s15, $0xb8;
	[tilespmem:$0x1BD00] =	vst v63  }
0xa7: {  	_ =	swait.ge [sflag:s13], $0x1F40  }
0xa8: {  	s19 =	smov.u32 s14;
	s1 =	sshra.s32 s17, $0x2;
	[sflag:s13] =	ssyncset.done $0x0  }
.Ltmp4:
0xa9: {  	_ = 	snop;
	(pc) =	sbr.rel .LBB2_7-.Ltmp4, $1  }
0xaa: {  	_ =	sdelay $0x3  }
.LBB2_2:
0xab: {  	[tilespmem:s16], [sflag:$0x1] =	stream.indirect.gather [hbm4b:s4+s15], $0x40, s1, s15, $0xb8;
	[tilespmem:$0x1BD00] =	vst v63  }
0xac: {  	s19 =	simm.s32 $0x80  }
0xad: {  	[tilespmem:s18], [sflag:$0x2] =	stream.indirect.gather [hbm4b:s4+s15], $0x40, s19, s15, $0xb8;
	[tilespmem:$0x1BD00] =	vst v63  }
0xae: {  	s26 =	simm.s32 $0x100  }
0xaf: {  	[tilespmem:s20], [sflag:$0x3] =	stream.indirect.gather [hbm4b:s4+s15], $0x40, s26, s15, $0xb8;
	[tilespmem:$0x1BD00] =	vst v63  }
0xb0: {  	s14 =	simm.s32 $0x180  }
0xb1: {  	[tilespmem:s21], [sflag:$0x4] =	stream.indirect.gather [hbm4b:s4+s15], $0x40, s14, s15, $0xb8;
	[tilespmem:$0x1BD00] =	vst v63  }
0xb2: {  	_ =	swait.ge [sflag:s22], $0x1F40  }
0xb3: {  	[sflag:s22] =	ssyncset.done $0x0  }
0xb4: {  	s17 =	simm.s32 $0x5000;
	[sflag:s22] =	ssyncadd.s32 $0xFFFFE0C0  }
0xb5: {  	[spmem:s2] =	stream.indirect.scatter.add.f32 [tilespmem:s16], [sflag:$0x5], $0x40, s17, s15, $0xb8;
	[tilespmem:$0x1BD00] =	vst v63  }
0xb6: {  	_ =	swait.ge [sflag:s13], $0x1F40  }
0xb7: {  	[sflag:s13] =	ssyncset.done $0x0  }
0xb8: {  	s19 =	simm.s32 $0x200;
	[sflag:s13] =	ssyncadd.s32 $0xFFFFE0C0  }
0xb9: {  	[tilespmem:s16], [sflag:$0x1] =	stream.indirect.gather [hbm4b:s4+s15], $0x40, s19, s15, $0xb8;
	[tilespmem:$0x1BD00] =	vst v63  }
0xba: {  	_ =	swait.ge [sflag:s23], $0x1F40  }
0xbb: {  	[sflag:s23] =	ssyncset.done $0x0  }
0xbc: {  	s26 =	simm.s32 $0x5080;
	[sflag:s23] =	ssyncadd.s32 $0xFFFFE0C0  }
0xbd: {  	[spmem:s2] =	stream.indirect.scatter.add.f32 [tilespmem:s18], [sflag:$0x5], $0x40, s26, s15, $0xb8;
	[tilespmem:$0x1BD00] =	vst v63  }
0xbe: {  	_ =	swait.ge [sflag:s13], $0x1F40  }
0xbf: {  	[sflag:s13] =	ssyncset.done $0x0  }
0xc0: {  	s14 =	simm.s32 $0x280;
	[sflag:s13] =	ssyncadd.s32 $0xFFFFE0C0  }
0xc1: {  	[tilespmem:s18], [sflag:$0x2] =	stream.indirect.gather [hbm4b:s4+s15], $0x40, s14, s15, $0xb8;
	[tilespmem:$0x1BD00] =	vst v63  }
0xc2: {  	_ =	swait.ge [sflag:s24], $0x1F40  }
0xc3: {  	[sflag:s24] =	ssyncset.done $0x0  }
0xc4: {  	s17 =	simm.s32 $0x5100;
	[sflag:s24] =	ssyncadd.s32 $0xFFFFE0C0  }
0xc5: {  	[spmem:s2] =	stream.indirect.scatter.add.f32 [tilespmem:s20], [sflag:$0x5], $0x40, s17, s15, $0xb8;
	[tilespmem:$0x1BD00] =	vst v63  }
0xc6: {  	_ =	swait.ge [sflag:s13], $0x1F40  }
0xc7: {  	[sflag:s13] =	ssyncset.done $0x0  }
0xc8: {  	s19 =	simm.s32 $0x300;
	[sflag:s13] =	ssyncadd.s32 $0xFFFFE0C0  }
0xc9: {  	[tilespmem:s20], [sflag:$0x3] =	stream.indirect.gather [hbm4b:s4+s15], $0x40, s19, s15, $0xb8;
	[tilespmem:$0x1BD00] =	vst v63  }
0xca: {  	_ =	swait.ge [sflag:s25], $0x1F40  }
0xcb: {  	[sflag:s25] =	ssyncset.done $0x0  }
0xcc: {  	s26 =	simm.s32 $0x5180;
	[sflag:s25] =	ssyncadd.s32 $0xFFFFE0C0  }
0xcd: {  	[spmem:s2] =	stream.indirect.scatter.add.f32 [tilespmem:s21], [sflag:$0x5], $0x40, s26, s15, $0xb8;
	[tilespmem:$0x1BD00] =	vst v63  }
0xce: {  	_ =	swait.ge [sflag:s13], $0x1F40  }
0xcf: {  	s1 =	simm.s32 $0x200;
	s14 =	simm.s32 $0x1000;
	[sflag:s13] =	ssyncset.done $0x0  }
.LBB2_3:
0xd0: {  	s26 =	sadd.s32 $0x180, s1  }
0xd1: {  	[sflag:s13] =	ssyncadd.s32 $0xFFFFE0C0;
	s17 =	smov.u32 s14;
	s19 =	sadd.s32 $0x800, s14  }
0xd2: {  	[tilespmem:s21], [sflag:$0x4] =	stream.indirect.gather [hbm4b:s4+s15], $0x40, s26, s15, $0xb8;
	[tilespmem:$0x1BD00] =	vst v63  }
0xd3: {  	p1 =	seq.s32 s14, $0x13000;
	_ =	swait.ge [sflag:s22], $0x1F40  }
0xd4: {  	[sflag:s22] =	ssyncset.done $0x0  }
0xd5: {  	s14 =	sadd.s32 $0x5000, s1;
	[sflag:s22] =	ssyncadd.s32 $0xFFFFE0C0  }
0xd6: {  	[spmem:s2] =	stream.indirect.scatter.add.f32 [tilespmem:s16], [sflag:$0x5], $0x40, s14, s15, $0xb8;
	[tilespmem:$0x1BD00] =	vst v63  }
0xd7: {  	_ =	swait.ge [sflag:s13], $0x1F40  }
0xd8: {  	[sflag:s13] =	ssyncset.done $0x0  }
0xd9: {  	s14 =	sadd.s32 $0x200, s1;
	[sflag:s13] =	ssyncadd.s32 $0xFFFFE0C0  }
0xda: {  	[tilespmem:s16], [sflag:$0x1] =	stream.indirect.gather [hbm4b:s4+s15], $0x40, s14, s15, $0xb8;
	[tilespmem:$0x1BD00] =	vst v63  }
0xdb: {  	_ =	swait.ge [sflag:s23], $0x1F40  }
0xdc: {  	[sflag:s23] =	ssyncset.done $0x0  }
0xdd: {  	s14 =	sadd.s32 $0x5080, s1;
	[sflag:s23] =	ssyncadd.s32 $0xFFFFE0C0  }
0xde: {  	[spmem:s2] =	stream.indirect.scatter.add.f32 [tilespmem:s18], [sflag:$0x5], $0x40, s14, s15, $0xb8;
	[tilespmem:$0x1BD00] =	vst v63  }
0xdf: {  	_ =	swait.ge [sflag:s13], $0x1F40  }
0xe0: {  	[sflag:s13] =	ssyncset.done $0x0  }
0xe1: {  	s14 =	sadd.s32 $0x280, s1;
	[sflag:s13] =	ssyncadd.s32 $0xFFFFE0C0  }
0xe2: {  	[tilespmem:s18], [sflag:$0x2] =	stream.indirect.gather [hbm4b:s4+s15], $0x40, s14, s15, $0xb8;
	[tilespmem:$0x1BD00] =	vst v63  }
0xe3: {  	_ =	swait.ge [sflag:s24], $0x1F40  }
0xe4: {  	[sflag:s24] =	ssyncset.done $0x0  }
0xe5: {  	s14 =	sadd.s32 $0x5100, s1;
	[sflag:s24] =	ssyncadd.s32 $0xFFFFE0C0  }
0xe6: {  	[spmem:s2] =	stream.indirect.scatter.add.f32 [tilespmem:s20], [sflag:$0x5], $0x40, s14, s15, $0xb8;
	[tilespmem:$0x1BD00] =	vst v63  }
0xe7: {  	_ =	swait.ge [sflag:s13], $0x1F40  }
0xe8: {  	[sflag:s13] =	ssyncset.done $0x0  }
0xe9: {  	s14 =	sadd.s32 $0x300, s1;
	[sflag:s13] =	ssyncadd.s32 $0xFFFFE0C0  }
0xea: {  	[tilespmem:s20], [sflag:$0x3] =	stream.indirect.gather [hbm4b:s4+s15], $0x40, s14, s15, $0xb8;
	[tilespmem:$0x1BD00] =	vst v63  }
0xeb: {  	_ =	swait.ge [sflag:s25], $0x1F40  }
.Ltmp5:
0xec: {  	[sflag:s25] =	ssyncset.done $0x0;
	(pc) =	sbr.rel @!p1 .LBB2_3-.Ltmp5, $4  }
0xed: {  	s1 =	sadd.s32 $0x5180, s1;
	[sflag:s25] =	ssyncadd.s32 $0xFFFFE0C0  }
0xee: {  	[spmem:s2] =	stream.indirect.scatter.add.f32 [tilespmem:s21], [sflag:$0x5], $0x40, s1, s15, $0xb8;
	[tilespmem:$0x1BD00] =	vst v63  }
0xef: {  	_ =	swait.ge [sflag:s13], $0x1F40  }
0xf0: {  	s14 =	smov.u32 s19;
	s1 =	sshra.s32 s17, $0x2;
	[sflag:s13] =	ssyncset.done $0x0  }
0xf1: {  	s14 =	sadd.s32 $0x180, s1;
	[sflag:s13] =	ssyncadd.s32 $0xFFFFE0C0  }
0xf2: {  	[tilespmem:s21], [sflag:$0x4] =	stream.indirect.gather [hbm4b:s4+s15], $0x40, s14, s15, $0xb8;
	[tilespmem:$0x1BD00] =	vst v63  }
0xf3: {  	_ =	swait.ge [sflag:s22], $0x1F40  }
0xf4: {  	[sflag:s22] =	ssyncset.done $0x0  }
0xf5: {  	s19 =	sadd.s32 $0x5000, s1;
	[sflag:s22] =	ssyncadd.s32 $0xFFFFE0C0  }
0xf6: {  	[spmem:s2] =	stream.indirect.scatter.add.f32 [tilespmem:s16], [sflag:$0x5], $0x40, s19, s15, $0xb8;
	[tilespmem:$0x1BD00] =	vst v63  }
0xf7: {  	_ =	swait.ge [sflag:s13], $0x1F40  }
0xf8: {  	[sflag:s13] =	ssyncset.done $0x0  }
0xf9: {  	s26 =	sadd.s32 $0x200, s1;
	[sflag:s13] =	ssyncadd.s32 $0xFFFFE0C0  }
0xfa: {  	[tilespmem:s16], [sflag:$0x1] =	stream.indirect.gather [hbm4b:s4+s15], $0x40, s26, s15, $0xb8;
	[tilespmem:$0x1BD00] =	vst v63  }
0xfb: {  	_ =	swait.ge [sflag:s23], $0x1F40  }
0xfc: {  	[sflag:s23] =	ssyncset.done $0x0  }
0xfd: {  	s17 =	sadd.s32 $0x5080, s1;
	[sflag:s23] =	ssyncadd.s32 $0xFFFFE0C0  }
0xfe: {  	[spmem:s2] =	stream.indirect.scatter.add.f32 [tilespmem:s18], [sflag:$0x5], $0x40, s17, s15, $0xb8;
	[tilespmem:$0x1BD00] =	vst v63  }
0xff: {  	_ =	swait.ge [sflag:s13], $0x1F40  }
0x100: {  	[sflag:s13] =	ssyncset.done $0x0  }
0x101: {  	s19 =	sadd.s32 $0x280, s1;
	[sflag:s13] =	ssyncadd.s32 $0xFFFFE0C0  }
0x102: {  	[tilespmem:s18], [sflag:$0x2] =	stream.indirect.gather [hbm4b:s4+s15], $0x40, s19, s15, $0xb8;
	[tilespmem:$0x1BD00] =	vst v63  }
0x103: {  	_ =	swait.ge [sflag:s24], $0x1F40  }
0x104: {  	[sflag:s24] =	ssyncset.done $0x0  }
0x105: {  	s26 =	sadd.s32 $0x5100, s1;
	[sflag:s24] =	ssyncadd.s32 $0xFFFFE0C0  }
0x106: {  	[spmem:s2] =	stream.indirect.scatter.add.f32 [tilespmem:s20], [sflag:$0x5], $0x40, s26, s15, $0xb8;
	[tilespmem:$0x1BD00] =	vst v63  }
0x107: {  	_ =	swait.ge [sflag:s13], $0x1F40  }
0x108: {  	[sflag:s13] =	ssyncset.done $0x0  }
0x109: {  	s17 =	sadd.s32 $0x300, s1;
	[sflag:s13] =	ssyncadd.s32 $0xFFFFE0C0  }
0x10a: {  	[tilespmem:s20], [sflag:$0x3] =	stream.indirect.gather [hbm4b:s4+s15], $0x40, s17, s15, $0xb8;
	[tilespmem:$0x1BD00] =	vst v63  }
0x10b: {  	_ =	swait.ge [sflag:s25], $0x1F40  }
0x10c: {  	[sflag:s25] =	ssyncset.done $0x0  }
0x10d: {  	s19 =	sadd.s32 $0x5180, s1;
	[sflag:s25] =	ssyncadd.s32 $0xFFFFE0C0  }
0x10e: {  	[spmem:s2] =	stream.indirect.scatter.add.f32 [tilespmem:s21], [sflag:$0x5], $0x40, s19, s15, $0xb8;
	[tilespmem:$0x1BD00] =	vst v63  }
.Ltmp6:
0x10f: {  	_ = 	snop;
	(pc) =	sbr.rel .LBB2_8-.Ltmp6, $4  }
0x110: {  	_ =	swait.ge [sflag:s13], $0x1F40  }
0x111: {  	[sflag:s13] =	ssyncset.done $0x0  }
0x112: {  	s26 =	simm.s32 $0x4F80;
	[sflag:s13] =	ssyncadd.s32 $0xFFFFE0C0  }
0x113: {  	[tilespmem:s21], [sflag:$0x4] =	stream.indirect.gather [hbm4b:s4+s15], $0x40, s26, s15, $0xb8;
	[tilespmem:$0x1BD00] =	vst v63  }
.LBB2_9:
0x114: {  	_ =	sfence.sel $0x180000  }
0x115: {  	[bflag:$0x0] =	sbarrier.arrive $0xFFFF  }
0x116: {  	_ =	strace $0x9000004D  }
0x117: {  	s0 =	stileid.u32;
	[bflag:$0x2] =	sbarrier.arrive $0xFFFF  }
0x118: {  	p0 =	sne.s32 s0, $0x0;
	s0 =	rddreg [dreg:$0x2]  }
0x119: {  	s0 =	sadd.s32 @!p0 $0x100000, s0  }
0x11a: {  	[sflag:s0] =	ssyncadd.tile.s32 @!p0 $0x1;
	_ =	shalt  }
.Lfunc_end2:
_tile_overlayer_lowered:
.L_overlay_start_2:
0x11b: {  	(tag) =	ssettag $0x2  }
0x11c: {  	s0 =	rddreg [dreg:$0x0];
	s2 =	stileid.u32  }
0x11d: {  	s1 =	rddreg [dreg:$0x1];
	p0 =	sne.s32 s2, $0x0  }
0x11e: {  	s3 =	rddreg [dreg:$0x2];
	[bflag:$0x3] =	sbarrier.arrive $0xFFFF;
	s2 =	simm.s32 @!p0 $0x1C05  }
0x11f: {  	[timem:s3], [sflag:s2] =	dma.local @!p0 [hbm:s0], s1  }
0x120: {  	s0 =	simm.s32 @!p0 $0x5  }
0x121: {  	_ =	swait.ge @!p0 [sflag:s0], s1  }
0x122: {  	s1 =	ssub.s32 @!p0 $0x0, s1;
	[sflag:s0] =	ssyncset.done @!p0 $0x0  }
0x123: {  	[sflag:s0] =	ssyncadd.s32 @!p0 s1  }
0x124: {  	[bflag:$0x3] =	sbarrier.arrive $0xFFFF  }
0x125: {  	_ =	shalt  }

// kernel: kernel.19.cloned.1.call-start
scs
__scs_entry_jumppad:
0x0: {  	(pc) =	sbr.rel $0x88, $3  }
0x1: {  	(tag) =	ssettag $0x0;
	lr =	simm.s32 $0x1  }
0x2: {  	[smem:$0x3F8D] =	sst lr;
	_ =	strace $0xD0000000  }
0x3: {  	_ = 	snop  }
0x4: {  	_ = 	snop  }
0x5: {  	_ = 	snop  }
0x6: {  	_ = 	snop  }
0x7: {  	_ = 	snop  }
__scs_overlays_trampoline_lowered:
0x8: {  	[smem:$0x3F9C] =	sst s0  }
0x9: {  	[smem:$0x3F9D] =	sst s1  }
0xa: {  	[smem:$0x3F9E] =	sst s2  }
0xb: {  	[smem:$0x3F9F] =	sst s3  }
0xc: {  	[smem:$0x3FA0] =	sst s4  }
0xd: {  	[smem:$0x3FA1] =	sst s5  }
0xe: {  	[smem:$0x3FA2] =	sst s6  }
0xf: {  	[smem:$0x3FA3] =	sst s7  }
0x10: {  	[smem:$0x3FA4] =	sst s8  }
0x11: {  	[smem:$0x3FA5] =	sst s9;
	s0 =	simm.s32 @!p0 $0x0  }
0x12: {  	s1 =	sld [smem:$0x3F8B];
	s0 =	simm.s32 @p0 $0x1  }
0x13: {  	[smem:$0x3FA6] =	sst s0;
	s0 =	simm.s32 @!p1 $0x0  }
0x14: {  	s2 =	sld [smem:$0x3F8A];
	s0 =	simm.s32 @p1 $0x1  }
0x15: {  	[smem:$0x3FA7] =	sst s0;
	s0 =	simm.s32 @!p2 $0x0  }
0x16: {  	s3 =	sld [smem:$0x3FDB];
	s0 =	simm.s32 @p2 $0x1  }
0x17: {  	s4 =	simm.s32 $0x1BF5;
	[smem:$0x3FA9] =	sst s0  }
0x18: {  	s0 =	sld [smem:$0x3F8C];
	_ =	swait.ge [sflag:s4], $0x0  }
0x19: {  	s7 =	sld [smem:$0x3F8D]  }
0x1a: {  	s8 =	sadd.s32 $0xFFFFE003, lr  }
0x1b: {  	s9 =	sadd.s32 $0xFFFFFEF7, lr;
	s5 =	simm.s32 $0xFFFFFFFF;
	p2 =	slt.u32 s8, $0xFFFFF086  }
0x1c: {  	p1 =	slt.u32 s9, $0xF7A;
	s5 =	simm.s32 @!p2 $0x0  }
0x1d: {  	s5 =	simm.s32 @p1 $0x1;
	p0 =	seq.s32 s7, s2  }
0x1e: {  	s7 =	smul.u32 @!p0 $0xF7A, s2;
	p2 =	seq.s32 @!p0 s5, $0x0  }
0x1f: {  	s9 =	smul.u32 $0xF7A, s1;
	s8 =	simm.s32 @!p0 $0x1BF5;
	p2 =	por !p2, p0  }
0x20: {  	[sflag:s8] =	ssyncset.s32 @!p0 $0xFFFFF086;
	s6 =	sadd.s32 @!p0 s3, s7;
	s7 =	simm.s32 @!p0 $0x108  }
0x21: {  	s3 =	sadd.s32 s3, s9;
	s6 =	sadd.s32 @!p0 $0x88, s6;
	s7 =	simm.s32 @p2 $0x1082  }
0x22: {  	[simem:s7], [sflag:s8] =	dma.local @!p0 [hbm:s6], $0xF7A  }
0x23: {  	s9 =	sor.u32 $0xD0000000, s2;
	s6 =	simm.s32 $0x108;
	_ =	swait.ge @!p0 [sflag:s8], $0x0  }
0x24: {  	s3 =	sadd.s32 $0x88, s3;
	s6 =	simm.s32 @!p1 $0x1082;
	[sflag:s4] =	ssyncset.s32 $0xFFFFF086  }
0x25: {  	[simem:s6], [sflag:s4] =	dma.local [hbm:s3], $0xF7A  }
0x26: {  	[smem:$0x3F8D] =	sst s1;
	(tag) =	ssettag s2;
	_ =	strace s9  }
0x27: {  	s1 =	sld [smem:$0x3F9D]  }
0x28: {  	s2 =	sld [smem:$0x3F9E]  }
0x29: {  	s4 =	sld [smem:$0x3FA0]  }
0x2a: {  	p0 =	seq.s32 s5, $0x0;
	s5 =	sld [smem:$0x3FA1]  }
0x2b: {  	s6 =	sld [smem:$0x3FA2]  }
0x2c: {  	s7 =	sld [smem:$0x3FA3]  }
0x2d: {  	s3 =	simm.s32 $0x108;
	s8 =	sld [smem:$0x3FA4]  }
0x2e: {  	s3 =	simm.s32 @!p0 $0x1082;
	s9 =	sld [smem:$0x3FA5]  }
0x2f: {  	lr =	sadd.s32 s0, s3;
	s0 =	sld [smem:$0x3F9C]  }
0x30: {  	s3 =	sld [smem:$0x3F9F]  }
0x31: {  	[smem:$0x3FA8] =	sst s10  }
0x32: {  	s10 =	sld [smem:$0x3FA6];
	_ =	sdelay $0x3  }
0x33: {  	p0 =	seq.s32 s10, $0x1;
	s10 =	sld [smem:$0x3FA8];
	_ =	sdelay $0x3  }
0x34: {  	[smem:$0x3FA8] =	sst s10  }
0x35: {  	s10 =	sld [smem:$0x3FA7];
	_ =	sdelay $0x3  }
0x36: {  	p1 =	seq.s32 s10, $0x1;
	s10 =	sld [smem:$0x3FA8];
	_ =	sdelay $0x3  }
0x37: {  	[smem:$0x3FA8] =	sst s10  }
0x38: {  	s10 =	sld [smem:$0x3FA9]  }
0x39: {  	_ = 	snop;
	(pc) =	sbr.ind lr, $3  }
0x3a: {  	_ = 	snop  }
0x3b: {  	_ = 	snop  }
0x3c: {  	p2 =	seq.s32 s10, $0x1;
	s10 =	sld [smem:$0x3FA8]  }
0x3d: {  	_ =	shalt  }
0x3e: {  	_ =	shalt  }
0x3f: {  	_ =	shalt  }
0x40: {  	_ =	shalt  }
0x41: {  	_ =	shalt  }
0x42: {  	_ =	shalt  }
0x43: {  	_ =	shalt  }
0x44: {  	_ =	shalt  }
0x45: {  	_ =	shalt  }
0x46: {  	_ =	shalt  }
0x47: {  	_ =	shalt  }
0x48: {  	_ =	shalt  }
0x49: {  	_ =	shalt  }
0x4a: {  	_ =	shalt  }
0x4b: {  	_ =	shalt  }
0x4c: {  	_ =	shalt  }
0x4d: {  	_ =	shalt  }
0x4e: {  	_ =	shalt  }
0x4f: {  	_ =	shalt  }
0x50: {  	_ =	shalt  }
0x51: {  	_ =	shalt  }
0x52: {  	_ =	shalt  }
0x53: {  	_ =	shalt  }
0x54: {  	_ =	shalt  }
0x55: {  	_ =	shalt  }
0x56: {  	_ =	shalt  }
0x57: {  	_ =	shalt  }
0x58: {  	_ =	shalt  }
0x59: {  	_ =	shalt  }
0x5a: {  	_ =	shalt  }
0x5b: {  	_ =	shalt  }
0x5c: {  	_ =	shalt  }
0x5d: {  	_ =	shalt  }
0x5e: {  	_ =	shalt  }
0x5f: {  	_ =	shalt  }
0x60: {  	_ =	shalt  }
0x61: {  	_ =	shalt  }
0x62: {  	_ =	shalt  }
0x63: {  	_ =	shalt  }
0x64: {  	_ =	shalt  }
0x65: {  	_ =	shalt  }
0x66: {  	_ =	shalt  }
0x67: {  	_ =	shalt  }
0x68: {  	_ =	shalt  }
0x69: {  	_ =	shalt  }
0x6a: {  	_ =	shalt  }
0x6b: {  	_ =	shalt  }
0x6c: {  	_ =	shalt  }
0x6d: {  	_ =	shalt  }
0x6e: {  	_ =	shalt  }
0x6f: {  	_ =	shalt  }
0x70: {  	_ =	shalt  }
0x71: {  	_ =	shalt  }
0x72: {  	_ =	shalt  }
0x73: {  	_ =	shalt  }
0x74: {  	_ =	shalt  }
0x75: {  	_ =	shalt  }
0x76: {  	_ =	shalt  }
0x77: {  	_ =	shalt  }
0x78: {  	_ =	shalt  }
0x79: {  	_ =	shalt  }
0x7a: {  	_ =	shalt  }
0x7b: {  	_ =	shalt  }
0x7c: {  	_ =	shalt  }
0x7d: {  	_ =	shalt  }
0x7e: {  	_ =	shalt  }
0x7f: {  	_ =	shalt  }
0x80: {  	_ =	shalt  }
0x81: {  	_ =	shalt  }
0x82: {  	_ =	shalt  }
0x83: {  	_ =	shalt  }
0x84: {  	_ =	shalt  }
0x85: {  	_ =	shalt  }
0x86: {  	_ =	shalt  }
0x87: {  	_ =	shalt  }
.Lfunc_end0:
.L_simem_size_0:
called_computation.3_lowered:
.L_overlay_start_0:
0x88: {  	s2 =	sld [smem:$0x3FD9]  }
0x89: {  	s3 =	sld [smem:$0x3FFE];
	_ =	sdelay $0x1  }
0x8a: {  	s1 =	srdreg.scid  }
0x8b: {  	s0 =	sand.u32 $0x1, s1  }
0x8c: {  	s16 =	sshll.u32 s0, $0xA;
	s2 =	sadd.s32 s3, s2  }
0x8d: {  	s2 =	sadd.s32 s2, s16  }
0x8e: {  	[smem:$0x3FB4] =	sst s2  }
0x8f: {  	_ = 	snop  }
0x90: {  	(tm) =	ssettm $0x1  }
0x91: {  	s17 =	sld [smem:$0x3FFB];
	_ =	sdelay $0x3  }
0x92: {  	_ =	strace s17  }
0x93: {  	s2 =	sld [smem:$0x3FFC];
	_ =	sdelay $0x3  }
0x94: {  	_ =	strace s2  }
0x95: {  	s2 =	sld [smem:$0x3FFD];
	_ =	sdelay $0x3  }
0x96: {  	_ =	strace s2  }
0x97: {  	_ =	strace $0x8FFFFFFF  }
0x98: {  	s18 =	sld [smem:$0x3FDB];
	_ =	sdelay $0x1  }
0x99: {  	s19 =	simm.s32 $_scs_section_size  }
0x9a: {  	s4 =	simm.s32 $_size__tile_overlayer_lowered;
	s5 =	simm.s32 $_tile_overlayer_lowered  }
0x9b: {  	s22 =	simm.s32 $0x1BFF;
	s21 =	sshll.u32 s5, $0x1;
	s2 =	sadd.s32 s19, s18  }
0x9c: {  	s6 =	simm.s32 $0x0;
	s20 =	sshll.u32 s4, $0x1;
	s4 =	sadd.s32 s21, s2  }
0x9d: {  	[timem:s6], [sflag:s22] =	dma.local [hbm:s4], s20  }
0x9e: {  	_ =	swait.ge [sflag:s22], s20  }
0x9f: {  	s3 =	ssub.s32 $0x0, s20;
	[sflag:s22] =	ssyncset.done $0x0  }
0xa0: {  	[sflag:s22] =	ssyncadd.s32 s3;
	_ =	sdelay $0x1  }
0xa1: {  	s23 =	simm.s32 $0x1B8B  }
0xa2: {  	_ =	swait.ge [sflag:s23], $0x1  }
0xa3: {  	[sflag:s23] =	ssyncset.done $0x0  }
0xa4: {  	s25 =	simm.s32 $0x1B8E;
	s24 =	sld [smem:$0x3FFE];
	[sflag:s23] =	ssyncadd.s32 $0xFFFFFFFF  }
0xa5: {  	s26 =	simm.s32 $execute0_lowered;
	[smem:$0x3FD2] =	sst s25  }
0xa6: {  	s4 =	sshll.u32 s26, $0x1;
	_ =	strace $0x8000004F;
	[dreg:$0x1] =	wrdreg $0xFFFFFFFF  }
0xa7: {  	s28 =	simm.s32 $_size_execute0_lowered;
	s2 =	sadd.s32 s2, s4;
	[dreg:$0x0] =	wrdreg $0x0  }
0xa8: {  	s4 =	sshll.u32 s28, $0x1;
	[dreg:$0x2] =	wrdreg s2  }
0xa9: {  	[dreg:$0x3] =	wrdreg s4  }
0xaa: {  	[dreg:$0x4] =	wrdreg $0xC0  }
0xab: {  	_ =	task [dreg:s6], $0x5FFFF  }
0xac: {  	[dreg:$0x1] =	wrdreg $0xFFFFFFFF  }
0xad: {  	[dreg:$0x0] =	wrdreg $0x60  }
0xae: {  	[dreg:$0x2] =	wrdreg s24  }
0xaf: {  	[dreg:$0x3] =	wrdreg $0x42800  }
0xb0: {  	[dreg:$0x4] =	wrdreg $0x9  }
0xb1: {  	_ =	task.clear_ibuf [dreg:s6], $0x5FFFF;
	_ =	strace $0x9000004F  }
0xb2: {  	s29 =	simm.s32 $0x9;
	_ =	strace $0x80000051  }
0xb3: {  	_ =	swait.ge [sflag:s29], $0x1  }
0xb4: {  	[sflag:s29] =	ssyncadd.s32 $0xFFFFFFFF  }
0xb5: {  	_ =	strace $0x90000051  }
0xb6: {  	_ =	sfence  }
0xb7: {  	s30 =	sld [smem:$0x0];
	_ =	sdelay $0x2  }
0xb8: {  	s31 =	sshll.u32 s1, $0xD;
	s1 =	sshrl.u32 s1, $0x2  }
0xb9: {  	s3 =	sand.u32 $0x4000, s31;
	s1 =	sadd.s32 s1, s30  }
0xba: {  	s0 =	sor.u32 s3, s0;
	s1 =	sshll.u32 s1, $0x11  }
0xbb: {  	s0 =	sor.u32 s1, s0  }
0xbc: {  	s0 =	sadd.s32 $0x8F2B, s0  }
0xbd: {  	[sflag:s0] =	ssyncadd.remote.s32 $0x1  }
0xbe: {  	_ =	sfence.sel $0xFFFF  }
0xbf: {  	[dreg:$0x0] =	wrdreg $0xFFFFFFFF;
	(pc) =	sbr.abs _section_cstart, $3  }
0xc0: {  	[dreg:$0x1] =	wrdreg $0xFFFFFFFF  }
0xc1: {  	_ =	task.clear_ibuf [dreg:s6], $0x2FFFF;
	_ =	strace $0x9FFFFFFF  }
0xc2: {  	(tm) =	ssettm $0x7FFFFFFF  }
0xc3: {  	_ =	shalt  }
tec
execute0_lowered:
.L_overlay_start_1:
0x0: {  	(tag) =	ssettag $0x1  }
0x1: {  	s0 =	rddreg [dreg:$0x0]  }
0x2: {  	s2 =	rddreg [dreg:$0x1]  }
0x3: {  	s11 =	stileid.u32;
	s3 =	simm.s32 $0x0;
	s6 =	srdreg.scid  }
0x4: {  	s28 =	simm.s32 $0x80;
	s29 =	simm.s32 $0xC0;
	s30 =	simm.s32 $0x100  }
0x5: {  	s31 =	simm.s32 $0x140;
	s1 =	smul.u32 $0x2800, s11;
	[smem:$0x7FF] =	sst s3  }
0x6: {  	s4 =	smul.u32 $0x50, s11;
	s5 =	sadd.s32 $0x2DC00, s0;
	s6 =	sand.u32 $0x1, s6  }
0x7: {  	s7 =	smul.u32 $0x11000, s11;
	s8 =	sadd.s32 $0x2EA00, s0;
	s9 =	sshll.u32 s11, $0x6  }
0x8: {  	s10 =	sshll.u32 s11, $0xB;
	_ =	strace $0x80000050;
	[dreg:$0x3] =	wrdreg s5  }
0x9: {  	s25 =	sshll.u32 s11, $0xE;
	s5 =	sadd.s32 $0x2E000, s0;
	[dreg:$0x4] =	wrdreg s8  }
0xa: {  	s23 =	ssub.s32 $0x2, s6;
	s8 =	sor.u32 $0x1C01, s9;
	p0 =	sne.s32 s6, $0x0  }
0xb: {  	s6 =	simm.s32 $0x240;
	s1 =	sadd.s32 s1, s0;
	s4 =	sadd.s32 s4, s0  }
0xc: {  	s0 =	sadd.s32 $0x36A00, s0;
	s24 =	sshrl.u32 s23, $0x1;
	s7 =	sshrl.u32 s7, $0x2  }
0xd: {  	[dreg:$0x5] =	wrdreg s0;
	s0 =	ssub.s32 s23, s24;
	s7 =	sadd.s32 s7, s2  }
0xe: {  	s9 =	sadd.s32 $0x6A600, s4;
	s4 =	sadd.s32 s25, s2;
	s26 =	sadd.s32 $0x5C00, s1  }
0xf: {  	s13 =	sadd.s32 $0x6000, s1;
	s14 =	sadd.s32 $0x6400, s1;
	s15 =	sadd.s32 $0x6800, s1  }
0x10: {  	s16 =	sadd.s32 $0x6C00, s1;
	s17 =	sadd.s32 $0x7000, s1;
	s18 =	sadd.s32 $0x7400, s1  }
.Ltmp0:
0x11: {  	s19 =	sadd.s32 $0x7800, s1;
	s20 =	sadd.s32 $0x7C00, s1;
	(pc) =	sbr.rel .LBB2_1-.Ltmp0, $4  }
0x12: {  	s21 =	sadd.s32 $0x8000, s1;
	s23 =	simm.s32 $0x1;
	s24 =	simm.s32 $0x280  }
0x13: {  	s1 =	simm.s32 $0x1C0;
	s11 =	smax.u32 s0, $0x1;
	[dreg:$0x6] =	wrdreg s26  }
0x14: {  	s22 =	sshrl.u32 s7, $0x3;
	s25 =	sshrl.u32 s4, $0x3;
	s26 =	simm.s32 $0x40  }
0x15: {  	s0 =	simm.s32 $0x180;
	s4 =	simm.s32 $0x200;
	s7 =	simm.s32 $0x2280  }
.LBB2_3:
0x16: {  	s12 =	rddreg [dreg:$0x3]  }
0x17: {  	[tilespmem:s7], [sflag:$0x1] =	stream.linear.gather [hbm4b:s12+s3], $0x2000, $0x38;
	[tilespmem:$0x8680] =	vst v63  }
0x18: {  	_ =	swait.ge [sflag:s23], $0x2000  }
0x19: {  	[sflag:s23] =	ssyncset.done $0x0  }
0x1a: {  	[sflag:s23] =	ssyncadd.s32 $0xFFFFE000  }
0x1b: {  	[spmem:s2] =	stream.indirect.scatter.add.f32 [tilespmem:s7], [sflag:$0x1], $0x80, s3, s26, $0xb8;
	[tilespmem:$0x8680] =	vst v63  }
0x1c: {  	_ =	swait.ge [sflag:s23], $0x2000  }
0x1d: {  	[sflag:s23] =	ssyncset.done $0x0  }
0x1e: {  	[sflag:s23] =	ssyncadd.s32 $0xFFFFE000  }
0x1f: {  	[spmem:s2] =	stream.indirect.scatter.add.f32 [tilespmem:s7], [sflag:$0x1], $0x80, s26, s26, $0xb8;
	[tilespmem:$0x8680] =	vst v63  }
0x20: {  	_ =	swait.ge [sflag:s23], $0x2000  }
0x21: {  	[sflag:s23] =	ssyncset.done $0x0  }
0x22: {  	[sflag:s23] =	ssyncadd.s32 $0xFFFFE000  }
0x23: {  	[spmem:s2] =	stream.indirect.scatter.add.f32 [tilespmem:s7], [sflag:$0x1], $0x80, s28, s26, $0xb8;
	[tilespmem:$0x8680] =	vst v63  }
0x24: {  	_ =	swait.ge [sflag:s23], $0x2000  }
0x25: {  	[sflag:s23] =	ssyncset.done $0x0  }
0x26: {  	[sflag:s23] =	ssyncadd.s32 $0xFFFFE000  }
0x27: {  	[spmem:s2] =	stream.indirect.scatter.add.f32 [tilespmem:s7], [sflag:$0x1], $0x80, s29, s26, $0xb8;
	[tilespmem:$0x8680] =	vst v63  }
0x28: {  	_ =	swait.ge [sflag:s23], $0x2000  }
0x29: {  	[sflag:s23] =	ssyncset.done $0x0  }
0x2a: {  	[sflag:s23] =	ssyncadd.s32 $0xFFFFE000  }
0x2b: {  	[spmem:s2] =	stream.indirect.scatter.add.f32 [tilespmem:s7], [sflag:$0x1], $0x80, s30, s26, $0xb8;
	[tilespmem:$0x8680] =	vst v63  }
0x2c: {  	_ =	swait.ge [sflag:s23], $0x2000  }
0x2d: {  	[sflag:s23] =	ssyncset.done $0x0  }
0x2e: {  	[sflag:s23] =	ssyncadd.s32 $0xFFFFE000  }
0x2f: {  	[spmem:s2] =	stream.indirect.scatter.add.f32 [tilespmem:s7], [sflag:$0x1], $0x80, s31, s26, $0xb8;
	[tilespmem:$0x8680] =	vst v63  }
0x30: {  	_ =	swait.ge [sflag:s23], $0x2000  }
0x31: {  	[sflag:s23] =	ssyncset.done $0x0  }
0x32: {  	[sflag:s23] =	ssyncadd.s32 $0xFFFFE000  }
0x33: {  	[spmem:s2] =	stream.indirect.scatter.add.f32 [tilespmem:s7], [sflag:$0x1], $0x80, s0, s26, $0xb8;
	[tilespmem:$0x8680] =	vst v63  }
0x34: {  	_ =	swait.ge [sflag:s23], $0x2000  }
0x35: {  	[sflag:s23] =	ssyncset.done $0x0  }
0x36: {  	[sflag:s23] =	ssyncadd.s32 $0xFFFFE000  }
0x37: {  	[spmem:s2] =	stream.indirect.scatter.add.f32 [tilespmem:s7], [sflag:$0x1], $0x80, s1, s26, $0xb8;
	[tilespmem:$0x8680] =	vst v63  }
0x38: {  	_ =	swait.ge [sflag:s23], $0x2000  }
0x39: {  	[sflag:s23] =	ssyncset.done $0x0  }
0x3a: {  	[sflag:s23] =	ssyncadd.s32 $0xFFFFE000  }
0x3b: {  	[spmem:s2] =	stream.indirect.scatter.add.f32 [tilespmem:s7], [sflag:$0x1], $0x80, s4, s26, $0xb8;
	[tilespmem:$0x8680] =	vst v63  }
0x3c: {  	_ =	swait.ge [sflag:s23], $0x2000  }
0x3d: {  	[sflag:s23] =	ssyncset.done $0x0  }
0x3e: {  	s12 =	rddreg [dreg:$0x5];
	[sflag:s23] =	ssyncadd.s32 $0xFFFFE000  }
0x3f: {  	[spmem:s2] =	stream.indirect.scatter.add.f32 [tilespmem:s7], [sflag:$0x1], $0x80, s6, s26, $0xb8;
	[tilespmem:$0x8680] =	vst v63  }
.LBB2_4:
0x40: {  	_ =	swait.ge [sflag:s23], $0x2000  }
0x41: {  	s11 =	sadd.s32 $0xFFFFFFFF, s11;
	[sflag:s23] =	ssyncset.done $0x0  }
0x42: {  	p1 =	sne.s32 s11, $0x0;
	[sflag:s23] =	ssyncadd.s32 $0xFFFFE000  }
.Ltmp1:
0x43: {  	s12 =	sadd.s32 s12, s10;
	[bflag:$0x0] =	sbarrier.arrive $0xFFFF;
	(pc) =	sbr.rel @!p1 .LBB2_5-.Ltmp1, $4  }
0x44: {  	[hbm:s12], [sflag:s8] =	dma.local [spmem:s25], $0x800  }
0x45: {  	_ =	swait.ge [sflag:s23], $0x800  }
0x46: {  	[sflag:s23] =	ssyncset.done $0x0  }
0x47: {  	[sflag:s23] =	ssyncadd.s32 $0xFFFFF800  }
.LBB2_1:
0x48: {  	[spmem:s22], [sflag:s8] =	dma.local [hbm:s5], $0x880  }
0x49: {  	_ =	swait.ge [sflag:s23], $0x880  }
0x4a: {  	[sflag:s23] =	ssyncset.done $0x0  }
0x4b: {  	[sflag:s23] =	ssyncadd.s32 $0xFFFFF780  }
0x4c: {  	[tilespmem:s3], [sflag:$0x1] =	stream.linear.gather [hbm4b:s9+s3], $0x280, $0x38;
	[tilespmem:$0x8680] =	vst v63  }
.Ltmp2:
0x4d: {  	_ =	swait.ge [sflag:s23], $0x280;
	(pc) =	sbr.rel @p0 .LBB2_3-.Ltmp2, $3  }
0x4e: {  	[sflag:s23] =	ssyncset.done $0x0  }
0x4f: {  	[sflag:s23] =	ssyncadd.s32 $0xFFFFFD80  }
0x50: {  	[bflag:$0x0] =	sbarrier.arrive $0xFFFF;
	_ =	sdelay $0x1  }
0x51: {  	s12 =	rddreg [dreg:$0x6]  }
0x52: {  	[tilespmem:s24], [sflag:$0x1] =	stream.linear.gather [hbm4b:s12+s3], $0x2000, $0x38;
	[tilespmem:$0x8680] =	vst v63  }
0x53: {  	_ =	swait.ge [sflag:s23], $0x2000  }
0x54: {  	[sflag:s23] =	ssyncset.done $0x0  }
0x55: {  	[sflag:s23] =	ssyncadd.s32 $0xFFFFE000  }
0x56: {  	[spmem:s2] =	stream.indirect.scatter.add.f32 [tilespmem:s24], [sflag:$0x1], $0x80, s3, s26, $0xb8;
	[tilespmem:$0x8680] =	vst v63  }
0x57: {  	_ =	swait.ge [sflag:s23], $0x2000  }
0x58: {  	[sflag:s23] =	ssyncset.done $0x0  }
0x59: {  	[sflag:s23] =	ssyncadd.s32 $0xFFFFE000  }
0x5a: {  	[tilespmem:s24], [sflag:$0x1] =	stream.linear.gather [hbm4b:s13+s3], $0x2000, $0x38;
	[tilespmem:$0x8680] =	vst v63  }
0x5b: {  	_ =	swait.ge [sflag:s23], $0x2000  }
0x5c: {  	[sflag:s23] =	ssyncset.done $0x0  }
0x5d: {  	[sflag:s23] =	ssyncadd.s32 $0xFFFFE000  }
0x5e: {  	[spmem:s2] =	stream.indirect.scatter.add.f32 [tilespmem:s24], [sflag:$0x1], $0x80, s26, s26, $0xb8;
	[tilespmem:$0x8680] =	vst v63  }
0x5f: {  	_ =	swait.ge [sflag:s23], $0x2000  }
0x60: {  	[sflag:s23] =	ssyncset.done $0x0  }
0x61: {  	[sflag:s23] =	ssyncadd.s32 $0xFFFFE000  }
0x62: {  	[tilespmem:s24], [sflag:$0x1] =	stream.linear.gather [hbm4b:s14+s3], $0x2000, $0x38;
	[tilespmem:$0x8680] =	vst v63  }
0x63: {  	_ =	swait.ge [sflag:s23], $0x2000  }
0x64: {  	[sflag:s23] =	ssyncset.done $0x0  }
0x65: {  	[sflag:s23] =	ssyncadd.s32 $0xFFFFE000  }
0x66: {  	[spmem:s2] =	stream.indirect.scatter.add.f32 [tilespmem:s24], [sflag:$0x1], $0x80, s28, s26, $0xb8;
	[tilespmem:$0x8680] =	vst v63  }
0x67: {  	_ =	swait.ge [sflag:s23], $0x2000  }
0x68: {  	[sflag:s23] =	ssyncset.done $0x0  }
0x69: {  	[sflag:s23] =	ssyncadd.s32 $0xFFFFE000  }
0x6a: {  	[tilespmem:s24], [sflag:$0x1] =	stream.linear.gather [hbm4b:s15+s3], $0x2000, $0x38;
	[tilespmem:$0x8680] =	vst v63  }
0x6b: {  	_ =	swait.ge [sflag:s23], $0x2000  }
0x6c: {  	[sflag:s23] =	ssyncset.done $0x0  }
0x6d: {  	[sflag:s23] =	ssyncadd.s32 $0xFFFFE000  }
0x6e: {  	[spmem:s2] =	stream.indirect.scatter.add.f32 [tilespmem:s24], [sflag:$0x1], $0x80, s29, s26, $0xb8;
	[tilespmem:$0x8680] =	vst v63  }
0x6f: {  	_ =	swait.ge [sflag:s23], $0x2000  }
0x70: {  	[sflag:s23] =	ssyncset.done $0x0  }
0x71: {  	[sflag:s23] =	ssyncadd.s32 $0xFFFFE000  }
0x72: {  	[tilespmem:s24], [sflag:$0x1] =	stream.linear.gather [hbm4b:s16+s3], $0x2000, $0x38;
	[tilespmem:$0x8680] =	vst v63  }
0x73: {  	_ =	swait.ge [sflag:s23], $0x2000  }
0x74: {  	[sflag:s23] =	ssyncset.done $0x0  }
0x75: {  	[sflag:s23] =	ssyncadd.s32 $0xFFFFE000  }
0x76: {  	[spmem:s2] =	stream.indirect.scatter.add.f32 [tilespmem:s24], [sflag:$0x1], $0x80, s30, s26, $0xb8;
	[tilespmem:$0x8680] =	vst v63  }
0x77: {  	_ =	swait.ge [sflag:s23], $0x2000  }
0x78: {  	[sflag:s23] =	ssyncset.done $0x0  }
0x79: {  	[sflag:s23] =	ssyncadd.s32 $0xFFFFE000  }
0x7a: {  	[tilespmem:s24], [sflag:$0x1] =	stream.linear.gather [hbm4b:s17+s3], $0x2000, $0x38;
	[tilespmem:$0x8680] =	vst v63  }
0x7b: {  	_ =	swait.ge [sflag:s23], $0x2000  }
0x7c: {  	[sflag:s23] =	ssyncset.done $0x0  }
0x7d: {  	[sflag:s23] =	ssyncadd.s32 $0xFFFFE000  }
0x7e: {  	[spmem:s2] =	stream.indirect.scatter.add.f32 [tilespmem:s24], [sflag:$0x1], $0x80, s31, s26, $0xb8;
	[tilespmem:$0x8680] =	vst v63  }
0x7f: {  	_ =	swait.ge [sflag:s23], $0x2000  }
0x80: {  	[sflag:s23] =	ssyncset.done $0x0  }
0x81: {  	[sflag:s23] =	ssyncadd.s32 $0xFFFFE000  }
0x82: {  	[tilespmem:s24], [sflag:$0x1] =	stream.linear.gather [hbm4b:s18+s3], $0x2000, $0x38;
	[tilespmem:$0x8680] =	vst v63  }
0x83: {  	_ =	swait.ge [sflag:s23], $0x2000  }
0x84: {  	[sflag:s23] =	ssyncset.done $0x0  }
0x85: {  	[sflag:s23] =	ssyncadd.s32 $0xFFFFE000  }
0x86: {  	[spmem:s2] =	stream.indirect.scatter.add.f32 [tilespmem:s24], [sflag:$0x1], $0x80, s0, s26, $0xb8;
	[tilespmem:$0x8680] =	vst v63  }
0x87: {  	_ =	swait.ge [sflag:s23], $0x2000  }
0x88: {  	[sflag:s23] =	ssyncset.done $0x0  }
0x89: {  	[sflag:s23] =	ssyncadd.s32 $0xFFFFE000  }
0x8a: {  	[tilespmem:s24], [sflag:$0x1] =	stream.linear.gather [hbm4b:s19+s3], $0x2000, $0x38;
	[tilespmem:$0x8680] =	vst v63  }
0x8b: {  	_ =	swait.ge [sflag:s23], $0x2000  }
0x8c: {  	[sflag:s23] =	ssyncset.done $0x0  }
0x8d: {  	[sflag:s23] =	ssyncadd.s32 $0xFFFFE000  }
0x8e: {  	[spmem:s2] =	stream.indirect.scatter.add.f32 [tilespmem:s24], [sflag:$0x1], $0x80, s1, s26, $0xb8;
	[tilespmem:$0x8680] =	vst v63  }
0x8f: {  	_ =	swait.ge [sflag:s23], $0x2000  }
0x90: {  	[sflag:s23] =	ssyncset.done $0x0  }
0x91: {  	[sflag:s23] =	ssyncadd.s32 $0xFFFFE000  }
0x92: {  	[tilespmem:s24], [sflag:$0x1] =	stream.linear.gather [hbm4b:s20+s3], $0x2000, $0x38;
	[tilespmem:$0x8680] =	vst v63  }
0x93: {  	_ =	swait.ge [sflag:s23], $0x2000  }
0x94: {  	[sflag:s23] =	ssyncset.done $0x0  }
0x95: {  	[sflag:s23] =	ssyncadd.s32 $0xFFFFE000  }
0x96: {  	[spmem:s2] =	stream.indirect.scatter.add.f32 [tilespmem:s24], [sflag:$0x1], $0x80, s4, s26, $0xb8;
	[tilespmem:$0x8680] =	vst v63  }
0x97: {  	_ =	swait.ge [sflag:s23], $0x2000  }
0x98: {  	[sflag:s23] =	ssyncset.done $0x0  }
0x99: {  	[sflag:s23] =	ssyncadd.s32 $0xFFFFE000  }
0x9a: {  	[tilespmem:s24], [sflag:$0x1] =	stream.linear.gather [hbm4b:s21+s3], $0x2000, $0x38;
	[tilespmem:$0x8680] =	vst v63  }
.Ltmp3:
0x9b: {  	_ = 	snop;
	(pc) =	sbr.rel .LBB2_4-.Ltmp3, $4  }
0x9c: {  	_ =	swait.ge [sflag:s23], $0x2000  }
0x9d: {  	[sflag:s23] =	ssyncset.done $0x0  }
0x9e: {  	s12 =	rddreg [dreg:$0x4];
	[sflag:s23] =	ssyncadd.s32 $0xFFFFE000  }
0x9f: {  	[spmem:s2] =	stream.indirect.scatter.add.f32 [tilespmem:s24], [sflag:$0x1], $0x80, s6, s26, $0xb8;
	[tilespmem:$0x8680] =	vst v63  }
.LBB2_5:
0xa0: {  	_ =	sfence.sel $0x180000  }
0xa1: {  	[bflag:$0x0] =	sbarrier.arrive $0xFFFF  }
0xa2: {  	_ =	strace $0x90000050  }
0xa3: {  	s0 =	stileid.u32;
	[bflag:$0x2] =	sbarrier.arrive $0xFFFF  }
0xa4: {  	p0 =	sne.s32 s0, $0x0;
	s0 =	rddreg [dreg:$0x2]  }
0xa5: {  	s0 =	sadd.s32 @!p0 $0x100000, s0  }
0xa6: {  	[sflag:s0] =	ssyncadd.tile.s32 @!p0 $0x1;
	_ =	shalt  }
.Lfunc_end2:
_tile_overlayer_lowered:
.L_overlay_start_2:
0xa7: {  	(tag) =	ssettag $0x2  }
0xa8: {  	s0 =	rddreg [dreg:$0x0];
	s2 =	stileid.u32  }
0xa9: {  	s1 =	rddreg [dreg:$0x1];
	p0 =	sne.s32 s2, $0x0  }
0xaa: {  	s3 =	rddreg [dreg:$0x2];
	[bflag:$0x3] =	sbarrier.arrive $0xFFFF;
	s2 =	simm.s32 @!p0 $0x1C01  }
0xab: {  	[timem:s3], [sflag:s2] =	dma.local @!p0 [hbm:s0], s1  }
0xac: {  	s0 =	simm.s32 @!p0 $0x1  }
0xad: {  	_ =	swait.ge @!p0 [sflag:s0], s1  }
0xae: {  	s1 =	ssub.s32 @!p0 $0x0, s1;
	[sflag:s0] =	ssyncset.done @!p0 $0x0  }
0xaf: {  	[sflag:s0] =	ssyncadd.s32 @!p0 s1  }
0xb0: {  	[bflag:$0x3] =	sbarrier.arrive $0xFFFF  }
0xb1: {  	_ =	shalt  }

</sc_bundles>
